<compile_context>
chip_gen: v7x
topology: tpu7x:2x2x1
jax: 0.10.2.dev20260603
libtpu: 0.0.44.dev20260713+nightly
codegen_flags: <defaults>
</compile_context>

<pallas_src>
import functools

import jax
import jax.numpy as jnp
from jax import lax
from jax.experimental import pallas as pl
from jax.experimental.pallas import tpu as pltpu
from jax.experimental.pallas import tpu_sc as plsc

N = 100000
NP = 100352
E = 6400000
NC = 2
NS = 16
NW = NC * NS
CHUNK = 848
NITER = 236
NIT2 = NITER * 2
EPW = CHUNK * NITER
E_PAD = EPW * NW
RPT = NP // NS
ZC = 784
RTC = NP // 32
F32 = jnp.float32


def _deg_body(dst_hbm, out_hbm, d0, d1, ones_v, zbuf_v, acc_sh, semi, sems):
    c = lax.axis_index("c")
    s = lax.axis_index("s")
    wid = s * NC + c
    zbase = s * RPT
    D = (d0, d1)

    def fill(i, carry):
        zbuf_v[pl.ds(i * 16, 16)] = jnp.zeros((16,), F32)
        return carry

    lax.fori_loop(0, ZC // 16, fill, 0)

    def fill1(i, carry):
        ones_v[pl.ds(i * 16, 16)] = jnp.ones((16,), F32)
        return carry

    lax.fori_loop(0, CHUNK // 16, fill1, 0)
    for j in range(RPT // ZC):
        pltpu.sync_copy(zbuf_v.at[pl.ds(0, ZC)],
                        acc_sh.at[pl.ds(zbase + j * ZC, ZC)])
    plsc.subcore_barrier()
    ebase = wid * EPW

    def window(w, b, first, prefetch):
        pltpu.make_async_copy(dst_hbm.at[pl.ds(ebase, CHUNK)], D[b], semi).wait()
        if not first:
            pltpu.make_async_copy(ones_v, acc_sh.at[D[0]], sems).wait()
        if prefetch:
            pltpu.async_copy(dst_hbm.at[pl.ds(ebase + (w + 1) * CHUNK, CHUNK)],
                             D[b ^ 1], semi)
        pltpu.async_copy(ones_v, acc_sh.at[D[b]], sems, add=True)

    pltpu.async_copy(dst_hbm.at[pl.ds(ebase, CHUNK)], D[0], semi)
    window(0, 0, True, True)

    def body(i2, carry):
        window(1 + 2 * i2, 1, False, True)
        window(2 + 2 * i2, 0, False, True)
        return carry

    lax.fori_loop(0, (NITER - 2) // 2, body, 0)
    window(NITER - 1, 1, False, False)
    pltpu.make_async_copy(ones_v, acc_sh.at[D[0]], sems).wait()
    plsc.subcore_barrier()
    for j in range(RPT // ZC):
        pltpu.sync_copy(acc_sh.at[pl.ds(zbase + j * ZC, ZC)],
                        zbuf_v.at[pl.ds(0, ZC)])
        pltpu.sync_copy(zbuf_v.at[pl.ds(0, ZC)],
                        out_hbm.at[pl.ds(c * NP + zbase + j * ZC, ZC)])


def _zero_acc(r0, acc_sh, zbase):
    def fill(i, carry):
        r0[i, :] = jnp.zeros((16,), F32)
        return carry

    lax.fori_loop(0, ZC, fill, 0)
    for j in range(RPT // ZC):
        pltpu.sync_copy(r0.at[pl.ds(0, ZC)],
                        acc_sh.at[pl.ds(zbase + j * ZC, ZC)])


def _copy_out(r0, acc_sh, out_hbm, zbase, c):
    for j in range(RPT // ZC):
        pltpu.sync_copy(acc_sh.at[pl.ds(zbase + j * ZC, ZC)],
                        r0.at[pl.ds(0, ZC)])
        pltpu.sync_copy(r0.at[pl.ds(0, ZC)],
                        out_hbm.at[pl.ds(c * NP + zbase + j * ZC, ZC)])


def _sweep(table_hbm, src_hbm, dst_hbm, S, D, R, acc_sh,
           semi, semg, sems, ebase, niter):

    def window(w, b, first, prefetch):
        pltpu.make_async_copy(src_hbm.at[pl.ds(ebase, CHUNK)], S[b], semi).wait()
        pltpu.make_async_copy(dst_hbm.at[pl.ds(ebase, CHUNK)], D[b], semi).wait()
        g = pltpu.async_copy(table_hbm.at[S[b]], R[b], semg)
        if not first:
            pltpu.make_async_copy(R[0], acc_sh.at[D[0]], sems).wait()
        if prefetch:
            off = ebase + (w + 1) * CHUNK
            pltpu.async_copy(src_hbm.at[pl.ds(off, CHUNK)], S[b ^ 1], semi)
            pltpu.async_copy(dst_hbm.at[pl.ds(off, CHUNK)], D[b ^ 1], semi)
        g.wait()
        pltpu.async_copy(R[b], acc_sh.at[D[b]], sems, add=True)

    pltpu.async_copy(src_hbm.at[pl.ds(ebase, CHUNK)], S[0], semi)
    pltpu.async_copy(dst_hbm.at[pl.ds(ebase, CHUNK)], D[0], semi)
    window(0, 0, True, True)

    def body(i2, carry):
        window(1 + 2 * i2, 1, False, True)
        window(2 + 2 * i2, 0, False, True)
        return carry

    lax.fori_loop(0, (niter - 2) // 2, body, 0)
    window(niter - 1, 1, False, False)
    pltpu.make_async_copy(R[0], acc_sh.at[D[0]], sems).wait()


def _prop_body(table_hbm, src_hbm, dst_hbm, out_hbm,
               s0, s1, d0, d1, r0, r1, acc_sh, semi, semg, sems):
    c = lax.axis_index("c")
    s = lax.axis_index("s")
    zbase = s * RPT
    _zero_acc(r0, acc_sh, zbase)
    plsc.subcore_barrier()
    _sweep(table_hbm, src_hbm, dst_hbm, (s0, s1), (d0, d1), (r0, r1),
           acc_sh, semi, semg, sems, (s * NC + c) * EPW, NITER)
    plsc.subcore_barrier()
    _copy_out(r0, acc_sh, out_hbm, zbase, c)


def _prop2_body(lo_hbm, hi_hbm, src_hbm, dst_hbm, out_hbm,
                s0, s1, d0, d1, r0, r1, acc_sh, semi, semg, sems):
    c = lax.axis_index("c")
    s = lax.axis_index("s")
    zbase = s * RPT
    _zero_acc(r0, acc_sh, zbase)
    plsc.subcore_barrier()
    ebase = s * (CHUNK * NIT2)

    @pl.when(c == 0)
    def _():
        _sweep(lo_hbm, src_hbm, dst_hbm, (s0, s1), (d0, d1), (r0, r1),
               acc_sh, semi, semg, sems, ebase, NIT2)

    @pl.when(c == 1)
    def _():
        _sweep(hi_hbm, src_hbm, dst_hbm, (s0, s1), (d0, d1), (r0, r1),
               acc_sh, semi, semg, sems, ebase, NIT2)

    plsc.subcore_barrier()
    _copy_out(r0, acc_sh, out_hbm, zbase, c)


@functools.cache
def _sc_kernels():
    mesh = plsc.VectorSubcoreMesh(core_axis_name="c", subcore_axis_name="s",
                                  num_cores=NC, num_subcores=NS)
    params = pltpu.CompilerParams(use_tc_tiling_on_sc=False)
    deg = pl.kernel(
        _deg_body,
        out_type=jax.ShapeDtypeStruct((NC * NP,), F32),
        mesh=mesh,
        compiler_params=params,
        scratch_types=[
            pltpu.VMEM((CHUNK,), jnp.int32),
            pltpu.VMEM((CHUNK,), jnp.int32),
            pltpu.VMEM((CHUNK,), F32),
            pltpu.VMEM((ZC,), F32),
            pltpu.VMEM_SHARED((NP,), F32),
            pltpu.SemaphoreType.DMA,
            pltpu.SemaphoreType.DMA,
        ],
    )
    prop_scratch = [
        pltpu.VMEM((CHUNK,), jnp.int32),
        pltpu.VMEM((CHUNK,), jnp.int32),
        pltpu.VMEM((CHUNK,), jnp.int32),
        pltpu.VMEM((CHUNK,), jnp.int32),
        pltpu.VMEM((CHUNK, 16), F32),
        pltpu.VMEM((CHUNK, 16), F32),
        pltpu.VMEM_SHARED((NP, 16), F32),
        pltpu.SemaphoreType.DMA,
        pltpu.SemaphoreType.DMA,
        pltpu.SemaphoreType.DMA,
    ]
    prop = pl.kernel(
        _prop_body,
        out_type=jax.ShapeDtypeStruct((NC * NP, 16), F32),
        mesh=mesh,
        compiler_params=params,
        scratch_types=prop_scratch,
    )
    prop2 = pl.kernel(
        _prop2_body,
        out_type=jax.ShapeDtypeStruct((NC * NP, 16), F32),
        mesh=mesh,
        compiler_params=params,
        scratch_types=prop_scratch,
    )
    return deg, prop, prop2



def _tc1_body(degp_ref, x_ref, dinv_ref, xs_ref):
    deg = degp_ref[0] + degp_ref[1] + 1.0
    dinv = lax.rsqrt(deg)
    dinv_ref[...] = dinv
    xs_ref[...] = x_ref[...] * dinv


def _tc1(deg_part, x_pad):
    return pl.pallas_call(
        _tc1_body,
        grid=(32,),
        in_specs=[
            pl.BlockSpec((2, RTC, 1), lambda i: (0, i, 0)),
            pl.BlockSpec((RTC, 16), lambda i: (i, 0)),
        ],
        out_specs=[
            pl.BlockSpec((RTC, 1), lambda i: (i, 0)),
            pl.BlockSpec((RTC, 16), lambda i: (i, 0)),
        ],
        out_shape=[
            jax.ShapeDtypeStruct((NP, 1), F32),
            jax.ShapeDtypeStruct((NP, 16), F32),
        ],
    )(deg_part, x_pad)


def _tc2_body(s1_ref, xs_ref, dinv_ref, w1_ref, b1_ref, w2_ref, lo_ref, hi_ref):
    dinv = dinv_ref[...]
    m1 = dinv * (s1_ref[0] + s1_ref[1] + xs_ref[...])
    h1 = jnp.maximum(
        jnp.dot(m1, w1_ref[...], preferred_element_type=F32) + b1_ref[...], 0.0)
    ps = dinv * jnp.dot(h1, w2_ref[...], preferred_element_type=F32)
    lo_ref[...] = ps[:, :16]
    hi_ref[...] = ps[:, 16:]


def _tc2(s1, xs, dinv, w1p, b1r, w2):
    return pl.pallas_call(
        _tc2_body,
        grid=(32,),
        in_specs=[
            pl.BlockSpec((2, RTC, 16), lambda i: (0, i, 0)),
            pl.BlockSpec((RTC, 16), lambda i: (i, 0)),
            pl.BlockSpec((RTC, 1), lambda i: (i, 0)),
            pl.BlockSpec((16, 64), lambda i: (0, 0)),
            pl.BlockSpec((1, 64), lambda i: (0, 0)),
            pl.BlockSpec((64, 32), lambda i: (0, 0)),
        ],
        out_specs=[
            pl.BlockSpec((RTC, 16), lambda i: (i, 0)),
            pl.BlockSpec((RTC, 16), lambda i: (i, 0)),
        ],
        out_shape=[
            jax.ShapeDtypeStruct((NP, 16), F32),
            jax.ShapeDtypeStruct((NP, 16), F32),
        ],
    )(s1, xs, dinv, w1p, b1r, w2)


def _tc3_body(s2_ref, pslo_ref, pshi_ref, dinv_ref,
              b2_ref, wout_ref, bout_ref, out_ref):
    i = pl.program_id(0)
    dinv = dinv_ref[...]
    m2lo = dinv * (s2_ref[0] + pslo_ref[...])
    m2hi = dinv * (s2_ref[1] + pshi_ref[...])
    m2 = jnp.concatenate([m2lo, m2hi], axis=1)
    h2 = jnp.maximum(m2 + b2_ref[...], 0.0)
    rows = i * RTC + lax.broadcasted_iota(jnp.int32, (RTC, 1), 0)
    h2 = jnp.where(rows < N, h2, 0.0)
    part = jnp.sum(jnp.dot(h2, wout_ref[...], preferred_element_type=F32))

    @pl.when(i == 0)
    def _():
        out_ref[...] = jnp.zeros((1, 1), F32)

    out_ref[...] = out_ref[...] + part

    @pl.when(i == 31)
    def _():
        out_ref[...] = out_ref[...] / jnp.float32(N) + bout_ref[...]


def _tc3(s2, ps_lo, ps_hi, dinv, b2r, wout, boutr):
    return pl.pallas_call(
        _tc3_body,
        grid=(32,),
        in_specs=[
            pl.BlockSpec((2, RTC, 16), lambda i: (0, i, 0)),
            pl.BlockSpec((RTC, 16), lambda i: (i, 0)),
            pl.BlockSpec((RTC, 16), lambda i: (i, 0)),
            pl.BlockSpec((RTC, 1), lambda i: (i, 0)),
            pl.BlockSpec((1, 32), lambda i: (0, 0)),
            pl.BlockSpec((32, 1), lambda i: (0, 0)),
            pl.BlockSpec((1, 1), lambda i: (0, 0)),
        ],
        out_specs=pl.BlockSpec((1, 1), lambda i: (0, 0)),
        out_shape=jax.ShapeDtypeStruct((1, 1), F32),
    )(s2, ps_lo, ps_hi, dinv, b2r, wout, boutr)



def kernel(x, edge_index, W1, b1, W2, b2, Wout, bout):
    pad = N + (jnp.arange(E_PAD - E, dtype=jnp.int32) % (NP - N))
    src = jnp.concatenate([edge_index[0].astype(jnp.int32), pad])
    dst = jnp.concatenate([edge_index[1].astype(jnp.int32), pad])
    x_pad = jnp.zeros((NP, 16), F32).at[:N, :9].set(x)
    w1p = jnp.zeros((16, 64), F32).at[:9].set(W1)

    _deg_sc, _prop_sc, _prop2_sc = _sc_kernels()
    deg_part = _deg_sc(dst)
    dinv, xs = _tc1(deg_part.reshape(NC, NP, 1), x_pad)
    s1 = _prop_sc(xs, src, dst).reshape(NC, NP, 16)
    ps_lo, ps_hi = _tc2(s1, xs, dinv, w1p, b1.reshape(1, 64), W2)
    s2 = _prop2_sc(ps_lo, ps_hi, src, dst).reshape(NC, NP, 16)
    out = _tc3(s2, ps_lo, ps_hi, dinv,
               b2.reshape(1, 32), Wout, bout.reshape(1, 1))
    return out[:, 0]

# --- scband reference (transcript-rebuilt; emitter-appended) ---
"""Pipeline reference for scband-my-gnn-9225589751902 (READ-ONLY COPY).

The authoritative reference and input builder live on the scoring server;
editing this copy changes nothing except your own understanding.
"""

import jax, jax.numpy as jnp
import numpy as np

N_NODES = 100000
N_EDGES = 6400000

def setup_inputs(seed: int = 0) -> dict:
    key = jax.random.key(seed)
    k = jax.random.split(key, 8)
    x = jax.random.normal(k[0], (N_NODES, 9), dtype=jnp.float32)
    edge_index = jax.random.randint(k[1], (2, N_EDGES), 0, N_NODES, dtype=jnp.int64)
    W1 = jax.random.normal(k[2], (9, 64), dtype=jnp.float32) * (1.0 / np.sqrt(9))
    b1 = jnp.zeros((64,), dtype=jnp.float32)
    W2 = jax.random.normal(k[3], (64, 32), dtype=jnp.float32) * (1.0 / np.sqrt(64))
    b2 = jnp.zeros((32,), dtype=jnp.float32)
    Wout = jax.random.normal(k[4], (32, 1), dtype=jnp.float32) * (1.0 / np.sqrt(32))
    bout = jnp.zeros((1,), dtype=jnp.float32)
    return {"x": x, "edge_index": edge_index, "W1": W1, "b1": b1, "W2": W2, "b2": b2, "Wout": Wout, "bout": bout}


def _gcn_conv(x, src, dst, W, b):
    # PyG GCNConv: x' = D^{-1/2} (A + I) D^{-1/2} X W + b
    n = x.shape[0]
    h = x @ W
    deg = jnp.zeros((n,), dtype=h.dtype).at[dst].add(1.0)
    dinv = jnp.where(deg > 0, jax.lax.rsqrt(jnp.maximum(deg, 1e-12)), 0.0)
    norm = dinv[src] * dinv[dst]
    msg = h[src] * norm[:, None]
    out = jnp.zeros((n, h.shape[1]), dtype=h.dtype).at[dst].add(msg)
    return out + b


def reference(x, edge_index, W1, b1, W2, b2, Wout, bout):
    n = x.shape[0]
    loop = jnp.arange(n, dtype=edge_index.dtype)
    src = jnp.concatenate([edge_index[0], loop])
    dst = jnp.concatenate([edge_index[1], loop])
    h = _gcn_conv(x, src, dst, W1, b1)
    h = jax.nn.relu(h)
    h = _gcn_conv(h, src, dst, W2, b2)
    h = jax.nn.relu(h)
    # global_mean_pool with batch=None -> single graph mean over all nodes -> [1, 32]
    g = jnp.mean(h, axis=0, keepdims=True)
    out = g @ Wout + bout  # [1, 1]
    return out[:, 0]  # squeeze(1) -> [1]

if __name__ == "__main__":
    import jax
    _d = setup_inputs()
    print(jax.jit(kernel)(*tuple(_d.values())))

</pallas_src>

<mosaic_0001>
#map = affine_map<(d0, d1) -> (0)>
module attributes {stable_mosaic.version = 14 : i64} {
  func.func @_deg_body(%arg0: i32, %arg1: i32, %arg2: memref<6404096xi32, #tpu.memory_space<hbm>>, %arg3: memref<200704xf32, #tpu.memory_space<hbm>>, %arg4: memref<848xi32, #tpu.memory_space<vmem>>, %arg5: memref<848xi32, #tpu.memory_space<vmem>>, %arg6: memref<848xf32, #tpu.memory_space<vmem>>, %arg7: memref<784xf32, #tpu.memory_space<vmem>>, %arg8: memref<100352xf32, #tpu.memory_space<vmem_shared>>, %arg9: memref<!tpu.dma_semaphore, #tpu.memory_space<semaphore_mem>>, %arg10: memref<!tpu.dma_semaphore, #tpu.memory_space<semaphore_mem>>) attributes {dimension_semantics = [#tpu.dimension_semantics<core_parallel>, #tpu.dimension_semantics<subcore_parallel>], iteration_bounds = array<i64: 2, 16>, scalar_prefetch = 0 : i64, scratch_operands = 7 : i64, tpu.core_type = #tpu.core_type<sc_vector_subcore>, window_params = [{transform_indices = #map}, {transform_indices = #map}]} {
    %mul3A = arith.constant 2 : i32
    %mul3A_0 = arith.muli %arg1, %mul3A : i32
    %add3A = arith.addi %mul3A_0, %arg0 : i32
    %mul3A_1 = arith.constant 6272 : i32
    %mul3A_2 = arith.muli %arg1, %mul3A_1 : i32
    %scan3A = arith.constant 0 : i32
    %scan3A_3 = arith.constant 0 : i32
    %scan3A_4 = arith.constant 49 : i32
    %scan3A_5 = arith.addi %scan3A_3, %scan3A_4 : i32
    %scan3A_6 = arith.constant 1 : i32
    scf.for %scan3A_111 = %scan3A_3 to %scan3A_5 step %scan3A_6  : i32 {
      %broadcast_in_dim3A = arith.constant 0.000000e+00 : f32
      %broadcast_in_dim3A_112 = vector.broadcast %broadcast_in_dim3A : f32 to vector<16xf32>
      %mul3A_113 = arith.constant 16 : i32
      %mul3A_114 = arith.muli %scan3A_111, %mul3A_113 : i32
      %swap3A = arith.index_cast %mul3A_114 : i32 to index
      %swap3A_115 = tpu.vector_load %arg7[%swap3A] {strides = array<i32>} : memref<784xf32, #tpu.memory_space<vmem>>, vector<16xf32>,
      %swap3A_116 = vector.shape_cast %swap3A_115 : vector<16xf32> to vector<16xf32>
      %swap3A_117 = vector.shape_cast %broadcast_in_dim3A_112 : vector<16xf32> to vector<16xf32>
      tpu.vector_store %arg7[%swap3A], %swap3A_117 {strides = array<i32>} : memref<784xf32, #tpu.memory_space<vmem>>, vector<16xf32>,
    }
    %scan3A_7 = arith.constant 49 : i32
    %scan3A_8 = arith.constant 0 : i32
    %scan3A_9 = arith.constant 0 : i32
    %scan3A_10 = arith.constant 53 : i32
    %scan3A_11 = arith.addi %scan3A_9, %scan3A_10 : i32
    %scan3A_12 = arith.constant 1 : i32
    scf.for %scan3A_111 = %scan3A_9 to %scan3A_11 step %scan3A_12  : i32 {
      %broadcast_in_dim3A = arith.constant 1.000000e+00 : f32
      %broadcast_in_dim3A_112 = vector.broadcast %broadcast_in_dim3A : f32 to vector<16xf32>
      %mul3A_113 = arith.constant 16 : i32
      %mul3A_114 = arith.muli %scan3A_111, %mul3A_113 : i32
      %swap3A = arith.index_cast %mul3A_114 : i32 to index
      %swap3A_115 = tpu.vector_load %arg6[%swap3A] {strides = array<i32>} : memref<848xf32, #tpu.memory_space<vmem>>, vector<16xf32>,
      %swap3A_116 = vector.shape_cast %swap3A_115 : vector<16xf32> to vector<16xf32>
      %swap3A_117 = vector.shape_cast %broadcast_in_dim3A_112 : vector<16xf32> to vector<16xf32>
      tpu.vector_store %arg6[%swap3A], %swap3A_117 {strides = array<i32>} : memref<848xf32, #tpu.memory_space<vmem>>, vector<16xf32>,
    }
    %scan3A_13 = arith.constant 53 : i32
    %add3A_14 = arith.constant 0 : i32
    %add3A_15 = arith.addi %mul3A_2, %add3A_14 : i32
    "tpu.region"() ({
      %run_scoped3A = tpu.sem_alloc : memref<!tpu.dma_semaphore, #tpu.memory_space<semaphore_mem>>
      %dma_start3A_111 = arith.constant 0 : i32
      %dma_start3A_112 = tpu.memref_slice %arg7[%dma_start3A_111] : memref<784xf32, #tpu.memory_space<vmem>> -> memref<784xf32, #tpu.memory_space<vmem>>
      %dma_start3A_113 = tpu.memref_slice %arg8[%add3A_15] : memref<100352xf32, #tpu.memory_space<vmem_shared>> -> memref<784xf32, #tpu.memory_space<vmem_shared>>
      %dma_start3A_114 = tpu.memref_slice %arg8[%add3A_15] : memref<100352xf32, #tpu.memory_space<vmem_shared>> -> memref<784xf32, #tpu.memory_space<vmem_shared>>
      %dma_start3A_115 = arith.constant 0 : i32
      %dma_start3A_116 = tpu.memref_slice %arg7[%dma_start3A_115] : memref<784xf32, #tpu.memory_space<vmem>> -> memref<784xf32, #tpu.memory_space<vmem>>
      tpu.enqueue_dma source(%dma_start3A_116 : memref<784xf32, #tpu.memory_space<vmem>>) target(%dma_start3A_114 : memref<784xf32, #tpu.memory_space<vmem_shared>>) target_semaphore(%run_scoped3A : memref<!tpu.dma_semaphore, #tpu.memory_space<semaphore_mem>>)
      %dma_wait3A_117 = arith.constant 0 : i32
      %dma_wait3A_118 = tpu.memref_slice %arg7[%dma_wait3A_117] : memref<784xf32, #tpu.memory_space<vmem>> -> memref<784xf32, #tpu.memory_space<vmem>>
      %dma_wait3A_119 = tpu.memref_slice %arg8[%add3A_15] : memref<100352xf32, #tpu.memory_space<vmem_shared>> -> memref<784xf32, #tpu.memory_space<vmem_shared>>
      %dma_wait3A_120 = tpu.memref_slice %arg8[%add3A_15] : memref<100352xf32, #tpu.memory_space<vmem_shared>> -> memref<784xf32, #tpu.memory_space<vmem_shared>>
      %dma_wait3A_121 = arith.constant 0 : i32
      %dma_wait3A_122 = tpu.memref_slice %arg7[%dma_wait3A_121] : memref<784xf32, #tpu.memory_space<vmem>> -> memref<784xf32, #tpu.memory_space<vmem>>
      tpu.wait_dma2 semaphore(%run_scoped3A : memref<!tpu.dma_semaphore, #tpu.memory_space<semaphore_mem>>) src(%dma_wait3A_122 : memref<784xf32, #tpu.memory_space<vmem>>) dst(%dma_wait3A_120 : memref<784xf32, #tpu.memory_space<vmem_shared>>)
      tpu.yield
    }) : () -> ()
    %add3A_16 = arith.constant 784 : i32
    %add3A_17 = arith.addi %mul3A_2, %add3A_16 : i32
    "tpu.region"() ({
      %run_scoped3A = tpu.sem_alloc : memref<!tpu.dma_semaphore, #tpu.memory_space<semaphore_mem>>
      %dma_start3A_111 = arith.constant 0 : i32
      %dma_start3A_112 = tpu.memref_slice %arg7[%dma_start3A_111] : memref<784xf32, #tpu.memory_space<vmem>> -> memref<784xf32, #tpu.memory_space<vmem>>
      %dma_start3A_113 = tpu.memref_slice %arg8[%add3A_17] : memref<100352xf32, #tpu.memory_space<vmem_shared>> -> memref<784xf32, #tpu.memory_space<vmem_shared>>
      %dma_start3A_114 = tpu.memref_slice %arg8[%add3A_17] : memref<100352xf32, #tpu.memory_space<vmem_shared>> -> memref<784xf32, #tpu.memory_space<vmem_shared>>
      %dma_start3A_115 = arith.constant 0 : i32
      %dma_start3A_116 = tpu.memref_slice %arg7[%dma_start3A_115] : memref<784xf32, #tpu.memory_space<vmem>> -> memref<784xf32, #tpu.memory_space<vmem>>
      tpu.enqueue_dma source(%dma_start3A_116 : memref<784xf32, #tpu.memory_space<vmem>>) target(%dma_start3A_114 : memref<784xf32, #tpu.memory_space<vmem_shared>>) target_semaphore(%run_scoped3A : memref<!tpu.dma_semaphore, #tpu.memory_space<semaphore_mem>>)
      %dma_wait3A_117 = arith.constant 0 : i32
      %dma_wait3A_118 = tpu.memref_slice %arg7[%dma_wait3A_117] : memref<784xf32, #tpu.memory_space<vmem>> -> memref<784xf32, #tpu.memory_space<vmem>>
      %dma_wait3A_119 = tpu.memref_slice %arg8[%add3A_17] : memref<100352xf32, #tpu.memory_space<vmem_shared>> -> memref<784xf32, #tpu.memory_space<vmem_shared>>
      %dma_wait3A_120 = tpu.memref_slice %arg8[%add3A_17] : memref<100352xf32, #tpu.memory_space<vmem_shared>> -> memref<784xf32, #tpu.memory_space<vmem_shared>>
      %dma_wait3A_121 = arith.constant 0 : i32
      %dma_wait3A_122 = tpu.memref_slice %arg7[%dma_wait3A_121] : memref<784xf32, #tpu.memory_space<vmem>> -> memref<784xf32, #tpu.memory_space<vmem>>
      tpu.wait_dma2 semaphore(%run_scoped3A : memref<!tpu.dma_semaphore, #tpu.memory_space<semaphore_mem>>) src(%dma_wait3A_122 : memref<784xf32, #tpu.memory_space<vmem>>) dst(%dma_wait3A_120 : memref<784xf32, #tpu.memory_space<vmem_shared>>)
      tpu.yield
    }) : () -> ()
    %add3A_18 = arith.constant 1568 : i32
    %add3A_19 = arith.addi %mul3A_2, %add3A_18 : i32
    "tpu.region"() ({
      %run_scoped3A = tpu.sem_alloc : memref<!tpu.dma_semaphore, #tpu.memory_space<semaphore_mem>>
      %dma_start3A_111 = arith.constant 0 : i32
      %dma_start3A_112 = tpu.memref_slice %arg7[%dma_start3A_111] : memref<784xf32, #tpu.memory_space<vmem>> -> memref<784xf32, #tpu.memory_space<vmem>>
      %dma_start3A_113 = tpu.memref_slice %arg8[%add3A_19] : memref<100352xf32, #tpu.memory_space<vmem_shared>> -> memref<784xf32, #tpu.memory_space<vmem_shared>>
      %dma_start3A_114 = tpu.memref_slice %arg8[%add3A_19] : memref<100352xf32, #tpu.memory_space<vmem_shared>> -> memref<784xf32, #tpu.memory_space<vmem_shared>>
      %dma_start3A_115 = arith.constant 0 : i32
      %dma_start3A_116 = tpu.memref_slice %arg7[%dma_start3A_115] : memref<784xf32, #tpu.memory_space<vmem>> -> memref<784xf32, #tpu.memory_space<vmem>>
      tpu.enqueue_dma source(%dma_start3A_116 : memref<784xf32, #tpu.memory_space<vmem>>) target(%dma_start3A_114 : memref<784xf32, #tpu.memory_space<vmem_shared>>) target_semaphore(%run_scoped3A : memref<!tpu.dma_semaphore, #tpu.memory_space<semaphore_mem>>)
      %dma_wait3A_117 = arith.constant 0 : i32
      %dma_wait3A_118 = tpu.memref_slice %arg7[%dma_wait3A_117] : memref<784xf32, #tpu.memory_space<vmem>> -> memref<784xf32, #tpu.memory_space<vmem>>
      %dma_wait3A_119 = tpu.memref_slice %arg8[%add3A_19] : memref<100352xf32, #tpu.memory_space<vmem_shared>> -> memref<784xf32, #tpu.memory_space<vmem_shared>>
      %dma_wait3A_120 = tpu.memref_slice %arg8[%add3A_19] : memref<100352xf32, #tpu.memory_space<vmem_shared>> -> memref<784xf32, #tpu.memory_space<vmem_shared>>
      %dma_wait3A_121 = arith.constant 0 : i32
      %dma_wait3A_122 = tpu.memref_slice %arg7[%dma_wait3A_121] : memref<784xf32, #tpu.memory_space<vmem>> -> memref<784xf32, #tpu.memory_space<vmem>>
      tpu.wait_dma2 semaphore(%run_scoped3A : memref<!tpu.dma_semaphore, #tpu.memory_space<semaphore_mem>>) src(%dma_wait3A_122 : memref<784xf32, #tpu.memory_space<vmem>>) dst(%dma_wait3A_120 : memref<784xf32, #tpu.memory_space<vmem_shared>>)
      tpu.yield
    }) : () -> ()
    %add3A_20 = arith.constant 2352 : i32
    %add3A_21 = arith.addi %mul3A_2, %add3A_20 : i32
    "tpu.region"() ({
      %run_scoped3A = tpu.sem_alloc : memref<!tpu.dma_semaphore, #tpu.memory_space<semaphore_mem>>
      %dma_start3A_111 = arith.constant 0 : i32
      %dma_start3A_112 = tpu.memref_slice %arg7[%dma_start3A_111] : memref<784xf32, #tpu.memory_space<vmem>> -> memref<784xf32, #tpu.memory_space<vmem>>
      %dma_start3A_113 = tpu.memref_slice %arg8[%add3A_21] : memref<100352xf32, #tpu.memory_space<vmem_shared>> -> memref<784xf32, #tpu.memory_space<vmem_shared>>
      %dma_start3A_114 = tpu.memref_slice %arg8[%add3A_21] : memref<100352xf32, #tpu.memory_space<vmem_shared>> -> memref<784xf32, #tpu.memory_space<vmem_shared>>
      %dma_start3A_115 = arith.constant 0 : i32
      %dma_start3A_116 = tpu.memref_slice %arg7[%dma_start3A_115] : memref<784xf32, #tpu.memory_space<vmem>> -> memref<784xf32, #tpu.memory_space<vmem>>
      tpu.enqueue_dma source(%dma_start3A_116 : memref<784xf32, #tpu.memory_space<vmem>>) target(%dma_start3A_114 : memref<784xf32, #tpu.memory_space<vmem_shared>>) target_semaphore(%run_scoped3A : memref<!tpu.dma_semaphore, #tpu.memory_space<semaphore_mem>>)
      %dma_wait3A_117 = arith.constant 0 : i32
      %dma_wait3A_118 = tpu.memref_slice %arg7[%dma_wait3A_117] : memref<784xf32, #tpu.memory_space<vmem>> -> memref<784xf32, #tpu.memory_space<vmem>>
      %dma_wait3A_119 = tpu.memref_slice %arg8[%add3A_21] : memref<100352xf32, #tpu.memory_space<vmem_shared>> -> memref<784xf32, #tpu.memory_space<vmem_shared>>
      %dma_wait3A_120 = tpu.memref_slice %arg8[%add3A_21] : memref<100352xf32, #tpu.memory_space<vmem_shared>> -> memref<784xf32, #tpu.memory_space<vmem_shared>>
      %dma_wait3A_121 = arith.constant 0 : i32
      %dma_wait3A_122 = tpu.memref_slice %arg7[%dma_wait3A_121] : memref<784xf32, #tpu.memory_space<vmem>> -> memref<784xf32, #tpu.memory_space<vmem>>
      tpu.wait_dma2 semaphore(%run_scoped3A : memref<!tpu.dma_semaphore, #tpu.memory_space<semaphore_mem>>) src(%dma_wait3A_122 : memref<784xf32, #tpu.memory_space<vmem>>) dst(%dma_wait3A_120 : memref<784xf32, #tpu.memory_space<vmem_shared>>)
      tpu.yield
    }) : () -> ()
    %add3A_22 = arith.constant 3136 : i32
    %add3A_23 = arith.addi %mul3A_2, %add3A_22 : i32
    "tpu.region"() ({
      %run_scoped3A = tpu.sem_alloc : memref<!tpu.dma_semaphore, #tpu.memory_space<semaphore_mem>>
      %dma_start3A_111 = arith.constant 0 : i32
      %dma_start3A_112 = tpu.memref_slice %arg7[%dma_start3A_111] : memref<784xf32, #tpu.memory_space<vmem>> -> memref<784xf32, #tpu.memory_space<vmem>>
      %dma_start3A_113 = tpu.memref_slice %arg8[%add3A_23] : memref<100352xf32, #tpu.memory_space<vmem_shared>> -> memref<784xf32, #tpu.memory_space<vmem_shared>>
      %dma_start3A_114 = tpu.memref_slice %arg8[%add3A_23] : memref<100352xf32, #tpu.memory_space<vmem_shared>> -> memref<784xf32, #tpu.memory_space<vmem_shared>>
      %dma_start3A_115 = arith.constant 0 : i32
      %dma_start3A_116 = tpu.memref_slice %arg7[%dma_start3A_115] : memref<784xf32, #tpu.memory_space<vmem>> -> memref<784xf32, #tpu.memory_space<vmem>>
      tpu.enqueue_dma source(%dma_start3A_116 : memref<784xf32, #tpu.memory_space<vmem>>) target(%dma_start3A_114 : memref<784xf32, #tpu.memory_space<vmem_shared>>) target_semaphore(%run_scoped3A : memref<!tpu.dma_semaphore, #tpu.memory_space<semaphore_mem>>)
      %dma_wait3A_117 = arith.constant 0 : i32
      %dma_wait3A_118 = tpu.memref_slice %arg7[%dma_wait3A_117] : memref<784xf32, #tpu.memory_space<vmem>> -> memref<784xf32, #tpu.memory_space<vmem>>
      %dma_wait3A_119 = tpu.memref_slice %arg8[%add3A_23] : memref<100352xf32, #tpu.memory_space<vmem_shared>> -> memref<784xf32, #tpu.memory_space<vmem_shared>>
      %dma_wait3A_120 = tpu.memref_slice %arg8[%add3A_23] : memref<100352xf32, #tpu.memory_space<vmem_shared>> -> memref<784xf32, #tpu.memory_space<vmem_shared>>
      %dma_wait3A_121 = arith.constant 0 : i32
      %dma_wait3A_122 = tpu.memref_slice %arg7[%dma_wait3A_121] : memref<784xf32, #tpu.memory_space<vmem>> -> memref<784xf32, #tpu.memory_space<vmem>>
      tpu.wait_dma2 semaphore(%run_scoped3A : memref<!tpu.dma_semaphore, #tpu.memory_space<semaphore_mem>>) src(%dma_wait3A_122 : memref<784xf32, #tpu.memory_space<vmem>>) dst(%dma_wait3A_120 : memref<784xf32, #tpu.memory_space<vmem_shared>>)
      tpu.yield
    }) : () -> ()
    %add3A_24 = arith.constant 3920 : i32
    %add3A_25 = arith.addi %mul3A_2, %add3A_24 : i32
    "tpu.region"() ({
      %run_scoped3A = tpu.sem_alloc : memref<!tpu.dma_semaphore, #tpu.memory_space<semaphore_mem>>
      %dma_start3A_111 = arith.constant 0 : i32
      %dma_start3A_112 = tpu.memref_slice %arg7[%dma_start3A_111] : memref<784xf32, #tpu.memory_space<vmem>> -> memref<784xf32, #tpu.memory_space<vmem>>
      %dma_start3A_113 = tpu.memref_slice %arg8[%add3A_25] : memref<100352xf32, #tpu.memory_space<vmem_shared>> -> memref<784xf32, #tpu.memory_space<vmem_shared>>
      %dma_start3A_114 = tpu.memref_slice %arg8[%add3A_25] : memref<100352xf32, #tpu.memory_space<vmem_shared>> -> memref<784xf32, #tpu.memory_space<vmem_shared>>
      %dma_start3A_115 = arith.constant 0 : i32
      %dma_start3A_116 = tpu.memref_slice %arg7[%dma_start3A_115] : memref<784xf32, #tpu.memory_space<vmem>> -> memref<784xf32, #tpu.memory_space<vmem>>
      tpu.enqueue_dma source(%dma_start3A_116 : memref<784xf32, #tpu.memory_space<vmem>>) target(%dma_start3A_114 : memref<784xf32, #tpu.memory_space<vmem_shared>>) target_semaphore(%run_scoped3A : memref<!tpu.dma_semaphore, #tpu.memory_space<semaphore_mem>>)
      %dma_wait3A_117 = arith.constant 0 : i32
      %dma_wait3A_118 = tpu.memref_slice %arg7[%dma_wait3A_117] : memref<784xf32, #tpu.memory_space<vmem>> -> memref<784xf32, #tpu.memory_space<vmem>>
      %dma_wait3A_119 = tpu.memref_slice %arg8[%add3A_25] : memref<100352xf32, #tpu.memory_space<vmem_shared>> -> memref<784xf32, #tpu.memory_space<vmem_shared>>
      %dma_wait3A_120 = tpu.memref_slice %arg8[%add3A_25] : memref<100352xf32, #tpu.memory_space<vmem_shared>> -> memref<784xf32, #tpu.memory_space<vmem_shared>>
      %dma_wait3A_121 = arith.constant 0 : i32
      %dma_wait3A_122 = tpu.memref_slice %arg7[%dma_wait3A_121] : memref<784xf32, #tpu.memory_space<vmem>> -> memref<784xf32, #tpu.memory_space<vmem>>
      tpu.wait_dma2 semaphore(%run_scoped3A : memref<!tpu.dma_semaphore, #tpu.memory_space<semaphore_mem>>) src(%dma_wait3A_122 : memref<784xf32, #tpu.memory_space<vmem>>) dst(%dma_wait3A_120 : memref<784xf32, #tpu.memory_space<vmem_shared>>)
      tpu.yield
    }) : () -> ()
    %add3A_26 = arith.constant 4704 : i32
    %add3A_27 = arith.addi %mul3A_2, %add3A_26 : i32
    "tpu.region"() ({
      %run_scoped3A = tpu.sem_alloc : memref<!tpu.dma_semaphore, #tpu.memory_space<semaphore_mem>>
      %dma_start3A_111 = arith.constant 0 : i32
      %dma_start3A_112 = tpu.memref_slice %arg7[%dma_start3A_111] : memref<784xf32, #tpu.memory_space<vmem>> -> memref<784xf32, #tpu.memory_space<vmem>>
      %dma_start3A_113 = tpu.memref_slice %arg8[%add3A_27] : memref<100352xf32, #tpu.memory_space<vmem_shared>> -> memref<784xf32, #tpu.memory_space<vmem_shared>>
      %dma_start3A_114 = tpu.memref_slice %arg8[%add3A_27] : memref<100352xf32, #tpu.memory_space<vmem_shared>> -> memref<784xf32, #tpu.memory_space<vmem_shared>>
      %dma_start3A_115 = arith.constant 0 : i32
      %dma_start3A_116 = tpu.memref_slice %arg7[%dma_start3A_115] : memref<784xf32, #tpu.memory_space<vmem>> -> memref<784xf32, #tpu.memory_space<vmem>>
      tpu.enqueue_dma source(%dma_start3A_116 : memref<784xf32, #tpu.memory_space<vmem>>) target(%dma_start3A_114 : memref<784xf32, #tpu.memory_space<vmem_shared>>) target_semaphore(%run_scoped3A : memref<!tpu.dma_semaphore, #tpu.memory_space<semaphore_mem>>)
      %dma_wait3A_117 = arith.constant 0 : i32
      %dma_wait3A_118 = tpu.memref_slice %arg7[%dma_wait3A_117] : memref<784xf32, #tpu.memory_space<vmem>> -> memref<784xf32, #tpu.memory_space<vmem>>
      %dma_wait3A_119 = tpu.memref_slice %arg8[%add3A_27] : memref<100352xf32, #tpu.memory_space<vmem_shared>> -> memref<784xf32, #tpu.memory_space<vmem_shared>>
      %dma_wait3A_120 = tpu.memref_slice %arg8[%add3A_27] : memref<100352xf32, #tpu.memory_space<vmem_shared>> -> memref<784xf32, #tpu.memory_space<vmem_shared>>
      %dma_wait3A_121 = arith.constant 0 : i32
      %dma_wait3A_122 = tpu.memref_slice %arg7[%dma_wait3A_121] : memref<784xf32, #tpu.memory_space<vmem>> -> memref<784xf32, #tpu.memory_space<vmem>>
      tpu.wait_dma2 semaphore(%run_scoped3A : memref<!tpu.dma_semaphore, #tpu.memory_space<semaphore_mem>>) src(%dma_wait3A_122 : memref<784xf32, #tpu.memory_space<vmem>>) dst(%dma_wait3A_120 : memref<784xf32, #tpu.memory_space<vmem_shared>>)
      tpu.yield
    }) : () -> ()
    %add3A_28 = arith.constant 5488 : i32
    %add3A_29 = arith.addi %mul3A_2, %add3A_28 : i32
    "tpu.region"() ({
      %run_scoped3A = tpu.sem_alloc : memref<!tpu.dma_semaphore, #tpu.memory_space<semaphore_mem>>
      %dma_start3A_111 = arith.constant 0 : i32
      %dma_start3A_112 = tpu.memref_slice %arg7[%dma_start3A_111] : memref<784xf32, #tpu.memory_space<vmem>> -> memref<784xf32, #tpu.memory_space<vmem>>
      %dma_start3A_113 = tpu.memref_slice %arg8[%add3A_29] : memref<100352xf32, #tpu.memory_space<vmem_shared>> -> memref<784xf32, #tpu.memory_space<vmem_shared>>
      %dma_start3A_114 = tpu.memref_slice %arg8[%add3A_29] : memref<100352xf32, #tpu.memory_space<vmem_shared>> -> memref<784xf32, #tpu.memory_space<vmem_shared>>
      %dma_start3A_115 = arith.constant 0 : i32
      %dma_start3A_116 = tpu.memref_slice %arg7[%dma_start3A_115] : memref<784xf32, #tpu.memory_space<vmem>> -> memref<784xf32, #tpu.memory_space<vmem>>
      tpu.enqueue_dma source(%dma_start3A_116 : memref<784xf32, #tpu.memory_space<vmem>>) target(%dma_start3A_114 : memref<784xf32, #tpu.memory_space<vmem_shared>>) target_semaphore(%run_scoped3A : memref<!tpu.dma_semaphore, #tpu.memory_space<semaphore_mem>>)
      %dma_wait3A_117 = arith.constant 0 : i32
      %dma_wait3A_118 = tpu.memref_slice %arg7[%dma_wait3A_117] : memref<784xf32, #tpu.memory_space<vmem>> -> memref<784xf32, #tpu.memory_space<vmem>>
      %dma_wait3A_119 = tpu.memref_slice %arg8[%add3A_29] : memref<100352xf32, #tpu.memory_space<vmem_shared>> -> memref<784xf32, #tpu.memory_space<vmem_shared>>
      %dma_wait3A_120 = tpu.memref_slice %arg8[%add3A_29] : memref<100352xf32, #tpu.memory_space<vmem_shared>> -> memref<784xf32, #tpu.memory_space<vmem_shared>>
      %dma_wait3A_121 = arith.constant 0 : i32
      %dma_wait3A_122 = tpu.memref_slice %arg7[%dma_wait3A_121] : memref<784xf32, #tpu.memory_space<vmem>> -> memref<784xf32, #tpu.memory_space<vmem>>
      tpu.wait_dma2 semaphore(%run_scoped3A : memref<!tpu.dma_semaphore, #tpu.memory_space<semaphore_mem>>) src(%dma_wait3A_122 : memref<784xf32, #tpu.memory_space<vmem>>) dst(%dma_wait3A_120 : memref<784xf32, #tpu.memory_space<vmem_shared>>)
      tpu.yield
    }) : () -> ()
    %barrier3A = arith.constant 0 : index
    tpu.barrier barrier_id(%barrier3A)
    %mul3A_30 = arith.constant 200128 : i32
    %mul3A_31 = arith.muli %add3A, %mul3A_30 : i32
    %dma_start3A = tpu.memref_slice %arg2[%mul3A_31] : memref<6404096xi32, #tpu.memory_space<hbm>> -> memref<848xi32, #tpu.memory_space<hbm>>
    %dma_start3A_32 = tpu.memref_slice %arg2[%mul3A_31] : memref<6404096xi32, #tpu.memory_space<hbm>> -> memref<848xi32, #tpu.memory_space<hbm>>
    tpu.enqueue_dma source(%dma_start3A_32 : memref<848xi32, #tpu.memory_space<hbm>>) target(%arg4 : memref<848xi32, #tpu.memory_space<vmem>>) target_semaphore(%arg9 : memref<!tpu.dma_semaphore, #tpu.memory_space<semaphore_mem>>)
    %dma_wait3A = tpu.memref_slice %arg2[%mul3A_31] : memref<6404096xi32, #tpu.memory_space<hbm>> -> memref<848xi32, #tpu.memory_space<hbm>>
    %dma_wait3A_33 = tpu.memref_slice %arg2[%mul3A_31] : memref<6404096xi32, #tpu.memory_space<hbm>> -> memref<848xi32, #tpu.memory_space<hbm>>
    tpu.wait_dma2 semaphore(%arg9 : memref<!tpu.dma_semaphore, #tpu.memory_space<semaphore_mem>>) src(%dma_wait3A_33 : memref<848xi32, #tpu.memory_space<hbm>>) dst(%arg4 : memref<848xi32, #tpu.memory_space<vmem>>)
    %add3A_34 = arith.constant 848 : i32
    %add3A_35 = arith.addi %mul3A_31, %add3A_34 : i32
    %dma_start3A_36 = tpu.memref_slice %arg2[%add3A_35] : memref<6404096xi32, #tpu.memory_space<hbm>> -> memref<848xi32, #tpu.memory_space<hbm>>
    %dma_start3A_37 = tpu.memref_slice %arg2[%add3A_35] : memref<6404096xi32, #tpu.memory_space<hbm>> -> memref<848xi32, #tpu.memory_space<hbm>>
    tpu.enqueue_dma source(%dma_start3A_37 : memref<848xi32, #tpu.memory_space<hbm>>) target(%arg5 : memref<848xi32, #tpu.memory_space<vmem>>) target_semaphore(%arg9 : memref<!tpu.dma_semaphore, #tpu.memory_space<semaphore_mem>>)
    %dma_start3A_38 = arith.constant 0 : i32
    %dma_start3A_39 = tpu.memref_slice %arg8[%dma_start3A_38] : memref<100352xf32, #tpu.memory_space<vmem_shared>> -> memref<100352xf32, #tpu.memory_space<vmem_shared>>
    tpu.enqueue_indirect_dma source(%arg6 : memref<848xf32, #tpu.memory_space<vmem>>) target(%dma_start3A_39 : memref<100352xf32, #tpu.memory_space<vmem_shared>>) offsets(%arg4 : memref<848xi32, #tpu.memory_space<vmem>>) semaphore(%arg10 : memref<!tpu.dma_semaphore, #tpu.memory_space<semaphore_mem>>) {add = true}
    %scan3A_40 = arith.constant 0 : i32
    %scan3A_41 = arith.constant 0 : i32
    %scan3A_42 = arith.constant 117 : i32
    %scan3A_43 = arith.addi %scan3A_41, %scan3A_42 : i32
    %scan3A_44 = arith.constant 1 : i32
    scf.for %scan3A_111 = %scan3A_41 to %scan3A_43 step %scan3A_44  : i32 {
      %mul3A_112 = arith.constant 2 : i32
      %mul3A_113 = arith.muli %mul3A_112, %scan3A_111 : i32
      %add3A_114 = arith.constant 1 : i32
      %add3A_115 = arith.addi %add3A_114, %mul3A_113 : i32
      %dma_wait3A_116 = tpu.memref_slice %arg2[%mul3A_31] : memref<6404096xi32, #tpu.memory_space<hbm>> -> memref<848xi32, #tpu.memory_space<hbm>>
      %dma_wait3A_117 = tpu.memref_slice %arg2[%mul3A_31] : memref<6404096xi32, #tpu.memory_space<hbm>> -> memref<848xi32, #tpu.memory_space<hbm>>
      tpu.wait_dma2 semaphore(%arg9 : memref<!tpu.dma_semaphore, #tpu.memory_space<semaphore_mem>>) src(%dma_wait3A_117 : memref<848xi32, #tpu.memory_space<hbm>>) dst(%arg5 : memref<848xi32, #tpu.memory_space<vmem>>)
      %dma_wait3A_118 = arith.constant 0 : i32
      %dma_wait3A_119 = tpu.memref_slice %arg8[%dma_wait3A_118] : memref<100352xf32, #tpu.memory_space<vmem_shared>> -> memref<100352xf32, #tpu.memory_space<vmem_shared>>
      tpu.wait_indirect_dma semaphore(%arg10 : memref<!tpu.dma_semaphore, #tpu.memory_space<semaphore_mem>>) src(%arg6 : memref<848xf32, #tpu.memory_space<vmem>>) dst(%dma_wait3A_119 : memref<100352xf32, #tpu.memory_space<vmem_shared>>)
      %add3A_120 = arith.constant 1 : i32
      %add3A_121 = arith.addi %add3A_115, %add3A_120 : i32
      %mul3A_122 = arith.constant 848 : i32
      %mul3A_123 = arith.muli %add3A_121, %mul3A_122 : i32
      %add3A_124 = arith.addi %mul3A_31, %mul3A_123 : i32
      %dma_start3A_125 = tpu.memref_slice %arg2[%add3A_124] : memref<6404096xi32, #tpu.memory_space<hbm>> -> memref<848xi32, #tpu.memory_space<hbm>>
      %dma_start3A_126 = tpu.memref_slice %arg2[%add3A_124] : memref<6404096xi32, #tpu.memory_space<hbm>> -> memref<848xi32, #tpu.memory_space<hbm>>
      tpu.enqueue_dma source(%dma_start3A_126 : memref<848xi32, #tpu.memory_space<hbm>>) target(%arg4 : memref<848xi32, #tpu.memory_space<vmem>>) target_semaphore(%arg9 : memref<!tpu.dma_semaphore, #tpu.memory_space<semaphore_mem>>)
      %dma_start3A_127 = arith.constant 0 : i32
      %dma_start3A_128 = tpu.memref_slice %arg8[%dma_start3A_127] : memref<100352xf32, #tpu.memory_space<vmem_shared>> -> memref<100352xf32, #tpu.memory_space<vmem_shared>>
      tpu.enqueue_indirect_dma source(%arg6 : memref<848xf32, #tpu.memory_space<vmem>>) target(%dma_start3A_128 : memref<100352xf32, #tpu.memory_space<vmem_shared>>) offsets(%arg5 : memref<848xi32, #tpu.memory_space<vmem>>) semaphore(%arg10 : memref<!tpu.dma_semaphore, #tpu.memory_space<semaphore_mem>>) {add = true}
      %mul3A_129 = arith.constant 2 : i32
      %mul3A_130 = arith.muli %mul3A_129, %scan3A_111 : i32
      %add3A_131 = arith.constant 2 : i32
      %add3A_132 = arith.addi %add3A_131, %mul3A_130 : i32
      %dma_wait3A_133 = tpu.memref_slice %arg2[%mul3A_31] : memref<6404096xi32, #tpu.memory_space<hbm>> -> memref<848xi32, #tpu.memory_space<hbm>>
      %dma_wait3A_134 = tpu.memref_slice %arg2[%mul3A_31] : memref<6404096xi32, #tpu.memory_space<hbm>> -> memref<848xi32, #tpu.memory_space<hbm>>
      tpu.wait_dma2 semaphore(%arg9 : memref<!tpu.dma_semaphore, #tpu.memory_space<semaphore_mem>>) src(%dma_wait3A_134 : memref<848xi32, #tpu.memory_space<hbm>>) dst(%arg4 : memref<848xi32, #tpu.memory_space<vmem>>)
      %dma_wait3A_135 = arith.constant 0 : i32
      %dma_wait3A_136 = tpu.memref_slice %arg8[%dma_wait3A_135] : memref<100352xf32, #tpu.memory_space<vmem_shared>> -> memref<100352xf32, #tpu.memory_space<vmem_shared>>
      tpu.wait_indirect_dma semaphore(%arg10 : memref<!tpu.dma_semaphore, #tpu.memory_space<semaphore_mem>>) src(%arg6 : memref<848xf32, #tpu.memory_space<vmem>>) dst(%dma_wait3A_136 : memref<100352xf32, #tpu.memory_space<vmem_shared>>)
      %add3A_137 = arith.constant 1 : i32
      %add3A_138 = arith.addi %add3A_132, %add3A_137 : i32
      %mul3A_139 = arith.constant 848 : i32
      %mul3A_140 = arith.muli %add3A_138, %mul3A_139 : i32
      %add3A_141 = arith.addi %mul3A_31, %mul3A_140 : i32
      %dma_start3A_142 = tpu.memref_slice %arg2[%add3A_141] : memref<6404096xi32, #tpu.memory_space<hbm>> -> memref<848xi32, #tpu.memory_space<hbm>>
      %dma_start3A_143 = tpu.memref_slice %arg2[%add3A_141] : memref<6404096xi32, #tpu.memory_space<hbm>> -> memref<848xi32, #tpu.memory_space<hbm>>
      tpu.enqueue_dma source(%dma_start3A_143 : memref<848xi32, #tpu.memory_space<hbm>>) target(%arg5 : memref<848xi32, #tpu.memory_space<vmem>>) target_semaphore(%arg9 : memref<!tpu.dma_semaphore, #tpu.memory_space<semaphore_mem>>)
      %dma_start3A_144 = arith.constant 0 : i32
      %dma_start3A_145 = tpu.memref_slice %arg8[%dma_start3A_144] : memref<100352xf32, #tpu.memory_space<vmem_shared>> -> memref<100352xf32, #tpu.memory_space<vmem_shared>>
      tpu.enqueue_indirect_dma source(%arg6 : memref<848xf32, #tpu.memory_space<vmem>>) target(%dma_start3A_145 : memref<100352xf32, #tpu.memory_space<vmem_shared>>) offsets(%arg4 : memref<848xi32, #tpu.memory_space<vmem>>) semaphore(%arg10 : memref<!tpu.dma_semaphore, #tpu.memory_space<semaphore_mem>>) {add = true}
    }
    %scan3A_45 = arith.constant 117 : i32
    %dma_wait3A_46 = tpu.memref_slice %arg2[%mul3A_31] : memref<6404096xi32, #tpu.memory_space<hbm>> -> memref<848xi32, #tpu.memory_space<hbm>>
    %dma_wait3A_47 = tpu.memref_slice %arg2[%mul3A_31] : memref<6404096xi32, #tpu.memory_space<hbm>> -> memref<848xi32, #tpu.memory_space<hbm>>
    tpu.wait_dma2 semaphore(%arg9 : memref<!tpu.dma_semaphore, #tpu.memory_space<semaphore_mem>>) src(%dma_wait3A_47 : memref<848xi32, #tpu.memory_space<hbm>>) dst(%arg5 : memref<848xi32, #tpu.memory_space<vmem>>)
    %dma_wait3A_48 = arith.constant 0 : i32
    %dma_wait3A_49 = tpu.memref_slice %arg8[%dma_wait3A_48] : memref<100352xf32, #tpu.memory_space<vmem_shared>> -> memref<100352xf32, #tpu.memory_space<vmem_shared>>
    tpu.wait_indirect_dma semaphore(%arg10 : memref<!tpu.dma_semaphore, #tpu.memory_space<semaphore_mem>>) src(%arg6 : memref<848xf32, #tpu.memory_space<vmem>>) dst(%dma_wait3A_49 : memref<100352xf32, #tpu.memory_space<vmem_shared>>)
    %dma_start3A_50 = arith.constant 0 : i32
    %dma_start3A_51 = tpu.memref_slice %arg8[%dma_start3A_50] : memref<100352xf32, #tpu.memory_space<vmem_shared>> -> memref<100352xf32, #tpu.memory_space<vmem_shared>>
    tpu.enqueue_indirect_dma source(%arg6 : memref<848xf32, #tpu.memory_space<vmem>>) target(%dma_start3A_51 : memref<100352xf32, #tpu.memory_space<vmem_shared>>) offsets(%arg5 : memref<848xi32, #tpu.memory_space<vmem>>) semaphore(%arg10 : memref<!tpu.dma_semaphore, #tpu.memory_space<semaphore_mem>>) {add = true}
    %dma_wait3A_52 = arith.constant 0 : i32
    %dma_wait3A_53 = tpu.memref_slice %arg8[%dma_wait3A_52] : memref<100352xf32, #tpu.memory_space<vmem_shared>> -> memref<100352xf32, #tpu.memory_space<vmem_shared>>
    tpu.wait_indirect_dma semaphore(%arg10 : memref<!tpu.dma_semaphore, #tpu.memory_space<semaphore_mem>>) src(%arg6 : memref<848xf32, #tpu.memory_space<vmem>>) dst(%dma_wait3A_53 : memref<100352xf32, #tpu.memory_space<vmem_shared>>)
    %barrier3A_54 = arith.constant 0 : index
    tpu.barrier barrier_id(%barrier3A_54)
    %add3A_55 = arith.constant 0 : i32
    %add3A_56 = arith.addi %mul3A_2, %add3A_55 : i32
    "tpu.region"() ({
      %run_scoped3A = tpu.sem_alloc : memref<!tpu.dma_semaphore, #tpu.memory_space<semaphore_mem>>
      %dma_start3A_111 = arith.constant 0 : i32
      %dma_start3A_112 = tpu.memref_slice %arg7[%dma_start3A_111] : memref<784xf32, #tpu.memory_space<vmem>> -> memref<784xf32, #tpu.memory_space<vmem>>
      %dma_start3A_113 = tpu.memref_slice %arg8[%add3A_56] : memref<100352xf32, #tpu.memory_space<vmem_shared>> -> memref<784xf32, #tpu.memory_space<vmem_shared>>
      %dma_start3A_114 = arith.constant 0 : i32
      %dma_start3A_115 = tpu.memref_slice %arg7[%dma_start3A_114] : memref<784xf32, #tpu.memory_space<vmem>> -> memref<784xf32, #tpu.memory_space<vmem>>
      %dma_start3A_116 = tpu.memref_slice %arg8[%add3A_56] : memref<100352xf32, #tpu.memory_space<vmem_shared>> -> memref<784xf32, #tpu.memory_space<vmem_shared>>
      tpu.enqueue_dma source(%dma_start3A_116 : memref<784xf32, #tpu.memory_space<vmem_shared>>) target(%dma_start3A_115 : memref<784xf32, #tpu.memory_space<vmem>>) target_semaphore(%run_scoped3A : memref<!tpu.dma_semaphore, #tpu.memory_space<semaphore_mem>>)
      %dma_wait3A_117 = arith.constant 0 : i32
      %dma_wait3A_118 = tpu.memref_slice %arg7[%dma_wait3A_117] : memref<784xf32, #tpu.memory_space<vmem>> -> memref<784xf32, #tpu.memory_space<vmem>>
      %dma_wait3A_119 = tpu.memref_slice %arg8[%add3A_56] : memref<100352xf32, #tpu.memory_space<vmem_shared>> -> memref<784xf32, #tpu.memory_space<vmem_shared>>
      %dma_wait3A_120 = arith.constant 0 : i32
      %dma_wait3A_121 = tpu.memref_slice %arg7[%dma_wait3A_120] : memref<784xf32, #tpu.memory_space<vmem>> -> memref<784xf32, #tpu.memory_space<vmem>>
      %dma_wait3A_122 = tpu.memref_slice %arg8[%add3A_56] : memref<100352xf32, #tpu.memory_space<vmem_shared>> -> memref<784xf32, #tpu.memory_space<vmem_shared>>
      tpu.wait_dma2 semaphore(%run_scoped3A : memref<!tpu.dma_semaphore, #tpu.memory_space<semaphore_mem>>) src(%dma_wait3A_122 : memref<784xf32, #tpu.memory_space<vmem_shared>>) dst(%dma_wait3A_121 : memref<784xf32, #tpu.memory_space<vmem>>)
      tpu.yield
    }) : () -> ()
    %mul3A_57 = arith.constant 100352 : i32
    %mul3A_58 = arith.muli %arg0, %mul3A_57 : i32
    %add3A_59 = arith.addi %mul3A_58, %mul3A_2 : i32
    %add3A_60 = arith.constant 0 : i32
    %add3A_61 = arith.addi %add3A_59, %add3A_60 : i32
    "tpu.region"() ({
      %run_scoped3A = tpu.sem_alloc : memref<!tpu.dma_semaphore, #tpu.memory_space<semaphore_mem>>
      %dma_start3A_111 = arith.constant 0 : i32
      %dma_start3A_112 = tpu.memref_slice %arg7[%dma_start3A_111] : memref<784xf32, #tpu.memory_space<vmem>> -> memref<784xf32, #tpu.memory_space<vmem>>
      %dma_start3A_113 = tpu.memref_slice %arg3[%add3A_61] : memref<200704xf32, #tpu.memory_space<hbm>> -> memref<784xf32, #tpu.memory_space<hbm>>
      %dma_start3A_114 = tpu.memref_slice %arg3[%add3A_61] : memref<200704xf32, #tpu.memory_space<hbm>> -> memref<784xf32, #tpu.memory_space<hbm>>
      %dma_start3A_115 = arith.constant 0 : i32
      %dma_start3A_116 = tpu.memref_slice %arg7[%dma_start3A_115] : memref<784xf32, #tpu.memory_space<vmem>> -> memref<784xf32, #tpu.memory_space<vmem>>
      tpu.enqueue_dma source(%dma_start3A_116 : memref<784xf32, #tpu.memory_space<vmem>>) target(%dma_start3A_114 : memref<784xf32, #tpu.memory_space<hbm>>) target_semaphore(%run_scoped3A : memref<!tpu.dma_semaphore, #tpu.memory_space<semaphore_mem>>)
      %dma_wait3A_117 = arith.constant 0 : i32
      %dma_wait3A_118 = tpu.memref_slice %arg7[%dma_wait3A_117] : memref<784xf32, #tpu.memory_space<vmem>> -> memref<784xf32, #tpu.memory_space<vmem>>
      %dma_wait3A_119 = tpu.memref_slice %arg3[%add3A_61] : memref<200704xf32, #tpu.memory_space<hbm>> -> memref<784xf32, #tpu.memory_space<hbm>>
      %dma_wait3A_120 = tpu.memref_slice %arg3[%add3A_61] : memref<200704xf32, #tpu.memory_space<hbm>> -> memref<784xf32, #tpu.memory_space<hbm>>
      %dma_wait3A_121 = arith.constant 0 : i32
      %dma_wait3A_122 = tpu.memref_slice %arg7[%dma_wait3A_121] : memref<784xf32, #tpu.memory_space<vmem>> -> memref<784xf32, #tpu.memory_space<vmem>>
      tpu.wait_dma2 semaphore(%run_scoped3A : memref<!tpu.dma_semaphore, #tpu.memory_space<semaphore_mem>>) src(%dma_wait3A_122 : memref<784xf32, #tpu.memory_space<vmem>>) dst(%dma_wait3A_120 : memref<784xf32, #tpu.memory_space<hbm>>)
      tpu.yield
    }) : () -> ()
    %add3A_62 = arith.constant 784 : i32
    %add3A_63 = arith.addi %mul3A_2, %add3A_62 : i32
    "tpu.region"() ({
      %run_scoped3A = tpu.sem_alloc : memref<!tpu.dma_semaphore, #tpu.memory_space<semaphore_mem>>
      %dma_start3A_111 = arith.constant 0 : i32
      %dma_start3A_112 = tpu.memref_slice %arg7[%dma_start3A_111] : memref<784xf32, #tpu.memory_space<vmem>> -> memref<784xf32, #tpu.memory_space<vmem>>
      %dma_start3A_113 = tpu.memref_slice %arg8[%add3A_63] : memref<100352xf32, #tpu.memory_space<vmem_shared>> -> memref<784xf32, #tpu.memory_space<vmem_shared>>
      %dma_start3A_114 = arith.constant 0 : i32
      %dma_start3A_115 = tpu.memref_slice %arg7[%dma_start3A_114] : memref<784xf32, #tpu.memory_space<vmem>> -> memref<784xf32, #tpu.memory_space<vmem>>
      %dma_start3A_116 = tpu.memref_slice %arg8[%add3A_63] : memref<100352xf32, #tpu.memory_space<vmem_shared>> -> memref<784xf32, #tpu.memory_space<vmem_shared>>
      tpu.enqueue_dma source(%dma_start3A_116 : memref<784xf32, #tpu.memory_space<vmem_shared>>) target(%dma_start3A_115 : memref<784xf32, #tpu.memory_space<vmem>>) target_semaphore(%run_scoped3A : memref<!tpu.dma_semaphore, #tpu.memory_space<semaphore_mem>>)
      %dma_wait3A_117 = arith.constant 0 : i32
      %dma_wait3A_118 = tpu.memref_slice %arg7[%dma_wait3A_117] : memref<784xf32, #tpu.memory_space<vmem>> -> memref<784xf32, #tpu.memory_space<vmem>>
      %dma_wait3A_119 = tpu.memref_slice %arg8[%add3A_63] : memref<100352xf32, #tpu.memory_space<vmem_shared>> -> memref<784xf32, #tpu.memory_space<vmem_shared>>
      %dma_wait3A_120 = arith.constant 0 : i32
      %dma_wait3A_121 = tpu.memref_slice %arg7[%dma_wait3A_120] : memref<784xf32, #tpu.memory_space<vmem>> -> memref<784xf32, #tpu.memory_space<vmem>>
      %dma_wait3A_122 = tpu.memref_slice %arg8[%add3A_63] : memref<100352xf32, #tpu.memory_space<vmem_shared>> -> memref<784xf32, #tpu.memory_space<vmem_shared>>
      tpu.wait_dma2 semaphore(%run_scoped3A : memref<!tpu.dma_semaphore, #tpu.memory_space<semaphore_mem>>) src(%dma_wait3A_122 : memref<784xf32, #tpu.memory_space<vmem_shared>>) dst(%dma_wait3A_121 : memref<784xf32, #tpu.memory_space<vmem>>)
      tpu.yield
    }) : () -> ()
    %mul3A_64 = arith.constant 100352 : i32
    %mul3A_65 = arith.muli %arg0, %mul3A_64 : i32
    %add3A_66 = arith.addi %mul3A_65, %mul3A_2 : i32
    %add3A_67 = arith.constant 784 : i32
    %add3A_68 = arith.addi %add3A_66, %add3A_67 : i32
    "tpu.region"() ({
      %run_scoped3A = tpu.sem_alloc : memref<!tpu.dma_semaphore, #tpu.memory_space<semaphore_mem>>
      %dma_start3A_111 = arith.constant 0 : i32
      %dma_start3A_112 = tpu.memref_slice %arg7[%dma_start3A_111] : memref<784xf32, #tpu.memory_space<vmem>> -> memref<784xf32, #tpu.memory_space<vmem>>
      %dma_start3A_113 = tpu.memref_slice %arg3[%add3A_68] : memref<200704xf32, #tpu.memory_space<hbm>> -> memref<784xf32, #tpu.memory_space<hbm>>
      %dma_start3A_114 = tpu.memref_slice %arg3[%add3A_68] : memref<200704xf32, #tpu.memory_space<hbm>> -> memref<784xf32, #tpu.memory_space<hbm>>
      %dma_start3A_115 = arith.constant 0 : i32
      %dma_start3A_116 = tpu.memref_slice %arg7[%dma_start3A_115] : memref<784xf32, #tpu.memory_space<vmem>> -> memref<784xf32, #tpu.memory_space<vmem>>
      tpu.enqueue_dma source(%dma_start3A_116 : memref<784xf32, #tpu.memory_space<vmem>>) target(%dma_start3A_114 : memref<784xf32, #tpu.memory_space<hbm>>) target_semaphore(%run_scoped3A : memref<!tpu.dma_semaphore, #tpu.memory_space<semaphore_mem>>)
      %dma_wait3A_117 = arith.constant 0 : i32
      %dma_wait3A_118 = tpu.memref_slice %arg7[%dma_wait3A_117] : memref<784xf32, #tpu.memory_space<vmem>> -> memref<784xf32, #tpu.memory_space<vmem>>
      %dma_wait3A_119 = tpu.memref_slice %arg3[%add3A_68] : memref<200704xf32, #tpu.memory_space<hbm>> -> memref<784xf32, #tpu.memory_space<hbm>>
      %dma_wait3A_120 = tpu.memref_slice %arg3[%add3A_68] : memref<200704xf32, #tpu.memory_space<hbm>> -> memref<784xf32, #tpu.memory_space<hbm>>
      %dma_wait3A_121 = arith.constant 0 : i32
      %dma_wait3A_122 = tpu.memref_slice %arg7[%dma_wait3A_121] : memref<784xf32, #tpu.memory_space<vmem>> -> memref<784xf32, #tpu.memory_space<vmem>>
      tpu.wait_dma2 semaphore(%run_scoped3A : memref<!tpu.dma_semaphore, #tpu.memory_space<semaphore_mem>>) src(%dma_wait3A_122 : memref<784xf32, #tpu.memory_space<vmem>>) dst(%dma_wait3A_120 : memref<784xf32, #tpu.memory_space<hbm>>)
      tpu.yield
    }) : () -> ()
    %add3A_69 = arith.constant 1568 : i32
    %add3A_70 = arith.addi %mul3A_2, %add3A_69 : i32
    "tpu.region"() ({
      %run_scoped3A = tpu.sem_alloc : memref<!tpu.dma_semaphore, #tpu.memory_space<semaphore_mem>>
      %dma_start3A_111 = arith.constant 0 : i32
      %dma_start3A_112 = tpu.memref_slice %arg7[%dma_start3A_111] : memref<784xf32, #tpu.memory_space<vmem>> -> memref<784xf32, #tpu.memory_space<vmem>>
      %dma_start3A_113 = tpu.memref_slice %arg8[%add3A_70] : memref<100352xf32, #tpu.memory_space<vmem_shared>> -> memref<784xf32, #tpu.memory_space<vmem_shared>>
      %dma_start3A_114 = arith.constant 0 : i32
      %dma_start3A_115 = tpu.memref_slice %arg7[%dma_start3A_114] : memref<784xf32, #tpu.memory_space<vmem>> -> memref<784xf32, #tpu.memory_space<vmem>>
      %dma_start3A_116 = tpu.memref_slice %arg8[%add3A_70] : memref<100352xf32, #tpu.memory_space<vmem_shared>> -> memref<784xf32, #tpu.memory_space<vmem_shared>>
      tpu.enqueue_dma source(%dma_start3A_116 : memref<784xf32, #tpu.memory_space<vmem_shared>>) target(%dma_start3A_115 : memref<784xf32, #tpu.memory_space<vmem>>) target_semaphore(%run_scoped3A : memref<!tpu.dma_semaphore, #tpu.memory_space<semaphore_mem>>)
      %dma_wait3A_117 = arith.constant 0 : i32
      %dma_wait3A_118 = tpu.memref_slice %arg7[%dma_wait3A_117] : memref<784xf32, #tpu.memory_space<vmem>> -> memref<784xf32, #tpu.memory_space<vmem>>
      %dma_wait3A_119 = tpu.memref_slice %arg8[%add3A_70] : memref<100352xf32, #tpu.memory_space<vmem_shared>> -> memref<784xf32, #tpu.memory_space<vmem_shared>>
      %dma_wait3A_120 = arith.constant 0 : i32
      %dma_wait3A_121 = tpu.memref_slice %arg7[%dma_wait3A_120] : memref<784xf32, #tpu.memory_space<vmem>> -> memref<784xf32, #tpu.memory_space<vmem>>
      %dma_wait3A_122 = tpu.memref_slice %arg8[%add3A_70] : memref<100352xf32, #tpu.memory_space<vmem_shared>> -> memref<784xf32, #tpu.memory_space<vmem_shared>>
      tpu.wait_dma2 semaphore(%run_scoped3A : memref<!tpu.dma_semaphore, #tpu.memory_space<semaphore_mem>>) src(%dma_wait3A_122 : memref<784xf32, #tpu.memory_space<vmem_shared>>) dst(%dma_wait3A_121 : memref<784xf32, #tpu.memory_space<vmem>>)
      tpu.yield
    }) : () -> ()
    %mul3A_71 = arith.constant 100352 : i32
    %mul3A_72 = arith.muli %arg0, %mul3A_71 : i32
    %add3A_73 = arith.addi %mul3A_72, %mul3A_2 : i32
    %add3A_74 = arith.constant 1568 : i32
    %add3A_75 = arith.addi %add3A_73, %add3A_74 : i32
    "tpu.region"() ({
      %run_scoped3A = tpu.sem_alloc : memref<!tpu.dma_semaphore, #tpu.memory_space<semaphore_mem>>
      %dma_start3A_111 = arith.constant 0 : i32
      %dma_start3A_112 = tpu.memref_slice %arg7[%dma_start3A_111] : memref<784xf32, #tpu.memory_space<vmem>> -> memref<784xf32, #tpu.memory_space<vmem>>
      %dma_start3A_113 = tpu.memref_slice %arg3[%add3A_75] : memref<200704xf32, #tpu.memory_space<hbm>> -> memref<784xf32, #tpu.memory_space<hbm>>
      %dma_start3A_114 = tpu.memref_slice %arg3[%add3A_75] : memref<200704xf32, #tpu.memory_space<hbm>> -> memref<784xf32, #tpu.memory_space<hbm>>
      %dma_start3A_115 = arith.constant 0 : i32
      %dma_start3A_116 = tpu.memref_slice %arg7[%dma_start3A_115] : memref<784xf32, #tpu.memory_space<vmem>> -> memref<784xf32, #tpu.memory_space<vmem>>
      tpu.enqueue_dma source(%dma_start3A_116 : memref<784xf32, #tpu.memory_space<vmem>>) target(%dma_start3A_114 : memref<784xf32, #tpu.memory_space<hbm>>) target_semaphore(%run_scoped3A : memref<!tpu.dma_semaphore, #tpu.memory_space<semaphore_mem>>)
      %dma_wait3A_117 = arith.constant 0 : i32
      %dma_wait3A_118 = tpu.memref_slice %arg7[%dma_wait3A_117] : memref<784xf32, #tpu.memory_space<vmem>> -> memref<784xf32, #tpu.memory_space<vmem>>
      %dma_wait3A_119 = tpu.memref_slice %arg3[%add3A_75] : memref<200704xf32, #tpu.memory_space<hbm>> -> memref<784xf32, #tpu.memory_space<hbm>>
      %dma_wait3A_120 = tpu.memref_slice %arg3[%add3A_75] : memref<200704xf32, #tpu.memory_space<hbm>> -> memref<784xf32, #tpu.memory_space<hbm>>
      %dma_wait3A_121 = arith.constant 0 : i32
      %dma_wait3A_122 = tpu.memref_slice %arg7[%dma_wait3A_121] : memref<784xf32, #tpu.memory_space<vmem>> -> memref<784xf32, #tpu.memory_space<vmem>>
      tpu.wait_dma2 semaphore(%run_scoped3A : memref<!tpu.dma_semaphore, #tpu.memory_space<semaphore_mem>>) src(%dma_wait3A_122 : memref<784xf32, #tpu.memory_space<vmem>>) dst(%dma_wait3A_120 : memref<784xf32, #tpu.memory_space<hbm>>)
      tpu.yield
    }) : () -> ()
    %add3A_76 = arith.constant 2352 : i32
    %add3A_77 = arith.addi %mul3A_2, %add3A_76 : i32
    "tpu.region"() ({
      %run_scoped3A = tpu.sem_alloc : memref<!tpu.dma_semaphore, #tpu.memory_space<semaphore_mem>>
      %dma_start3A_111 = arith.constant 0 : i32
      %dma_start3A_112 = tpu.memref_slice %arg7[%dma_start3A_111] : memref<784xf32, #tpu.memory_space<vmem>> -> memref<784xf32, #tpu.memory_space<vmem>>
      %dma_start3A_113 = tpu.memref_slice %arg8[%add3A_77] : memref<100352xf32, #tpu.memory_space<vmem_shared>> -> memref<784xf32, #tpu.memory_space<vmem_shared>>
      %dma_start3A_114 = arith.constant 0 : i32
      %dma_start3A_115 = tpu.memref_slice %arg7[%dma_start3A_114] : memref<784xf32, #tpu.memory_space<vmem>> -> memref<784xf32, #tpu.memory_space<vmem>>
      %dma_start3A_116 = tpu.memref_slice %arg8[%add3A_77] : memref<100352xf32, #tpu.memory_space<vmem_shared>> -> memref<784xf32, #tpu.memory_space<vmem_shared>>
      tpu.enqueue_dma source(%dma_start3A_116 : memref<784xf32, #tpu.memory_space<vmem_shared>>) target(%dma_start3A_115 : memref<784xf32, #tpu.memory_space<vmem>>) target_semaphore(%run_scoped3A : memref<!tpu.dma_semaphore, #tpu.memory_space<semaphore_mem>>)
      %dma_wait3A_117 = arith.constant 0 : i32
      %dma_wait3A_118 = tpu.memref_slice %arg7[%dma_wait3A_117] : memref<784xf32, #tpu.memory_space<vmem>> -> memref<784xf32, #tpu.memory_space<vmem>>
      %dma_wait3A_119 = tpu.memref_slice %arg8[%add3A_77] : memref<100352xf32, #tpu.memory_space<vmem_shared>> -> memref<784xf32, #tpu.memory_space<vmem_shared>>
      %dma_wait3A_120 = arith.constant 0 : i32
      %dma_wait3A_121 = tpu.memref_slice %arg7[%dma_wait3A_120] : memref<784xf32, #tpu.memory_space<vmem>> -> memref<784xf32, #tpu.memory_space<vmem>>
      %dma_wait3A_122 = tpu.memref_slice %arg8[%add3A_77] : memref<100352xf32, #tpu.memory_space<vmem_shared>> -> memref<784xf32, #tpu.memory_space<vmem_shared>>
      tpu.wait_dma2 semaphore(%run_scoped3A : memref<!tpu.dma_semaphore, #tpu.memory_space<semaphore_mem>>) src(%dma_wait3A_122 : memref<784xf32, #tpu.memory_space<vmem_shared>>) dst(%dma_wait3A_121 : memref<784xf32, #tpu.memory_space<vmem>>)
      tpu.yield
    }) : () -> ()
    %mul3A_78 = arith.constant 100352 : i32
    %mul3A_79 = arith.muli %arg0, %mul3A_78 : i32
    %add3A_80 = arith.addi %mul3A_79, %mul3A_2 : i32
    %add3A_81 = arith.constant 2352 : i32
    %add3A_82 = arith.addi %add3A_80, %add3A_81 : i32
    "tpu.region"() ({
      %run_scoped3A = tpu.sem_alloc : memref<!tpu.dma_semaphore, #tpu.memory_space<semaphore_mem>>
      %dma_start3A_111 = arith.constant 0 : i32
      %dma_start3A_112 = tpu.memref_slice %arg7[%dma_start3A_111] : memref<784xf32, #tpu.memory_space<vmem>> -> memref<784xf32, #tpu.memory_space<vmem>>
      %dma_start3A_113 = tpu.memref_slice %arg3[%add3A_82] : memref<200704xf32, #tpu.memory_space<hbm>> -> memref<784xf32, #tpu.memory_space<hbm>>
      %dma_start3A_114 = tpu.memref_slice %arg3[%add3A_82] : memref<200704xf32, #tpu.memory_space<hbm>> -> memref<784xf32, #tpu.memory_space<hbm>>
      %dma_start3A_115 = arith.constant 0 : i32
      %dma_start3A_116 = tpu.memref_slice %arg7[%dma_start3A_115] : memref<784xf32, #tpu.memory_space<vmem>> -> memref<784xf32, #tpu.memory_space<vmem>>
      tpu.enqueue_dma source(%dma_start3A_116 : memref<784xf32, #tpu.memory_space<vmem>>) target(%dma_start3A_114 : memref<784xf32, #tpu.memory_space<hbm>>) target_semaphore(%run_scoped3A : memref<!tpu.dma_semaphore, #tpu.memory_space<semaphore_mem>>)
      %dma_wait3A_117 = arith.constant 0 : i32
      %dma_wait3A_118 = tpu.memref_slice %arg7[%dma_wait3A_117] : memref<784xf32, #tpu.memory_space<vmem>> -> memref<784xf32, #tpu.memory_space<vmem>>
      %dma_wait3A_119 = tpu.memref_slice %arg3[%add3A_82] : memref<200704xf32, #tpu.memory_space<hbm>> -> memref<784xf32, #tpu.memory_space<hbm>>
      %dma_wait3A_120 = tpu.memref_slice %arg3[%add3A_82] : memref<200704xf32, #tpu.memory_space<hbm>> -> memref<784xf32, #tpu.memory_space<hbm>>
      %dma_wait3A_121 = arith.constant 0 : i32
      %dma_wait3A_122 = tpu.memref_slice %arg7[%dma_wait3A_121] : memref<784xf32, #tpu.memory_space<vmem>> -> memref<784xf32, #tpu.memory_space<vmem>>
      tpu.wait_dma2 semaphore(%run_scoped3A : memref<!tpu.dma_semaphore, #tpu.memory_space<semaphore_mem>>) src(%dma_wait3A_122 : memref<784xf32, #tpu.memory_space<vmem>>) dst(%dma_wait3A_120 : memref<784xf32, #tpu.memory_space<hbm>>)
      tpu.yield
    }) : () -> ()
    %add3A_83 = arith.constant 3136 : i32
    %add3A_84 = arith.addi %mul3A_2, %add3A_83 : i32
    "tpu.region"() ({
      %run_scoped3A = tpu.sem_alloc : memref<!tpu.dma_semaphore, #tpu.memory_space<semaphore_mem>>
      %dma_start3A_111 = arith.constant 0 : i32
      %dma_start3A_112 = tpu.memref_slice %arg7[%dma_start3A_111] : memref<784xf32, #tpu.memory_space<vmem>> -> memref<784xf32, #tpu.memory_space<vmem>>
      %dma_start3A_113 = tpu.memref_slice %arg8[%add3A_84] : memref<100352xf32, #tpu.memory_space<vmem_shared>> -> memref<784xf32, #tpu.memory_space<vmem_shared>>
      %dma_start3A_114 = arith.constant 0 : i32
      %dma_start3A_115 = tpu.memref_slice %arg7[%dma_start3A_114] : memref<784xf32, #tpu.memory_space<vmem>> -> memref<784xf32, #tpu.memory_space<vmem>>
      %dma_start3A_116 = tpu.memref_slice %arg8[%add3A_84] : memref<100352xf32, #tpu.memory_space<vmem_shared>> -> memref<784xf32, #tpu.memory_space<vmem_shared>>
      tpu.enqueue_dma source(%dma_start3A_116 : memref<784xf32, #tpu.memory_space<vmem_shared>>) target(%dma_start3A_115 : memref<784xf32, #tpu.memory_space<vmem>>) target_semaphore(%run_scoped3A : memref<!tpu.dma_semaphore, #tpu.memory_space<semaphore_mem>>)
      %dma_wait3A_117 = arith.constant 0 : i32
      %dma_wait3A_118 = tpu.memref_slice %arg7[%dma_wait3A_117] : memref<784xf32, #tpu.memory_space<vmem>> -> memref<784xf32, #tpu.memory_space<vmem>>
      %dma_wait3A_119 = tpu.memref_slice %arg8[%add3A_84] : memref<100352xf32, #tpu.memory_space<vmem_shared>> -> memref<784xf32, #tpu.memory_space<vmem_shared>>
      %dma_wait3A_120 = arith.constant 0 : i32
      %dma_wait3A_121 = tpu.memref_slice %arg7[%dma_wait3A_120] : memref<784xf32, #tpu.memory_space<vmem>> -> memref<784xf32, #tpu.memory_space<vmem>>
      %dma_wait3A_122 = tpu.memref_slice %arg8[%add3A_84] : memref<100352xf32, #tpu.memory_space<vmem_shared>> -> memref<784xf32, #tpu.memory_space<vmem_shared>>
      tpu.wait_dma2 semaphore(%run_scoped3A : memref<!tpu.dma_semaphore, #tpu.memory_space<semaphore_mem>>) src(%dma_wait3A_122 : memref<784xf32, #tpu.memory_space<vmem_shared>>) dst(%dma_wait3A_121 : memref<784xf32, #tpu.memory_space<vmem>>)
      tpu.yield
    }) : () -> ()
    %mul3A_85 = arith.constant 100352 : i32
    %mul3A_86 = arith.muli %arg0, %mul3A_85 : i32
    %add3A_87 = arith.addi %mul3A_86, %mul3A_2 : i32
    %add3A_88 = arith.constant 3136 : i32
    %add3A_89 = arith.addi %add3A_87, %add3A_88 : i32
    "tpu.region"() ({
      %run_scoped3A = tpu.sem_alloc : memref<!tpu.dma_semaphore, #tpu.memory_space<semaphore_mem>>
      %dma_start3A_111 = arith.constant 0 : i32
      %dma_start3A_112 = tpu.memref_slice %arg7[%dma_start3A_111] : memref<784xf32, #tpu.memory_space<vmem>> -> memref<784xf32, #tpu.memory_space<vmem>>
      %dma_start3A_113 = tpu.memref_slice %arg3[%add3A_89] : memref<200704xf32, #tpu.memory_space<hbm>> -> memref<784xf32, #tpu.memory_space<hbm>>
      %dma_start3A_114 = tpu.memref_slice %arg3[%add3A_89] : memref<200704xf32, #tpu.memory_space<hbm>> -> memref<784xf32, #tpu.memory_space<hbm>>
      %dma_start3A_115 = arith.constant 0 : i32
      %dma_start3A_116 = tpu.memref_slice %arg7[%dma_start3A_115] : memref<784xf32, #tpu.memory_space<vmem>> -> memref<784xf32, #tpu.memory_space<vmem>>
      tpu.enqueue_dma source(%dma_start3A_116 : memref<784xf32, #tpu.memory_space<vmem>>) target(%dma_start3A_114 : memref<784xf32, #tpu.memory_space<hbm>>) target_semaphore(%run_scoped3A : memref<!tpu.dma_semaphore, #tpu.memory_space<semaphore_mem>>)
      %dma_wait3A_117 = arith.constant 0 : i32
      %dma_wait3A_118 = tpu.memref_slice %arg7[%dma_wait3A_117] : memref<784xf32, #tpu.memory_space<vmem>> -> memref<784xf32, #tpu.memory_space<vmem>>
      %dma_wait3A_119 = tpu.memref_slice %arg3[%add3A_89] : memref<200704xf32, #tpu.memory_space<hbm>> -> memref<784xf32, #tpu.memory_space<hbm>>
      %dma_wait3A_120 = tpu.memref_slice %arg3[%add3A_89] : memref<200704xf32, #tpu.memory_space<hbm>> -> memref<784xf32, #tpu.memory_space<hbm>>
      %dma_wait3A_121 = arith.constant 0 : i32
      %dma_wait3A_122 = tpu.memref_slice %arg7[%dma_wait3A_121] : memref<784xf32, #tpu.memory_space<vmem>> -> memref<784xf32, #tpu.memory_space<vmem>>
      tpu.wait_dma2 semaphore(%run_scoped3A : memref<!tpu.dma_semaphore, #tpu.memory_space<semaphore_mem>>) src(%dma_wait3A_122 : memref<784xf32, #tpu.memory_space<vmem>>) dst(%dma_wait3A_120 : memref<784xf32, #tpu.memory_space<hbm>>)
      tpu.yield
    }) : () -> ()
    %add3A_90 = arith.constant 3920 : i32
    %add3A_91 = arith.addi %mul3A_2, %add3A_90 : i32
    "tpu.region"() ({
      %run_scoped3A = tpu.sem_alloc : memref<!tpu.dma_semaphore, #tpu.memory_space<semaphore_mem>>
      %dma_start3A_111 = arith.constant 0 : i32
      %dma_start3A_112 = tpu.memref_slice %arg7[%dma_start3A_111] : memref<784xf32, #tpu.memory_space<vmem>> -> memref<784xf32, #tpu.memory_space<vmem>>
      %dma_start3A_113 = tpu.memref_slice %arg8[%add3A_91] : memref<100352xf32, #tpu.memory_space<vmem_shared>> -> memref<784xf32, #tpu.memory_space<vmem_shared>>
      %dma_start3A_114 = arith.constant 0 : i32
      %dma_start3A_115 = tpu.memref_slice %arg7[%dma_start3A_114] : memref<784xf32, #tpu.memory_space<vmem>> -> memref<784xf32, #tpu.memory_space<vmem>>
      %dma_start3A_116 = tpu.memref_slice %arg8[%add3A_91] : memref<100352xf32, #tpu.memory_space<vmem_shared>> -> memref<784xf32, #tpu.memory_space<vmem_shared>>
      tpu.enqueue_dma source(%dma_start3A_116 : memref<784xf32, #tpu.memory_space<vmem_shared>>) target(%dma_start3A_115 : memref<784xf32, #tpu.memory_space<vmem>>) target_semaphore(%run_scoped3A : memref<!tpu.dma_semaphore, #tpu.memory_space<semaphore_mem>>)
      %dma_wait3A_117 = arith.constant 0 : i32
      %dma_wait3A_118 = tpu.memref_slice %arg7[%dma_wait3A_117] : memref<784xf32, #tpu.memory_space<vmem>> -> memref<784xf32, #tpu.memory_space<vmem>>
      %dma_wait3A_119 = tpu.memref_slice %arg8[%add3A_91] : memref<100352xf32, #tpu.memory_space<vmem_shared>> -> memref<784xf32, #tpu.memory_space<vmem_shared>>
      %dma_wait3A_120 = arith.constant 0 : i32
      %dma_wait3A_121 = tpu.memref_slice %arg7[%dma_wait3A_120] : memref<784xf32, #tpu.memory_space<vmem>> -> memref<784xf32, #tpu.memory_space<vmem>>
      %dma_wait3A_122 = tpu.memref_slice %arg8[%add3A_91] : memref<100352xf32, #tpu.memory_space<vmem_shared>> -> memref<784xf32, #tpu.memory_space<vmem_shared>>
      tpu.wait_dma2 semaphore(%run_scoped3A : memref<!tpu.dma_semaphore, #tpu.memory_space<semaphore_mem>>) src(%dma_wait3A_122 : memref<784xf32, #tpu.memory_space<vmem_shared>>) dst(%dma_wait3A_121 : memref<784xf32, #tpu.memory_space<vmem>>)
      tpu.yield
    }) : () -> ()
    %mul3A_92 = arith.constant 100352 : i32
    %mul3A_93 = arith.muli %arg0, %mul3A_92 : i32
    %add3A_94 = arith.addi %mul3A_93, %mul3A_2 : i32
    %add3A_95 = arith.constant 3920 : i32
    %add3A_96 = arith.addi %add3A_94, %add3A_95 : i32
    "tpu.region"() ({
      %run_scoped3A = tpu.sem_alloc : memref<!tpu.dma_semaphore, #tpu.memory_space<semaphore_mem>>
      %dma_start3A_111 = arith.constant 0 : i32
      %dma_start3A_112 = tpu.memref_slice %arg7[%dma_start3A_111] : memref<784xf32, #tpu.memory_space<vmem>> -> memref<784xf32, #tpu.memory_space<vmem>>
      %dma_start3A_113 = tpu.memref_slice %arg3[%add3A_96] : memref<200704xf32, #tpu.memory_space<hbm>> -> memref<784xf32, #tpu.memory_space<hbm>>
      %dma_start3A_114 = tpu.memref_slice %arg3[%add3A_96] : memref<200704xf32, #tpu.memory_space<hbm>> -> memref<784xf32, #tpu.memory_space<hbm>>
      %dma_start3A_115 = arith.constant 0 : i32
      %dma_start3A_116 = tpu.memref_slice %arg7[%dma_start3A_115] : memref<784xf32, #tpu.memory_space<vmem>> -> memref<784xf32, #tpu.memory_space<vmem>>
      tpu.enqueue_dma source(%dma_start3A_116 : memref<784xf32, #tpu.memory_space<vmem>>) target(%dma_start3A_114 : memref<784xf32, #tpu.memory_space<hbm>>) target_semaphore(%run_scoped3A : memref<!tpu.dma_semaphore, #tpu.memory_space<semaphore_mem>>)
      %dma_wait3A_117 = arith.constant 0 : i32
      %dma_wait3A_118 = tpu.memref_slice %arg7[%dma_wait3A_117] : memref<784xf32, #tpu.memory_space<vmem>> -> memref<784xf32, #tpu.memory_space<vmem>>
      %dma_wait3A_119 = tpu.memref_slice %arg3[%add3A_96] : memref<200704xf32, #tpu.memory_space<hbm>> -> memref<784xf32, #tpu.memory_space<hbm>>
      %dma_wait3A_120 = tpu.memref_slice %arg3[%add3A_96] : memref<200704xf32, #tpu.memory_space<hbm>> -> memref<784xf32, #tpu.memory_space<hbm>>
      %dma_wait3A_121 = arith.constant 0 : i32
      %dma_wait3A_122 = tpu.memref_slice %arg7[%dma_wait3A_121] : memref<784xf32, #tpu.memory_space<vmem>> -> memref<784xf32, #tpu.memory_space<vmem>>
      tpu.wait_dma2 semaphore(%run_scoped3A : memref<!tpu.dma_semaphore, #tpu.memory_space<semaphore_mem>>) src(%dma_wait3A_122 : memref<784xf32, #tpu.memory_space<vmem>>) dst(%dma_wait3A_120 : memref<784xf32, #tpu.memory_space<hbm>>)
      tpu.yield
    }) : () -> ()
    %add3A_97 = arith.constant 4704 : i32
    %add3A_98 = arith.addi %mul3A_2, %add3A_97 : i32
    "tpu.region"() ({
      %run_scoped3A = tpu.sem_alloc : memref<!tpu.dma_semaphore, #tpu.memory_space<semaphore_mem>>
      %dma_start3A_111 = arith.constant 0 : i32
      %dma_start3A_112 = tpu.memref_slice %arg7[%dma_start3A_111] : memref<784xf32, #tpu.memory_space<vmem>> -> memref<784xf32, #tpu.memory_space<vmem>>
      %dma_start3A_113 = tpu.memref_slice %arg8[%add3A_98] : memref<100352xf32, #tpu.memory_space<vmem_shared>> -> memref<784xf32, #tpu.memory_space<vmem_shared>>
      %dma_start3A_114 = arith.constant 0 : i32
      %dma_start3A_115 = tpu.memref_slice %arg7[%dma_start3A_114] : memref<784xf32, #tpu.memory_space<vmem>> -> memref<784xf32, #tpu.memory_space<vmem>>
      %dma_start3A_116 = tpu.memref_slice %arg8[%add3A_98] : memref<100352xf32, #tpu.memory_space<vmem_shared>> -> memref<784xf32, #tpu.memory_space<vmem_shared>>
      tpu.enqueue_dma source(%dma_start3A_116 : memref<784xf32, #tpu.memory_space<vmem_shared>>) target(%dma_start3A_115 : memref<784xf32, #tpu.memory_space<vmem>>) target_semaphore(%run_scoped3A : memref<!tpu.dma_semaphore, #tpu.memory_space<semaphore_mem>>)
      %dma_wait3A_117 = arith.constant 0 : i32
      %dma_wait3A_118 = tpu.memref_slice %arg7[%dma_wait3A_117] : memref<784xf32, #tpu.memory_space<vmem>> -> memref<784xf32, #tpu.memory_space<vmem>>
      %dma_wait3A_119 = tpu.memref_slice %arg8[%add3A_98] : memref<100352xf32, #tpu.memory_space<vmem_shared>> -> memref<784xf32, #tpu.memory_space<vmem_shared>>
      %dma_wait3A_120 = arith.constant 0 : i32
      %dma_wait3A_121 = tpu.memref_slice %arg7[%dma_wait3A_120] : memref<784xf32, #tpu.memory_space<vmem>> -> memref<784xf32, #tpu.memory_space<vmem>>
      %dma_wait3A_122 = tpu.memref_slice %arg8[%add3A_98] : memref<100352xf32, #tpu.memory_space<vmem_shared>> -> memref<784xf32, #tpu.memory_space<vmem_shared>>
      tpu.wait_dma2 semaphore(%run_scoped3A : memref<!tpu.dma_semaphore, #tpu.memory_space<semaphore_mem>>) src(%dma_wait3A_122 : memref<784xf32, #tpu.memory_space<vmem_shared>>) dst(%dma_wait3A_121 : memref<784xf32, #tpu.memory_space<vmem>>)
      tpu.yield
    }) : () -> ()
    %mul3A_99 = arith.constant 100352 : i32
    %mul3A_100 = arith.muli %arg0, %mul3A_99 : i32
    %add3A_101 = arith.addi %mul3A_100, %mul3A_2 : i32
    %add3A_102 = arith.constant 4704 : i32
    %add3A_103 = arith.addi %add3A_101, %add3A_102 : i32
    "tpu.region"() ({
      %run_scoped3A = tpu.sem_alloc : memref<!tpu.dma_semaphore, #tpu.memory_space<semaphore_mem>>
      %dma_start3A_111 = arith.constant 0 : i32
      %dma_start3A_112 = tpu.memref_slice %arg7[%dma_start3A_111] : memref<784xf32, #tpu.memory_space<vmem>> -> memref<784xf32, #tpu.memory_space<vmem>>
      %dma_start3A_113 = tpu.memref_slice %arg3[%add3A_103] : memref<200704xf32, #tpu.memory_space<hbm>> -> memref<784xf32, #tpu.memory_space<hbm>>
      %dma_start3A_114 = tpu.memref_slice %arg3[%add3A_103] : memref<200704xf32, #tpu.memory_space<hbm>> -> memref<784xf32, #tpu.memory_space<hbm>>
      %dma_start3A_115 = arith.constant 0 : i32
      %dma_start3A_116 = tpu.memref_slice %arg7[%dma_start3A_115] : memref<784xf32, #tpu.memory_space<vmem>> -> memref<784xf32, #tpu.memory_space<vmem>>
      tpu.enqueue_dma source(%dma_start3A_116 : memref<784xf32, #tpu.memory_space<vmem>>) target(%dma_start3A_114 : memref<784xf32, #tpu.memory_space<hbm>>) target_semaphore(%run_scoped3A : memref<!tpu.dma_semaphore, #tpu.memory_space<semaphore_mem>>)
      %dma_wait3A_117 = arith.constant 0 : i32
      %dma_wait3A_118 = tpu.memref_slice %arg7[%dma_wait3A_117] : memref<784xf32, #tpu.memory_space<vmem>> -> memref<784xf32, #tpu.memory_space<vmem>>
      %dma_wait3A_119 = tpu.memref_slice %arg3[%add3A_103] : memref<200704xf32, #tpu.memory_space<hbm>> -> memref<784xf32, #tpu.memory_space<hbm>>
      %dma_wait3A_120 = tpu.memref_slice %arg3[%add3A_103] : memref<200704xf32, #tpu.memory_space<hbm>> -> memref<784xf32, #tpu.memory_space<hbm>>
      %dma_wait3A_121 = arith.constant 0 : i32
      %dma_wait3A_122 = tpu.memref_slice %arg7[%dma_wait3A_121] : memref<784xf32, #tpu.memory_space<vmem>> -> memref<784xf32, #tpu.memory_space<vmem>>
      tpu.wait_dma2 semaphore(%run_scoped3A : memref<!tpu.dma_semaphore, #tpu.memory_space<semaphore_mem>>) src(%dma_wait3A_122 : memref<784xf32, #tpu.memory_space<vmem>>) dst(%dma_wait3A_120 : memref<784xf32, #tpu.memory_space<hbm>>)
      tpu.yield
    }) : () -> ()
    %add3A_104 = arith.constant 5488 : i32
    %add3A_105 = arith.addi %mul3A_2, %add3A_104 : i32
    "tpu.region"() ({
      %run_scoped3A = tpu.sem_alloc : memref<!tpu.dma_semaphore, #tpu.memory_space<semaphore_mem>>
      %dma_start3A_111 = arith.constant 0 : i32
      %dma_start3A_112 = tpu.memref_slice %arg7[%dma_start3A_111] : memref<784xf32, #tpu.memory_space<vmem>> -> memref<784xf32, #tpu.memory_space<vmem>>
      %dma_start3A_113 = tpu.memref_slice %arg8[%add3A_105] : memref<100352xf32, #tpu.memory_space<vmem_shared>> -> memref<784xf32, #tpu.memory_space<vmem_shared>>
      %dma_start3A_114 = arith.constant 0 : i32
      %dma_start3A_115 = tpu.memref_slice %arg7[%dma_start3A_114] : memref<784xf32, #tpu.memory_space<vmem>> -> memref<784xf32, #tpu.memory_space<vmem>>
      %dma_start3A_116 = tpu.memref_slice %arg8[%add3A_105] : memref<100352xf32, #tpu.memory_space<vmem_shared>> -> memref<784xf32, #tpu.memory_space<vmem_shared>>
      tpu.enqueue_dma source(%dma_start3A_116 : memref<784xf32, #tpu.memory_space<vmem_shared>>) target(%dma_start3A_115 : memref<784xf32, #tpu.memory_space<vmem>>) target_semaphore(%run_scoped3A : memref<!tpu.dma_semaphore, #tpu.memory_space<semaphore_mem>>)
      %dma_wait3A_117 = arith.constant 0 : i32
      %dma_wait3A_118 = tpu.memref_slice %arg7[%dma_wait3A_117] : memref<784xf32, #tpu.memory_space<vmem>> -> memref<784xf32, #tpu.memory_space<vmem>>
      %dma_wait3A_119 = tpu.memref_slice %arg8[%add3A_105] : memref<100352xf32, #tpu.memory_space<vmem_shared>> -> memref<784xf32, #tpu.memory_space<vmem_shared>>
      %dma_wait3A_120 = arith.constant 0 : i32
      %dma_wait3A_121 = tpu.memref_slice %arg7[%dma_wait3A_120] : memref<784xf32, #tpu.memory_space<vmem>> -> memref<784xf32, #tpu.memory_space<vmem>>
      %dma_wait3A_122 = tpu.memref_slice %arg8[%add3A_105] : memref<100352xf32, #tpu.memory_space<vmem_shared>> -> memref<784xf32, #tpu.memory_space<vmem_shared>>
      tpu.wait_dma2 semaphore(%run_scoped3A : memref<!tpu.dma_semaphore, #tpu.memory_space<semaphore_mem>>) src(%dma_wait3A_122 : memref<784xf32, #tpu.memory_space<vmem_shared>>) dst(%dma_wait3A_121 : memref<784xf32, #tpu.memory_space<vmem>>)
      tpu.yield
    }) : () -> ()
    %mul3A_106 = arith.constant 100352 : i32
    %mul3A_107 = arith.muli %arg0, %mul3A_106 : i32
    %add3A_108 = arith.addi %mul3A_107, %mul3A_2 : i32
    %add3A_109 = arith.constant 5488 : i32
    %add3A_110 = arith.addi %add3A_108, %add3A_109 : i32
    "tpu.region"() ({
      %run_scoped3A = tpu.sem_alloc : memref<!tpu.dma_semaphore, #tpu.memory_space<semaphore_mem>>
      %dma_start3A_111 = arith.constant 0 : i32
      %dma_start3A_112 = tpu.memref_slice %arg7[%dma_start3A_111] : memref<784xf32, #tpu.memory_space<vmem>> -> memref<784xf32, #tpu.memory_space<vmem>>
      %dma_start3A_113 = tpu.memref_slice %arg3[%add3A_110] : memref<200704xf32, #tpu.memory_space<hbm>> -> memref<784xf32, #tpu.memory_space<hbm>>
      %dma_start3A_114 = tpu.memref_slice %arg3[%add3A_110] : memref<200704xf32, #tpu.memory_space<hbm>> -> memref<784xf32, #tpu.memory_space<hbm>>
      %dma_start3A_115 = arith.constant 0 : i32
      %dma_start3A_116 = tpu.memref_slice %arg7[%dma_start3A_115] : memref<784xf32, #tpu.memory_space<vmem>> -> memref<784xf32, #tpu.memory_space<vmem>>
      tpu.enqueue_dma source(%dma_start3A_116 : memref<784xf32, #tpu.memory_space<vmem>>) target(%dma_start3A_114 : memref<784xf32, #tpu.memory_space<hbm>>) target_semaphore(%run_scoped3A : memref<!tpu.dma_semaphore, #tpu.memory_space<semaphore_mem>>)
      %dma_wait3A_117 = arith.constant 0 : i32
      %dma_wait3A_118 = tpu.memref_slice %arg7[%dma_wait3A_117] : memref<784xf32, #tpu.memory_space<vmem>> -> memref<784xf32, #tpu.memory_space<vmem>>
      %dma_wait3A_119 = tpu.memref_slice %arg3[%add3A_110] : memref<200704xf32, #tpu.memory_space<hbm>> -> memref<784xf32, #tpu.memory_space<hbm>>
      %dma_wait3A_120 = tpu.memref_slice %arg3[%add3A_110] : memref<200704xf32, #tpu.memory_space<hbm>> -> memref<784xf32, #tpu.memory_space<hbm>>
      %dma_wait3A_121 = arith.constant 0 : i32
      %dma_wait3A_122 = tpu.memref_slice %arg7[%dma_wait3A_121] : memref<784xf32, #tpu.memory_space<vmem>> -> memref<784xf32, #tpu.memory_space<vmem>>
      tpu.wait_dma2 semaphore(%run_scoped3A : memref<!tpu.dma_semaphore, #tpu.memory_space<semaphore_mem>>) src(%dma_wait3A_122 : memref<784xf32, #tpu.memory_space<vmem>>) dst(%dma_wait3A_120 : memref<784xf32, #tpu.memory_space<hbm>>)
      tpu.yield
    }) : () -> ()
    return
  }
}

#map = affine_map<(d0, d1) -> (0, 0)>
#map1 = affine_map<(d0, d1) -> (0)>
module attributes {stable_mosaic.version = 14 : i64} {
  func.func @_prop2_body(%arg0: i32, %arg1: i32, %arg2: memref<100352x16xf32, #tpu.memory_space<hbm>>, %arg3: memref<100352x16xf32, #tpu.memory_space<hbm>>, %arg4: memref<6404096xi32, #tpu.memory_space<hbm>>, %arg5: memref<6404096xi32, #tpu.memory_space<hbm>>, %arg6: memref<200704x16xf32, #tpu.memory_space<hbm>>, %arg7: memref<848xi32, #tpu.memory_space<vmem>>, %arg8: memref<848xi32, #tpu.memory_space<vmem>>, %arg9: memref<848xi32, #tpu.memory_space<vmem>>, %arg10: memref<848xi32, #tpu.memory_space<vmem>>, %arg11: memref<848x16xf32, #tpu.memory_space<vmem>>, %arg12: memref<848x16xf32, #tpu.memory_space<vmem>>, %arg13: memref<100352x16xf32, #tpu.memory_space<vmem_shared>>, %arg14: memref<!tpu.dma_semaphore, #tpu.memory_space<semaphore_mem>>, %arg15: memref<!tpu.dma_semaphore, #tpu.memory_space<semaphore_mem>>, %arg16: memref<!tpu.dma_semaphore, #tpu.memory_space<semaphore_mem>>) attributes {dimension_semantics = [#tpu.dimension_semantics<core_parallel>, #tpu.dimension_semantics<subcore_parallel>], iteration_bounds = array<i64: 2, 16>, scalar_prefetch = 0 : i64, scratch_operands = 10 : i64, tpu.core_type = #tpu.core_type<sc_vector_subcore>, window_params = [{transform_indices = #map}, {transform_indices = #map}, {transform_indices = #map1}, {transform_indices = #map1}, {transform_indices = #map}]} {
    %mul3A = arith.constant 6272 : i32
    %mul3A_0 = arith.muli %arg1, %mul3A : i32
    %scan3A = arith.constant 0 : i32
    %scan3A_1 = arith.constant 0 : i32
    %scan3A_2 = arith.constant 784 : i32
    %scan3A_3 = arith.addi %scan3A_1, %scan3A_2 : i32
    %scan3A_4 = arith.constant 1 : i32
    scf.for %scan3A_87 = %scan3A_1 to %scan3A_3 step %scan3A_4  : i32 {
      %broadcast_in_dim3A = arith.constant 0.000000e+00 : f32
      %broadcast_in_dim3A_88 = vector.broadcast %broadcast_in_dim3A : f32 to vector<16xf32>
      %swap3A = arith.index_cast %scan3A_87 : i32 to index
      %swap3A_89 = arith.constant 0 : index
      %swap3A_90 = tpu.vector_load %arg11[%swap3A, %swap3A_89] {strides = array<i32>} : memref<848x16xf32, #tpu.memory_space<vmem>>, vector<1x16xf32>,
      %swap3A_91 = vector.shape_cast %swap3A_90 : vector<1x16xf32> to vector<16xf32>
      %swap3A_92 = vector.shape_cast %broadcast_in_dim3A_88 : vector<16xf32> to vector<1x16xf32>
      tpu.vector_store %arg11[%swap3A, %swap3A_89], %swap3A_92 {strides = array<i32>} : memref<848x16xf32, #tpu.memory_space<vmem>>, vector<1x16xf32>,
    }
    %scan3A_5 = arith.constant 784 : i32
    %add3A = arith.constant 0 : i32
    %add3A_6 = arith.addi %mul3A_0, %add3A : i32
    "tpu.region"() ({
      %run_scoped3A = tpu.sem_alloc : memref<!tpu.dma_semaphore, #tpu.memory_space<semaphore_mem>>
      %dma_start3A = arith.constant 0 : i32
      %dma_start3A_87 = arith.constant 0 : i32
      %dma_start3A_88 = tpu.memref_slice %arg11[%dma_start3A, %dma_start3A_87] : memref<848x16xf32, #tpu.memory_space<vmem>> -> memref<784x16xf32, #tpu.memory_space<vmem>>
      %dma_start3A_89 = arith.constant 0 : i32
      %dma_start3A_90 = tpu.memref_slice %arg13[%add3A_6, %dma_start3A_89] : memref<100352x16xf32, #tpu.memory_space<vmem_shared>> -> memref<784x16xf32, #tpu.memory_space<vmem_shared>>
      %dma_start3A_91 = arith.constant 0 : i32
      %dma_start3A_92 = tpu.memref_slice %arg13[%add3A_6, %dma_start3A_91] : memref<100352x16xf32, #tpu.memory_space<vmem_shared>> -> memref<784x16xf32, #tpu.memory_space<vmem_shared>>
      %dma_start3A_93 = arith.constant 0 : i32
      %dma_start3A_94 = arith.constant 0 : i32
      %dma_start3A_95 = tpu.memref_slice %arg11[%dma_start3A_93, %dma_start3A_94] : memref<848x16xf32, #tpu.memory_space<vmem>> -> memref<784x16xf32, #tpu.memory_space<vmem>>
      tpu.enqueue_dma source(%dma_start3A_95 : memref<784x16xf32, #tpu.memory_space<vmem>>) target(%dma_start3A_92 : memref<784x16xf32, #tpu.memory_space<vmem_shared>>) target_semaphore(%run_scoped3A : memref<!tpu.dma_semaphore, #tpu.memory_space<semaphore_mem>>)
      %dma_wait3A = arith.constant 0 : i32
      %dma_wait3A_96 = arith.constant 0 : i32
      %dma_wait3A_97 = tpu.memref_slice %arg11[%dma_wait3A, %dma_wait3A_96] : memref<848x16xf32, #tpu.memory_space<vmem>> -> memref<784x16xf32, #tpu.memory_space<vmem>>
      %dma_wait3A_98 = arith.constant 0 : i32
      %dma_wait3A_99 = tpu.memref_slice %arg13[%add3A_6, %dma_wait3A_98] : memref<100352x16xf32, #tpu.memory_space<vmem_shared>> -> memref<784x16xf32, #tpu.memory_space<vmem_shared>>
      %dma_wait3A_100 = arith.constant 0 : i32
      %dma_wait3A_101 = tpu.memref_slice %arg13[%add3A_6, %dma_wait3A_100] : memref<100352x16xf32, #tpu.memory_space<vmem_shared>> -> memref<784x16xf32, #tpu.memory_space<vmem_shared>>
      %dma_wait3A_102 = arith.constant 0 : i32
      %dma_wait3A_103 = arith.constant 0 : i32
      %dma_wait3A_104 = tpu.memref_slice %arg11[%dma_wait3A_102, %dma_wait3A_103] : memref<848x16xf32, #tpu.memory_space<vmem>> -> memref<784x16xf32, #tpu.memory_space<vmem>>
      tpu.wait_dma2 semaphore(%run_scoped3A : memref<!tpu.dma_semaphore, #tpu.memory_space<semaphore_mem>>) src(%dma_wait3A_104 : memref<784x16xf32, #tpu.memory_space<vmem>>) dst(%dma_wait3A_101 : memref<784x16xf32, #tpu.memory_space<vmem_shared>>)
      tpu.yield
    }) : () -> ()
    %add3A_7 = arith.constant 784 : i32
    %add3A_8 = arith.addi %mul3A_0, %add3A_7 : i32
    "tpu.region"() ({
      %run_scoped3A = tpu.sem_alloc : memref<!tpu.dma_semaphore, #tpu.memory_space<semaphore_mem>>
      %dma_start3A = arith.constant 0 : i32
      %dma_start3A_87 = arith.constant 0 : i32
      %dma_start3A_88 = tpu.memref_slice %arg11[%dma_start3A, %dma_start3A_87] : memref<848x16xf32, #tpu.memory_space<vmem>> -> memref<784x16xf32, #tpu.memory_space<vmem>>
      %dma_start3A_89 = arith.constant 0 : i32
      %dma_start3A_90 = tpu.memref_slice %arg13[%add3A_8, %dma_start3A_89] : memref<100352x16xf32, #tpu.memory_space<vmem_shared>> -> memref<784x16xf32, #tpu.memory_space<vmem_shared>>
      %dma_start3A_91 = arith.constant 0 : i32
      %dma_start3A_92 = tpu.memref_slice %arg13[%add3A_8, %dma_start3A_91] : memref<100352x16xf32, #tpu.memory_space<vmem_shared>> -> memref<784x16xf32, #tpu.memory_space<vmem_shared>>
      %dma_start3A_93 = arith.constant 0 : i32
      %dma_start3A_94 = arith.constant 0 : i32
      %dma_start3A_95 = tpu.memref_slice %arg11[%dma_start3A_93, %dma_start3A_94] : memref<848x16xf32, #tpu.memory_space<vmem>> -> memref<784x16xf32, #tpu.memory_space<vmem>>
      tpu.enqueue_dma source(%dma_start3A_95 : memref<784x16xf32, #tpu.memory_space<vmem>>) target(%dma_start3A_92 : memref<784x16xf32, #tpu.memory_space<vmem_shared>>) target_semaphore(%run_scoped3A : memref<!tpu.dma_semaphore, #tpu.memory_space<semaphore_mem>>)
      %dma_wait3A = arith.constant 0 : i32
      %dma_wait3A_96 = arith.constant 0 : i32
      %dma_wait3A_97 = tpu.memref_slice %arg11[%dma_wait3A, %dma_wait3A_96] : memref<848x16xf32, #tpu.memory_space<vmem>> -> memref<784x16xf32, #tpu.memory_space<vmem>>
      %dma_wait3A_98 = arith.constant 0 : i32
      %dma_wait3A_99 = tpu.memref_slice %arg13[%add3A_8, %dma_wait3A_98] : memref<100352x16xf32, #tpu.memory_space<vmem_shared>> -> memref<784x16xf32, #tpu.memory_space<vmem_shared>>
      %dma_wait3A_100 = arith.constant 0 : i32
      %dma_wait3A_101 = tpu.memref_slice %arg13[%add3A_8, %dma_wait3A_100] : memref<100352x16xf32, #tpu.memory_space<vmem_shared>> -> memref<784x16xf32, #tpu.memory_space<vmem_shared>>
      %dma_wait3A_102 = arith.constant 0 : i32
      %dma_wait3A_103 = arith.constant 0 : i32
      %dma_wait3A_104 = tpu.memref_slice %arg11[%dma_wait3A_102, %dma_wait3A_103] : memref<848x16xf32, #tpu.memory_space<vmem>> -> memref<784x16xf32, #tpu.memory_space<vmem>>
      tpu.wait_dma2 semaphore(%run_scoped3A : memref<!tpu.dma_semaphore, #tpu.memory_space<semaphore_mem>>) src(%dma_wait3A_104 : memref<784x16xf32, #tpu.memory_space<vmem>>) dst(%dma_wait3A_101 : memref<784x16xf32, #tpu.memory_space<vmem_shared>>)
      tpu.yield
    }) : () -> ()
    %add3A_9 = arith.constant 1568 : i32
    %add3A_10 = arith.addi %mul3A_0, %add3A_9 : i32
    "tpu.region"() ({
      %run_scoped3A = tpu.sem_alloc : memref<!tpu.dma_semaphore, #tpu.memory_space<semaphore_mem>>
      %dma_start3A = arith.constant 0 : i32
      %dma_start3A_87 = arith.constant 0 : i32
      %dma_start3A_88 = tpu.memref_slice %arg11[%dma_start3A, %dma_start3A_87] : memref<848x16xf32, #tpu.memory_space<vmem>> -> memref<784x16xf32, #tpu.memory_space<vmem>>
      %dma_start3A_89 = arith.constant 0 : i32
      %dma_start3A_90 = tpu.memref_slice %arg13[%add3A_10, %dma_start3A_89] : memref<100352x16xf32, #tpu.memory_space<vmem_shared>> -> memref<784x16xf32, #tpu.memory_space<vmem_shared>>
      %dma_start3A_91 = arith.constant 0 : i32
      %dma_start3A_92 = tpu.memref_slice %arg13[%add3A_10, %dma_start3A_91] : memref<100352x16xf32, #tpu.memory_space<vmem_shared>> -> memref<784x16xf32, #tpu.memory_space<vmem_shared>>
      %dma_start3A_93 = arith.constant 0 : i32
      %dma_start3A_94 = arith.constant 0 : i32
      %dma_start3A_95 = tpu.memref_slice %arg11[%dma_start3A_93, %dma_start3A_94] : memref<848x16xf32, #tpu.memory_space<vmem>> -> memref<784x16xf32, #tpu.memory_space<vmem>>
      tpu.enqueue_dma source(%dma_start3A_95 : memref<784x16xf32, #tpu.memory_space<vmem>>) target(%dma_start3A_92 : memref<784x16xf32, #tpu.memory_space<vmem_shared>>) target_semaphore(%run_scoped3A : memref<!tpu.dma_semaphore, #tpu.memory_space<semaphore_mem>>)
      %dma_wait3A = arith.constant 0 : i32
      %dma_wait3A_96 = arith.constant 0 : i32
      %dma_wait3A_97 = tpu.memref_slice %arg11[%dma_wait3A, %dma_wait3A_96] : memref<848x16xf32, #tpu.memory_space<vmem>> -> memref<784x16xf32, #tpu.memory_space<vmem>>
      %dma_wait3A_98 = arith.constant 0 : i32
      %dma_wait3A_99 = tpu.memref_slice %arg13[%add3A_10, %dma_wait3A_98] : memref<100352x16xf32, #tpu.memory_space<vmem_shared>> -> memref<784x16xf32, #tpu.memory_space<vmem_shared>>
      %dma_wait3A_100 = arith.constant 0 : i32
      %dma_wait3A_101 = tpu.memref_slice %arg13[%add3A_10, %dma_wait3A_100] : memref<100352x16xf32, #tpu.memory_space<vmem_shared>> -> memref<784x16xf32, #tpu.memory_space<vmem_shared>>
      %dma_wait3A_102 = arith.constant 0 : i32
      %dma_wait3A_103 = arith.constant 0 : i32
      %dma_wait3A_104 = tpu.memref_slice %arg11[%dma_wait3A_102, %dma_wait3A_103] : memref<848x16xf32, #tpu.memory_space<vmem>> -> memref<784x16xf32, #tpu.memory_space<vmem>>
      tpu.wait_dma2 semaphore(%run_scoped3A : memref<!tpu.dma_semaphore, #tpu.memory_space<semaphore_mem>>) src(%dma_wait3A_104 : memref<784x16xf32, #tpu.memory_space<vmem>>) dst(%dma_wait3A_101 : memref<784x16xf32, #tpu.memory_space<vmem_shared>>)
      tpu.yield
    }) : () -> ()
    %add3A_11 = arith.constant 2352 : i32
    %add3A_12 = arith.addi %mul3A_0, %add3A_11 : i32
    "tpu.region"() ({
      %run_scoped3A = tpu.sem_alloc : memref<!tpu.dma_semaphore, #tpu.memory_space<semaphore_mem>>
      %dma_start3A = arith.constant 0 : i32
      %dma_start3A_87 = arith.constant 0 : i32
      %dma_start3A_88 = tpu.memref_slice %arg11[%dma_start3A, %dma_start3A_87] : memref<848x16xf32, #tpu.memory_space<vmem>> -> memref<784x16xf32, #tpu.memory_space<vmem>>
      %dma_start3A_89 = arith.constant 0 : i32
      %dma_start3A_90 = tpu.memref_slice %arg13[%add3A_12, %dma_start3A_89] : memref<100352x16xf32, #tpu.memory_space<vmem_shared>> -> memref<784x16xf32, #tpu.memory_space<vmem_shared>>
      %dma_start3A_91 = arith.constant 0 : i32
      %dma_start3A_92 = tpu.memref_slice %arg13[%add3A_12, %dma_start3A_91] : memref<100352x16xf32, #tpu.memory_space<vmem_shared>> -> memref<784x16xf32, #tpu.memory_space<vmem_shared>>
      %dma_start3A_93 = arith.constant 0 : i32
      %dma_start3A_94 = arith.constant 0 : i32
      %dma_start3A_95 = tpu.memref_slice %arg11[%dma_start3A_93, %dma_start3A_94] : memref<848x16xf32, #tpu.memory_space<vmem>> -> memref<784x16xf32, #tpu.memory_space<vmem>>
      tpu.enqueue_dma source(%dma_start3A_95 : memref<784x16xf32, #tpu.memory_space<vmem>>) target(%dma_start3A_92 : memref<784x16xf32, #tpu.memory_space<vmem_shared>>) target_semaphore(%run_scoped3A : memref<!tpu.dma_semaphore, #tpu.memory_space<semaphore_mem>>)
      %dma_wait3A = arith.constant 0 : i32
      %dma_wait3A_96 = arith.constant 0 : i32
      %dma_wait3A_97 = tpu.memref_slice %arg11[%dma_wait3A, %dma_wait3A_96] : memref<848x16xf32, #tpu.memory_space<vmem>> -> memref<784x16xf32, #tpu.memory_space<vmem>>
      %dma_wait3A_98 = arith.constant 0 : i32
      %dma_wait3A_99 = tpu.memref_slice %arg13[%add3A_12, %dma_wait3A_98] : memref<100352x16xf32, #tpu.memory_space<vmem_shared>> -> memref<784x16xf32, #tpu.memory_space<vmem_shared>>
      %dma_wait3A_100 = arith.constant 0 : i32
      %dma_wait3A_101 = tpu.memref_slice %arg13[%add3A_12, %dma_wait3A_100] : memref<100352x16xf32, #tpu.memory_space<vmem_shared>> -> memref<784x16xf32, #tpu.memory_space<vmem_shared>>
      %dma_wait3A_102 = arith.constant 0 : i32
      %dma_wait3A_103 = arith.constant 0 : i32
      %dma_wait3A_104 = tpu.memref_slice %arg11[%dma_wait3A_102, %dma_wait3A_103] : memref<848x16xf32, #tpu.memory_space<vmem>> -> memref<784x16xf32, #tpu.memory_space<vmem>>
      tpu.wait_dma2 semaphore(%run_scoped3A : memref<!tpu.dma_semaphore, #tpu.memory_space<semaphore_mem>>) src(%dma_wait3A_104 : memref<784x16xf32, #tpu.memory_space<vmem>>) dst(%dma_wait3A_101 : memref<784x16xf32, #tpu.memory_space<vmem_shared>>)
      tpu.yield
    }) : () -> ()
    %add3A_13 = arith.constant 3136 : i32
    %add3A_14 = arith.addi %mul3A_0, %add3A_13 : i32
    "tpu.region"() ({
      %run_scoped3A = tpu.sem_alloc : memref<!tpu.dma_semaphore, #tpu.memory_space<semaphore_mem>>
      %dma_start3A = arith.constant 0 : i32
      %dma_start3A_87 = arith.constant 0 : i32
      %dma_start3A_88 = tpu.memref_slice %arg11[%dma_start3A, %dma_start3A_87] : memref<848x16xf32, #tpu.memory_space<vmem>> -> memref<784x16xf32, #tpu.memory_space<vmem>>
      %dma_start3A_89 = arith.constant 0 : i32
      %dma_start3A_90 = tpu.memref_slice %arg13[%add3A_14, %dma_start3A_89] : memref<100352x16xf32, #tpu.memory_space<vmem_shared>> -> memref<784x16xf32, #tpu.memory_space<vmem_shared>>
      %dma_start3A_91 = arith.constant 0 : i32
      %dma_start3A_92 = tpu.memref_slice %arg13[%add3A_14, %dma_start3A_91] : memref<100352x16xf32, #tpu.memory_space<vmem_shared>> -> memref<784x16xf32, #tpu.memory_space<vmem_shared>>
      %dma_start3A_93 = arith.constant 0 : i32
      %dma_start3A_94 = arith.constant 0 : i32
      %dma_start3A_95 = tpu.memref_slice %arg11[%dma_start3A_93, %dma_start3A_94] : memref<848x16xf32, #tpu.memory_space<vmem>> -> memref<784x16xf32, #tpu.memory_space<vmem>>
      tpu.enqueue_dma source(%dma_start3A_95 : memref<784x16xf32, #tpu.memory_space<vmem>>) target(%dma_start3A_92 : memref<784x16xf32, #tpu.memory_space<vmem_shared>>) target_semaphore(%run_scoped3A : memref<!tpu.dma_semaphore, #tpu.memory_space<semaphore_mem>>)
      %dma_wait3A = arith.constant 0 : i32
      %dma_wait3A_96 = arith.constant 0 : i32
      %dma_wait3A_97 = tpu.memref_slice %arg11[%dma_wait3A, %dma_wait3A_96] : memref<848x16xf32, #tpu.memory_space<vmem>> -> memref<784x16xf32, #tpu.memory_space<vmem>>
      %dma_wait3A_98 = arith.constant 0 : i32
      %dma_wait3A_99 = tpu.memref_slice %arg13[%add3A_14, %dma_wait3A_98] : memref<100352x16xf32, #tpu.memory_space<vmem_shared>> -> memref<784x16xf32, #tpu.memory_space<vmem_shared>>
      %dma_wait3A_100 = arith.constant 0 : i32
      %dma_wait3A_101 = tpu.memref_slice %arg13[%add3A_14, %dma_wait3A_100] : memref<100352x16xf32, #tpu.memory_space<vmem_shared>> -> memref<784x16xf32, #tpu.memory_space<vmem_shared>>
      %dma_wait3A_102 = arith.constant 0 : i32
      %dma_wait3A_103 = arith.constant 0 : i32
      %dma_wait3A_104 = tpu.memref_slice %arg11[%dma_wait3A_102, %dma_wait3A_103] : memref<848x16xf32, #tpu.memory_space<vmem>> -> memref<784x16xf32, #tpu.memory_space<vmem>>
      tpu.wait_dma2 semaphore(%run_scoped3A : memref<!tpu.dma_semaphore, #tpu.memory_space<semaphore_mem>>) src(%dma_wait3A_104 : memref<784x16xf32, #tpu.memory_space<vmem>>) dst(%dma_wait3A_101 : memref<784x16xf32, #tpu.memory_space<vmem_shared>>)
      tpu.yield
    }) : () -> ()
    %add3A_15 = arith.constant 3920 : i32
    %add3A_16 = arith.addi %mul3A_0, %add3A_15 : i32
    "tpu.region"() ({
      %run_scoped3A = tpu.sem_alloc : memref<!tpu.dma_semaphore, #tpu.memory_space<semaphore_mem>>
      %dma_start3A = arith.constant 0 : i32
      %dma_start3A_87 = arith.constant 0 : i32
      %dma_start3A_88 = tpu.memref_slice %arg11[%dma_start3A, %dma_start3A_87] : memref<848x16xf32, #tpu.memory_space<vmem>> -> memref<784x16xf32, #tpu.memory_space<vmem>>
      %dma_start3A_89 = arith.constant 0 : i32
      %dma_start3A_90 = tpu.memref_slice %arg13[%add3A_16, %dma_start3A_89] : memref<100352x16xf32, #tpu.memory_space<vmem_shared>> -> memref<784x16xf32, #tpu.memory_space<vmem_shared>>
      %dma_start3A_91 = arith.constant 0 : i32
      %dma_start3A_92 = tpu.memref_slice %arg13[%add3A_16, %dma_start3A_91] : memref<100352x16xf32, #tpu.memory_space<vmem_shared>> -> memref<784x16xf32, #tpu.memory_space<vmem_shared>>
      %dma_start3A_93 = arith.constant 0 : i32
      %dma_start3A_94 = arith.constant 0 : i32
      %dma_start3A_95 = tpu.memref_slice %arg11[%dma_start3A_93, %dma_start3A_94] : memref<848x16xf32, #tpu.memory_space<vmem>> -> memref<784x16xf32, #tpu.memory_space<vmem>>
      tpu.enqueue_dma source(%dma_start3A_95 : memref<784x16xf32, #tpu.memory_space<vmem>>) target(%dma_start3A_92 : memref<784x16xf32, #tpu.memory_space<vmem_shared>>) target_semaphore(%run_scoped3A : memref<!tpu.dma_semaphore, #tpu.memory_space<semaphore_mem>>)
      %dma_wait3A = arith.constant 0 : i32
      %dma_wait3A_96 = arith.constant 0 : i32
      %dma_wait3A_97 = tpu.memref_slice %arg11[%dma_wait3A, %dma_wait3A_96] : memref<848x16xf32, #tpu.memory_space<vmem>> -> memref<784x16xf32, #tpu.memory_space<vmem>>
      %dma_wait3A_98 = arith.constant 0 : i32
      %dma_wait3A_99 = tpu.memref_slice %arg13[%add3A_16, %dma_wait3A_98] : memref<100352x16xf32, #tpu.memory_space<vmem_shared>> -> memref<784x16xf32, #tpu.memory_space<vmem_shared>>
      %dma_wait3A_100 = arith.constant 0 : i32
      %dma_wait3A_101 = tpu.memref_slice %arg13[%add3A_16, %dma_wait3A_100] : memref<100352x16xf32, #tpu.memory_space<vmem_shared>> -> memref<784x16xf32, #tpu.memory_space<vmem_shared>>
      %dma_wait3A_102 = arith.constant 0 : i32
      %dma_wait3A_103 = arith.constant 0 : i32
      %dma_wait3A_104 = tpu.memref_slice %arg11[%dma_wait3A_102, %dma_wait3A_103] : memref<848x16xf32, #tpu.memory_space<vmem>> -> memref<784x16xf32, #tpu.memory_space<vmem>>
      tpu.wait_dma2 semaphore(%run_scoped3A : memref<!tpu.dma_semaphore, #tpu.memory_space<semaphore_mem>>) src(%dma_wait3A_104 : memref<784x16xf32, #tpu.memory_space<vmem>>) dst(%dma_wait3A_101 : memref<784x16xf32, #tpu.memory_space<vmem_shared>>)
      tpu.yield
    }) : () -> ()
    %add3A_17 = arith.constant 4704 : i32
    %add3A_18 = arith.addi %mul3A_0, %add3A_17 : i32
    "tpu.region"() ({
      %run_scoped3A = tpu.sem_alloc : memref<!tpu.dma_semaphore, #tpu.memory_space<semaphore_mem>>
      %dma_start3A = arith.constant 0 : i32
      %dma_start3A_87 = arith.constant 0 : i32
      %dma_start3A_88 = tpu.memref_slice %arg11[%dma_start3A, %dma_start3A_87] : memref<848x16xf32, #tpu.memory_space<vmem>> -> memref<784x16xf32, #tpu.memory_space<vmem>>
      %dma_start3A_89 = arith.constant 0 : i32
      %dma_start3A_90 = tpu.memref_slice %arg13[%add3A_18, %dma_start3A_89] : memref<100352x16xf32, #tpu.memory_space<vmem_shared>> -> memref<784x16xf32, #tpu.memory_space<vmem_shared>>
      %dma_start3A_91 = arith.constant 0 : i32
      %dma_start3A_92 = tpu.memref_slice %arg13[%add3A_18, %dma_start3A_91] : memref<100352x16xf32, #tpu.memory_space<vmem_shared>> -> memref<784x16xf32, #tpu.memory_space<vmem_shared>>
      %dma_start3A_93 = arith.constant 0 : i32
      %dma_start3A_94 = arith.constant 0 : i32
      %dma_start3A_95 = tpu.memref_slice %arg11[%dma_start3A_93, %dma_start3A_94] : memref<848x16xf32, #tpu.memory_space<vmem>> -> memref<784x16xf32, #tpu.memory_space<vmem>>
      tpu.enqueue_dma source(%dma_start3A_95 : memref<784x16xf32, #tpu.memory_space<vmem>>) target(%dma_start3A_92 : memref<784x16xf32, #tpu.memory_space<vmem_shared>>) target_semaphore(%run_scoped3A : memref<!tpu.dma_semaphore, #tpu.memory_space<semaphore_mem>>)
      %dma_wait3A = arith.constant 0 : i32
      %dma_wait3A_96 = arith.constant 0 : i32
      %dma_wait3A_97 = tpu.memref_slice %arg11[%dma_wait3A, %dma_wait3A_96] : memref<848x16xf32, #tpu.memory_space<vmem>> -> memref<784x16xf32, #tpu.memory_space<vmem>>
      %dma_wait3A_98 = arith.constant 0 : i32
      %dma_wait3A_99 = tpu.memref_slice %arg13[%add3A_18, %dma_wait3A_98] : memref<100352x16xf32, #tpu.memory_space<vmem_shared>> -> memref<784x16xf32, #tpu.memory_space<vmem_shared>>
      %dma_wait3A_100 = arith.constant 0 : i32
      %dma_wait3A_101 = tpu.memref_slice %arg13[%add3A_18, %dma_wait3A_100] : memref<100352x16xf32, #tpu.memory_space<vmem_shared>> -> memref<784x16xf32, #tpu.memory_space<vmem_shared>>
      %dma_wait3A_102 = arith.constant 0 : i32
      %dma_wait3A_103 = arith.constant 0 : i32
      %dma_wait3A_104 = tpu.memref_slice %arg11[%dma_wait3A_102, %dma_wait3A_103] : memref<848x16xf32, #tpu.memory_space<vmem>> -> memref<784x16xf32, #tpu.memory_space<vmem>>
      tpu.wait_dma2 semaphore(%run_scoped3A : memref<!tpu.dma_semaphore, #tpu.memory_space<semaphore_mem>>) src(%dma_wait3A_104 : memref<784x16xf32, #tpu.memory_space<vmem>>) dst(%dma_wait3A_101 : memref<784x16xf32, #tpu.memory_space<vmem_shared>>)
      tpu.yield
    }) : () -> ()
    %add3A_19 = arith.constant 5488 : i32
    %add3A_20 = arith.addi %mul3A_0, %add3A_19 : i32
    "tpu.region"() ({
      %run_scoped3A = tpu.sem_alloc : memref<!tpu.dma_semaphore, #tpu.memory_space<semaphore_mem>>
      %dma_start3A = arith.constant 0 : i32
      %dma_start3A_87 = arith.constant 0 : i32
      %dma_start3A_88 = tpu.memref_slice %arg11[%dma_start3A, %dma_start3A_87] : memref<848x16xf32, #tpu.memory_space<vmem>> -> memref<784x16xf32, #tpu.memory_space<vmem>>
      %dma_start3A_89 = arith.constant 0 : i32
      %dma_start3A_90 = tpu.memref_slice %arg13[%add3A_20, %dma_start3A_89] : memref<100352x16xf32, #tpu.memory_space<vmem_shared>> -> memref<784x16xf32, #tpu.memory_space<vmem_shared>>
      %dma_start3A_91 = arith.constant 0 : i32
      %dma_start3A_92 = tpu.memref_slice %arg13[%add3A_20, %dma_start3A_91] : memref<100352x16xf32, #tpu.memory_space<vmem_shared>> -> memref<784x16xf32, #tpu.memory_space<vmem_shared>>
      %dma_start3A_93 = arith.constant 0 : i32
      %dma_start3A_94 = arith.constant 0 : i32
      %dma_start3A_95 = tpu.memref_slice %arg11[%dma_start3A_93, %dma_start3A_94] : memref<848x16xf32, #tpu.memory_space<vmem>> -> memref<784x16xf32, #tpu.memory_space<vmem>>
      tpu.enqueue_dma source(%dma_start3A_95 : memref<784x16xf32, #tpu.memory_space<vmem>>) target(%dma_start3A_92 : memref<784x16xf32, #tpu.memory_space<vmem_shared>>) target_semaphore(%run_scoped3A : memref<!tpu.dma_semaphore, #tpu.memory_space<semaphore_mem>>)
      %dma_wait3A = arith.constant 0 : i32
      %dma_wait3A_96 = arith.constant 0 : i32
      %dma_wait3A_97 = tpu.memref_slice %arg11[%dma_wait3A, %dma_wait3A_96] : memref<848x16xf32, #tpu.memory_space<vmem>> -> memref<784x16xf32, #tpu.memory_space<vmem>>
      %dma_wait3A_98 = arith.constant 0 : i32
      %dma_wait3A_99 = tpu.memref_slice %arg13[%add3A_20, %dma_wait3A_98] : memref<100352x16xf32, #tpu.memory_space<vmem_shared>> -> memref<784x16xf32, #tpu.memory_space<vmem_shared>>
      %dma_wait3A_100 = arith.constant 0 : i32
      %dma_wait3A_101 = tpu.memref_slice %arg13[%add3A_20, %dma_wait3A_100] : memref<100352x16xf32, #tpu.memory_space<vmem_shared>> -> memref<784x16xf32, #tpu.memory_space<vmem_shared>>
      %dma_wait3A_102 = arith.constant 0 : i32
      %dma_wait3A_103 = arith.constant 0 : i32
      %dma_wait3A_104 = tpu.memref_slice %arg11[%dma_wait3A_102, %dma_wait3A_103] : memref<848x16xf32, #tpu.memory_space<vmem>> -> memref<784x16xf32, #tpu.memory_space<vmem>>
      tpu.wait_dma2 semaphore(%run_scoped3A : memref<!tpu.dma_semaphore, #tpu.memory_space<semaphore_mem>>) src(%dma_wait3A_104 : memref<784x16xf32, #tpu.memory_space<vmem>>) dst(%dma_wait3A_101 : memref<784x16xf32, #tpu.memory_space<vmem_shared>>)
      tpu.yield
    }) : () -> ()
    %barrier3A = arith.constant 0 : index
    tpu.barrier barrier_id(%barrier3A)
    %mul3A_21 = arith.constant 400256 : i32
    %mul3A_22 = arith.muli %arg1, %mul3A_21 : i32
    %eq3A = arith.constant 0 : i32
    %eq3A_23 = arith.cmpi eq, %arg0, %eq3A : i32
    %convert_element_type3A = arith.extui %eq3A_23 : i1 to i32
    %cond3A = arith.constant 0 : i32
    %cond3A_24 = arith.cmpi ne, %convert_element_type3A, %cond3A : i32
    scf.if %cond3A_24 {
      %dma_start3A = tpu.memref_slice %arg4[%mul3A_22] : memref<6404096xi32, #tpu.memory_space<hbm>> -> memref<848xi32, #tpu.memory_space<hbm>>
      %dma_start3A_87 = tpu.memref_slice %arg4[%mul3A_22] : memref<6404096xi32, #tpu.memory_space<hbm>> -> memref<848xi32, #tpu.memory_space<hbm>>
      tpu.enqueue_dma source(%dma_start3A_87 : memref<848xi32, #tpu.memory_space<hbm>>) target(%arg7 : memref<848xi32, #tpu.memory_space<vmem>>) target_semaphore(%arg14 : memref<!tpu.dma_semaphore, #tpu.memory_space<semaphore_mem>>)
      %dma_start3A_88 = tpu.memref_slice %arg5[%mul3A_22] : memref<6404096xi32, #tpu.memory_space<hbm>> -> memref<848xi32, #tpu.memory_space<hbm>>
      %dma_start3A_89 = tpu.memref_slice %arg5[%mul3A_22] : memref<6404096xi32, #tpu.memory_space<hbm>> -> memref<848xi32, #tpu.memory_space<hbm>>
      tpu.enqueue_dma source(%dma_start3A_89 : memref<848xi32, #tpu.memory_space<hbm>>) target(%arg9 : memref<848xi32, #tpu.memory_space<vmem>>) target_semaphore(%arg14 : memref<!tpu.dma_semaphore, #tpu.memory_space<semaphore_mem>>)
      %dma_wait3A = tpu.memref_slice %arg4[%mul3A_22] : memref<6404096xi32, #tpu.memory_space<hbm>> -> memref<848xi32, #tpu.memory_space<hbm>>
      %dma_wait3A_90 = tpu.memref_slice %arg4[%mul3A_22] : memref<6404096xi32, #tpu.memory_space<hbm>> -> memref<848xi32, #tpu.memory_space<hbm>>
      tpu.wait_dma2 semaphore(%arg14 : memref<!tpu.dma_semaphore, #tpu.memory_space<semaphore_mem>>) src(%dma_wait3A_90 : memref<848xi32, #tpu.memory_space<hbm>>) dst(%arg7 : memref<848xi32, #tpu.memory_space<vmem>>)
      %dma_wait3A_91 = tpu.memref_slice %arg5[%mul3A_22] : memref<6404096xi32, #tpu.memory_space<hbm>> -> memref<848xi32, #tpu.memory_space<hbm>>
      %dma_wait3A_92 = tpu.memref_slice %arg5[%mul3A_22] : memref<6404096xi32, #tpu.memory_space<hbm>> -> memref<848xi32, #tpu.memory_space<hbm>>
      tpu.wait_dma2 semaphore(%arg14 : memref<!tpu.dma_semaphore, #tpu.memory_space<semaphore_mem>>) src(%dma_wait3A_92 : memref<848xi32, #tpu.memory_space<hbm>>) dst(%arg9 : memref<848xi32, #tpu.memory_space<vmem>>)
      %dma_start3A_93 = arith.constant 0 : i32
      %dma_start3A_94 = arith.constant 0 : i32
      %dma_start3A_95 = tpu.memref_slice %arg2[%dma_start3A_93, %dma_start3A_94] : memref<100352x16xf32, #tpu.memory_space<hbm>> -> memref<100352x16xf32, #tpu.memory_space<hbm>>
      tpu.enqueue_indirect_dma source(%dma_start3A_95 : memref<100352x16xf32, #tpu.memory_space<hbm>>) target(%arg11 : memref<848x16xf32, #tpu.memory_space<vmem>>) offsets(%arg7 : memref<848xi32, #tpu.memory_space<vmem>>) semaphore(%arg15 : memref<!tpu.dma_semaphore, #tpu.memory_space<semaphore_mem>>)
      %add3A_96 = arith.constant 848 : i32
      %add3A_97 = arith.addi %mul3A_22, %add3A_96 : i32
      %dma_start3A_98 = tpu.memref_slice %arg4[%add3A_97] : memref<6404096xi32, #tpu.memory_space<hbm>> -> memref<848xi32, #tpu.memory_space<hbm>>
      %dma_start3A_99 = tpu.memref_slice %arg4[%add3A_97] : memref<6404096xi32, #tpu.memory_space<hbm>> -> memref<848xi32, #tpu.memory_space<hbm>>
      tpu.enqueue_dma source(%dma_start3A_99 : memref<848xi32, #tpu.memory_space<hbm>>) target(%arg8 : memref<848xi32, #tpu.memory_space<vmem>>) target_semaphore(%arg14 : memref<!tpu.dma_semaphore, #tpu.memory_space<semaphore_mem>>)
      %dma_start3A_100 = tpu.memref_slice %arg5[%add3A_97] : memref<6404096xi32, #tpu.memory_space<hbm>> -> memref<848xi32, #tpu.memory_space<hbm>>
      %dma_start3A_101 = tpu.memref_slice %arg5[%add3A_97] : memref<6404096xi32, #tpu.memory_space<hbm>> -> memref<848xi32, #tpu.memory_space<hbm>>
      tpu.enqueue_dma source(%dma_start3A_101 : memref<848xi32, #tpu.memory_space<hbm>>) target(%arg10 : memref<848xi32, #tpu.memory_space<vmem>>) target_semaphore(%arg14 : memref<!tpu.dma_semaphore, #tpu.memory_space<semaphore_mem>>)
      %dma_wait3A_102 = arith.constant 0 : i32
      %dma_wait3A_103 = arith.constant 0 : i32
      %dma_wait3A_104 = tpu.memref_slice %arg2[%dma_wait3A_102, %dma_wait3A_103] : memref<100352x16xf32, #tpu.memory_space<hbm>> -> memref<100352x16xf32, #tpu.memory_space<hbm>>
      tpu.wait_indirect_dma semaphore(%arg15 : memref<!tpu.dma_semaphore, #tpu.memory_space<semaphore_mem>>) src(%dma_wait3A_104 : memref<100352x16xf32, #tpu.memory_space<hbm>>) dst(%arg11 : memref<848x16xf32, #tpu.memory_space<vmem>>)
      %dma_start3A_105 = arith.constant 0 : i32
      %dma_start3A_106 = arith.constant 0 : i32
      %dma_start3A_107 = tpu.memref_slice %arg13[%dma_start3A_105, %dma_start3A_106] : memref<100352x16xf32, #tpu.memory_space<vmem_shared>> -> memref<100352x16xf32, #tpu.memory_space<vmem_shared>>
      tpu.enqueue_indirect_dma source(%arg11 : memref<848x16xf32, #tpu.memory_space<vmem>>) target(%dma_start3A_107 : memref<100352x16xf32, #tpu.memory_space<vmem_shared>>) offsets(%arg9 : memref<848xi32, #tpu.memory_space<vmem>>) semaphore(%arg16 : memref<!tpu.dma_semaphore, #tpu.memory_space<semaphore_mem>>) {add = true}
      %scan3A_108 = arith.constant 0 : i32
      %scan3A_109 = arith.constant 0 : i32
      %scan3A_110 = arith.constant 235 : i32
      %scan3A_111 = arith.addi %scan3A_109, %scan3A_110 : i32
      %scan3A_112 = arith.constant 1 : i32
      scf.for %scan3A_133 = %scan3A_109 to %scan3A_111 step %scan3A_112  : i32 {
        %mul3A_134 = arith.constant 2 : i32
        %mul3A_135 = arith.muli %mul3A_134, %scan3A_133 : i32
        %add3A_136 = arith.constant 1 : i32
        %add3A_137 = arith.addi %add3A_136, %mul3A_135 : i32
        %dma_wait3A_138 = tpu.memref_slice %arg4[%mul3A_22] : memref<6404096xi32, #tpu.memory_space<hbm>> -> memref<848xi32, #tpu.memory_space<hbm>>
        %dma_wait3A_139 = tpu.memref_slice %arg4[%mul3A_22] : memref<6404096xi32, #tpu.memory_space<hbm>> -> memref<848xi32, #tpu.memory_space<hbm>>
        tpu.wait_dma2 semaphore(%arg14 : memref<!tpu.dma_semaphore, #tpu.memory_space<semaphore_mem>>) src(%dma_wait3A_139 : memref<848xi32, #tpu.memory_space<hbm>>) dst(%arg8 : memref<848xi32, #tpu.memory_space<vmem>>)
        %dma_wait3A_140 = tpu.memref_slice %arg5[%mul3A_22] : memref<6404096xi32, #tpu.memory_space<hbm>> -> memref<848xi32, #tpu.memory_space<hbm>>
        %dma_wait3A_141 = tpu.memref_slice %arg5[%mul3A_22] : memref<6404096xi32, #tpu.memory_space<hbm>> -> memref<848xi32, #tpu.memory_space<hbm>>
        tpu.wait_dma2 semaphore(%arg14 : memref<!tpu.dma_semaphore, #tpu.memory_space<semaphore_mem>>) src(%dma_wait3A_141 : memref<848xi32, #tpu.memory_space<hbm>>) dst(%arg10 : memref<848xi32, #tpu.memory_space<vmem>>)
        %dma_start3A_142 = arith.constant 0 : i32
        %dma_start3A_143 = arith.constant 0 : i32
        %dma_start3A_144 = tpu.memref_slice %arg2[%dma_start3A_142, %dma_start3A_143] : memref<100352x16xf32, #tpu.memory_space<hbm>> -> memref<100352x16xf32, #tpu.memory_space<hbm>>
        tpu.enqueue_indirect_dma source(%dma_start3A_144 : memref<100352x16xf32, #tpu.memory_space<hbm>>) target(%arg12 : memref<848x16xf32, #tpu.memory_space<vmem>>) offsets(%arg8 : memref<848xi32, #tpu.memory_space<vmem>>) semaphore(%arg15 : memref<!tpu.dma_semaphore, #tpu.memory_space<semaphore_mem>>)
        %dma_wait3A_145 = arith.constant 0 : i32
        %dma_wait3A_146 = arith.constant 0 : i32
        %dma_wait3A_147 = tpu.memref_slice %arg13[%dma_wait3A_145, %dma_wait3A_146] : memref<100352x16xf32, #tpu.memory_space<vmem_shared>> -> memref<100352x16xf32, #tpu.memory_space<vmem_shared>>
        tpu.wait_indirect_dma semaphore(%arg16 : memref<!tpu.dma_semaphore, #tpu.memory_space<semaphore_mem>>) src(%arg11 : memref<848x16xf32, #tpu.memory_space<vmem>>) dst(%dma_wait3A_147 : memref<100352x16xf32, #tpu.memory_space<vmem_shared>>)
        %add3A_148 = arith.constant 1 : i32
        %add3A_149 = arith.addi %add3A_137, %add3A_148 : i32
        %mul3A_150 = arith.constant 848 : i32
        %mul3A_151 = arith.muli %add3A_149, %mul3A_150 : i32
        %add3A_152 = arith.addi %mul3A_22, %mul3A_151 : i32
        %dma_start3A_153 = tpu.memref_slice %arg4[%add3A_152] : memref<6404096xi32, #tpu.memory_space<hbm>> -> memref<848xi32, #tpu.memory_space<hbm>>
        %dma_start3A_154 = tpu.memref_slice %arg4[%add3A_152] : memref<6404096xi32, #tpu.memory_space<hbm>> -> memref<848xi32, #tpu.memory_space<hbm>>
        tpu.enqueue_dma source(%dma_start3A_154 : memref<848xi32, #tpu.memory_space<hbm>>) target(%arg7 : memref<848xi32, #tpu.memory_space<vmem>>) target_semaphore(%arg14 : memref<!tpu.dma_semaphore, #tpu.memory_space<semaphore_mem>>)
        %dma_start3A_155 = tpu.memref_slice %arg5[%add3A_152] : memref<6404096xi32, #tpu.memory_space<hbm>> -> memref<848xi32, #tpu.memory_space<hbm>>
        %dma_start3A_156 = tpu.memref_slice %arg5[%add3A_152] : memref<6404096xi32, #tpu.memory_space<hbm>> -> memref<848xi32, #tpu.memory_space<hbm>>
        tpu.enqueue_dma source(%dma_start3A_156 : memref<848xi32, #tpu.memory_space<hbm>>) target(%arg9 : memref<848xi32, #tpu.memory_space<vmem>>) target_semaphore(%arg14 : memref<!tpu.dma_semaphore, #tpu.memory_space<semaphore_mem>>)
        %dma_wait3A_157 = arith.constant 0 : i32
        %dma_wait3A_158 = arith.constant 0 : i32
        %dma_wait3A_159 = tpu.memref_slice %arg2[%dma_wait3A_157, %dma_wait3A_158] : memref<100352x16xf32, #tpu.memory_space<hbm>> -> memref<100352x16xf32, #tpu.memory_space<hbm>>
        tpu.wait_indirect_dma semaphore(%arg15 : memref<!tpu.dma_semaphore, #tpu.memory_space<semaphore_mem>>) src(%dma_wait3A_159 : memref<100352x16xf32, #tpu.memory_space<hbm>>) dst(%arg12 : memref<848x16xf32, #tpu.memory_space<vmem>>)
        %dma_start3A_160 = arith.constant 0 : i32
        %dma_start3A_161 = arith.constant 0 : i32
        %dma_start3A_162 = tpu.memref_slice %arg13[%dma_start3A_160, %dma_start3A_161] : memref<100352x16xf32, #tpu.memory_space<vmem_shared>> -> memref<100352x16xf32, #tpu.memory_space<vmem_shared>>
        tpu.enqueue_indirect_dma source(%arg12 : memref<848x16xf32, #tpu.memory_space<vmem>>) target(%dma_start3A_162 : memref<100352x16xf32, #tpu.memory_space<vmem_shared>>) offsets(%arg10 : memref<848xi32, #tpu.memory_space<vmem>>) semaphore(%arg16 : memref<!tpu.dma_semaphore, #tpu.memory_space<semaphore_mem>>) {add = true}
        %mul3A_163 = arith.constant 2 : i32
        %mul3A_164 = arith.muli %mul3A_163, %scan3A_133 : i32
        %add3A_165 = arith.constant 2 : i32
        %add3A_166 = arith.addi %add3A_165, %mul3A_164 : i32
        %dma_wait3A_167 = tpu.memref_slice %arg4[%mul3A_22] : memref<6404096xi32, #tpu.memory_space<hbm>> -> memref<848xi32, #tpu.memory_space<hbm>>
        %dma_wait3A_168 = tpu.memref_slice %arg4[%mul3A_22] : memref<6404096xi32, #tpu.memory_space<hbm>> -> memref<848xi32, #tpu.memory_space<hbm>>
        tpu.wait_dma2 semaphore(%arg14 : memref<!tpu.dma_semaphore, #tpu.memory_space<semaphore_mem>>) src(%dma_wait3A_168 : memref<848xi32, #tpu.memory_space<hbm>>) dst(%arg7 : memref<848xi32, #tpu.memory_space<vmem>>)
        %dma_wait3A_169 = tpu.memref_slice %arg5[%mul3A_22] : memref<6404096xi32, #tpu.memory_space<hbm>> -> memref<848xi32, #tpu.memory_space<hbm>>
        %dma_wait3A_170 = tpu.memref_slice %arg5[%mul3A_22] : memref<6404096xi32, #tpu.memory_space<hbm>> -> memref<848xi32, #tpu.memory_space<hbm>>
        tpu.wait_dma2 semaphore(%arg14 : memref<!tpu.dma_semaphore, #tpu.memory_space<semaphore_mem>>) src(%dma_wait3A_170 : memref<848xi32, #tpu.memory_space<hbm>>) dst(%arg9 : memref<848xi32, #tpu.memory_space<vmem>>)
        %dma_start3A_171 = arith.constant 0 : i32
        %dma_start3A_172 = arith.constant 0 : i32
        %dma_start3A_173 = tpu.memref_slice %arg2[%dma_start3A_171, %dma_start3A_172] : memref<100352x16xf32, #tpu.memory_space<hbm>> -> memref<100352x16xf32, #tpu.memory_space<hbm>>
        tpu.enqueue_indirect_dma source(%dma_start3A_173 : memref<100352x16xf32, #tpu.memory_space<hbm>>) target(%arg11 : memref<848x16xf32, #tpu.memory_space<vmem>>) offsets(%arg7 : memref<848xi32, #tpu.memory_space<vmem>>) semaphore(%arg15 : memref<!tpu.dma_semaphore, #tpu.memory_space<semaphore_mem>>)
        %dma_wait3A_174 = arith.constant 0 : i32
        %dma_wait3A_175 = arith.constant 0 : i32
        %dma_wait3A_176 = tpu.memref_slice %arg13[%dma_wait3A_174, %dma_wait3A_175] : memref<100352x16xf32, #tpu.memory_space<vmem_shared>> -> memref<100352x16xf32, #tpu.memory_space<vmem_shared>>
        tpu.wait_indirect_dma semaphore(%arg16 : memref<!tpu.dma_semaphore, #tpu.memory_space<semaphore_mem>>) src(%arg11 : memref<848x16xf32, #tpu.memory_space<vmem>>) dst(%dma_wait3A_176 : memref<100352x16xf32, #tpu.memory_space<vmem_shared>>)
        %add3A_177 = arith.constant 1 : i32
        %add3A_178 = arith.addi %add3A_166, %add3A_177 : i32
        %mul3A_179 = arith.constant 848 : i32
        %mul3A_180 = arith.muli %add3A_178, %mul3A_179 : i32
        %add3A_181 = arith.addi %mul3A_22, %mul3A_180 : i32
        %dma_start3A_182 = tpu.memref_slice %arg4[%add3A_181] : memref<6404096xi32, #tpu.memory_space<hbm>> -> memref<848xi32, #tpu.memory_space<hbm>>
        %dma_start3A_183 = tpu.memref_slice %arg4[%add3A_181] : memref<6404096xi32, #tpu.memory_space<hbm>> -> memref<848xi32, #tpu.memory_space<hbm>>
        tpu.enqueue_dma source(%dma_start3A_183 : memref<848xi32, #tpu.memory_space<hbm>>) target(%arg8 : memref<848xi32, #tpu.memory_space<vmem>>) target_semaphore(%arg14 : memref<!tpu.dma_semaphore, #tpu.memory_space<semaphore_mem>>)
        %dma_start3A_184 = tpu.memref_slice %arg5[%add3A_181] : memref<6404096xi32, #tpu.memory_space<hbm>> -> memref<848xi32, #tpu.memory_space<hbm>>
        %dma_start3A_185 = tpu.memref_slice %arg5[%add3A_181] : memref<6404096xi32, #tpu.memory_space<hbm>> -> memref<848xi32, #tpu.memory_space<hbm>>
        tpu.enqueue_dma source(%dma_start3A_185 : memref<848xi32, #tpu.memory_space<hbm>>) target(%arg10 : memref<848xi32, #tpu.memory_space<vmem>>) target_semaphore(%arg14 : memref<!tpu.dma_semaphore, #tpu.memory_space<semaphore_mem>>)
        %dma_wait3A_186 = arith.constant 0 : i32
        %dma_wait3A_187 = arith.constant 0 : i32
        %dma_wait3A_188 = tpu.memref_slice %arg2[%dma_wait3A_186, %dma_wait3A_187] : memref<100352x16xf32, #tpu.memory_space<hbm>> -> memref<100352x16xf32, #tpu.memory_space<hbm>>
        tpu.wait_indirect_dma semaphore(%arg15 : memref<!tpu.dma_semaphore, #tpu.memory_space<semaphore_mem>>) src(%dma_wait3A_188 : memref<100352x16xf32, #tpu.memory_space<hbm>>) dst(%arg11 : memref<848x16xf32, #tpu.memory_space<vmem>>)
        %dma_start3A_189 = arith.constant 0 : i32
        %dma_start3A_190 = arith.constant 0 : i32
        %dma_start3A_191 = tpu.memref_slice %arg13[%dma_start3A_189, %dma_start3A_190] : memref<100352x16xf32, #tpu.memory_space<vmem_shared>> -> memref<100352x16xf32, #tpu.memory_space<vmem_shared>>
        tpu.enqueue_indirect_dma source(%arg11 : memref<848x16xf32, #tpu.memory_space<vmem>>) target(%dma_start3A_191 : memref<100352x16xf32, #tpu.memory_space<vmem_shared>>) offsets(%arg9 : memref<848xi32, #tpu.memory_space<vmem>>) semaphore(%arg16 : memref<!tpu.dma_semaphore, #tpu.memory_space<semaphore_mem>>) {add = true}
      }
      %scan3A_113 = arith.constant 235 : i32
      %dma_wait3A_114 = tpu.memref_slice %arg4[%mul3A_22] : memref<6404096xi32, #tpu.memory_space<hbm>> -> memref<848xi32, #tpu.memory_space<hbm>>
      %dma_wait3A_115 = tpu.memref_slice %arg4[%mul3A_22] : memref<6404096xi32, #tpu.memory_space<hbm>> -> memref<848xi32, #tpu.memory_space<hbm>>
      tpu.wait_dma2 semaphore(%arg14 : memref<!tpu.dma_semaphore, #tpu.memory_space<semaphore_mem>>) src(%dma_wait3A_115 : memref<848xi32, #tpu.memory_space<hbm>>) dst(%arg8 : memref<848xi32, #tpu.memory_space<vmem>>)
      %dma_wait3A_116 = tpu.memref_slice %arg5[%mul3A_22] : memref<6404096xi32, #tpu.memory_space<hbm>> -> memref<848xi32, #tpu.memory_space<hbm>>
      %dma_wait3A_117 = tpu.memref_slice %arg5[%mul3A_22] : memref<6404096xi32, #tpu.memory_space<hbm>> -> memref<848xi32, #tpu.memory_space<hbm>>
      tpu.wait_dma2 semaphore(%arg14 : memref<!tpu.dma_semaphore, #tpu.memory_space<semaphore_mem>>) src(%dma_wait3A_117 : memref<848xi32, #tpu.memory_space<hbm>>) dst(%arg10 : memref<848xi32, #tpu.memory_space<vmem>>)
      %dma_start3A_118 = arith.constant 0 : i32
      %dma_start3A_119 = arith.constant 0 : i32
      %dma_start3A_120 = tpu.memref_slice %arg2[%dma_start3A_118, %dma_start3A_119] : memref<100352x16xf32, #tpu.memory_space<hbm>> -> memref<100352x16xf32, #tpu.memory_space<hbm>>
      tpu.enqueue_indirect_dma source(%dma_start3A_120 : memref<100352x16xf32, #tpu.memory_space<hbm>>) target(%arg12 : memref<848x16xf32, #tpu.memory_space<vmem>>) offsets(%arg8 : memref<848xi32, #tpu.memory_space<vmem>>) semaphore(%arg15 : memref<!tpu.dma_semaphore, #tpu.memory_space<semaphore_mem>>)
      %dma_wait3A_121 = arith.constant 0 : i32
      %dma_wait3A_122 = arith.constant 0 : i32
      %dma_wait3A_123 = tpu.memref_slice %arg13[%dma_wait3A_121, %dma_wait3A_122] : memref<100352x16xf32, #tpu.memory_space<vmem_shared>> -> memref<100352x16xf32, #tpu.memory_space<vmem_shared>>
      tpu.wait_indirect_dma semaphore(%arg16 : memref<!tpu.dma_semaphore, #tpu.memory_space<semaphore_mem>>) src(%arg11 : memref<848x16xf32, #tpu.memory_space<vmem>>) dst(%dma_wait3A_123 : memref<100352x16xf32, #tpu.memory_space<vmem_shared>>)
      %dma_wait3A_124 = arith.constant 0 : i32
      %dma_wait3A_125 = arith.constant 0 : i32
      %dma_wait3A_126 = tpu.memref_slice %arg2[%dma_wait3A_124, %dma_wait3A_125] : memref<100352x16xf32, #tpu.memory_space<hbm>> -> memref<100352x16xf32, #tpu.memory_space<hbm>>
      tpu.wait_indirect_dma semaphore(%arg15 : memref<!tpu.dma_semaphore, #tpu.memory_space<semaphore_mem>>) src(%dma_wait3A_126 : memref<100352x16xf32, #tpu.memory_space<hbm>>) dst(%arg12 : memref<848x16xf32, #tpu.memory_space<vmem>>)
      %dma_start3A_127 = arith.constant 0 : i32
      %dma_start3A_128 = arith.constant 0 : i32
      %dma_start3A_129 = tpu.memref_slice %arg13[%dma_start3A_127, %dma_start3A_128] : memref<100352x16xf32, #tpu.memory_space<vmem_shared>> -> memref<100352x16xf32, #tpu.memory_space<vmem_shared>>
      tpu.enqueue_indirect_dma source(%arg12 : memref<848x16xf32, #tpu.memory_space<vmem>>) target(%dma_start3A_129 : memref<100352x16xf32, #tpu.memory_space<vmem_shared>>) offsets(%arg10 : memref<848xi32, #tpu.memory_space<vmem>>) semaphore(%arg16 : memref<!tpu.dma_semaphore, #tpu.memory_space<semaphore_mem>>) {add = true}
      %dma_wait3A_130 = arith.constant 0 : i32
      %dma_wait3A_131 = arith.constant 0 : i32
      %dma_wait3A_132 = tpu.memref_slice %arg13[%dma_wait3A_130, %dma_wait3A_131] : memref<100352x16xf32, #tpu.memory_space<vmem_shared>> -> memref<100352x16xf32, #tpu.memory_space<vmem_shared>>
      tpu.wait_indirect_dma semaphore(%arg16 : memref<!tpu.dma_semaphore, #tpu.memory_space<semaphore_mem>>) src(%arg11 : memref<848x16xf32, #tpu.memory_space<vmem>>) dst(%dma_wait3A_132 : memref<100352x16xf32, #tpu.memory_space<vmem_shared>>)
    } else {
    }
    %eq3A_25 = arith.constant 1 : i32
    %eq3A_26 = arith.cmpi eq, %arg0, %eq3A_25 : i32
    %convert_element_type3A_27 = arith.extui %eq3A_26 : i1 to i32
    %cond3A_28 = arith.constant 0 : i32
    %cond3A_29 = arith.cmpi ne, %convert_element_type3A_27, %cond3A_28 : i32
    scf.if %cond3A_29 {
      %dma_start3A = tpu.memref_slice %arg4[%mul3A_22] : memref<6404096xi32, #tpu.memory_space<hbm>> -> memref<848xi32, #tpu.memory_space<hbm>>
      %dma_start3A_87 = tpu.memref_slice %arg4[%mul3A_22] : memref<6404096xi32, #tpu.memory_space<hbm>> -> memref<848xi32, #tpu.memory_space<hbm>>
      tpu.enqueue_dma source(%dma_start3A_87 : memref<848xi32, #tpu.memory_space<hbm>>) target(%arg7 : memref<848xi32, #tpu.memory_space<vmem>>) target_semaphore(%arg14 : memref<!tpu.dma_semaphore, #tpu.memory_space<semaphore_mem>>)
      %dma_start3A_88 = tpu.memref_slice %arg5[%mul3A_22] : memref<6404096xi32, #tpu.memory_space<hbm>> -> memref<848xi32, #tpu.memory_space<hbm>>
      %dma_start3A_89 = tpu.memref_slice %arg5[%mul3A_22] : memref<6404096xi32, #tpu.memory_space<hbm>> -> memref<848xi32, #tpu.memory_space<hbm>>
      tpu.enqueue_dma source(%dma_start3A_89 : memref<848xi32, #tpu.memory_space<hbm>>) target(%arg9 : memref<848xi32, #tpu.memory_space<vmem>>) target_semaphore(%arg14 : memref<!tpu.dma_semaphore, #tpu.memory_space<semaphore_mem>>)
      %dma_wait3A = tpu.memref_slice %arg4[%mul3A_22] : memref<6404096xi32, #tpu.memory_space<hbm>> -> memref<848xi32, #tpu.memory_space<hbm>>
      %dma_wait3A_90 = tpu.memref_slice %arg4[%mul3A_22] : memref<6404096xi32, #tpu.memory_space<hbm>> -> memref<848xi32, #tpu.memory_space<hbm>>
      tpu.wait_dma2 semaphore(%arg14 : memref<!tpu.dma_semaphore, #tpu.memory_space<semaphore_mem>>) src(%dma_wait3A_90 : memref<848xi32, #tpu.memory_space<hbm>>) dst(%arg7 : memref<848xi32, #tpu.memory_space<vmem>>)
      %dma_wait3A_91 = tpu.memref_slice %arg5[%mul3A_22] : memref<6404096xi32, #tpu.memory_space<hbm>> -> memref<848xi32, #tpu.memory_space<hbm>>
      %dma_wait3A_92 = tpu.memref_slice %arg5[%mul3A_22] : memref<6404096xi32, #tpu.memory_space<hbm>> -> memref<848xi32, #tpu.memory_space<hbm>>
      tpu.wait_dma2 semaphore(%arg14 : memref<!tpu.dma_semaphore, #tpu.memory_space<semaphore_mem>>) src(%dma_wait3A_92 : memref<848xi32, #tpu.memory_space<hbm>>) dst(%arg9 : memref<848xi32, #tpu.memory_space<vmem>>)
      %dma_start3A_93 = arith.constant 0 : i32
      %dma_start3A_94 = arith.constant 0 : i32
      %dma_start3A_95 = tpu.memref_slice %arg3[%dma_start3A_93, %dma_start3A_94] : memref<100352x16xf32, #tpu.memory_space<hbm>> -> memref<100352x16xf32, #tpu.memory_space<hbm>>
      tpu.enqueue_indirect_dma source(%dma_start3A_95 : memref<100352x16xf32, #tpu.memory_space<hbm>>) target(%arg11 : memref<848x16xf32, #tpu.memory_space<vmem>>) offsets(%arg7 : memref<848xi32, #tpu.memory_space<vmem>>) semaphore(%arg15 : memref<!tpu.dma_semaphore, #tpu.memory_space<semaphore_mem>>)
      %add3A_96 = arith.constant 848 : i32
      %add3A_97 = arith.addi %mul3A_22, %add3A_96 : i32
      %dma_start3A_98 = tpu.memref_slice %arg4[%add3A_97] : memref<6404096xi32, #tpu.memory_space<hbm>> -> memref<848xi32, #tpu.memory_space<hbm>>
      %dma_start3A_99 = tpu.memref_slice %arg4[%add3A_97] : memref<6404096xi32, #tpu.memory_space<hbm>> -> memref<848xi32, #tpu.memory_space<hbm>>
      tpu.enqueue_dma source(%dma_start3A_99 : memref<848xi32, #tpu.memory_space<hbm>>) target(%arg8 : memref<848xi32, #tpu.memory_space<vmem>>) target_semaphore(%arg14 : memref<!tpu.dma_semaphore, #tpu.memory_space<semaphore_mem>>)
      %dma_start3A_100 = tpu.memref_slice %arg5[%add3A_97] : memref<6404096xi32, #tpu.memory_space<hbm>> -> memref<848xi32, #tpu.memory_space<hbm>>
      %dma_start3A_101 = tpu.memref_slice %arg5[%add3A_97] : memref<6404096xi32, #tpu.memory_space<hbm>> -> memref<848xi32, #tpu.memory_space<hbm>>
      tpu.enqueue_dma source(%dma_start3A_101 : memref<848xi32, #tpu.memory_space<hbm>>) target(%arg10 : memref<848xi32, #tpu.memory_space<vmem>>) target_semaphore(%arg14 : memref<!tpu.dma_semaphore, #tpu.memory_space<semaphore_mem>>)
      %dma_wait3A_102 = arith.constant 0 : i32
      %dma_wait3A_103 = arith.constant 0 : i32
      %dma_wait3A_104 = tpu.memref_slice %arg3[%dma_wait3A_102, %dma_wait3A_103] : memref<100352x16xf32, #tpu.memory_space<hbm>> -> memref<100352x16xf32, #tpu.memory_space<hbm>>
      tpu.wait_indirect_dma semaphore(%arg15 : memref<!tpu.dma_semaphore, #tpu.memory_space<semaphore_mem>>) src(%dma_wait3A_104 : memref<100352x16xf32, #tpu.memory_space<hbm>>) dst(%arg11 : memref<848x16xf32, #tpu.memory_space<vmem>>)
      %dma_start3A_105 = arith.constant 0 : i32
      %dma_start3A_106 = arith.constant 0 : i32
      %dma_start3A_107 = tpu.memref_slice %arg13[%dma_start3A_105, %dma_start3A_106] : memref<100352x16xf32, #tpu.memory_space<vmem_shared>> -> memref<100352x16xf32, #tpu.memory_space<vmem_shared>>
      tpu.enqueue_indirect_dma source(%arg11 : memref<848x16xf32, #tpu.memory_space<vmem>>) target(%dma_start3A_107 : memref<100352x16xf32, #tpu.memory_space<vmem_shared>>) offsets(%arg9 : memref<848xi32, #tpu.memory_space<vmem>>) semaphore(%arg16 : memref<!tpu.dma_semaphore, #tpu.memory_space<semaphore_mem>>) {add = true}
      %scan3A_108 = arith.constant 0 : i32
      %scan3A_109 = arith.constant 0 : i32
      %scan3A_110 = arith.constant 235 : i32
      %scan3A_111 = arith.addi %scan3A_109, %scan3A_110 : i32
      %scan3A_112 = arith.constant 1 : i32
      scf.for %scan3A_133 = %scan3A_109 to %scan3A_111 step %scan3A_112  : i32 {
        %mul3A_134 = arith.constant 2 : i32
        %mul3A_135 = arith.muli %mul3A_134, %scan3A_133 : i32
        %add3A_136 = arith.constant 1 : i32
        %add3A_137 = arith.addi %add3A_136, %mul3A_135 : i32
        %dma_wait3A_138 = tpu.memref_slice %arg4[%mul3A_22] : memref<6404096xi32, #tpu.memory_space<hbm>> -> memref<848xi32, #tpu.memory_space<hbm>>
        %dma_wait3A_139 = tpu.memref_slice %arg4[%mul3A_22] : memref<6404096xi32, #tpu.memory_space<hbm>> -> memref<848xi32, #tpu.memory_space<hbm>>
        tpu.wait_dma2 semaphore(%arg14 : memref<!tpu.dma_semaphore, #tpu.memory_space<semaphore_mem>>) src(%dma_wait3A_139 : memref<848xi32, #tpu.memory_space<hbm>>) dst(%arg8 : memref<848xi32, #tpu.memory_space<vmem>>)
        %dma_wait3A_140 = tpu.memref_slice %arg5[%mul3A_22] : memref<6404096xi32, #tpu.memory_space<hbm>> -> memref<848xi32, #tpu.memory_space<hbm>>
        %dma_wait3A_141 = tpu.memref_slice %arg5[%mul3A_22] : memref<6404096xi32, #tpu.memory_space<hbm>> -> memref<848xi32, #tpu.memory_space<hbm>>
        tpu.wait_dma2 semaphore(%arg14 : memref<!tpu.dma_semaphore, #tpu.memory_space<semaphore_mem>>) src(%dma_wait3A_141 : memref<848xi32, #tpu.memory_space<hbm>>) dst(%arg10 : memref<848xi32, #tpu.memory_space<vmem>>)
        %dma_start3A_142 = arith.constant 0 : i32
        %dma_start3A_143 = arith.constant 0 : i32
        %dma_start3A_144 = tpu.memref_slice %arg3[%dma_start3A_142, %dma_start3A_143] : memref<100352x16xf32, #tpu.memory_space<hbm>> -> memref<100352x16xf32, #tpu.memory_space<hbm>>
        tpu.enqueue_indirect_dma source(%dma_start3A_144 : memref<100352x16xf32, #tpu.memory_space<hbm>>) target(%arg12 : memref<848x16xf32, #tpu.memory_space<vmem>>) offsets(%arg8 : memref<848xi32, #tpu.memory_space<vmem>>) semaphore(%arg15 : memref<!tpu.dma_semaphore, #tpu.memory_space<semaphore_mem>>)
        %dma_wait3A_145 = arith.constant 0 : i32
        %dma_wait3A_146 = arith.constant 0 : i32
        %dma_wait3A_147 = tpu.memref_slice %arg13[%dma_wait3A_145, %dma_wait3A_146] : memref<100352x16xf32, #tpu.memory_space<vmem_shared>> -> memref<100352x16xf32, #tpu.memory_space<vmem_shared>>
        tpu.wait_indirect_dma semaphore(%arg16 : memref<!tpu.dma_semaphore, #tpu.memory_space<semaphore_mem>>) src(%arg11 : memref<848x16xf32, #tpu.memory_space<vmem>>) dst(%dma_wait3A_147 : memref<100352x16xf32, #tpu.memory_space<vmem_shared>>)
        %add3A_148 = arith.constant 1 : i32
        %add3A_149 = arith.addi %add3A_137, %add3A_148 : i32
        %mul3A_150 = arith.constant 848 : i32
        %mul3A_151 = arith.muli %add3A_149, %mul3A_150 : i32
        %add3A_152 = arith.addi %mul3A_22, %mul3A_151 : i32
        %dma_start3A_153 = tpu.memref_slice %arg4[%add3A_152] : memref<6404096xi32, #tpu.memory_space<hbm>> -> memref<848xi32, #tpu.memory_space<hbm>>
        %dma_start3A_154 = tpu.memref_slice %arg4[%add3A_152] : memref<6404096xi32, #tpu.memory_space<hbm>> -> memref<848xi32, #tpu.memory_space<hbm>>
        tpu.enqueue_dma source(%dma_start3A_154 : memref<848xi32, #tpu.memory_space<hbm>>) target(%arg7 : memref<848xi32, #tpu.memory_space<vmem>>) target_semaphore(%arg14 : memref<!tpu.dma_semaphore, #tpu.memory_space<semaphore_mem>>)
        %dma_start3A_155 = tpu.memref_slice %arg5[%add3A_152] : memref<6404096xi32, #tpu.memory_space<hbm>> -> memref<848xi32, #tpu.memory_space<hbm>>
        %dma_start3A_156 = tpu.memref_slice %arg5[%add3A_152] : memref<6404096xi32, #tpu.memory_space<hbm>> -> memref<848xi32, #tpu.memory_space<hbm>>
        tpu.enqueue_dma source(%dma_start3A_156 : memref<848xi32, #tpu.memory_space<hbm>>) target(%arg9 : memref<848xi32, #tpu.memory_space<vmem>>) target_semaphore(%arg14 : memref<!tpu.dma_semaphore, #tpu.memory_space<semaphore_mem>>)
        %dma_wait3A_157 = arith.constant 0 : i32
        %dma_wait3A_158 = arith.constant 0 : i32
        %dma_wait3A_159 = tpu.memref_slice %arg3[%dma_wait3A_157, %dma_wait3A_158] : memref<100352x16xf32, #tpu.memory_space<hbm>> -> memref<100352x16xf32, #tpu.memory_space<hbm>>
        tpu.wait_indirect_dma semaphore(%arg15 : memref<!tpu.dma_semaphore, #tpu.memory_space<semaphore_mem>>) src(%dma_wait3A_159 : memref<100352x16xf32, #tpu.memory_space<hbm>>) dst(%arg12 : memref<848x16xf32, #tpu.memory_space<vmem>>)
        %dma_start3A_160 = arith.constant 0 : i32
        %dma_start3A_161 = arith.constant 0 : i32
        %dma_start3A_162 = tpu.memref_slice %arg13[%dma_start3A_160, %dma_start3A_161] : memref<100352x16xf32, #tpu.memory_space<vmem_shared>> -> memref<100352x16xf32, #tpu.memory_space<vmem_shared>>
        tpu.enqueue_indirect_dma source(%arg12 : memref<848x16xf32, #tpu.memory_space<vmem>>) target(%dma_start3A_162 : memref<100352x16xf32, #tpu.memory_space<vmem_shared>>) offsets(%arg10 : memref<848xi32, #tpu.memory_space<vmem>>) semaphore(%arg16 : memref<!tpu.dma_semaphore, #tpu.memory_space<semaphore_mem>>) {add = true}
        %mul3A_163 = arith.constant 2 : i32
        %mul3A_164 = arith.muli %mul3A_163, %scan3A_133 : i32
        %add3A_165 = arith.constant 2 : i32
        %add3A_166 = arith.addi %add3A_165, %mul3A_164 : i32
        %dma_wait3A_167 = tpu.memref_slice %arg4[%mul3A_22] : memref<6404096xi32, #tpu.memory_space<hbm>> -> memref<848xi32, #tpu.memory_space<hbm>>
        %dma_wait3A_168 = tpu.memref_slice %arg4[%mul3A_22] : memref<6404096xi32, #tpu.memory_space<hbm>> -> memref<848xi32, #tpu.memory_space<hbm>>
        tpu.wait_dma2 semaphore(%arg14 : memref<!tpu.dma_semaphore, #tpu.memory_space<semaphore_mem>>) src(%dma_wait3A_168 : memref<848xi32, #tpu.memory_space<hbm>>) dst(%arg7 : memref<848xi32, #tpu.memory_space<vmem>>)
        %dma_wait3A_169 = tpu.memref_slice %arg5[%mul3A_22] : memref<6404096xi32, #tpu.memory_space<hbm>> -> memref<848xi32, #tpu.memory_space<hbm>>
        %dma_wait3A_170 = tpu.memref_slice %arg5[%mul3A_22] : memref<6404096xi32, #tpu.memory_space<hbm>> -> memref<848xi32, #tpu.memory_space<hbm>>
        tpu.wait_dma2 semaphore(%arg14 : memref<!tpu.dma_semaphore, #tpu.memory_space<semaphore_mem>>) src(%dma_wait3A_170 : memref<848xi32, #tpu.memory_space<hbm>>) dst(%arg9 : memref<848xi32, #tpu.memory_space<vmem>>)
        %dma_start3A_171 = arith.constant 0 : i32
        %dma_start3A_172 = arith.constant 0 : i32
        %dma_start3A_173 = tpu.memref_slice %arg3[%dma_start3A_171, %dma_start3A_172] : memref<100352x16xf32, #tpu.memory_space<hbm>> -> memref<100352x16xf32, #tpu.memory_space<hbm>>
        tpu.enqueue_indirect_dma source(%dma_start3A_173 : memref<100352x16xf32, #tpu.memory_space<hbm>>) target(%arg11 : memref<848x16xf32, #tpu.memory_space<vmem>>) offsets(%arg7 : memref<848xi32, #tpu.memory_space<vmem>>) semaphore(%arg15 : memref<!tpu.dma_semaphore, #tpu.memory_space<semaphore_mem>>)
        %dma_wait3A_174 = arith.constant 0 : i32
        %dma_wait3A_175 = arith.constant 0 : i32
        %dma_wait3A_176 = tpu.memref_slice %arg13[%dma_wait3A_174, %dma_wait3A_175] : memref<100352x16xf32, #tpu.memory_space<vmem_shared>> -> memref<100352x16xf32, #tpu.memory_space<vmem_shared>>
        tpu.wait_indirect_dma semaphore(%arg16 : memref<!tpu.dma_semaphore, #tpu.memory_space<semaphore_mem>>) src(%arg11 : memref<848x16xf32, #tpu.memory_space<vmem>>) dst(%dma_wait3A_176 : memref<100352x16xf32, #tpu.memory_space<vmem_shared>>)
        %add3A_177 = arith.constant 1 : i32
        %add3A_178 = arith.addi %add3A_166, %add3A_177 : i32
        %mul3A_179 = arith.constant 848 : i32
        %mul3A_180 = arith.muli %add3A_178, %mul3A_179 : i32
        %add3A_181 = arith.addi %mul3A_22, %mul3A_180 : i32
        %dma_start3A_182 = tpu.memref_slice %arg4[%add3A_181] : memref<6404096xi32, #tpu.memory_space<hbm>> -> memref<848xi32, #tpu.memory_space<hbm>>
        %dma_start3A_183 = tpu.memref_slice %arg4[%add3A_181] : memref<6404096xi32, #tpu.memory_space<hbm>> -> memref<848xi32, #tpu.memory_space<hbm>>
        tpu.enqueue_dma source(%dma_start3A_183 : memref<848xi32, #tpu.memory_space<hbm>>) target(%arg8 : memref<848xi32, #tpu.memory_space<vmem>>) target_semaphore(%arg14 : memref<!tpu.dma_semaphore, #tpu.memory_space<semaphore_mem>>)
        %dma_start3A_184 = tpu.memref_slice %arg5[%add3A_181] : memref<6404096xi32, #tpu.memory_space<hbm>> -> memref<848xi32, #tpu.memory_space<hbm>>
        %dma_start3A_185 = tpu.memref_slice %arg5[%add3A_181] : memref<6404096xi32, #tpu.memory_space<hbm>> -> memref<848xi32, #tpu.memory_space<hbm>>
        tpu.enqueue_dma source(%dma_start3A_185 : memref<848xi32, #tpu.memory_space<hbm>>) target(%arg10 : memref<848xi32, #tpu.memory_space<vmem>>) target_semaphore(%arg14 : memref<!tpu.dma_semaphore, #tpu.memory_space<semaphore_mem>>)
        %dma_wait3A_186 = arith.constant 0 : i32
        %dma_wait3A_187 = arith.constant 0 : i32
        %dma_wait3A_188 = tpu.memref_slice %arg3[%dma_wait3A_186, %dma_wait3A_187] : memref<100352x16xf32, #tpu.memory_space<hbm>> -> memref<100352x16xf32, #tpu.memory_space<hbm>>
        tpu.wait_indirect_dma semaphore(%arg15 : memref<!tpu.dma_semaphore, #tpu.memory_space<semaphore_mem>>) src(%dma_wait3A_188 : memref<100352x16xf32, #tpu.memory_space<hbm>>) dst(%arg11 : memref<848x16xf32, #tpu.memory_space<vmem>>)
        %dma_start3A_189 = arith.constant 0 : i32
        %dma_start3A_190 = arith.constant 0 : i32
        %dma_start3A_191 = tpu.memref_slice %arg13[%dma_start3A_189, %dma_start3A_190] : memref<100352x16xf32, #tpu.memory_space<vmem_shared>> -> memref<100352x16xf32, #tpu.memory_space<vmem_shared>>
        tpu.enqueue_indirect_dma source(%arg11 : memref<848x16xf32, #tpu.memory_space<vmem>>) target(%dma_start3A_191 : memref<100352x16xf32, #tpu.memory_space<vmem_shared>>) offsets(%arg9 : memref<848xi32, #tpu.memory_space<vmem>>) semaphore(%arg16 : memref<!tpu.dma_semaphore, #tpu.memory_space<semaphore_mem>>) {add = true}
      }
      %scan3A_113 = arith.constant 235 : i32
      %dma_wait3A_114 = tpu.memref_slice %arg4[%mul3A_22] : memref<6404096xi32, #tpu.memory_space<hbm>> -> memref<848xi32, #tpu.memory_space<hbm>>
      %dma_wait3A_115 = tpu.memref_slice %arg4[%mul3A_22] : memref<6404096xi32, #tpu.memory_space<hbm>> -> memref<848xi32, #tpu.memory_space<hbm>>
      tpu.wait_dma2 semaphore(%arg14 : memref<!tpu.dma_semaphore, #tpu.memory_space<semaphore_mem>>) src(%dma_wait3A_115 : memref<848xi32, #tpu.memory_space<hbm>>) dst(%arg8 : memref<848xi32, #tpu.memory_space<vmem>>)
      %dma_wait3A_116 = tpu.memref_slice %arg5[%mul3A_22] : memref<6404096xi32, #tpu.memory_space<hbm>> -> memref<848xi32, #tpu.memory_space<hbm>>
      %dma_wait3A_117 = tpu.memref_slice %arg5[%mul3A_22] : memref<6404096xi32, #tpu.memory_space<hbm>> -> memref<848xi32, #tpu.memory_space<hbm>>
      tpu.wait_dma2 semaphore(%arg14 : memref<!tpu.dma_semaphore, #tpu.memory_space<semaphore_mem>>) src(%dma_wait3A_117 : memref<848xi32, #tpu.memory_space<hbm>>) dst(%arg10 : memref<848xi32, #tpu.memory_space<vmem>>)
      %dma_start3A_118 = arith.constant 0 : i32
      %dma_start3A_119 = arith.constant 0 : i32
      %dma_start3A_120 = tpu.memref_slice %arg3[%dma_start3A_118, %dma_start3A_119] : memref<100352x16xf32, #tpu.memory_space<hbm>> -> memref<100352x16xf32, #tpu.memory_space<hbm>>
      tpu.enqueue_indirect_dma source(%dma_start3A_120 : memref<100352x16xf32, #tpu.memory_space<hbm>>) target(%arg12 : memref<848x16xf32, #tpu.memory_space<vmem>>) offsets(%arg8 : memref<848xi32, #tpu.memory_space<vmem>>) semaphore(%arg15 : memref<!tpu.dma_semaphore, #tpu.memory_space<semaphore_mem>>)
      %dma_wait3A_121 = arith.constant 0 : i32
      %dma_wait3A_122 = arith.constant 0 : i32
      %dma_wait3A_123 = tpu.memref_slice %arg13[%dma_wait3A_121, %dma_wait3A_122] : memref<100352x16xf32, #tpu.memory_space<vmem_shared>> -> memref<100352x16xf32, #tpu.memory_space<vmem_shared>>
      tpu.wait_indirect_dma semaphore(%arg16 : memref<!tpu.dma_semaphore, #tpu.memory_space<semaphore_mem>>) src(%arg11 : memref<848x16xf32, #tpu.memory_space<vmem>>) dst(%dma_wait3A_123 : memref<100352x16xf32, #tpu.memory_space<vmem_shared>>)
      %dma_wait3A_124 = arith.constant 0 : i32
      %dma_wait3A_125 = arith.constant 0 : i32
      %dma_wait3A_126 = tpu.memref_slice %arg3[%dma_wait3A_124, %dma_wait3A_125] : memref<100352x16xf32, #tpu.memory_space<hbm>> -> memref<100352x16xf32, #tpu.memory_space<hbm>>
      tpu.wait_indirect_dma semaphore(%arg15 : memref<!tpu.dma_semaphore, #tpu.memory_space<semaphore_mem>>) src(%dma_wait3A_126 : memref<100352x16xf32, #tpu.memory_space<hbm>>) dst(%arg12 : memref<848x16xf32, #tpu.memory_space<vmem>>)
      %dma_start3A_127 = arith.constant 0 : i32
      %dma_start3A_128 = arith.constant 0 : i32
      %dma_start3A_129 = tpu.memref_slice %arg13[%dma_start3A_127, %dma_start3A_128] : memref<100352x16xf32, #tpu.memory_space<vmem_shared>> -> memref<100352x16xf32, #tpu.memory_space<vmem_shared>>
      tpu.enqueue_indirect_dma source(%arg12 : memref<848x16xf32, #tpu.memory_space<vmem>>) target(%dma_start3A_129 : memref<100352x16xf32, #tpu.memory_space<vmem_shared>>) offsets(%arg10 : memref<848xi32, #tpu.memory_space<vmem>>) semaphore(%arg16 : memref<!tpu.dma_semaphore, #tpu.memory_space<semaphore_mem>>) {add = true}
      %dma_wait3A_130 = arith.constant 0 : i32
      %dma_wait3A_131 = arith.constant 0 : i32
      %dma_wait3A_132 = tpu.memref_slice %arg13[%dma_wait3A_130, %dma_wait3A_131] : memref<100352x16xf32, #tpu.memory_space<vmem_shared>> -> memref<100352x16xf32, #tpu.memory_space<vmem_shared>>
      tpu.wait_indirect_dma semaphore(%arg16 : memref<!tpu.dma_semaphore, #tpu.memory_space<semaphore_mem>>) src(%arg11 : memref<848x16xf32, #tpu.memory_space<vmem>>) dst(%dma_wait3A_132 : memref<100352x16xf32, #tpu.memory_space<vmem_shared>>)
    } else {
    }
    %barrier3A_30 = arith.constant 0 : index
    tpu.barrier barrier_id(%barrier3A_30)
    %add3A_31 = arith.constant 0 : i32
    %add3A_32 = arith.addi %mul3A_0, %add3A_31 : i32
    "tpu.region"() ({
      %run_scoped3A = tpu.sem_alloc : memref<!tpu.dma_semaphore, #tpu.memory_space<semaphore_mem>>
      %dma_start3A = arith.constant 0 : i32
      %dma_start3A_87 = arith.constant 0 : i32
      %dma_start3A_88 = tpu.memref_slice %arg11[%dma_start3A, %dma_start3A_87] : memref<848x16xf32, #tpu.memory_space<vmem>> -> memref<784x16xf32, #tpu.memory_space<vmem>>
      %dma_start3A_89 = arith.constant 0 : i32
      %dma_start3A_90 = tpu.memref_slice %arg13[%add3A_32, %dma_start3A_89] : memref<100352x16xf32, #tpu.memory_space<vmem_shared>> -> memref<784x16xf32, #tpu.memory_space<vmem_shared>>
      %dma_start3A_91 = arith.constant 0 : i32
      %dma_start3A_92 = arith.constant 0 : i32
      %dma_start3A_93 = tpu.memref_slice %arg11[%dma_start3A_91, %dma_start3A_92] : memref<848x16xf32, #tpu.memory_space<vmem>> -> memref<784x16xf32, #tpu.memory_space<vmem>>
      %dma_start3A_94 = arith.constant 0 : i32
      %dma_start3A_95 = tpu.memref_slice %arg13[%add3A_32, %dma_start3A_94] : memref<100352x16xf32, #tpu.memory_space<vmem_shared>> -> memref<784x16xf32, #tpu.memory_space<vmem_shared>>
      tpu.enqueue_dma source(%dma_start3A_95 : memref<784x16xf32, #tpu.memory_space<vmem_shared>>) target(%dma_start3A_93 : memref<784x16xf32, #tpu.memory_space<vmem>>) target_semaphore(%run_scoped3A : memref<!tpu.dma_semaphore, #tpu.memory_space<semaphore_mem>>)
      %dma_wait3A = arith.constant 0 : i32
      %dma_wait3A_96 = arith.constant 0 : i32
      %dma_wait3A_97 = tpu.memref_slice %arg11[%dma_wait3A, %dma_wait3A_96] : memref<848x16xf32, #tpu.memory_space<vmem>> -> memref<784x16xf32, #tpu.memory_space<vmem>>
      %dma_wait3A_98 = arith.constant 0 : i32
      %dma_wait3A_99 = tpu.memref_slice %arg13[%add3A_32, %dma_wait3A_98] : memref<100352x16xf32, #tpu.memory_space<vmem_shared>> -> memref<784x16xf32, #tpu.memory_space<vmem_shared>>
      %dma_wait3A_100 = arith.constant 0 : i32
      %dma_wait3A_101 = arith.constant 0 : i32
      %dma_wait3A_102 = tpu.memref_slice %arg11[%dma_wait3A_100, %dma_wait3A_101] : memref<848x16xf32, #tpu.memory_space<vmem>> -> memref<784x16xf32, #tpu.memory_space<vmem>>
      %dma_wait3A_103 = arith.constant 0 : i32
      %dma_wait3A_104 = tpu.memref_slice %arg13[%add3A_32, %dma_wait3A_103] : memref<100352x16xf32, #tpu.memory_space<vmem_shared>> -> memref<784x16xf32, #tpu.memory_space<vmem_shared>>
      tpu.wait_dma2 semaphore(%run_scoped3A : memref<!tpu.dma_semaphore, #tpu.memory_space<semaphore_mem>>) src(%dma_wait3A_104 : memref<784x16xf32, #tpu.memory_space<vmem_shared>>) dst(%dma_wait3A_102 : memref<784x16xf32, #tpu.memory_space<vmem>>)
      tpu.yield
    }) : () -> ()
    %mul3A_33 = arith.constant 100352 : i32
    %mul3A_34 = arith.muli %arg0, %mul3A_33 : i32
    %add3A_35 = arith.addi %mul3A_34, %mul3A_0 : i32
    %add3A_36 = arith.constant 0 : i32
    %add3A_37 = arith.addi %add3A_35, %add3A_36 : i32
    "tpu.region"() ({
      %run_scoped3A = tpu.sem_alloc : memref<!tpu.dma_semaphore, #tpu.memory_space<semaphore_mem>>
      %dma_start3A = arith.constant 0 : i32
      %dma_start3A_87 = arith.constant 0 : i32
      %dma_start3A_88 = tpu.memref_slice %arg11[%dma_start3A, %dma_start3A_87] : memref<848x16xf32, #tpu.memory_space<vmem>> -> memref<784x16xf32, #tpu.memory_space<vmem>>
      %dma_start3A_89 = arith.constant 0 : i32
      %dma_start3A_90 = tpu.memref_slice %arg6[%add3A_37, %dma_start3A_89] : memref<200704x16xf32, #tpu.memory_space<hbm>> -> memref<784x16xf32, #tpu.memory_space<hbm>>
      %dma_start3A_91 = arith.constant 0 : i32
      %dma_start3A_92 = tpu.memref_slice %arg6[%add3A_37, %dma_start3A_91] : memref<200704x16xf32, #tpu.memory_space<hbm>> -> memref<784x16xf32, #tpu.memory_space<hbm>>
      %dma_start3A_93 = arith.constant 0 : i32
      %dma_start3A_94 = arith.constant 0 : i32
      %dma_start3A_95 = tpu.memref_slice %arg11[%dma_start3A_93, %dma_start3A_94] : memref<848x16xf32, #tpu.memory_space<vmem>> -> memref<784x16xf32, #tpu.memory_space<vmem>>
      tpu.enqueue_dma source(%dma_start3A_95 : memref<784x16xf32, #tpu.memory_space<vmem>>) target(%dma_start3A_92 : memref<784x16xf32, #tpu.memory_space<hbm>>) target_semaphore(%run_scoped3A : memref<!tpu.dma_semaphore, #tpu.memory_space<semaphore_mem>>)
      %dma_wait3A = arith.constant 0 : i32
      %dma_wait3A_96 = arith.constant 0 : i32
      %dma_wait3A_97 = tpu.memref_slice %arg11[%dma_wait3A, %dma_wait3A_96] : memref<848x16xf32, #tpu.memory_space<vmem>> -> memref<784x16xf32, #tpu.memory_space<vmem>>
      %dma_wait3A_98 = arith.constant 0 : i32
      %dma_wait3A_99 = tpu.memref_slice %arg6[%add3A_37, %dma_wait3A_98] : memref<200704x16xf32, #tpu.memory_space<hbm>> -> memref<784x16xf32, #tpu.memory_space<hbm>>
      %dma_wait3A_100 = arith.constant 0 : i32
      %dma_wait3A_101 = tpu.memref_slice %arg6[%add3A_37, %dma_wait3A_100] : memref<200704x16xf32, #tpu.memory_space<hbm>> -> memref<784x16xf32, #tpu.memory_space<hbm>>
      %dma_wait3A_102 = arith.constant 0 : i32
      %dma_wait3A_103 = arith.constant 0 : i32
      %dma_wait3A_104 = tpu.memref_slice %arg11[%dma_wait3A_102, %dma_wait3A_103] : memref<848x16xf32, #tpu.memory_space<vmem>> -> memref<784x16xf32, #tpu.memory_space<vmem>>
      tpu.wait_dma2 semaphore(%run_scoped3A : memref<!tpu.dma_semaphore, #tpu.memory_space<semaphore_mem>>) src(%dma_wait3A_104 : memref<784x16xf32, #tpu.memory_space<vmem>>) dst(%dma_wait3A_101 : memref<784x16xf32, #tpu.memory_space<hbm>>)
      tpu.yield
    }) : () -> ()
    %add3A_38 = arith.constant 784 : i32
    %add3A_39 = arith.addi %mul3A_0, %add3A_38 : i32
    "tpu.region"() ({
      %run_scoped3A = tpu.sem_alloc : memref<!tpu.dma_semaphore, #tpu.memory_space<semaphore_mem>>
      %dma_start3A = arith.constant 0 : i32
      %dma_start3A_87 = arith.constant 0 : i32
      %dma_start3A_88 = tpu.memref_slice %arg11[%dma_start3A, %dma_start3A_87] : memref<848x16xf32, #tpu.memory_space<vmem>> -> memref<784x16xf32, #tpu.memory_space<vmem>>
      %dma_start3A_89 = arith.constant 0 : i32
      %dma_start3A_90 = tpu.memref_slice %arg13[%add3A_39, %dma_start3A_89] : memref<100352x16xf32, #tpu.memory_space<vmem_shared>> -> memref<784x16xf32, #tpu.memory_space<vmem_shared>>
      %dma_start3A_91 = arith.constant 0 : i32
      %dma_start3A_92 = arith.constant 0 : i32
      %dma_start3A_93 = tpu.memref_slice %arg11[%dma_start3A_91, %dma_start3A_92] : memref<848x16xf32, #tpu.memory_space<vmem>> -> memref<784x16xf32, #tpu.memory_space<vmem>>
      %dma_start3A_94 = arith.constant 0 : i32
      %dma_start3A_95 = tpu.memref_slice %arg13[%add3A_39, %dma_start3A_94] : memref<100352x16xf32, #tpu.memory_space<vmem_shared>> -> memref<784x16xf32, #tpu.memory_space<vmem_shared>>
      tpu.enqueue_dma source(%dma_start3A_95 : memref<784x16xf32, #tpu.memory_space<vmem_shared>>) target(%dma_start3A_93 : memref<784x16xf32, #tpu.memory_space<vmem>>) target_semaphore(%run_scoped3A : memref<!tpu.dma_semaphore, #tpu.memory_space<semaphore_mem>>)
      %dma_wait3A = arith.constant 0 : i32
      %dma_wait3A_96 = arith.constant 0 : i32
      %dma_wait3A_97 = tpu.memref_slice %arg11[%dma_wait3A, %dma_wait3A_96] : memref<848x16xf32, #tpu.memory_space<vmem>> -> memref<784x16xf32, #tpu.memory_space<vmem>>
      %dma_wait3A_98 = arith.constant 0 : i32
      %dma_wait3A_99 = tpu.memref_slice %arg13[%add3A_39, %dma_wait3A_98] : memref<100352x16xf32, #tpu.memory_space<vmem_shared>> -> memref<784x16xf32, #tpu.memory_space<vmem_shared>>
      %dma_wait3A_100 = arith.constant 0 : i32
      %dma_wait3A_101 = arith.constant 0 : i32
      %dma_wait3A_102 = tpu.memref_slice %arg11[%dma_wait3A_100, %dma_wait3A_101] : memref<848x16xf32, #tpu.memory_space<vmem>> -> memref<784x16xf32, #tpu.memory_space<vmem>>
      %dma_wait3A_103 = arith.constant 0 : i32
      %dma_wait3A_104 = tpu.memref_slice %arg13[%add3A_39, %dma_wait3A_103] : memref<100352x16xf32, #tpu.memory_space<vmem_shared>> -> memref<784x16xf32, #tpu.memory_space<vmem_shared>>
      tpu.wait_dma2 semaphore(%run_scoped3A : memref<!tpu.dma_semaphore, #tpu.memory_space<semaphore_mem>>) src(%dma_wait3A_104 : memref<784x16xf32, #tpu.memory_space<vmem_shared>>) dst(%dma_wait3A_102 : memref<784x16xf32, #tpu.memory_space<vmem>>)
      tpu.yield
    }) : () -> ()
    %mul3A_40 = arith.constant 100352 : i32
    %mul3A_41 = arith.muli %arg0, %mul3A_40 : i32
    %add3A_42 = arith.addi %mul3A_41, %mul3A_0 : i32
    %add3A_43 = arith.constant 784 : i32
    %add3A_44 = arith.addi %add3A_42, %add3A_43 : i32
    "tpu.region"() ({
      %run_scoped3A = tpu.sem_alloc : memref<!tpu.dma_semaphore, #tpu.memory_space<semaphore_mem>>
      %dma_start3A = arith.constant 0 : i32
      %dma_start3A_87 = arith.constant 0 : i32
      %dma_start3A_88 = tpu.memref_slice %arg11[%dma_start3A, %dma_start3A_87] : memref<848x16xf32, #tpu.memory_space<vmem>> -> memref<784x16xf32, #tpu.memory_space<vmem>>
      %dma_start3A_89 = arith.constant 0 : i32
      %dma_start3A_90 = tpu.memref_slice %arg6[%add3A_44, %dma_start3A_89] : memref<200704x16xf32, #tpu.memory_space<hbm>> -> memref<784x16xf32, #tpu.memory_space<hbm>>
      %dma_start3A_91 = arith.constant 0 : i32
      %dma_start3A_92 = tpu.memref_slice %arg6[%add3A_44, %dma_start3A_91] : memref<200704x16xf32, #tpu.memory_space<hbm>> -> memref<784x16xf32, #tpu.memory_space<hbm>>
      %dma_start3A_93 = arith.constant 0 : i32
      %dma_start3A_94 = arith.constant 0 : i32
      %dma_start3A_95 = tpu.memref_slice %arg11[%dma_start3A_93, %dma_start3A_94] : memref<848x16xf32, #tpu.memory_space<vmem>> -> memref<784x16xf32, #tpu.memory_space<vmem>>
      tpu.enqueue_dma source(%dma_start3A_95 : memref<784x16xf32, #tpu.memory_space<vmem>>) target(%dma_start3A_92 : memref<784x16xf32, #tpu.memory_space<hbm>>) target_semaphore(%run_scoped3A : memref<!tpu.dma_semaphore, #tpu.memory_space<semaphore_mem>>)
      %dma_wait3A = arith.constant 0 : i32
      %dma_wait3A_96 = arith.constant 0 : i32
      %dma_wait3A_97 = tpu.memref_slice %arg11[%dma_wait3A, %dma_wait3A_96] : memref<848x16xf32, #tpu.memory_space<vmem>> -> memref<784x16xf32, #tpu.memory_space<vmem>>
      %dma_wait3A_98 = arith.constant 0 : i32
      %dma_wait3A_99 = tpu.memref_slice %arg6[%add3A_44, %dma_wait3A_98] : memref<200704x16xf32, #tpu.memory_space<hbm>> -> memref<784x16xf32, #tpu.memory_space<hbm>>
      %dma_wait3A_100 = arith.constant 0 : i32
      %dma_wait3A_101 = tpu.memref_slice %arg6[%add3A_44, %dma_wait3A_100] : memref<200704x16xf32, #tpu.memory_space<hbm>> -> memref<784x16xf32, #tpu.memory_space<hbm>>
      %dma_wait3A_102 = arith.constant 0 : i32
      %dma_wait3A_103 = arith.constant 0 : i32
      %dma_wait3A_104 = tpu.memref_slice %arg11[%dma_wait3A_102, %dma_wait3A_103] : memref<848x16xf32, #tpu.memory_space<vmem>> -> memref<784x16xf32, #tpu.memory_space<vmem>>
      tpu.wait_dma2 semaphore(%run_scoped3A : memref<!tpu.dma_semaphore, #tpu.memory_space<semaphore_mem>>) src(%dma_wait3A_104 : memref<784x16xf32, #tpu.memory_space<vmem>>) dst(%dma_wait3A_101 : memref<784x16xf32, #tpu.memory_space<hbm>>)
      tpu.yield
    }) : () -> ()
    %add3A_45 = arith.constant 1568 : i32
    %add3A_46 = arith.addi %mul3A_0, %add3A_45 : i32
    "tpu.region"() ({
      %run_scoped3A = tpu.sem_alloc : memref<!tpu.dma_semaphore, #tpu.memory_space<semaphore_mem>>
      %dma_start3A = arith.constant 0 : i32
      %dma_start3A_87 = arith.constant 0 : i32
      %dma_start3A_88 = tpu.memref_slice %arg11[%dma_start3A, %dma_start3A_87] : memref<848x16xf32, #tpu.memory_space<vmem>> -> memref<784x16xf32, #tpu.memory_space<vmem>>
      %dma_start3A_89 = arith.constant 0 : i32
      %dma_start3A_90 = tpu.memref_slice %arg13[%add3A_46, %dma_start3A_89] : memref<100352x16xf32, #tpu.memory_space<vmem_shared>> -> memref<784x16xf32, #tpu.memory_space<vmem_shared>>
      %dma_start3A_91 = arith.constant 0 : i32
      %dma_start3A_92 = arith.constant 0 : i32
      %dma_start3A_93 = tpu.memref_slice %arg11[%dma_start3A_91, %dma_start3A_92] : memref<848x16xf32, #tpu.memory_space<vmem>> -> memref<784x16xf32, #tpu.memory_space<vmem>>
      %dma_start3A_94 = arith.constant 0 : i32
      %dma_start3A_95 = tpu.memref_slice %arg13[%add3A_46, %dma_start3A_94] : memref<100352x16xf32, #tpu.memory_space<vmem_shared>> -> memref<784x16xf32, #tpu.memory_space<vmem_shared>>
      tpu.enqueue_dma source(%dma_start3A_95 : memref<784x16xf32, #tpu.memory_space<vmem_shared>>) target(%dma_start3A_93 : memref<784x16xf32, #tpu.memory_space<vmem>>) target_semaphore(%run_scoped3A : memref<!tpu.dma_semaphore, #tpu.memory_space<semaphore_mem>>)
      %dma_wait3A = arith.constant 0 : i32
      %dma_wait3A_96 = arith.constant 0 : i32
      %dma_wait3A_97 = tpu.memref_slice %arg11[%dma_wait3A, %dma_wait3A_96] : memref<848x16xf32, #tpu.memory_space<vmem>> -> memref<784x16xf32, #tpu.memory_space<vmem>>
      %dma_wait3A_98 = arith.constant 0 : i32
      %dma_wait3A_99 = tpu.memref_slice %arg13[%add3A_46, %dma_wait3A_98] : memref<100352x16xf32, #tpu.memory_space<vmem_shared>> -> memref<784x16xf32, #tpu.memory_space<vmem_shared>>
      %dma_wait3A_100 = arith.constant 0 : i32
      %dma_wait3A_101 = arith.constant 0 : i32
      %dma_wait3A_102 = tpu.memref_slice %arg11[%dma_wait3A_100, %dma_wait3A_101] : memref<848x16xf32, #tpu.memory_space<vmem>> -> memref<784x16xf32, #tpu.memory_space<vmem>>
      %dma_wait3A_103 = arith.constant 0 : i32
      %dma_wait3A_104 = tpu.memref_slice %arg13[%add3A_46, %dma_wait3A_103] : memref<100352x16xf32, #tpu.memory_space<vmem_shared>> -> memref<784x16xf32, #tpu.memory_space<vmem_shared>>
      tpu.wait_dma2 semaphore(%run_scoped3A : memref<!tpu.dma_semaphore, #tpu.memory_space<semaphore_mem>>) src(%dma_wait3A_104 : memref<784x16xf32, #tpu.memory_space<vmem_shared>>) dst(%dma_wait3A_102 : memref<784x16xf32, #tpu.memory_space<vmem>>)
      tpu.yield
    }) : () -> ()
    %mul3A_47 = arith.constant 100352 : i32
    %mul3A_48 = arith.muli %arg0, %mul3A_47 : i32
    %add3A_49 = arith.addi %mul3A_48, %mul3A_0 : i32
    %add3A_50 = arith.constant 1568 : i32
    %add3A_51 = arith.addi %add3A_49, %add3A_50 : i32
    "tpu.region"() ({
      %run_scoped3A = tpu.sem_alloc : memref<!tpu.dma_semaphore, #tpu.memory_space<semaphore_mem>>
      %dma_start3A = arith.constant 0 : i32
      %dma_start3A_87 = arith.constant 0 : i32
      %dma_start3A_88 = tpu.memref_slice %arg11[%dma_start3A, %dma_start3A_87] : memref<848x16xf32, #tpu.memory_space<vmem>> -> memref<784x16xf32, #tpu.memory_space<vmem>>
      %dma_start3A_89 = arith.constant 0 : i32
      %dma_start3A_90 = tpu.memref_slice %arg6[%add3A_51, %dma_start3A_89] : memref<200704x16xf32, #tpu.memory_space<hbm>> -> memref<784x16xf32, #tpu.memory_space<hbm>>
      %dma_start3A_91 = arith.constant 0 : i32
      %dma_start3A_92 = tpu.memref_slice %arg6[%add3A_51, %dma_start3A_91] : memref<200704x16xf32, #tpu.memory_space<hbm>> -> memref<784x16xf32, #tpu.memory_space<hbm>>
      %dma_start3A_93 = arith.constant 0 : i32
      %dma_start3A_94 = arith.constant 0 : i32
      %dma_start3A_95 = tpu.memref_slice %arg11[%dma_start3A_93, %dma_start3A_94] : memref<848x16xf32, #tpu.memory_space<vmem>> -> memref<784x16xf32, #tpu.memory_space<vmem>>
      tpu.enqueue_dma source(%dma_start3A_95 : memref<784x16xf32, #tpu.memory_space<vmem>>) target(%dma_start3A_92 : memref<784x16xf32, #tpu.memory_space<hbm>>) target_semaphore(%run_scoped3A : memref<!tpu.dma_semaphore, #tpu.memory_space<semaphore_mem>>)
      %dma_wait3A = arith.constant 0 : i32
      %dma_wait3A_96 = arith.constant 0 : i32
      %dma_wait3A_97 = tpu.memref_slice %arg11[%dma_wait3A, %dma_wait3A_96] : memref<848x16xf32, #tpu.memory_space<vmem>> -> memref<784x16xf32, #tpu.memory_space<vmem>>
      %dma_wait3A_98 = arith.constant 0 : i32
      %dma_wait3A_99 = tpu.memref_slice %arg6[%add3A_51, %dma_wait3A_98] : memref<200704x16xf32, #tpu.memory_space<hbm>> -> memref<784x16xf32, #tpu.memory_space<hbm>>
      %dma_wait3A_100 = arith.constant 0 : i32
      %dma_wait3A_101 = tpu.memref_slice %arg6[%add3A_51, %dma_wait3A_100] : memref<200704x16xf32, #tpu.memory_space<hbm>> -> memref<784x16xf32, #tpu.memory_space<hbm>>
      %dma_wait3A_102 = arith.constant 0 : i32
      %dma_wait3A_103 = arith.constant 0 : i32
      %dma_wait3A_104 = tpu.memref_slice %arg11[%dma_wait3A_102, %dma_wait3A_103] : memref<848x16xf32, #tpu.memory_space<vmem>> -> memref<784x16xf32, #tpu.memory_space<vmem>>
      tpu.wait_dma2 semaphore(%run_scoped3A : memref<!tpu.dma_semaphore, #tpu.memory_space<semaphore_mem>>) src(%dma_wait3A_104 : memref<784x16xf32, #tpu.memory_space<vmem>>) dst(%dma_wait3A_101 : memref<784x16xf32, #tpu.memory_space<hbm>>)
      tpu.yield
    }) : () -> ()
    %add3A_52 = arith.constant 2352 : i32
    %add3A_53 = arith.addi %mul3A_0, %add3A_52 : i32
    "tpu.region"() ({
      %run_scoped3A = tpu.sem_alloc : memref<!tpu.dma_semaphore, #tpu.memory_space<semaphore_mem>>
      %dma_start3A = arith.constant 0 : i32
      %dma_start3A_87 = arith.constant 0 : i32
      %dma_start3A_88 = tpu.memref_slice %arg11[%dma_start3A, %dma_start3A_87] : memref<848x16xf32, #tpu.memory_space<vmem>> -> memref<784x16xf32, #tpu.memory_space<vmem>>
      %dma_start3A_89 = arith.constant 0 : i32
      %dma_start3A_90 = tpu.memref_slice %arg13[%add3A_53, %dma_start3A_89] : memref<100352x16xf32, #tpu.memory_space<vmem_shared>> -> memref<784x16xf32, #tpu.memory_space<vmem_shared>>
      %dma_start3A_91 = arith.constant 0 : i32
      %dma_start3A_92 = arith.constant 0 : i32
      %dma_start3A_93 = tpu.memref_slice %arg11[%dma_start3A_91, %dma_start3A_92] : memref<848x16xf32, #tpu.memory_space<vmem>> -> memref<784x16xf32, #tpu.memory_space<vmem>>
      %dma_start3A_94 = arith.constant 0 : i32
      %dma_start3A_95 = tpu.memref_slice %arg13[%add3A_53, %dma_start3A_94] : memref<100352x16xf32, #tpu.memory_space<vmem_shared>> -> memref<784x16xf32, #tpu.memory_space<vmem_shared>>
      tpu.enqueue_dma source(%dma_start3A_95 : memref<784x16xf32, #tpu.memory_space<vmem_shared>>) target(%dma_start3A_93 : memref<784x16xf32, #tpu.memory_space<vmem>>) target_semaphore(%run_scoped3A : memref<!tpu.dma_semaphore, #tpu.memory_space<semaphore_mem>>)
      %dma_wait3A = arith.constant 0 : i32
      %dma_wait3A_96 = arith.constant 0 : i32
      %dma_wait3A_97 = tpu.memref_slice %arg11[%dma_wait3A, %dma_wait3A_96] : memref<848x16xf32, #tpu.memory_space<vmem>> -> memref<784x16xf32, #tpu.memory_space<vmem>>
      %dma_wait3A_98 = arith.constant 0 : i32
      %dma_wait3A_99 = tpu.memref_slice %arg13[%add3A_53, %dma_wait3A_98] : memref<100352x16xf32, #tpu.memory_space<vmem_shared>> -> memref<784x16xf32, #tpu.memory_space<vmem_shared>>
      %dma_wait3A_100 = arith.constant 0 : i32
      %dma_wait3A_101 = arith.constant 0 : i32
      %dma_wait3A_102 = tpu.memref_slice %arg11[%dma_wait3A_100, %dma_wait3A_101] : memref<848x16xf32, #tpu.memory_space<vmem>> -> memref<784x16xf32, #tpu.memory_space<vmem>>
      %dma_wait3A_103 = arith.constant 0 : i32
      %dma_wait3A_104 = tpu.memref_slice %arg13[%add3A_53, %dma_wait3A_103] : memref<100352x16xf32, #tpu.memory_space<vmem_shared>> -> memref<784x16xf32, #tpu.memory_space<vmem_shared>>
      tpu.wait_dma2 semaphore(%run_scoped3A : memref<!tpu.dma_semaphore, #tpu.memory_space<semaphore_mem>>) src(%dma_wait3A_104 : memref<784x16xf32, #tpu.memory_space<vmem_shared>>) dst(%dma_wait3A_102 : memref<784x16xf32, #tpu.memory_space<vmem>>)
      tpu.yield
    }) : () -> ()
    %mul3A_54 = arith.constant 100352 : i32
    %mul3A_55 = arith.muli %arg0, %mul3A_54 : i32
    %add3A_56 = arith.addi %mul3A_55, %mul3A_0 : i32
    %add3A_57 = arith.constant 2352 : i32
    %add3A_58 = arith.addi %add3A_56, %add3A_57 : i32
    "tpu.region"() ({
      %run_scoped3A = tpu.sem_alloc : memref<!tpu.dma_semaphore, #tpu.memory_space<semaphore_mem>>
      %dma_start3A = arith.constant 0 : i32
      %dma_start3A_87 = arith.constant 0 : i32
      %dma_start3A_88 = tpu.memref_slice %arg11[%dma_start3A, %dma_start3A_87] : memref<848x16xf32, #tpu.memory_space<vmem>> -> memref<784x16xf32, #tpu.memory_space<vmem>>
      %dma_start3A_89 = arith.constant 0 : i32
      %dma_start3A_90 = tpu.memref_slice %arg6[%add3A_58, %dma_start3A_89] : memref<200704x16xf32, #tpu.memory_space<hbm>> -> memref<784x16xf32, #tpu.memory_space<hbm>>
      %dma_start3A_91 = arith.constant 0 : i32
      %dma_start3A_92 = tpu.memref_slice %arg6[%add3A_58, %dma_start3A_91] : memref<200704x16xf32, #tpu.memory_space<hbm>> -> memref<784x16xf32, #tpu.memory_space<hbm>>
      %dma_start3A_93 = arith.constant 0 : i32
      %dma_start3A_94 = arith.constant 0 : i32
      %dma_start3A_95 = tpu.memref_slice %arg11[%dma_start3A_93, %dma_start3A_94] : memref<848x16xf32, #tpu.memory_space<vmem>> -> memref<784x16xf32, #tpu.memory_space<vmem>>
      tpu.enqueue_dma source(%dma_start3A_95 : memref<784x16xf32, #tpu.memory_space<vmem>>) target(%dma_start3A_92 : memref<784x16xf32, #tpu.memory_space<hbm>>) target_semaphore(%run_scoped3A : memref<!tpu.dma_semaphore, #tpu.memory_space<semaphore_mem>>)
      %dma_wait3A = arith.constant 0 : i32
      %dma_wait3A_96 = arith.constant 0 : i32
      %dma_wait3A_97 = tpu.memref_slice %arg11[%dma_wait3A, %dma_wait3A_96] : memref<848x16xf32, #tpu.memory_space<vmem>> -> memref<784x16xf32, #tpu.memory_space<vmem>>
      %dma_wait3A_98 = arith.constant 0 : i32
      %dma_wait3A_99 = tpu.memref_slice %arg6[%add3A_58, %dma_wait3A_98] : memref<200704x16xf32, #tpu.memory_space<hbm>> -> memref<784x16xf32, #tpu.memory_space<hbm>>
      %dma_wait3A_100 = arith.constant 0 : i32
      %dma_wait3A_101 = tpu.memref_slice %arg6[%add3A_58, %dma_wait3A_100] : memref<200704x16xf32, #tpu.memory_space<hbm>> -> memref<784x16xf32, #tpu.memory_space<hbm>>
      %dma_wait3A_102 = arith.constant 0 : i32
      %dma_wait3A_103 = arith.constant 0 : i32
      %dma_wait3A_104 = tpu.memref_slice %arg11[%dma_wait3A_102, %dma_wait3A_103] : memref<848x16xf32, #tpu.memory_space<vmem>> -> memref<784x16xf32, #tpu.memory_space<vmem>>
      tpu.wait_dma2 semaphore(%run_scoped3A : memref<!tpu.dma_semaphore, #tpu.memory_space<semaphore_mem>>) src(%dma_wait3A_104 : memref<784x16xf32, #tpu.memory_space<vmem>>) dst(%dma_wait3A_101 : memref<784x16xf32, #tpu.memory_space<hbm>>)
      tpu.yield
    }) : () -> ()
    %add3A_59 = arith.constant 3136 : i32
    %add3A_60 = arith.addi %mul3A_0, %add3A_59 : i32
    "tpu.region"() ({
      %run_scoped3A = tpu.sem_alloc : memref<!tpu.dma_semaphore, #tpu.memory_space<semaphore_mem>>
      %dma_start3A = arith.constant 0 : i32
      %dma_start3A_87 = arith.constant 0 : i32
      %dma_start3A_88 = tpu.memref_slice %arg11[%dma_start3A, %dma_start3A_87] : memref<848x16xf32, #tpu.memory_space<vmem>> -> memref<784x16xf32, #tpu.memory_space<vmem>>
      %dma_start3A_89 = arith.constant 0 : i32
      %dma_start3A_90 = tpu.memref_slice %arg13[%add3A_60, %dma_start3A_89] : memref<100352x16xf32, #tpu.memory_space<vmem_shared>> -> memref<784x16xf32, #tpu.memory_space<vmem_shared>>
      %dma_start3A_91 = arith.constant 0 : i32
      %dma_start3A_92 = arith.constant 0 : i32
      %dma_start3A_93 = tpu.memref_slice %arg11[%dma_start3A_91, %dma_start3A_92] : memref<848x16xf32, #tpu.memory_space<vmem>> -> memref<784x16xf32, #tpu.memory_space<vmem>>
      %dma_start3A_94 = arith.constant 0 : i32
      %dma_start3A_95 = tpu.memref_slice %arg13[%add3A_60, %dma_start3A_94] : memref<100352x16xf32, #tpu.memory_space<vmem_shared>> -> memref<784x16xf32, #tpu.memory_space<vmem_shared>>
      tpu.enqueue_dma source(%dma_start3A_95 : memref<784x16xf32, #tpu.memory_space<vmem_shared>>) target(%dma_start3A_93 : memref<784x16xf32, #tpu.memory_space<vmem>>) target_semaphore(%run_scoped3A : memref<!tpu.dma_semaphore, #tpu.memory_space<semaphore_mem>>)
      %dma_wait3A = arith.constant 0 : i32
      %dma_wait3A_96 = arith.constant 0 : i32
      %dma_wait3A_97 = tpu.memref_slice %arg11[%dma_wait3A, %dma_wait3A_96] : memref<848x16xf32, #tpu.memory_space<vmem>> -> memref<784x16xf32, #tpu.memory_space<vmem>>
      %dma_wait3A_98 = arith.constant 0 : i32
      %dma_wait3A_99 = tpu.memref_slice %arg13[%add3A_60, %dma_wait3A_98] : memref<100352x16xf32, #tpu.memory_space<vmem_shared>> -> memref<784x16xf32, #tpu.memory_space<vmem_shared>>
      %dma_wait3A_100 = arith.constant 0 : i32
      %dma_wait3A_101 = arith.constant 0 : i32
      %dma_wait3A_102 = tpu.memref_slice %arg11[%dma_wait3A_100, %dma_wait3A_101] : memref<848x16xf32, #tpu.memory_space<vmem>> -> memref<784x16xf32, #tpu.memory_space<vmem>>
      %dma_wait3A_103 = arith.constant 0 : i32
      %dma_wait3A_104 = tpu.memref_slice %arg13[%add3A_60, %dma_wait3A_103] : memref<100352x16xf32, #tpu.memory_space<vmem_shared>> -> memref<784x16xf32, #tpu.memory_space<vmem_shared>>
      tpu.wait_dma2 semaphore(%run_scoped3A : memref<!tpu.dma_semaphore, #tpu.memory_space<semaphore_mem>>) src(%dma_wait3A_104 : memref<784x16xf32, #tpu.memory_space<vmem_shared>>) dst(%dma_wait3A_102 : memref<784x16xf32, #tpu.memory_space<vmem>>)
      tpu.yield
    }) : () -> ()
    %mul3A_61 = arith.constant 100352 : i32
    %mul3A_62 = arith.muli %arg0, %mul3A_61 : i32
    %add3A_63 = arith.addi %mul3A_62, %mul3A_0 : i32
    %add3A_64 = arith.constant 3136 : i32
    %add3A_65 = arith.addi %add3A_63, %add3A_64 : i32
    "tpu.region"() ({
      %run_scoped3A = tpu.sem_alloc : memref<!tpu.dma_semaphore, #tpu.memory_space<semaphore_mem>>
      %dma_start3A = arith.constant 0 : i32
      %dma_start3A_87 = arith.constant 0 : i32
      %dma_start3A_88 = tpu.memref_slice %arg11[%dma_start3A, %dma_start3A_87] : memref<848x16xf32, #tpu.memory_space<vmem>> -> memref<784x16xf32, #tpu.memory_space<vmem>>
      %dma_start3A_89 = arith.constant 0 : i32
      %dma_start3A_90 = tpu.memref_slice %arg6[%add3A_65, %dma_start3A_89] : memref<200704x16xf32, #tpu.memory_space<hbm>> -> memref<784x16xf32, #tpu.memory_space<hbm>>
      %dma_start3A_91 = arith.constant 0 : i32
      %dma_start3A_92 = tpu.memref_slice %arg6[%add3A_65, %dma_start3A_91] : memref<200704x16xf32, #tpu.memory_space<hbm>> -> memref<784x16xf32, #tpu.memory_space<hbm>>
      %dma_start3A_93 = arith.constant 0 : i32
      %dma_start3A_94 = arith.constant 0 : i32
      %dma_start3A_95 = tpu.memref_slice %arg11[%dma_start3A_93, %dma_start3A_94] : memref<848x16xf32, #tpu.memory_space<vmem>> -> memref<784x16xf32, #tpu.memory_space<vmem>>
      tpu.enqueue_dma source(%dma_start3A_95 : memref<784x16xf32, #tpu.memory_space<vmem>>) target(%dma_start3A_92 : memref<784x16xf32, #tpu.memory_space<hbm>>) target_semaphore(%run_scoped3A : memref<!tpu.dma_semaphore, #tpu.memory_space<semaphore_mem>>)
      %dma_wait3A = arith.constant 0 : i32
      %dma_wait3A_96 = arith.constant 0 : i32
      %dma_wait3A_97 = tpu.memref_slice %arg11[%dma_wait3A, %dma_wait3A_96] : memref<848x16xf32, #tpu.memory_space<vmem>> -> memref<784x16xf32, #tpu.memory_space<vmem>>
      %dma_wait3A_98 = arith.constant 0 : i32
      %dma_wait3A_99 = tpu.memref_slice %arg6[%add3A_65, %dma_wait3A_98] : memref<200704x16xf32, #tpu.memory_space<hbm>> -> memref<784x16xf32, #tpu.memory_space<hbm>>
      %dma_wait3A_100 = arith.constant 0 : i32
      %dma_wait3A_101 = tpu.memref_slice %arg6[%add3A_65, %dma_wait3A_100] : memref<200704x16xf32, #tpu.memory_space<hbm>> -> memref<784x16xf32, #tpu.memory_space<hbm>>
      %dma_wait3A_102 = arith.constant 0 : i32
      %dma_wait3A_103 = arith.constant 0 : i32
      %dma_wait3A_104 = tpu.memref_slice %arg11[%dma_wait3A_102, %dma_wait3A_103] : memref<848x16xf32, #tpu.memory_space<vmem>> -> memref<784x16xf32, #tpu.memory_space<vmem>>
      tpu.wait_dma2 semaphore(%run_scoped3A : memref<!tpu.dma_semaphore, #tpu.memory_space<semaphore_mem>>) src(%dma_wait3A_104 : memref<784x16xf32, #tpu.memory_space<vmem>>) dst(%dma_wait3A_101 : memref<784x16xf32, #tpu.memory_space<hbm>>)
      tpu.yield
    }) : () -> ()
    %add3A_66 = arith.constant 3920 : i32
    %add3A_67 = arith.addi %mul3A_0, %add3A_66 : i32
    "tpu.region"() ({
      %run_scoped3A = tpu.sem_alloc : memref<!tpu.dma_semaphore, #tpu.memory_space<semaphore_mem>>
      %dma_start3A = arith.constant 0 : i32
      %dma_start3A_87 = arith.constant 0 : i32
      %dma_start3A_88 = tpu.memref_slice %arg11[%dma_start3A, %dma_start3A_87] : memref<848x16xf32, #tpu.memory_space<vmem>> -> memref<784x16xf32, #tpu.memory_space<vmem>>
      %dma_start3A_89 = arith.constant 0 : i32
      %dma_start3A_90 = tpu.memref_slice %arg13[%add3A_67, %dma_start3A_89] : memref<100352x16xf32, #tpu.memory_space<vmem_shared>> -> memref<784x16xf32, #tpu.memory_space<vmem_shared>>
      %dma_start3A_91 = arith.constant 0 : i32
      %dma_start3A_92 = arith.constant 0 : i32
      %dma_start3A_93 = tpu.memref_slice %arg11[%dma_start3A_91, %dma_start3A_92] : memref<848x16xf32, #tpu.memory_space<vmem>> -> memref<784x16xf32, #tpu.memory_space<vmem>>
      %dma_start3A_94 = arith.constant 0 : i32
      %dma_start3A_95 = tpu.memref_slice %arg13[%add3A_67, %dma_start3A_94] : memref<100352x16xf32, #tpu.memory_space<vmem_shared>> -> memref<784x16xf32, #tpu.memory_space<vmem_shared>>
      tpu.enqueue_dma source(%dma_start3A_95 : memref<784x16xf32, #tpu.memory_space<vmem_shared>>) target(%dma_start3A_93 : memref<784x16xf32, #tpu.memory_space<vmem>>) target_semaphore(%run_scoped3A : memref<!tpu.dma_semaphore, #tpu.memory_space<semaphore_mem>>)
      %dma_wait3A = arith.constant 0 : i32
      %dma_wait3A_96 = arith.constant 0 : i32
      %dma_wait3A_97 = tpu.memref_slice %arg11[%dma_wait3A, %dma_wait3A_96] : memref<848x16xf32, #tpu.memory_space<vmem>> -> memref<784x16xf32, #tpu.memory_space<vmem>>
      %dma_wait3A_98 = arith.constant 0 : i32
      %dma_wait3A_99 = tpu.memref_slice %arg13[%add3A_67, %dma_wait3A_98] : memref<100352x16xf32, #tpu.memory_space<vmem_shared>> -> memref<784x16xf32, #tpu.memory_space<vmem_shared>>
      %dma_wait3A_100 = arith.constant 0 : i32
      %dma_wait3A_101 = arith.constant 0 : i32
      %dma_wait3A_102 = tpu.memref_slice %arg11[%dma_wait3A_100, %dma_wait3A_101] : memref<848x16xf32, #tpu.memory_space<vmem>> -> memref<784x16xf32, #tpu.memory_space<vmem>>
      %dma_wait3A_103 = arith.constant 0 : i32
      %dma_wait3A_104 = tpu.memref_slice %arg13[%add3A_67, %dma_wait3A_103] : memref<100352x16xf32, #tpu.memory_space<vmem_shared>> -> memref<784x16xf32, #tpu.memory_space<vmem_shared>>
      tpu.wait_dma2 semaphore(%run_scoped3A : memref<!tpu.dma_semaphore, #tpu.memory_space<semaphore_mem>>) src(%dma_wait3A_104 : memref<784x16xf32, #tpu.memory_space<vmem_shared>>) dst(%dma_wait3A_102 : memref<784x16xf32, #tpu.memory_space<vmem>>)
      tpu.yield
    }) : () -> ()
    %mul3A_68 = arith.constant 100352 : i32
    %mul3A_69 = arith.muli %arg0, %mul3A_68 : i32
    %add3A_70 = arith.addi %mul3A_69, %mul3A_0 : i32
    %add3A_71 = arith.constant 3920 : i32
    %add3A_72 = arith.addi %add3A_70, %add3A_71 : i32
    "tpu.region"() ({
      %run_scoped3A = tpu.sem_alloc : memref<!tpu.dma_semaphore, #tpu.memory_space<semaphore_mem>>
      %dma_start3A = arith.constant 0 : i32
      %dma_start3A_87 = arith.constant 0 : i32
      %dma_start3A_88 = tpu.memref_slice %arg11[%dma_start3A, %dma_start3A_87] : memref<848x16xf32, #tpu.memory_space<vmem>> -> memref<784x16xf32, #tpu.memory_space<vmem>>
      %dma_start3A_89 = arith.constant 0 : i32
      %dma_start3A_90 = tpu.memref_slice %arg6[%add3A_72, %dma_start3A_89] : memref<200704x16xf32, #tpu.memory_space<hbm>> -> memref<784x16xf32, #tpu.memory_space<hbm>>
      %dma_start3A_91 = arith.constant 0 : i32
      %dma_start3A_92 = tpu.memref_slice %arg6[%add3A_72, %dma_start3A_91] : memref<200704x16xf32, #tpu.memory_space<hbm>> -> memref<784x16xf32, #tpu.memory_space<hbm>>
      %dma_start3A_93 = arith.constant 0 : i32
      %dma_start3A_94 = arith.constant 0 : i32
      %dma_start3A_95 = tpu.memref_slice %arg11[%dma_start3A_93, %dma_start3A_94] : memref<848x16xf32, #tpu.memory_space<vmem>> -> memref<784x16xf32, #tpu.memory_space<vmem>>
      tpu.enqueue_dma source(%dma_start3A_95 : memref<784x16xf32, #tpu.memory_space<vmem>>) target(%dma_start3A_92 : memref<784x16xf32, #tpu.memory_space<hbm>>) target_semaphore(%run_scoped3A : memref<!tpu.dma_semaphore, #tpu.memory_space<semaphore_mem>>)
      %dma_wait3A = arith.constant 0 : i32
      %dma_wait3A_96 = arith.constant 0 : i32
      %dma_wait3A_97 = tpu.memref_slice %arg11[%dma_wait3A, %dma_wait3A_96] : memref<848x16xf32, #tpu.memory_space<vmem>> -> memref<784x16xf32, #tpu.memory_space<vmem>>
      %dma_wait3A_98 = arith.constant 0 : i32
      %dma_wait3A_99 = tpu.memref_slice %arg6[%add3A_72, %dma_wait3A_98] : memref<200704x16xf32, #tpu.memory_space<hbm>> -> memref<784x16xf32, #tpu.memory_space<hbm>>
      %dma_wait3A_100 = arith.constant 0 : i32
      %dma_wait3A_101 = tpu.memref_slice %arg6[%add3A_72, %dma_wait3A_100] : memref<200704x16xf32, #tpu.memory_space<hbm>> -> memref<784x16xf32, #tpu.memory_space<hbm>>
      %dma_wait3A_102 = arith.constant 0 : i32
      %dma_wait3A_103 = arith.constant 0 : i32
      %dma_wait3A_104 = tpu.memref_slice %arg11[%dma_wait3A_102, %dma_wait3A_103] : memref<848x16xf32, #tpu.memory_space<vmem>> -> memref<784x16xf32, #tpu.memory_space<vmem>>
      tpu.wait_dma2 semaphore(%run_scoped3A : memref<!tpu.dma_semaphore, #tpu.memory_space<semaphore_mem>>) src(%dma_wait3A_104 : memref<784x16xf32, #tpu.memory_space<vmem>>) dst(%dma_wait3A_101 : memref<784x16xf32, #tpu.memory_space<hbm>>)
      tpu.yield
    }) : () -> ()
    %add3A_73 = arith.constant 4704 : i32
    %add3A_74 = arith.addi %mul3A_0, %add3A_73 : i32
    "tpu.region"() ({
      %run_scoped3A = tpu.sem_alloc : memref<!tpu.dma_semaphore, #tpu.memory_space<semaphore_mem>>
      %dma_start3A = arith.constant 0 : i32
      %dma_start3A_87 = arith.constant 0 : i32
      %dma_start3A_88 = tpu.memref_slice %arg11[%dma_start3A, %dma_start3A_87] : memref<848x16xf32, #tpu.memory_space<vmem>> -> memref<784x16xf32, #tpu.memory_space<vmem>>
      %dma_start3A_89 = arith.constant 0 : i32
      %dma_start3A_90 = tpu.memref_slice %arg13[%add3A_74, %dma_start3A_89] : memref<100352x16xf32, #tpu.memory_space<vmem_shared>> -> memref<784x16xf32, #tpu.memory_space<vmem_shared>>
      %dma_start3A_91 = arith.constant 0 : i32
      %dma_start3A_92 = arith.constant 0 : i32
      %dma_start3A_93 = tpu.memref_slice %arg11[%dma_start3A_91, %dma_start3A_92] : memref<848x16xf32, #tpu.memory_space<vmem>> -> memref<784x16xf32, #tpu.memory_space<vmem>>
      %dma_start3A_94 = arith.constant 0 : i32
      %dma_start3A_95 = tpu.memref_slice %arg13[%add3A_74, %dma_start3A_94] : memref<100352x16xf32, #tpu.memory_space<vmem_shared>> -> memref<784x16xf32, #tpu.memory_space<vmem_shared>>
      tpu.enqueue_dma source(%dma_start3A_95 : memref<784x16xf32, #tpu.memory_space<vmem_shared>>) target(%dma_start3A_93 : memref<784x16xf32, #tpu.memory_space<vmem>>) target_semaphore(%run_scoped3A : memref<!tpu.dma_semaphore, #tpu.memory_space<semaphore_mem>>)
      %dma_wait3A = arith.constant 0 : i32
      %dma_wait3A_96 = arith.constant 0 : i32
      %dma_wait3A_97 = tpu.memref_slice %arg11[%dma_wait3A, %dma_wait3A_96] : memref<848x16xf32, #tpu.memory_space<vmem>> -> memref<784x16xf32, #tpu.memory_space<vmem>>
      %dma_wait3A_98 = arith.constant 0 : i32
      %dma_wait3A_99 = tpu.memref_slice %arg13[%add3A_74, %dma_wait3A_98] : memref<100352x16xf32, #tpu.memory_space<vmem_shared>> -> memref<784x16xf32, #tpu.memory_space<vmem_shared>>
      %dma_wait3A_100 = arith.constant 0 : i32
      %dma_wait3A_101 = arith.constant 0 : i32
      %dma_wait3A_102 = tpu.memref_slice %arg11[%dma_wait3A_100, %dma_wait3A_101] : memref<848x16xf32, #tpu.memory_space<vmem>> -> memref<784x16xf32, #tpu.memory_space<vmem>>
      %dma_wait3A_103 = arith.constant 0 : i32
      %dma_wait3A_104 = tpu.memref_slice %arg13[%add3A_74, %dma_wait3A_103] : memref<100352x16xf32, #tpu.memory_space<vmem_shared>> -> memref<784x16xf32, #tpu.memory_space<vmem_shared>>
      tpu.wait_dma2 semaphore(%run_scoped3A : memref<!tpu.dma_semaphore, #tpu.memory_space<semaphore_mem>>) src(%dma_wait3A_104 : memref<784x16xf32, #tpu.memory_space<vmem_shared>>) dst(%dma_wait3A_102 : memref<784x16xf32, #tpu.memory_space<vmem>>)
      tpu.yield
    }) : () -> ()
    %mul3A_75 = arith.constant 100352 : i32
    %mul3A_76 = arith.muli %arg0, %mul3A_75 : i32
    %add3A_77 = arith.addi %mul3A_76, %mul3A_0 : i32
    %add3A_78 = arith.constant 4704 : i32
    %add3A_79 = arith.addi %add3A_77, %add3A_78 : i32
    "tpu.region"() ({
      %run_scoped3A = tpu.sem_alloc : memref<!tpu.dma_semaphore, #tpu.memory_space<semaphore_mem>>
      %dma_start3A = arith.constant 0 : i32
      %dma_start3A_87 = arith.constant 0 : i32
      %dma_start3A_88 = tpu.memref_slice %arg11[%dma_start3A, %dma_start3A_87] : memref<848x16xf32, #tpu.memory_space<vmem>> -> memref<784x16xf32, #tpu.memory_space<vmem>>
      %dma_start3A_89 = arith.constant 0 : i32
      %dma_start3A_90 = tpu.memref_slice %arg6[%add3A_79, %dma_start3A_89] : memref<200704x16xf32, #tpu.memory_space<hbm>> -> memref<784x16xf32, #tpu.memory_space<hbm>>
      %dma_start3A_91 = arith.constant 0 : i32
      %dma_start3A_92 = tpu.memref_slice %arg6[%add3A_79, %dma_start3A_91] : memref<200704x16xf32, #tpu.memory_space<hbm>> -> memref<784x16xf32, #tpu.memory_space<hbm>>
      %dma_start3A_93 = arith.constant 0 : i32
      %dma_start3A_94 = arith.constant 0 : i32
      %dma_start3A_95 = tpu.memref_slice %arg11[%dma_start3A_93, %dma_start3A_94] : memref<848x16xf32, #tpu.memory_space<vmem>> -> memref<784x16xf32, #tpu.memory_space<vmem>>
      tpu.enqueue_dma source(%dma_start3A_95 : memref<784x16xf32, #tpu.memory_space<vmem>>) target(%dma_start3A_92 : memref<784x16xf32, #tpu.memory_space<hbm>>) target_semaphore(%run_scoped3A : memref<!tpu.dma_semaphore, #tpu.memory_space<semaphore_mem>>)
      %dma_wait3A = arith.constant 0 : i32
      %dma_wait3A_96 = arith.constant 0 : i32
      %dma_wait3A_97 = tpu.memref_slice %arg11[%dma_wait3A, %dma_wait3A_96] : memref<848x16xf32, #tpu.memory_space<vmem>> -> memref<784x16xf32, #tpu.memory_space<vmem>>
      %dma_wait3A_98 = arith.constant 0 : i32
      %dma_wait3A_99 = tpu.memref_slice %arg6[%add3A_79, %dma_wait3A_98] : memref<200704x16xf32, #tpu.memory_space<hbm>> -> memref<784x16xf32, #tpu.memory_space<hbm>>
      %dma_wait3A_100 = arith.constant 0 : i32
      %dma_wait3A_101 = tpu.memref_slice %arg6[%add3A_79, %dma_wait3A_100] : memref<200704x16xf32, #tpu.memory_space<hbm>> -> memref<784x16xf32, #tpu.memory_space<hbm>>
      %dma_wait3A_102 = arith.constant 0 : i32
      %dma_wait3A_103 = arith.constant 0 : i32
      %dma_wait3A_104 = tpu.memref_slice %arg11[%dma_wait3A_102, %dma_wait3A_103] : memref<848x16xf32, #tpu.memory_space<vmem>> -> memref<784x16xf32, #tpu.memory_space<vmem>>
      tpu.wait_dma2 semaphore(%run_scoped3A : memref<!tpu.dma_semaphore, #tpu.memory_space<semaphore_mem>>) src(%dma_wait3A_104 : memref<784x16xf32, #tpu.memory_space<vmem>>) dst(%dma_wait3A_101 : memref<784x16xf32, #tpu.memory_space<hbm>>)
      tpu.yield
    }) : () -> ()
    %add3A_80 = arith.constant 5488 : i32
    %add3A_81 = arith.addi %mul3A_0, %add3A_80 : i32
    "tpu.region"() ({
      %run_scoped3A = tpu.sem_alloc : memref<!tpu.dma_semaphore, #tpu.memory_space<semaphore_mem>>
      %dma_start3A = arith.constant 0 : i32
      %dma_start3A_87 = arith.constant 0 : i32
      %dma_start3A_88 = tpu.memref_slice %arg11[%dma_start3A, %dma_start3A_87] : memref<848x16xf32, #tpu.memory_space<vmem>> -> memref<784x16xf32, #tpu.memory_space<vmem>>
      %dma_start3A_89 = arith.constant 0 : i32
      %dma_start3A_90 = tpu.memref_slice %arg13[%add3A_81, %dma_start3A_89] : memref<100352x16xf32, #tpu.memory_space<vmem_shared>> -> memref<784x16xf32, #tpu.memory_space<vmem_shared>>
      %dma_start3A_91 = arith.constant 0 : i32
      %dma_start3A_92 = arith.constant 0 : i32
      %dma_start3A_93 = tpu.memref_slice %arg11[%dma_start3A_91, %dma_start3A_92] : memref<848x16xf32, #tpu.memory_space<vmem>> -> memref<784x16xf32, #tpu.memory_space<vmem>>
      %dma_start3A_94 = arith.constant 0 : i32
      %dma_start3A_95 = tpu.memref_slice %arg13[%add3A_81, %dma_start3A_94] : memref<100352x16xf32, #tpu.memory_space<vmem_shared>> -> memref<784x16xf32, #tpu.memory_space<vmem_shared>>
      tpu.enqueue_dma source(%dma_start3A_95 : memref<784x16xf32, #tpu.memory_space<vmem_shared>>) target(%dma_start3A_93 : memref<784x16xf32, #tpu.memory_space<vmem>>) target_semaphore(%run_scoped3A : memref<!tpu.dma_semaphore, #tpu.memory_space<semaphore_mem>>)
      %dma_wait3A = arith.constant 0 : i32
      %dma_wait3A_96 = arith.constant 0 : i32
      %dma_wait3A_97 = tpu.memref_slice %arg11[%dma_wait3A, %dma_wait3A_96] : memref<848x16xf32, #tpu.memory_space<vmem>> -> memref<784x16xf32, #tpu.memory_space<vmem>>
      %dma_wait3A_98 = arith.constant 0 : i32
      %dma_wait3A_99 = tpu.memref_slice %arg13[%add3A_81, %dma_wait3A_98] : memref<100352x16xf32, #tpu.memory_space<vmem_shared>> -> memref<784x16xf32, #tpu.memory_space<vmem_shared>>
      %dma_wait3A_100 = arith.constant 0 : i32
      %dma_wait3A_101 = arith.constant 0 : i32
      %dma_wait3A_102 = tpu.memref_slice %arg11[%dma_wait3A_100, %dma_wait3A_101] : memref<848x16xf32, #tpu.memory_space<vmem>> -> memref<784x16xf32, #tpu.memory_space<vmem>>
      %dma_wait3A_103 = arith.constant 0 : i32
      %dma_wait3A_104 = tpu.memref_slice %arg13[%add3A_81, %dma_wait3A_103] : memref<100352x16xf32, #tpu.memory_space<vmem_shared>> -> memref<784x16xf32, #tpu.memory_space<vmem_shared>>
      tpu.wait_dma2 semaphore(%run_scoped3A : memref<!tpu.dma_semaphore, #tpu.memory_space<semaphore_mem>>) src(%dma_wait3A_104 : memref<784x16xf32, #tpu.memory_space<vmem_shared>>) dst(%dma_wait3A_102 : memref<784x16xf32, #tpu.memory_space<vmem>>)
      tpu.yield
    }) : () -> ()
    %mul3A_82 = arith.constant 100352 : i32
    %mul3A_83 = arith.muli %arg0, %mul3A_82 : i32
    %add3A_84 = arith.addi %mul3A_83, %mul3A_0 : i32
    %add3A_85 = arith.constant 5488 : i32
    %add3A_86 = arith.addi %add3A_84, %add3A_85 : i32
    "tpu.region"() ({
      %run_scoped3A = tpu.sem_alloc : memref<!tpu.dma_semaphore, #tpu.memory_space<semaphore_mem>>
      %dma_start3A = arith.constant 0 : i32
      %dma_start3A_87 = arith.constant 0 : i32
      %dma_start3A_88 = tpu.memref_slice %arg11[%dma_start3A, %dma_start3A_87] : memref<848x16xf32, #tpu.memory_space<vmem>> -> memref<784x16xf32, #tpu.memory_space<vmem>>
      %dma_start3A_89 = arith.constant 0 : i32
      %dma_start3A_90 = tpu.memref_slice %arg6[%add3A_86, %dma_start3A_89] : memref<200704x16xf32, #tpu.memory_space<hbm>> -> memref<784x16xf32, #tpu.memory_space<hbm>>
      %dma_start3A_91 = arith.constant 0 : i32
      %dma_start3A_92 = tpu.memref_slice %arg6[%add3A_86, %dma_start3A_91] : memref<200704x16xf32, #tpu.memory_space<hbm>> -> memref<784x16xf32, #tpu.memory_space<hbm>>
      %dma_start3A_93 = arith.constant 0 : i32
      %dma_start3A_94 = arith.constant 0 : i32
      %dma_start3A_95 = tpu.memref_slice %arg11[%dma_start3A_93, %dma_start3A_94] : memref<848x16xf32, #tpu.memory_space<vmem>> -> memref<784x16xf32, #tpu.memory_space<vmem>>
      tpu.enqueue_dma source(%dma_start3A_95 : memref<784x16xf32, #tpu.memory_space<vmem>>) target(%dma_start3A_92 : memref<784x16xf32, #tpu.memory_space<hbm>>) target_semaphore(%run_scoped3A : memref<!tpu.dma_semaphore, #tpu.memory_space<semaphore_mem>>)
      %dma_wait3A = arith.constant 0 : i32
      %dma_wait3A_96 = arith.constant 0 : i32
      %dma_wait3A_97 = tpu.memref_slice %arg11[%dma_wait3A, %dma_wait3A_96] : memref<848x16xf32, #tpu.memory_space<vmem>> -> memref<784x16xf32, #tpu.memory_space<vmem>>
      %dma_wait3A_98 = arith.constant 0 : i32
      %dma_wait3A_99 = tpu.memref_slice %arg6[%add3A_86, %dma_wait3A_98] : memref<200704x16xf32, #tpu.memory_space<hbm>> -> memref<784x16xf32, #tpu.memory_space<hbm>>
      %dma_wait3A_100 = arith.constant 0 : i32
      %dma_wait3A_101 = tpu.memref_slice %arg6[%add3A_86, %dma_wait3A_100] : memref<200704x16xf32, #tpu.memory_space<hbm>> -> memref<784x16xf32, #tpu.memory_space<hbm>>
      %dma_wait3A_102 = arith.constant 0 : i32
      %dma_wait3A_103 = arith.constant 0 : i32
      %dma_wait3A_104 = tpu.memref_slice %arg11[%dma_wait3A_102, %dma_wait3A_103] : memref<848x16xf32, #tpu.memory_space<vmem>> -> memref<784x16xf32, #tpu.memory_space<vmem>>
      tpu.wait_dma2 semaphore(%run_scoped3A : memref<!tpu.dma_semaphore, #tpu.memory_space<semaphore_mem>>) src(%dma_wait3A_104 : memref<784x16xf32, #tpu.memory_space<vmem>>) dst(%dma_wait3A_101 : memref<784x16xf32, #tpu.memory_space<hbm>>)
      tpu.yield
    }) : () -> ()
    return
  }
}

#map = affine_map<(d0, d1) -> (0, 0)>
#map1 = affine_map<(d0, d1) -> (0)>
module attributes {stable_mosaic.version = 14 : i64} {
  func.func @_prop_body(%arg0: i32, %arg1: i32, %arg2: memref<100352x16xf32, #tpu.memory_space<hbm>>, %arg3: memref<6404096xi32, #tpu.memory_space<hbm>>, %arg4: memref<6404096xi32, #tpu.memory_space<hbm>>, %arg5: memref<200704x16xf32, #tpu.memory_space<hbm>>, %arg6: memref<848xi32, #tpu.memory_space<vmem>>, %arg7: memref<848xi32, #tpu.memory_space<vmem>>, %arg8: memref<848xi32, #tpu.memory_space<vmem>>, %arg9: memref<848xi32, #tpu.memory_space<vmem>>, %arg10: memref<848x16xf32, #tpu.memory_space<vmem>>, %arg11: memref<848x16xf32, #tpu.memory_space<vmem>>, %arg12: memref<100352x16xf32, #tpu.memory_space<vmem_shared>>, %arg13: memref<!tpu.dma_semaphore, #tpu.memory_space<semaphore_mem>>, %arg14: memref<!tpu.dma_semaphore, #tpu.memory_space<semaphore_mem>>, %arg15: memref<!tpu.dma_semaphore, #tpu.memory_space<semaphore_mem>>) attributes {dimension_semantics = [#tpu.dimension_semantics<core_parallel>, #tpu.dimension_semantics<subcore_parallel>], iteration_bounds = array<i64: 2, 16>, scalar_prefetch = 0 : i64, scratch_operands = 10 : i64, tpu.core_type = #tpu.core_type<sc_vector_subcore>, window_params = [{transform_indices = #map}, {transform_indices = #map1}, {transform_indices = #map1}, {transform_indices = #map}]} {
    %mul3A = arith.constant 6272 : i32
    %mul3A_0 = arith.muli %arg1, %mul3A : i32
    %scan3A = arith.constant 0 : i32
    %scan3A_1 = arith.constant 0 : i32
    %scan3A_2 = arith.constant 784 : i32
    %scan3A_3 = arith.addi %scan3A_1, %scan3A_2 : i32
    %scan3A_4 = arith.constant 1 : i32
    scf.for %scan3A_129 = %scan3A_1 to %scan3A_3 step %scan3A_4  : i32 {
      %broadcast_in_dim3A = arith.constant 0.000000e+00 : f32
      %broadcast_in_dim3A_130 = vector.broadcast %broadcast_in_dim3A : f32 to vector<16xf32>
      %swap3A = arith.index_cast %scan3A_129 : i32 to index
      %swap3A_131 = arith.constant 0 : index
      %swap3A_132 = tpu.vector_load %arg10[%swap3A, %swap3A_131] {strides = array<i32>} : memref<848x16xf32, #tpu.memory_space<vmem>>, vector<1x16xf32>,
      %swap3A_133 = vector.shape_cast %swap3A_132 : vector<1x16xf32> to vector<16xf32>
      %swap3A_134 = vector.shape_cast %broadcast_in_dim3A_130 : vector<16xf32> to vector<1x16xf32>
      tpu.vector_store %arg10[%swap3A, %swap3A_131], %swap3A_134 {strides = array<i32>} : memref<848x16xf32, #tpu.memory_space<vmem>>, vector<1x16xf32>,
    }
    %scan3A_5 = arith.constant 784 : i32
    %add3A = arith.constant 0 : i32
    %add3A_6 = arith.addi %mul3A_0, %add3A : i32
    "tpu.region"() ({
      %run_scoped3A = tpu.sem_alloc : memref<!tpu.dma_semaphore, #tpu.memory_space<semaphore_mem>>
      %dma_start3A_129 = arith.constant 0 : i32
      %dma_start3A_130 = arith.constant 0 : i32
      %dma_start3A_131 = tpu.memref_slice %arg10[%dma_start3A_129, %dma_start3A_130] : memref<848x16xf32, #tpu.memory_space<vmem>> -> memref<784x16xf32, #tpu.memory_space<vmem>>
      %dma_start3A_132 = arith.constant 0 : i32
      %dma_start3A_133 = tpu.memref_slice %arg12[%add3A_6, %dma_start3A_132] : memref<100352x16xf32, #tpu.memory_space<vmem_shared>> -> memref<784x16xf32, #tpu.memory_space<vmem_shared>>
      %dma_start3A_134 = arith.constant 0 : i32
      %dma_start3A_135 = tpu.memref_slice %arg12[%add3A_6, %dma_start3A_134] : memref<100352x16xf32, #tpu.memory_space<vmem_shared>> -> memref<784x16xf32, #tpu.memory_space<vmem_shared>>
      %dma_start3A_136 = arith.constant 0 : i32
      %dma_start3A_137 = arith.constant 0 : i32
      %dma_start3A_138 = tpu.memref_slice %arg10[%dma_start3A_136, %dma_start3A_137] : memref<848x16xf32, #tpu.memory_space<vmem>> -> memref<784x16xf32, #tpu.memory_space<vmem>>
      tpu.enqueue_dma source(%dma_start3A_138 : memref<784x16xf32, #tpu.memory_space<vmem>>) target(%dma_start3A_135 : memref<784x16xf32, #tpu.memory_space<vmem_shared>>) target_semaphore(%run_scoped3A : memref<!tpu.dma_semaphore, #tpu.memory_space<semaphore_mem>>)
      %dma_wait3A_139 = arith.constant 0 : i32
      %dma_wait3A_140 = arith.constant 0 : i32
      %dma_wait3A_141 = tpu.memref_slice %arg10[%dma_wait3A_139, %dma_wait3A_140] : memref<848x16xf32, #tpu.memory_space<vmem>> -> memref<784x16xf32, #tpu.memory_space<vmem>>
      %dma_wait3A_142 = arith.constant 0 : i32
      %dma_wait3A_143 = tpu.memref_slice %arg12[%add3A_6, %dma_wait3A_142] : memref<100352x16xf32, #tpu.memory_space<vmem_shared>> -> memref<784x16xf32, #tpu.memory_space<vmem_shared>>
      %dma_wait3A_144 = arith.constant 0 : i32
      %dma_wait3A_145 = tpu.memref_slice %arg12[%add3A_6, %dma_wait3A_144] : memref<100352x16xf32, #tpu.memory_space<vmem_shared>> -> memref<784x16xf32, #tpu.memory_space<vmem_shared>>
      %dma_wait3A_146 = arith.constant 0 : i32
      %dma_wait3A_147 = arith.constant 0 : i32
      %dma_wait3A_148 = tpu.memref_slice %arg10[%dma_wait3A_146, %dma_wait3A_147] : memref<848x16xf32, #tpu.memory_space<vmem>> -> memref<784x16xf32, #tpu.memory_space<vmem>>
      tpu.wait_dma2 semaphore(%run_scoped3A : memref<!tpu.dma_semaphore, #tpu.memory_space<semaphore_mem>>) src(%dma_wait3A_148 : memref<784x16xf32, #tpu.memory_space<vmem>>) dst(%dma_wait3A_145 : memref<784x16xf32, #tpu.memory_space<vmem_shared>>)
      tpu.yield
    }) : () -> ()
    %add3A_7 = arith.constant 784 : i32
    %add3A_8 = arith.addi %mul3A_0, %add3A_7 : i32
    "tpu.region"() ({
      %run_scoped3A = tpu.sem_alloc : memref<!tpu.dma_semaphore, #tpu.memory_space<semaphore_mem>>
      %dma_start3A_129 = arith.constant 0 : i32
      %dma_start3A_130 = arith.constant 0 : i32
      %dma_start3A_131 = tpu.memref_slice %arg10[%dma_start3A_129, %dma_start3A_130] : memref<848x16xf32, #tpu.memory_space<vmem>> -> memref<784x16xf32, #tpu.memory_space<vmem>>
      %dma_start3A_132 = arith.constant 0 : i32
      %dma_start3A_133 = tpu.memref_slice %arg12[%add3A_8, %dma_start3A_132] : memref<100352x16xf32, #tpu.memory_space<vmem_shared>> -> memref<784x16xf32, #tpu.memory_space<vmem_shared>>
      %dma_start3A_134 = arith.constant 0 : i32
      %dma_start3A_135 = tpu.memref_slice %arg12[%add3A_8, %dma_start3A_134] : memref<100352x16xf32, #tpu.memory_space<vmem_shared>> -> memref<784x16xf32, #tpu.memory_space<vmem_shared>>
      %dma_start3A_136 = arith.constant 0 : i32
      %dma_start3A_137 = arith.constant 0 : i32
      %dma_start3A_138 = tpu.memref_slice %arg10[%dma_start3A_136, %dma_start3A_137] : memref<848x16xf32, #tpu.memory_space<vmem>> -> memref<784x16xf32, #tpu.memory_space<vmem>>
      tpu.enqueue_dma source(%dma_start3A_138 : memref<784x16xf32, #tpu.memory_space<vmem>>) target(%dma_start3A_135 : memref<784x16xf32, #tpu.memory_space<vmem_shared>>) target_semaphore(%run_scoped3A : memref<!tpu.dma_semaphore, #tpu.memory_space<semaphore_mem>>)
      %dma_wait3A_139 = arith.constant 0 : i32
      %dma_wait3A_140 = arith.constant 0 : i32
      %dma_wait3A_141 = tpu.memref_slice %arg10[%dma_wait3A_139, %dma_wait3A_140] : memref<848x16xf32, #tpu.memory_space<vmem>> -> memref<784x16xf32, #tpu.memory_space<vmem>>
      %dma_wait3A_142 = arith.constant 0 : i32
      %dma_wait3A_143 = tpu.memref_slice %arg12[%add3A_8, %dma_wait3A_142] : memref<100352x16xf32, #tpu.memory_space<vmem_shared>> -> memref<784x16xf32, #tpu.memory_space<vmem_shared>>
      %dma_wait3A_144 = arith.constant 0 : i32
      %dma_wait3A_145 = tpu.memref_slice %arg12[%add3A_8, %dma_wait3A_144] : memref<100352x16xf32, #tpu.memory_space<vmem_shared>> -> memref<784x16xf32, #tpu.memory_space<vmem_shared>>
      %dma_wait3A_146 = arith.constant 0 : i32
      %dma_wait3A_147 = arith.constant 0 : i32
      %dma_wait3A_148 = tpu.memref_slice %arg10[%dma_wait3A_146, %dma_wait3A_147] : memref<848x16xf32, #tpu.memory_space<vmem>> -> memref<784x16xf32, #tpu.memory_space<vmem>>
      tpu.wait_dma2 semaphore(%run_scoped3A : memref<!tpu.dma_semaphore, #tpu.memory_space<semaphore_mem>>) src(%dma_wait3A_148 : memref<784x16xf32, #tpu.memory_space<vmem>>) dst(%dma_wait3A_145 : memref<784x16xf32, #tpu.memory_space<vmem_shared>>)
      tpu.yield
    }) : () -> ()
    %add3A_9 = arith.constant 1568 : i32
    %add3A_10 = arith.addi %mul3A_0, %add3A_9 : i32
    "tpu.region"() ({
      %run_scoped3A = tpu.sem_alloc : memref<!tpu.dma_semaphore, #tpu.memory_space<semaphore_mem>>
      %dma_start3A_129 = arith.constant 0 : i32
      %dma_start3A_130 = arith.constant 0 : i32
      %dma_start3A_131 = tpu.memref_slice %arg10[%dma_start3A_129, %dma_start3A_130] : memref<848x16xf32, #tpu.memory_space<vmem>> -> memref<784x16xf32, #tpu.memory_space<vmem>>
      %dma_start3A_132 = arith.constant 0 : i32
      %dma_start3A_133 = tpu.memref_slice %arg12[%add3A_10, %dma_start3A_132] : memref<100352x16xf32, #tpu.memory_space<vmem_shared>> -> memref<784x16xf32, #tpu.memory_space<vmem_shared>>
      %dma_start3A_134 = arith.constant 0 : i32
      %dma_start3A_135 = tpu.memref_slice %arg12[%add3A_10, %dma_start3A_134] : memref<100352x16xf32, #tpu.memory_space<vmem_shared>> -> memref<784x16xf32, #tpu.memory_space<vmem_shared>>
      %dma_start3A_136 = arith.constant 0 : i32
      %dma_start3A_137 = arith.constant 0 : i32
      %dma_start3A_138 = tpu.memref_slice %arg10[%dma_start3A_136, %dma_start3A_137] : memref<848x16xf32, #tpu.memory_space<vmem>> -> memref<784x16xf32, #tpu.memory_space<vmem>>
      tpu.enqueue_dma source(%dma_start3A_138 : memref<784x16xf32, #tpu.memory_space<vmem>>) target(%dma_start3A_135 : memref<784x16xf32, #tpu.memory_space<vmem_shared>>) target_semaphore(%run_scoped3A : memref<!tpu.dma_semaphore, #tpu.memory_space<semaphore_mem>>)
      %dma_wait3A_139 = arith.constant 0 : i32
      %dma_wait3A_140 = arith.constant 0 : i32
      %dma_wait3A_141 = tpu.memref_slice %arg10[%dma_wait3A_139, %dma_wait3A_140] : memref<848x16xf32, #tpu.memory_space<vmem>> -> memref<784x16xf32, #tpu.memory_space<vmem>>
      %dma_wait3A_142 = arith.constant 0 : i32
      %dma_wait3A_143 = tpu.memref_slice %arg12[%add3A_10, %dma_wait3A_142] : memref<100352x16xf32, #tpu.memory_space<vmem_shared>> -> memref<784x16xf32, #tpu.memory_space<vmem_shared>>
      %dma_wait3A_144 = arith.constant 0 : i32
      %dma_wait3A_145 = tpu.memref_slice %arg12[%add3A_10, %dma_wait3A_144] : memref<100352x16xf32, #tpu.memory_space<vmem_shared>> -> memref<784x16xf32, #tpu.memory_space<vmem_shared>>
      %dma_wait3A_146 = arith.constant 0 : i32
      %dma_wait3A_147 = arith.constant 0 : i32
      %dma_wait3A_148 = tpu.memref_slice %arg10[%dma_wait3A_146, %dma_wait3A_147] : memref<848x16xf32, #tpu.memory_space<vmem>> -> memref<784x16xf32, #tpu.memory_space<vmem>>
      tpu.wait_dma2 semaphore(%run_scoped3A : memref<!tpu.dma_semaphore, #tpu.memory_space<semaphore_mem>>) src(%dma_wait3A_148 : memref<784x16xf32, #tpu.memory_space<vmem>>) dst(%dma_wait3A_145 : memref<784x16xf32, #tpu.memory_space<vmem_shared>>)
      tpu.yield
    }) : () -> ()
    %add3A_11 = arith.constant 2352 : i32
    %add3A_12 = arith.addi %mul3A_0, %add3A_11 : i32
    "tpu.region"() ({
      %run_scoped3A = tpu.sem_alloc : memref<!tpu.dma_semaphore, #tpu.memory_space<semaphore_mem>>
      %dma_start3A_129 = arith.constant 0 : i32
      %dma_start3A_130 = arith.constant 0 : i32
      %dma_start3A_131 = tpu.memref_slice %arg10[%dma_start3A_129, %dma_start3A_130] : memref<848x16xf32, #tpu.memory_space<vmem>> -> memref<784x16xf32, #tpu.memory_space<vmem>>
      %dma_start3A_132 = arith.constant 0 : i32
      %dma_start3A_133 = tpu.memref_slice %arg12[%add3A_12, %dma_start3A_132] : memref<100352x16xf32, #tpu.memory_space<vmem_shared>> -> memref<784x16xf32, #tpu.memory_space<vmem_shared>>
      %dma_start3A_134 = arith.constant 0 : i32
      %dma_start3A_135 = tpu.memref_slice %arg12[%add3A_12, %dma_start3A_134] : memref<100352x16xf32, #tpu.memory_space<vmem_shared>> -> memref<784x16xf32, #tpu.memory_space<vmem_shared>>
      %dma_start3A_136 = arith.constant 0 : i32
      %dma_start3A_137 = arith.constant 0 : i32
      %dma_start3A_138 = tpu.memref_slice %arg10[%dma_start3A_136, %dma_start3A_137] : memref<848x16xf32, #tpu.memory_space<vmem>> -> memref<784x16xf32, #tpu.memory_space<vmem>>
      tpu.enqueue_dma source(%dma_start3A_138 : memref<784x16xf32, #tpu.memory_space<vmem>>) target(%dma_start3A_135 : memref<784x16xf32, #tpu.memory_space<vmem_shared>>) target_semaphore(%run_scoped3A : memref<!tpu.dma_semaphore, #tpu.memory_space<semaphore_mem>>)
      %dma_wait3A_139 = arith.constant 0 : i32
      %dma_wait3A_140 = arith.constant 0 : i32
      %dma_wait3A_141 = tpu.memref_slice %arg10[%dma_wait3A_139, %dma_wait3A_140] : memref<848x16xf32, #tpu.memory_space<vmem>> -> memref<784x16xf32, #tpu.memory_space<vmem>>
      %dma_wait3A_142 = arith.constant 0 : i32
      %dma_wait3A_143 = tpu.memref_slice %arg12[%add3A_12, %dma_wait3A_142] : memref<100352x16xf32, #tpu.memory_space<vmem_shared>> -> memref<784x16xf32, #tpu.memory_space<vmem_shared>>
      %dma_wait3A_144 = arith.constant 0 : i32
      %dma_wait3A_145 = tpu.memref_slice %arg12[%add3A_12, %dma_wait3A_144] : memref<100352x16xf32, #tpu.memory_space<vmem_shared>> -> memref<784x16xf32, #tpu.memory_space<vmem_shared>>
      %dma_wait3A_146 = arith.constant 0 : i32
      %dma_wait3A_147 = arith.constant 0 : i32
      %dma_wait3A_148 = tpu.memref_slice %arg10[%dma_wait3A_146, %dma_wait3A_147] : memref<848x16xf32, #tpu.memory_space<vmem>> -> memref<784x16xf32, #tpu.memory_space<vmem>>
      tpu.wait_dma2 semaphore(%run_scoped3A : memref<!tpu.dma_semaphore, #tpu.memory_space<semaphore_mem>>) src(%dma_wait3A_148 : memref<784x16xf32, #tpu.memory_space<vmem>>) dst(%dma_wait3A_145 : memref<784x16xf32, #tpu.memory_space<vmem_shared>>)
      tpu.yield
    }) : () -> ()
    %add3A_13 = arith.constant 3136 : i32
    %add3A_14 = arith.addi %mul3A_0, %add3A_13 : i32
    "tpu.region"() ({
      %run_scoped3A = tpu.sem_alloc : memref<!tpu.dma_semaphore, #tpu.memory_space<semaphore_mem>>
      %dma_start3A_129 = arith.constant 0 : i32
      %dma_start3A_130 = arith.constant 0 : i32
      %dma_start3A_131 = tpu.memref_slice %arg10[%dma_start3A_129, %dma_start3A_130] : memref<848x16xf32, #tpu.memory_space<vmem>> -> memref<784x16xf32, #tpu.memory_space<vmem>>
      %dma_start3A_132 = arith.constant 0 : i32
      %dma_start3A_133 = tpu.memref_slice %arg12[%add3A_14, %dma_start3A_132] : memref<100352x16xf32, #tpu.memory_space<vmem_shared>> -> memref<784x16xf32, #tpu.memory_space<vmem_shared>>
      %dma_start3A_134 = arith.constant 0 : i32
      %dma_start3A_135 = tpu.memref_slice %arg12[%add3A_14, %dma_start3A_134] : memref<100352x16xf32, #tpu.memory_space<vmem_shared>> -> memref<784x16xf32, #tpu.memory_space<vmem_shared>>
      %dma_start3A_136 = arith.constant 0 : i32
      %dma_start3A_137 = arith.constant 0 : i32
      %dma_start3A_138 = tpu.memref_slice %arg10[%dma_start3A_136, %dma_start3A_137] : memref<848x16xf32, #tpu.memory_space<vmem>> -> memref<784x16xf32, #tpu.memory_space<vmem>>
      tpu.enqueue_dma source(%dma_start3A_138 : memref<784x16xf32, #tpu.memory_space<vmem>>) target(%dma_start3A_135 : memref<784x16xf32, #tpu.memory_space<vmem_shared>>) target_semaphore(%run_scoped3A : memref<!tpu.dma_semaphore, #tpu.memory_space<semaphore_mem>>)
      %dma_wait3A_139 = arith.constant 0 : i32
      %dma_wait3A_140 = arith.constant 0 : i32
      %dma_wait3A_141 = tpu.memref_slice %arg10[%dma_wait3A_139, %dma_wait3A_140] : memref<848x16xf32, #tpu.memory_space<vmem>> -> memref<784x16xf32, #tpu.memory_space<vmem>>
      %dma_wait3A_142 = arith.constant 0 : i32
      %dma_wait3A_143 = tpu.memref_slice %arg12[%add3A_14, %dma_wait3A_142] : memref<100352x16xf32, #tpu.memory_space<vmem_shared>> -> memref<784x16xf32, #tpu.memory_space<vmem_shared>>
      %dma_wait3A_144 = arith.constant 0 : i32
      %dma_wait3A_145 = tpu.memref_slice %arg12[%add3A_14, %dma_wait3A_144] : memref<100352x16xf32, #tpu.memory_space<vmem_shared>> -> memref<784x16xf32, #tpu.memory_space<vmem_shared>>
      %dma_wait3A_146 = arith.constant 0 : i32
      %dma_wait3A_147 = arith.constant 0 : i32
      %dma_wait3A_148 = tpu.memref_slice %arg10[%dma_wait3A_146, %dma_wait3A_147] : memref<848x16xf32, #tpu.memory_space<vmem>> -> memref<784x16xf32, #tpu.memory_space<vmem>>
      tpu.wait_dma2 semaphore(%run_scoped3A : memref<!tpu.dma_semaphore, #tpu.memory_space<semaphore_mem>>) src(%dma_wait3A_148 : memref<784x16xf32, #tpu.memory_space<vmem>>) dst(%dma_wait3A_145 : memref<784x16xf32, #tpu.memory_space<vmem_shared>>)
      tpu.yield
    }) : () -> ()
    %add3A_15 = arith.constant 3920 : i32
    %add3A_16 = arith.addi %mul3A_0, %add3A_15 : i32
    "tpu.region"() ({
      %run_scoped3A = tpu.sem_alloc : memref<!tpu.dma_semaphore, #tpu.memory_space<semaphore_mem>>
      %dma_start3A_129 = arith.constant 0 : i32
      %dma_start3A_130 = arith.constant 0 : i32
      %dma_start3A_131 = tpu.memref_slice %arg10[%dma_start3A_129, %dma_start3A_130] : memref<848x16xf32, #tpu.memory_space<vmem>> -> memref<784x16xf32, #tpu.memory_space<vmem>>
      %dma_start3A_132 = arith.constant 0 : i32
      %dma_start3A_133 = tpu.memref_slice %arg12[%add3A_16, %dma_start3A_132] : memref<100352x16xf32, #tpu.memory_space<vmem_shared>> -> memref<784x16xf32, #tpu.memory_space<vmem_shared>>
      %dma_start3A_134 = arith.constant 0 : i32
      %dma_start3A_135 = tpu.memref_slice %arg12[%add3A_16, %dma_start3A_134] : memref<100352x16xf32, #tpu.memory_space<vmem_shared>> -> memref<784x16xf32, #tpu.memory_space<vmem_shared>>
      %dma_start3A_136 = arith.constant 0 : i32
      %dma_start3A_137 = arith.constant 0 : i32
      %dma_start3A_138 = tpu.memref_slice %arg10[%dma_start3A_136, %dma_start3A_137] : memref<848x16xf32, #tpu.memory_space<vmem>> -> memref<784x16xf32, #tpu.memory_space<vmem>>
      tpu.enqueue_dma source(%dma_start3A_138 : memref<784x16xf32, #tpu.memory_space<vmem>>) target(%dma_start3A_135 : memref<784x16xf32, #tpu.memory_space<vmem_shared>>) target_semaphore(%run_scoped3A : memref<!tpu.dma_semaphore, #tpu.memory_space<semaphore_mem>>)
      %dma_wait3A_139 = arith.constant 0 : i32
      %dma_wait3A_140 = arith.constant 0 : i32
      %dma_wait3A_141 = tpu.memref_slice %arg10[%dma_wait3A_139, %dma_wait3A_140] : memref<848x16xf32, #tpu.memory_space<vmem>> -> memref<784x16xf32, #tpu.memory_space<vmem>>
      %dma_wait3A_142 = arith.constant 0 : i32
      %dma_wait3A_143 = tpu.memref_slice %arg12[%add3A_16, %dma_wait3A_142] : memref<100352x16xf32, #tpu.memory_space<vmem_shared>> -> memref<784x16xf32, #tpu.memory_space<vmem_shared>>
      %dma_wait3A_144 = arith.constant 0 : i32
      %dma_wait3A_145 = tpu.memref_slice %arg12[%add3A_16, %dma_wait3A_144] : memref<100352x16xf32, #tpu.memory_space<vmem_shared>> -> memref<784x16xf32, #tpu.memory_space<vmem_shared>>
      %dma_wait3A_146 = arith.constant 0 : i32
      %dma_wait3A_147 = arith.constant 0 : i32
      %dma_wait3A_148 = tpu.memref_slice %arg10[%dma_wait3A_146, %dma_wait3A_147] : memref<848x16xf32, #tpu.memory_space<vmem>> -> memref<784x16xf32, #tpu.memory_space<vmem>>
      tpu.wait_dma2 semaphore(%run_scoped3A : memref<!tpu.dma_semaphore, #tpu.memory_space<semaphore_mem>>) src(%dma_wait3A_148 : memref<784x16xf32, #tpu.memory_space<vmem>>) dst(%dma_wait3A_145 : memref<784x16xf32, #tpu.memory_space<vmem_shared>>)
      tpu.yield
    }) : () -> ()
    %add3A_17 = arith.constant 4704 : i32
    %add3A_18 = arith.addi %mul3A_0, %add3A_17 : i32
    "tpu.region"() ({
      %run_scoped3A = tpu.sem_alloc : memref<!tpu.dma_semaphore, #tpu.memory_space<semaphore_mem>>
      %dma_start3A_129 = arith.constant 0 : i32
      %dma_start3A_130 = arith.constant 0 : i32
      %dma_start3A_131 = tpu.memref_slice %arg10[%dma_start3A_129, %dma_start3A_130] : memref<848x16xf32, #tpu.memory_space<vmem>> -> memref<784x16xf32, #tpu.memory_space<vmem>>
      %dma_start3A_132 = arith.constant 0 : i32
      %dma_start3A_133 = tpu.memref_slice %arg12[%add3A_18, %dma_start3A_132] : memref<100352x16xf32, #tpu.memory_space<vmem_shared>> -> memref<784x16xf32, #tpu.memory_space<vmem_shared>>
      %dma_start3A_134 = arith.constant 0 : i32
      %dma_start3A_135 = tpu.memref_slice %arg12[%add3A_18, %dma_start3A_134] : memref<100352x16xf32, #tpu.memory_space<vmem_shared>> -> memref<784x16xf32, #tpu.memory_space<vmem_shared>>
      %dma_start3A_136 = arith.constant 0 : i32
      %dma_start3A_137 = arith.constant 0 : i32
      %dma_start3A_138 = tpu.memref_slice %arg10[%dma_start3A_136, %dma_start3A_137] : memref<848x16xf32, #tpu.memory_space<vmem>> -> memref<784x16xf32, #tpu.memory_space<vmem>>
      tpu.enqueue_dma source(%dma_start3A_138 : memref<784x16xf32, #tpu.memory_space<vmem>>) target(%dma_start3A_135 : memref<784x16xf32, #tpu.memory_space<vmem_shared>>) target_semaphore(%run_scoped3A : memref<!tpu.dma_semaphore, #tpu.memory_space<semaphore_mem>>)
      %dma_wait3A_139 = arith.constant 0 : i32
      %dma_wait3A_140 = arith.constant 0 : i32
      %dma_wait3A_141 = tpu.memref_slice %arg10[%dma_wait3A_139, %dma_wait3A_140] : memref<848x16xf32, #tpu.memory_space<vmem>> -> memref<784x16xf32, #tpu.memory_space<vmem>>
      %dma_wait3A_142 = arith.constant 0 : i32
      %dma_wait3A_143 = tpu.memref_slice %arg12[%add3A_18, %dma_wait3A_142] : memref<100352x16xf32, #tpu.memory_space<vmem_shared>> -> memref<784x16xf32, #tpu.memory_space<vmem_shared>>
      %dma_wait3A_144 = arith.constant 0 : i32
      %dma_wait3A_145 = tpu.memref_slice %arg12[%add3A_18, %dma_wait3A_144] : memref<100352x16xf32, #tpu.memory_space<vmem_shared>> -> memref<784x16xf32, #tpu.memory_space<vmem_shared>>
      %dma_wait3A_146 = arith.constant 0 : i32
      %dma_wait3A_147 = arith.constant 0 : i32
      %dma_wait3A_148 = tpu.memref_slice %arg10[%dma_wait3A_146, %dma_wait3A_147] : memref<848x16xf32, #tpu.memory_space<vmem>> -> memref<784x16xf32, #tpu.memory_space<vmem>>
      tpu.wait_dma2 semaphore(%run_scoped3A : memref<!tpu.dma_semaphore, #tpu.memory_space<semaphore_mem>>) src(%dma_wait3A_148 : memref<784x16xf32, #tpu.memory_space<vmem>>) dst(%dma_wait3A_145 : memref<784x16xf32, #tpu.memory_space<vmem_shared>>)
      tpu.yield
    }) : () -> ()
    %add3A_19 = arith.constant 5488 : i32
    %add3A_20 = arith.addi %mul3A_0, %add3A_19 : i32
    "tpu.region"() ({
      %run_scoped3A = tpu.sem_alloc : memref<!tpu.dma_semaphore, #tpu.memory_space<semaphore_mem>>
      %dma_start3A_129 = arith.constant 0 : i32
      %dma_start3A_130 = arith.constant 0 : i32
      %dma_start3A_131 = tpu.memref_slice %arg10[%dma_start3A_129, %dma_start3A_130] : memref<848x16xf32, #tpu.memory_space<vmem>> -> memref<784x16xf32, #tpu.memory_space<vmem>>
      %dma_start3A_132 = arith.constant 0 : i32
      %dma_start3A_133 = tpu.memref_slice %arg12[%add3A_20, %dma_start3A_132] : memref<100352x16xf32, #tpu.memory_space<vmem_shared>> -> memref<784x16xf32, #tpu.memory_space<vmem_shared>>
      %dma_start3A_134 = arith.constant 0 : i32
      %dma_start3A_135 = tpu.memref_slice %arg12[%add3A_20, %dma_start3A_134] : memref<100352x16xf32, #tpu.memory_space<vmem_shared>> -> memref<784x16xf32, #tpu.memory_space<vmem_shared>>
      %dma_start3A_136 = arith.constant 0 : i32
      %dma_start3A_137 = arith.constant 0 : i32
      %dma_start3A_138 = tpu.memref_slice %arg10[%dma_start3A_136, %dma_start3A_137] : memref<848x16xf32, #tpu.memory_space<vmem>> -> memref<784x16xf32, #tpu.memory_space<vmem>>
      tpu.enqueue_dma source(%dma_start3A_138 : memref<784x16xf32, #tpu.memory_space<vmem>>) target(%dma_start3A_135 : memref<784x16xf32, #tpu.memory_space<vmem_shared>>) target_semaphore(%run_scoped3A : memref<!tpu.dma_semaphore, #tpu.memory_space<semaphore_mem>>)
      %dma_wait3A_139 = arith.constant 0 : i32
      %dma_wait3A_140 = arith.constant 0 : i32
      %dma_wait3A_141 = tpu.memref_slice %arg10[%dma_wait3A_139, %dma_wait3A_140] : memref<848x16xf32, #tpu.memory_space<vmem>> -> memref<784x16xf32, #tpu.memory_space<vmem>>
      %dma_wait3A_142 = arith.constant 0 : i32
      %dma_wait3A_143 = tpu.memref_slice %arg12[%add3A_20, %dma_wait3A_142] : memref<100352x16xf32, #tpu.memory_space<vmem_shared>> -> memref<784x16xf32, #tpu.memory_space<vmem_shared>>
      %dma_wait3A_144 = arith.constant 0 : i32
      %dma_wait3A_145 = tpu.memref_slice %arg12[%add3A_20, %dma_wait3A_144] : memref<100352x16xf32, #tpu.memory_space<vmem_shared>> -> memref<784x16xf32, #tpu.memory_space<vmem_shared>>
      %dma_wait3A_146 = arith.constant 0 : i32
      %dma_wait3A_147 = arith.constant 0 : i32
      %dma_wait3A_148 = tpu.memref_slice %arg10[%dma_wait3A_146, %dma_wait3A_147] : memref<848x16xf32, #tpu.memory_space<vmem>> -> memref<784x16xf32, #tpu.memory_space<vmem>>
      tpu.wait_dma2 semaphore(%run_scoped3A : memref<!tpu.dma_semaphore, #tpu.memory_space<semaphore_mem>>) src(%dma_wait3A_148 : memref<784x16xf32, #tpu.memory_space<vmem>>) dst(%dma_wait3A_145 : memref<784x16xf32, #tpu.memory_space<vmem_shared>>)
      tpu.yield
    }) : () -> ()
    %barrier3A = arith.constant 0 : index
    tpu.barrier barrier_id(%barrier3A)
    %mul3A_21 = arith.constant 2 : i32
    %mul3A_22 = arith.muli %arg1, %mul3A_21 : i32
    %add3A_23 = arith.addi %mul3A_22, %arg0 : i32
    %mul3A_24 = arith.constant 200128 : i32
    %mul3A_25 = arith.muli %add3A_23, %mul3A_24 : i32
    %dma_start3A = tpu.memref_slice %arg3[%mul3A_25] : memref<6404096xi32, #tpu.memory_space<hbm>> -> memref<848xi32, #tpu.memory_space<hbm>>
    %dma_start3A_26 = tpu.memref_slice %arg3[%mul3A_25] : memref<6404096xi32, #tpu.memory_space<hbm>> -> memref<848xi32, #tpu.memory_space<hbm>>
    tpu.enqueue_dma source(%dma_start3A_26 : memref<848xi32, #tpu.memory_space<hbm>>) target(%arg6 : memref<848xi32, #tpu.memory_space<vmem>>) target_semaphore(%arg13 : memref<!tpu.dma_semaphore, #tpu.memory_space<semaphore_mem>>)
    %dma_start3A_27 = tpu.memref_slice %arg4[%mul3A_25] : memref<6404096xi32, #tpu.memory_space<hbm>> -> memref<848xi32, #tpu.memory_space<hbm>>
    %dma_start3A_28 = tpu.memref_slice %arg4[%mul3A_25] : memref<6404096xi32, #tpu.memory_space<hbm>> -> memref<848xi32, #tpu.memory_space<hbm>>
    tpu.enqueue_dma source(%dma_start3A_28 : memref<848xi32, #tpu.memory_space<hbm>>) target(%arg8 : memref<848xi32, #tpu.memory_space<vmem>>) target_semaphore(%arg13 : memref<!tpu.dma_semaphore, #tpu.memory_space<semaphore_mem>>)
    %dma_wait3A = tpu.memref_slice %arg3[%mul3A_25] : memref<6404096xi32, #tpu.memory_space<hbm>> -> memref<848xi32, #tpu.memory_space<hbm>>
    %dma_wait3A_29 = tpu.memref_slice %arg3[%mul3A_25] : memref<6404096xi32, #tpu.memory_space<hbm>> -> memref<848xi32, #tpu.memory_space<hbm>>
    tpu.wait_dma2 semaphore(%arg13 : memref<!tpu.dma_semaphore, #tpu.memory_space<semaphore_mem>>) src(%dma_wait3A_29 : memref<848xi32, #tpu.memory_space<hbm>>) dst(%arg6 : memref<848xi32, #tpu.memory_space<vmem>>)
    %dma_wait3A_30 = tpu.memref_slice %arg4[%mul3A_25] : memref<6404096xi32, #tpu.memory_space<hbm>> -> memref<848xi32, #tpu.memory_space<hbm>>
    %dma_wait3A_31 = tpu.memref_slice %arg4[%mul3A_25] : memref<6404096xi32, #tpu.memory_space<hbm>> -> memref<848xi32, #tpu.memory_space<hbm>>
    tpu.wait_dma2 semaphore(%arg13 : memref<!tpu.dma_semaphore, #tpu.memory_space<semaphore_mem>>) src(%dma_wait3A_31 : memref<848xi32, #tpu.memory_space<hbm>>) dst(%arg8 : memref<848xi32, #tpu.memory_space<vmem>>)
    %dma_start3A_32 = arith.constant 0 : i32
    %dma_start3A_33 = arith.constant 0 : i32
    %dma_start3A_34 = tpu.memref_slice %arg2[%dma_start3A_32, %dma_start3A_33] : memref<100352x16xf32, #tpu.memory_space<hbm>> -> memref<100352x16xf32, #tpu.memory_space<hbm>>
    tpu.enqueue_indirect_dma source(%dma_start3A_34 : memref<100352x16xf32, #tpu.memory_space<hbm>>) target(%arg10 : memref<848x16xf32, #tpu.memory_space<vmem>>) offsets(%arg6 : memref<848xi32, #tpu.memory_space<vmem>>) semaphore(%arg14 : memref<!tpu.dma_semaphore, #tpu.memory_space<semaphore_mem>>)
    %add3A_35 = arith.constant 848 : i32
    %add3A_36 = arith.addi %mul3A_25, %add3A_35 : i32
    %dma_start3A_37 = tpu.memref_slice %arg3[%add3A_36] : memref<6404096xi32, #tpu.memory_space<hbm>> -> memref<848xi32, #tpu.memory_space<hbm>>
    %dma_start3A_38 = tpu.memref_slice %arg3[%add3A_36] : memref<6404096xi32, #tpu.memory_space<hbm>> -> memref<848xi32, #tpu.memory_space<hbm>>
    tpu.enqueue_dma source(%dma_start3A_38 : memref<848xi32, #tpu.memory_space<hbm>>) target(%arg7 : memref<848xi32, #tpu.memory_space<vmem>>) target_semaphore(%arg13 : memref<!tpu.dma_semaphore, #tpu.memory_space<semaphore_mem>>)
    %dma_start3A_39 = tpu.memref_slice %arg4[%add3A_36] : memref<6404096xi32, #tpu.memory_space<hbm>> -> memref<848xi32, #tpu.memory_space<hbm>>
    %dma_start3A_40 = tpu.memref_slice %arg4[%add3A_36] : memref<6404096xi32, #tpu.memory_space<hbm>> -> memref<848xi32, #tpu.memory_space<hbm>>
    tpu.enqueue_dma source(%dma_start3A_40 : memref<848xi32, #tpu.memory_space<hbm>>) target(%arg9 : memref<848xi32, #tpu.memory_space<vmem>>) target_semaphore(%arg13 : memref<!tpu.dma_semaphore, #tpu.memory_space<semaphore_mem>>)
    %dma_wait3A_41 = arith.constant 0 : i32
    %dma_wait3A_42 = arith.constant 0 : i32
    %dma_wait3A_43 = tpu.memref_slice %arg2[%dma_wait3A_41, %dma_wait3A_42] : memref<100352x16xf32, #tpu.memory_space<hbm>> -> memref<100352x16xf32, #tpu.memory_space<hbm>>
    tpu.wait_indirect_dma semaphore(%arg14 : memref<!tpu.dma_semaphore, #tpu.memory_space<semaphore_mem>>) src(%dma_wait3A_43 : memref<100352x16xf32, #tpu.memory_space<hbm>>) dst(%arg10 : memref<848x16xf32, #tpu.memory_space<vmem>>)
    %dma_start3A_44 = arith.constant 0 : i32
    %dma_start3A_45 = arith.constant 0 : i32
    %dma_start3A_46 = tpu.memref_slice %arg12[%dma_start3A_44, %dma_start3A_45] : memref<100352x16xf32, #tpu.memory_space<vmem_shared>> -> memref<100352x16xf32, #tpu.memory_space<vmem_shared>>
    tpu.enqueue_indirect_dma source(%arg10 : memref<848x16xf32, #tpu.memory_space<vmem>>) target(%dma_start3A_46 : memref<100352x16xf32, #tpu.memory_space<vmem_shared>>) offsets(%arg8 : memref<848xi32, #tpu.memory_space<vmem>>) semaphore(%arg15 : memref<!tpu.dma_semaphore, #tpu.memory_space<semaphore_mem>>) {add = true}
    %scan3A_47 = arith.constant 0 : i32
    %scan3A_48 = arith.constant 0 : i32
    %scan3A_49 = arith.constant 117 : i32
    %scan3A_50 = arith.addi %scan3A_48, %scan3A_49 : i32
    %scan3A_51 = arith.constant 1 : i32
    scf.for %scan3A_129 = %scan3A_48 to %scan3A_50 step %scan3A_51  : i32 {
      %mul3A_130 = arith.constant 2 : i32
      %mul3A_131 = arith.muli %mul3A_130, %scan3A_129 : i32
      %add3A_132 = arith.constant 1 : i32
      %add3A_133 = arith.addi %add3A_132, %mul3A_131 : i32
      %dma_wait3A_134 = tpu.memref_slice %arg3[%mul3A_25] : memref<6404096xi32, #tpu.memory_space<hbm>> -> memref<848xi32, #tpu.memory_space<hbm>>
      %dma_wait3A_135 = tpu.memref_slice %arg3[%mul3A_25] : memref<6404096xi32, #tpu.memory_space<hbm>> -> memref<848xi32, #tpu.memory_space<hbm>>
      tpu.wait_dma2 semaphore(%arg13 : memref<!tpu.dma_semaphore, #tpu.memory_space<semaphore_mem>>) src(%dma_wait3A_135 : memref<848xi32, #tpu.memory_space<hbm>>) dst(%arg7 : memref<848xi32, #tpu.memory_space<vmem>>)
      %dma_wait3A_136 = tpu.memref_slice %arg4[%mul3A_25] : memref<6404096xi32, #tpu.memory_space<hbm>> -> memref<848xi32, #tpu.memory_space<hbm>>
      %dma_wait3A_137 = tpu.memref_slice %arg4[%mul3A_25] : memref<6404096xi32, #tpu.memory_space<hbm>> -> memref<848xi32, #tpu.memory_space<hbm>>
      tpu.wait_dma2 semaphore(%arg13 : memref<!tpu.dma_semaphore, #tpu.memory_space<semaphore_mem>>) src(%dma_wait3A_137 : memref<848xi32, #tpu.memory_space<hbm>>) dst(%arg9 : memref<848xi32, #tpu.memory_space<vmem>>)
      %dma_start3A_138 = arith.constant 0 : i32
      %dma_start3A_139 = arith.constant 0 : i32
      %dma_start3A_140 = tpu.memref_slice %arg2[%dma_start3A_138, %dma_start3A_139] : memref<100352x16xf32, #tpu.memory_space<hbm>> -> memref<100352x16xf32, #tpu.memory_space<hbm>>
      tpu.enqueue_indirect_dma source(%dma_start3A_140 : memref<100352x16xf32, #tpu.memory_space<hbm>>) target(%arg11 : memref<848x16xf32, #tpu.memory_space<vmem>>) offsets(%arg7 : memref<848xi32, #tpu.memory_space<vmem>>) semaphore(%arg14 : memref<!tpu.dma_semaphore, #tpu.memory_space<semaphore_mem>>)
      %dma_wait3A_141 = arith.constant 0 : i32
      %dma_wait3A_142 = arith.constant 0 : i32
      %dma_wait3A_143 = tpu.memref_slice %arg12[%dma_wait3A_141, %dma_wait3A_142] : memref<100352x16xf32, #tpu.memory_space<vmem_shared>> -> memref<100352x16xf32, #tpu.memory_space<vmem_shared>>
      tpu.wait_indirect_dma semaphore(%arg15 : memref<!tpu.dma_semaphore, #tpu.memory_space<semaphore_mem>>) src(%arg10 : memref<848x16xf32, #tpu.memory_space<vmem>>) dst(%dma_wait3A_143 : memref<100352x16xf32, #tpu.memory_space<vmem_shared>>)
      %add3A_144 = arith.constant 1 : i32
      %add3A_145 = arith.addi %add3A_133, %add3A_144 : i32
      %mul3A_146 = arith.constant 848 : i32
      %mul3A_147 = arith.muli %add3A_145, %mul3A_146 : i32
      %add3A_148 = arith.addi %mul3A_25, %mul3A_147 : i32
      %dma_start3A_149 = tpu.memref_slice %arg3[%add3A_148] : memref<6404096xi32, #tpu.memory_space<hbm>> -> memref<848xi32, #tpu.memory_space<hbm>>
      %dma_start3A_150 = tpu.memref_slice %arg3[%add3A_148] : memref<6404096xi32, #tpu.memory_space<hbm>> -> memref<848xi32, #tpu.memory_space<hbm>>
      tpu.enqueue_dma source(%dma_start3A_150 : memref<848xi32, #tpu.memory_space<hbm>>) target(%arg6 : memref<848xi32, #tpu.memory_space<vmem>>) target_semaphore(%arg13 : memref<!tpu.dma_semaphore, #tpu.memory_space<semaphore_mem>>)
      %dma_start3A_151 = tpu.memref_slice %arg4[%add3A_148] : memref<6404096xi32, #tpu.memory_space<hbm>> -> memref<848xi32, #tpu.memory_space<hbm>>
      %dma_start3A_152 = tpu.memref_slice %arg4[%add3A_148] : memref<6404096xi32, #tpu.memory_space<hbm>> -> memref<848xi32, #tpu.memory_space<hbm>>
      tpu.enqueue_dma source(%dma_start3A_152 : memref<848xi32, #tpu.memory_space<hbm>>) target(%arg8 : memref<848xi32, #tpu.memory_space<vmem>>) target_semaphore(%arg13 : memref<!tpu.dma_semaphore, #tpu.memory_space<semaphore_mem>>)
      %dma_wait3A_153 = arith.constant 0 : i32
      %dma_wait3A_154 = arith.constant 0 : i32
      %dma_wait3A_155 = tpu.memref_slice %arg2[%dma_wait3A_153, %dma_wait3A_154] : memref<100352x16xf32, #tpu.memory_space<hbm>> -> memref<100352x16xf32, #tpu.memory_space<hbm>>
      tpu.wait_indirect_dma semaphore(%arg14 : memref<!tpu.dma_semaphore, #tpu.memory_space<semaphore_mem>>) src(%dma_wait3A_155 : memref<100352x16xf32, #tpu.memory_space<hbm>>) dst(%arg11 : memref<848x16xf32, #tpu.memory_space<vmem>>)
      %dma_start3A_156 = arith.constant 0 : i32
      %dma_start3A_157 = arith.constant 0 : i32
      %dma_start3A_158 = tpu.memref_slice %arg12[%dma_start3A_156, %dma_start3A_157] : memref<100352x16xf32, #tpu.memory_space<vmem_shared>> -> memref<100352x16xf32, #tpu.memory_space<vmem_shared>>
      tpu.enqueue_indirect_dma source(%arg11 : memref<848x16xf32, #tpu.memory_space<vmem>>) target(%dma_start3A_158 : memref<100352x16xf32, #tpu.memory_space<vmem_shared>>) offsets(%arg9 : memref<848xi32, #tpu.memory_space<vmem>>) semaphore(%arg15 : memref<!tpu.dma_semaphore, #tpu.memory_space<semaphore_mem>>) {add = true}
      %mul3A_159 = arith.constant 2 : i32
      %mul3A_160 = arith.muli %mul3A_159, %scan3A_129 : i32
      %add3A_161 = arith.constant 2 : i32
      %add3A_162 = arith.addi %add3A_161, %mul3A_160 : i32
      %dma_wait3A_163 = tpu.memref_slice %arg3[%mul3A_25] : memref<6404096xi32, #tpu.memory_space<hbm>> -> memref<848xi32, #tpu.memory_space<hbm>>
      %dma_wait3A_164 = tpu.memref_slice %arg3[%mul3A_25] : memref<6404096xi32, #tpu.memory_space<hbm>> -> memref<848xi32, #tpu.memory_space<hbm>>
      tpu.wait_dma2 semaphore(%arg13 : memref<!tpu.dma_semaphore, #tpu.memory_space<semaphore_mem>>) src(%dma_wait3A_164 : memref<848xi32, #tpu.memory_space<hbm>>) dst(%arg6 : memref<848xi32, #tpu.memory_space<vmem>>)
      %dma_wait3A_165 = tpu.memref_slice %arg4[%mul3A_25] : memref<6404096xi32, #tpu.memory_space<hbm>> -> memref<848xi32, #tpu.memory_space<hbm>>
      %dma_wait3A_166 = tpu.memref_slice %arg4[%mul3A_25] : memref<6404096xi32, #tpu.memory_space<hbm>> -> memref<848xi32, #tpu.memory_space<hbm>>
      tpu.wait_dma2 semaphore(%arg13 : memref<!tpu.dma_semaphore, #tpu.memory_space<semaphore_mem>>) src(%dma_wait3A_166 : memref<848xi32, #tpu.memory_space<hbm>>) dst(%arg8 : memref<848xi32, #tpu.memory_space<vmem>>)
      %dma_start3A_167 = arith.constant 0 : i32
      %dma_start3A_168 = arith.constant 0 : i32
      %dma_start3A_169 = tpu.memref_slice %arg2[%dma_start3A_167, %dma_start3A_168] : memref<100352x16xf32, #tpu.memory_space<hbm>> -> memref<100352x16xf32, #tpu.memory_space<hbm>>
      tpu.enqueue_indirect_dma source(%dma_start3A_169 : memref<100352x16xf32, #tpu.memory_space<hbm>>) target(%arg10 : memref<848x16xf32, #tpu.memory_space<vmem>>) offsets(%arg6 : memref<848xi32, #tpu.memory_space<vmem>>) semaphore(%arg14 : memref<!tpu.dma_semaphore, #tpu.memory_space<semaphore_mem>>)
      %dma_wait3A_170 = arith.constant 0 : i32
      %dma_wait3A_171 = arith.constant 0 : i32
      %dma_wait3A_172 = tpu.memref_slice %arg12[%dma_wait3A_170, %dma_wait3A_171] : memref<100352x16xf32, #tpu.memory_space<vmem_shared>> -> memref<100352x16xf32, #tpu.memory_space<vmem_shared>>
      tpu.wait_indirect_dma semaphore(%arg15 : memref<!tpu.dma_semaphore, #tpu.memory_space<semaphore_mem>>) src(%arg10 : memref<848x16xf32, #tpu.memory_space<vmem>>) dst(%dma_wait3A_172 : memref<100352x16xf32, #tpu.memory_space<vmem_shared>>)
      %add3A_173 = arith.constant 1 : i32
      %add3A_174 = arith.addi %add3A_162, %add3A_173 : i32
      %mul3A_175 = arith.constant 848 : i32
      %mul3A_176 = arith.muli %add3A_174, %mul3A_175 : i32
      %add3A_177 = arith.addi %mul3A_25, %mul3A_176 : i32
      %dma_start3A_178 = tpu.memref_slice %arg3[%add3A_177] : memref<6404096xi32, #tpu.memory_space<hbm>> -> memref<848xi32, #tpu.memory_space<hbm>>
      %dma_start3A_179 = tpu.memref_slice %arg3[%add3A_177] : memref<6404096xi32, #tpu.memory_space<hbm>> -> memref<848xi32, #tpu.memory_space<hbm>>
      tpu.enqueue_dma source(%dma_start3A_179 : memref<848xi32, #tpu.memory_space<hbm>>) target(%arg7 : memref<848xi32, #tpu.memory_space<vmem>>) target_semaphore(%arg13 : memref<!tpu.dma_semaphore, #tpu.memory_space<semaphore_mem>>)
      %dma_start3A_180 = tpu.memref_slice %arg4[%add3A_177] : memref<6404096xi32, #tpu.memory_space<hbm>> -> memref<848xi32, #tpu.memory_space<hbm>>
      %dma_start3A_181 = tpu.memref_slice %arg4[%add3A_177] : memref<6404096xi32, #tpu.memory_space<hbm>> -> memref<848xi32, #tpu.memory_space<hbm>>
      tpu.enqueue_dma source(%dma_start3A_181 : memref<848xi32, #tpu.memory_space<hbm>>) target(%arg9 : memref<848xi32, #tpu.memory_space<vmem>>) target_semaphore(%arg13 : memref<!tpu.dma_semaphore, #tpu.memory_space<semaphore_mem>>)
      %dma_wait3A_182 = arith.constant 0 : i32
      %dma_wait3A_183 = arith.constant 0 : i32
      %dma_wait3A_184 = tpu.memref_slice %arg2[%dma_wait3A_182, %dma_wait3A_183] : memref<100352x16xf32, #tpu.memory_space<hbm>> -> memref<100352x16xf32, #tpu.memory_space<hbm>>
      tpu.wait_indirect_dma semaphore(%arg14 : memref<!tpu.dma_semaphore, #tpu.memory_space<semaphore_mem>>) src(%dma_wait3A_184 : memref<100352x16xf32, #tpu.memory_space<hbm>>) dst(%arg10 : memref<848x16xf32, #tpu.memory_space<vmem>>)
      %dma_start3A_185 = arith.constant 0 : i32
      %dma_start3A_186 = arith.constant 0 : i32
      %dma_start3A_187 = tpu.memref_slice %arg12[%dma_start3A_185, %dma_start3A_186] : memref<100352x16xf32, #tpu.memory_space<vmem_shared>> -> memref<100352x16xf32, #tpu.memory_space<vmem_shared>>
      tpu.enqueue_indirect_dma source(%arg10 : memref<848x16xf32, #tpu.memory_space<vmem>>) target(%dma_start3A_187 : memref<100352x16xf32, #tpu.memory_space<vmem_shared>>) offsets(%arg8 : memref<848xi32, #tpu.memory_space<vmem>>) semaphore(%arg15 : memref<!tpu.dma_semaphore, #tpu.memory_space<semaphore_mem>>) {add = true}
    }
    %scan3A_52 = arith.constant 117 : i32
    %dma_wait3A_53 = tpu.memref_slice %arg3[%mul3A_25] : memref<6404096xi32, #tpu.memory_space<hbm>> -> memref<848xi32, #tpu.memory_space<hbm>>
    %dma_wait3A_54 = tpu.memref_slice %arg3[%mul3A_25] : memref<6404096xi32, #tpu.memory_space<hbm>> -> memref<848xi32, #tpu.memory_space<hbm>>
    tpu.wait_dma2 semaphore(%arg13 : memref<!tpu.dma_semaphore, #tpu.memory_space<semaphore_mem>>) src(%dma_wait3A_54 : memref<848xi32, #tpu.memory_space<hbm>>) dst(%arg7 : memref<848xi32, #tpu.memory_space<vmem>>)
    %dma_wait3A_55 = tpu.memref_slice %arg4[%mul3A_25] : memref<6404096xi32, #tpu.memory_space<hbm>> -> memref<848xi32, #tpu.memory_space<hbm>>
    %dma_wait3A_56 = tpu.memref_slice %arg4[%mul3A_25] : memref<6404096xi32, #tpu.memory_space<hbm>> -> memref<848xi32, #tpu.memory_space<hbm>>
    tpu.wait_dma2 semaphore(%arg13 : memref<!tpu.dma_semaphore, #tpu.memory_space<semaphore_mem>>) src(%dma_wait3A_56 : memref<848xi32, #tpu.memory_space<hbm>>) dst(%arg9 : memref<848xi32, #tpu.memory_space<vmem>>)
    %dma_start3A_57 = arith.constant 0 : i32
    %dma_start3A_58 = arith.constant 0 : i32
    %dma_start3A_59 = tpu.memref_slice %arg2[%dma_start3A_57, %dma_start3A_58] : memref<100352x16xf32, #tpu.memory_space<hbm>> -> memref<100352x16xf32, #tpu.memory_space<hbm>>
    tpu.enqueue_indirect_dma source(%dma_start3A_59 : memref<100352x16xf32, #tpu.memory_space<hbm>>) target(%arg11 : memref<848x16xf32, #tpu.memory_space<vmem>>) offsets(%arg7 : memref<848xi32, #tpu.memory_space<vmem>>) semaphore(%arg14 : memref<!tpu.dma_semaphore, #tpu.memory_space<semaphore_mem>>)
    %dma_wait3A_60 = arith.constant 0 : i32
    %dma_wait3A_61 = arith.constant 0 : i32
    %dma_wait3A_62 = tpu.memref_slice %arg12[%dma_wait3A_60, %dma_wait3A_61] : memref<100352x16xf32, #tpu.memory_space<vmem_shared>> -> memref<100352x16xf32, #tpu.memory_space<vmem_shared>>
    tpu.wait_indirect_dma semaphore(%arg15 : memref<!tpu.dma_semaphore, #tpu.memory_space<semaphore_mem>>) src(%arg10 : memref<848x16xf32, #tpu.memory_space<vmem>>) dst(%dma_wait3A_62 : memref<100352x16xf32, #tpu.memory_space<vmem_shared>>)
    %dma_wait3A_63 = arith.constant 0 : i32
    %dma_wait3A_64 = arith.constant 0 : i32
    %dma_wait3A_65 = tpu.memref_slice %arg2[%dma_wait3A_63, %dma_wait3A_64] : memref<100352x16xf32, #tpu.memory_space<hbm>> -> memref<100352x16xf32, #tpu.memory_space<hbm>>
    tpu.wait_indirect_dma semaphore(%arg14 : memref<!tpu.dma_semaphore, #tpu.memory_space<semaphore_mem>>) src(%dma_wait3A_65 : memref<100352x16xf32, #tpu.memory_space<hbm>>) dst(%arg11 : memref<848x16xf32, #tpu.memory_space<vmem>>)
    %dma_start3A_66 = arith.constant 0 : i32
    %dma_start3A_67 = arith.constant 0 : i32
    %dma_start3A_68 = tpu.memref_slice %arg12[%dma_start3A_66, %dma_start3A_67] : memref<100352x16xf32, #tpu.memory_space<vmem_shared>> -> memref<100352x16xf32, #tpu.memory_space<vmem_shared>>
    tpu.enqueue_indirect_dma source(%arg11 : memref<848x16xf32, #tpu.memory_space<vmem>>) target(%dma_start3A_68 : memref<100352x16xf32, #tpu.memory_space<vmem_shared>>) offsets(%arg9 : memref<848xi32, #tpu.memory_space<vmem>>) semaphore(%arg15 : memref<!tpu.dma_semaphore, #tpu.memory_space<semaphore_mem>>) {add = true}
    %dma_wait3A_69 = arith.constant 0 : i32
    %dma_wait3A_70 = arith.constant 0 : i32
    %dma_wait3A_71 = tpu.memref_slice %arg12[%dma_wait3A_69, %dma_wait3A_70] : memref<100352x16xf32, #tpu.memory_space<vmem_shared>> -> memref<100352x16xf32, #tpu.memory_space<vmem_shared>>
    tpu.wait_indirect_dma semaphore(%arg15 : memref<!tpu.dma_semaphore, #tpu.memory_space<semaphore_mem>>) src(%arg10 : memref<848x16xf32, #tpu.memory_space<vmem>>) dst(%dma_wait3A_71 : memref<100352x16xf32, #tpu.memory_space<vmem_shared>>)
    %barrier3A_72 = arith.constant 0 : index
    tpu.barrier barrier_id(%barrier3A_72)
    %add3A_73 = arith.constant 0 : i32
    %add3A_74 = arith.addi %mul3A_0, %add3A_73 : i32
    "tpu.region"() ({
      %run_scoped3A = tpu.sem_alloc : memref<!tpu.dma_semaphore, #tpu.memory_space<semaphore_mem>>
      %dma_start3A_129 = arith.constant 0 : i32
      %dma_start3A_130 = arith.constant 0 : i32
      %dma_start3A_131 = tpu.memref_slice %arg10[%dma_start3A_129, %dma_start3A_130] : memref<848x16xf32, #tpu.memory_space<vmem>> -> memref<784x16xf32, #tpu.memory_space<vmem>>
      %dma_start3A_132 = arith.constant 0 : i32
      %dma_start3A_133 = tpu.memref_slice %arg12[%add3A_74, %dma_start3A_132] : memref<100352x16xf32, #tpu.memory_space<vmem_shared>> -> memref<784x16xf32, #tpu.memory_space<vmem_shared>>
      %dma_start3A_134 = arith.constant 0 : i32
      %dma_start3A_135 = arith.constant 0 : i32
      %dma_start3A_136 = tpu.memref_slice %arg10[%dma_start3A_134, %dma_start3A_135] : memref<848x16xf32, #tpu.memory_space<vmem>> -> memref<784x16xf32, #tpu.memory_space<vmem>>
      %dma_start3A_137 = arith.constant 0 : i32
      %dma_start3A_138 = tpu.memref_slice %arg12[%add3A_74, %dma_start3A_137] : memref<100352x16xf32, #tpu.memory_space<vmem_shared>> -> memref<784x16xf32, #tpu.memory_space<vmem_shared>>
      tpu.enqueue_dma source(%dma_start3A_138 : memref<784x16xf32, #tpu.memory_space<vmem_shared>>) target(%dma_start3A_136 : memref<784x16xf32, #tpu.memory_space<vmem>>) target_semaphore(%run_scoped3A : memref<!tpu.dma_semaphore, #tpu.memory_space<semaphore_mem>>)
      %dma_wait3A_139 = arith.constant 0 : i32
      %dma_wait3A_140 = arith.constant 0 : i32
      %dma_wait3A_141 = tpu.memref_slice %arg10[%dma_wait3A_139, %dma_wait3A_140] : memref<848x16xf32, #tpu.memory_space<vmem>> -> memref<784x16xf32, #tpu.memory_space<vmem>>
      %dma_wait3A_142 = arith.constant 0 : i32
      %dma_wait3A_143 = tpu.memref_slice %arg12[%add3A_74, %dma_wait3A_142] : memref<100352x16xf32, #tpu.memory_space<vmem_shared>> -> memref<784x16xf32, #tpu.memory_space<vmem_shared>>
      %dma_wait3A_144 = arith.constant 0 : i32
      %dma_wait3A_145 = arith.constant 0 : i32
      %dma_wait3A_146 = tpu.memref_slice %arg10[%dma_wait3A_144, %dma_wait3A_145] : memref<848x16xf32, #tpu.memory_space<vmem>> -> memref<784x16xf32, #tpu.memory_space<vmem>>
      %dma_wait3A_147 = arith.constant 0 : i32
      %dma_wait3A_148 = tpu.memref_slice %arg12[%add3A_74, %dma_wait3A_147] : memref<100352x16xf32, #tpu.memory_space<vmem_shared>> -> memref<784x16xf32, #tpu.memory_space<vmem_shared>>
      tpu.wait_dma2 semaphore(%run_scoped3A : memref<!tpu.dma_semaphore, #tpu.memory_space<semaphore_mem>>) src(%dma_wait3A_148 : memref<784x16xf32, #tpu.memory_space<vmem_shared>>) dst(%dma_wait3A_146 : memref<784x16xf32, #tpu.memory_space<vmem>>)
      tpu.yield
    }) : () -> ()
    %mul3A_75 = arith.constant 100352 : i32
    %mul3A_76 = arith.muli %arg0, %mul3A_75 : i32
    %add3A_77 = arith.addi %mul3A_76, %mul3A_0 : i32
    %add3A_78 = arith.constant 0 : i32
    %add3A_79 = arith.addi %add3A_77, %add3A_78 : i32
    "tpu.region"() ({
      %run_scoped3A = tpu.sem_alloc : memref<!tpu.dma_semaphore, #tpu.memory_space<semaphore_mem>>
      %dma_start3A_129 = arith.constant 0 : i32
      %dma_start3A_130 = arith.constant 0 : i32
      %dma_start3A_131 = tpu.memref_slice %arg10[%dma_start3A_129, %dma_start3A_130] : memref<848x16xf32, #tpu.memory_space<vmem>> -> memref<784x16xf32, #tpu.memory_space<vmem>>
      %dma_start3A_132 = arith.constant 0 : i32
      %dma_start3A_133 = tpu.memref_slice %arg5[%add3A_79, %dma_start3A_132] : memref<200704x16xf32, #tpu.memory_space<hbm>> -> memref<784x16xf32, #tpu.memory_space<hbm>>
      %dma_start3A_134 = arith.constant 0 : i32
      %dma_start3A_135 = tpu.memref_slice %arg5[%add3A_79, %dma_start3A_134] : memref<200704x16xf32, #tpu.memory_space<hbm>> -> memref<784x16xf32, #tpu.memory_space<hbm>>
      %dma_start3A_136 = arith.constant 0 : i32
      %dma_start3A_137 = arith.constant 0 : i32
      %dma_start3A_138 = tpu.memref_slice %arg10[%dma_start3A_136, %dma_start3A_137] : memref<848x16xf32, #tpu.memory_space<vmem>> -> memref<784x16xf32, #tpu.memory_space<vmem>>
      tpu.enqueue_dma source(%dma_start3A_138 : memref<784x16xf32, #tpu.memory_space<vmem>>) target(%dma_start3A_135 : memref<784x16xf32, #tpu.memory_space<hbm>>) target_semaphore(%run_scoped3A : memref<!tpu.dma_semaphore, #tpu.memory_space<semaphore_mem>>)
      %dma_wait3A_139 = arith.constant 0 : i32
      %dma_wait3A_140 = arith.constant 0 : i32
      %dma_wait3A_141 = tpu.memref_slice %arg10[%dma_wait3A_139, %dma_wait3A_140] : memref<848x16xf32, #tpu.memory_space<vmem>> -> memref<784x16xf32, #tpu.memory_space<vmem>>
      %dma_wait3A_142 = arith.constant 0 : i32
      %dma_wait3A_143 = tpu.memref_slice %arg5[%add3A_79, %dma_wait3A_142] : memref<200704x16xf32, #tpu.memory_space<hbm>> -> memref<784x16xf32, #tpu.memory_space<hbm>>
      %dma_wait3A_144 = arith.constant 0 : i32
      %dma_wait3A_145 = tpu.memref_slice %arg5[%add3A_79, %dma_wait3A_144] : memref<200704x16xf32, #tpu.memory_space<hbm>> -> memref<784x16xf32, #tpu.memory_space<hbm>>
      %dma_wait3A_146 = arith.constant 0 : i32
      %dma_wait3A_147 = arith.constant 0 : i32
      %dma_wait3A_148 = tpu.memref_slice %arg10[%dma_wait3A_146, %dma_wait3A_147] : memref<848x16xf32, #tpu.memory_space<vmem>> -> memref<784x16xf32, #tpu.memory_space<vmem>>
      tpu.wait_dma2 semaphore(%run_scoped3A : memref<!tpu.dma_semaphore, #tpu.memory_space<semaphore_mem>>) src(%dma_wait3A_148 : memref<784x16xf32, #tpu.memory_space<vmem>>) dst(%dma_wait3A_145 : memref<784x16xf32, #tpu.memory_space<hbm>>)
      tpu.yield
    }) : () -> ()
    %add3A_80 = arith.constant 784 : i32
    %add3A_81 = arith.addi %mul3A_0, %add3A_80 : i32
    "tpu.region"() ({
      %run_scoped3A = tpu.sem_alloc : memref<!tpu.dma_semaphore, #tpu.memory_space<semaphore_mem>>
      %dma_start3A_129 = arith.constant 0 : i32
      %dma_start3A_130 = arith.constant 0 : i32
      %dma_start3A_131 = tpu.memref_slice %arg10[%dma_start3A_129, %dma_start3A_130] : memref<848x16xf32, #tpu.memory_space<vmem>> -> memref<784x16xf32, #tpu.memory_space<vmem>>
      %dma_start3A_132 = arith.constant 0 : i32
      %dma_start3A_133 = tpu.memref_slice %arg12[%add3A_81, %dma_start3A_132] : memref<100352x16xf32, #tpu.memory_space<vmem_shared>> -> memref<784x16xf32, #tpu.memory_space<vmem_shared>>
      %dma_start3A_134 = arith.constant 0 : i32
      %dma_start3A_135 = arith.constant 0 : i32
      %dma_start3A_136 = tpu.memref_slice %arg10[%dma_start3A_134, %dma_start3A_135] : memref<848x16xf32, #tpu.memory_space<vmem>> -> memref<784x16xf32, #tpu.memory_space<vmem>>
      %dma_start3A_137 = arith.constant 0 : i32
      %dma_start3A_138 = tpu.memref_slice %arg12[%add3A_81, %dma_start3A_137] : memref<100352x16xf32, #tpu.memory_space<vmem_shared>> -> memref<784x16xf32, #tpu.memory_space<vmem_shared>>
      tpu.enqueue_dma source(%dma_start3A_138 : memref<784x16xf32, #tpu.memory_space<vmem_shared>>) target(%dma_start3A_136 : memref<784x16xf32, #tpu.memory_space<vmem>>) target_semaphore(%run_scoped3A : memref<!tpu.dma_semaphore, #tpu.memory_space<semaphore_mem>>)
      %dma_wait3A_139 = arith.constant 0 : i32
      %dma_wait3A_140 = arith.constant 0 : i32
      %dma_wait3A_141 = tpu.memref_slice %arg10[%dma_wait3A_139, %dma_wait3A_140] : memref<848x16xf32, #tpu.memory_space<vmem>> -> memref<784x16xf32, #tpu.memory_space<vmem>>
      %dma_wait3A_142 = arith.constant 0 : i32
      %dma_wait3A_143 = tpu.memref_slice %arg12[%add3A_81, %dma_wait3A_142] : memref<100352x16xf32, #tpu.memory_space<vmem_shared>> -> memref<784x16xf32, #tpu.memory_space<vmem_shared>>
      %dma_wait3A_144 = arith.constant 0 : i32
      %dma_wait3A_145 = arith.constant 0 : i32
      %dma_wait3A_146 = tpu.memref_slice %arg10[%dma_wait3A_144, %dma_wait3A_145] : memref<848x16xf32, #tpu.memory_space<vmem>> -> memref<784x16xf32, #tpu.memory_space<vmem>>
      %dma_wait3A_147 = arith.constant 0 : i32
      %dma_wait3A_148 = tpu.memref_slice %arg12[%add3A_81, %dma_wait3A_147] : memref<100352x16xf32, #tpu.memory_space<vmem_shared>> -> memref<784x16xf32, #tpu.memory_space<vmem_shared>>
      tpu.wait_dma2 semaphore(%run_scoped3A : memref<!tpu.dma_semaphore, #tpu.memory_space<semaphore_mem>>) src(%dma_wait3A_148 : memref<784x16xf32, #tpu.memory_space<vmem_shared>>) dst(%dma_wait3A_146 : memref<784x16xf32, #tpu.memory_space<vmem>>)
      tpu.yield
    }) : () -> ()
    %mul3A_82 = arith.constant 100352 : i32
    %mul3A_83 = arith.muli %arg0, %mul3A_82 : i32
    %add3A_84 = arith.addi %mul3A_83, %mul3A_0 : i32
    %add3A_85 = arith.constant 784 : i32
    %add3A_86 = arith.addi %add3A_84, %add3A_85 : i32
    "tpu.region"() ({
      %run_scoped3A = tpu.sem_alloc : memref<!tpu.dma_semaphore, #tpu.memory_space<semaphore_mem>>
      %dma_start3A_129 = arith.constant 0 : i32
      %dma_start3A_130 = arith.constant 0 : i32
      %dma_start3A_131 = tpu.memref_slice %arg10[%dma_start3A_129, %dma_start3A_130] : memref<848x16xf32, #tpu.memory_space<vmem>> -> memref<784x16xf32, #tpu.memory_space<vmem>>
      %dma_start3A_132 = arith.constant 0 : i32
      %dma_start3A_133 = tpu.memref_slice %arg5[%add3A_86, %dma_start3A_132] : memref<200704x16xf32, #tpu.memory_space<hbm>> -> memref<784x16xf32, #tpu.memory_space<hbm>>
      %dma_start3A_134 = arith.constant 0 : i32
      %dma_start3A_135 = tpu.memref_slice %arg5[%add3A_86, %dma_start3A_134] : memref<200704x16xf32, #tpu.memory_space<hbm>> -> memref<784x16xf32, #tpu.memory_space<hbm>>
      %dma_start3A_136 = arith.constant 0 : i32
      %dma_start3A_137 = arith.constant 0 : i32
      %dma_start3A_138 = tpu.memref_slice %arg10[%dma_start3A_136, %dma_start3A_137] : memref<848x16xf32, #tpu.memory_space<vmem>> -> memref<784x16xf32, #tpu.memory_space<vmem>>
      tpu.enqueue_dma source(%dma_start3A_138 : memref<784x16xf32, #tpu.memory_space<vmem>>) target(%dma_start3A_135 : memref<784x16xf32, #tpu.memory_space<hbm>>) target_semaphore(%run_scoped3A : memref<!tpu.dma_semaphore, #tpu.memory_space<semaphore_mem>>)
      %dma_wait3A_139 = arith.constant 0 : i32
      %dma_wait3A_140 = arith.constant 0 : i32
      %dma_wait3A_141 = tpu.memref_slice %arg10[%dma_wait3A_139, %dma_wait3A_140] : memref<848x16xf32, #tpu.memory_space<vmem>> -> memref<784x16xf32, #tpu.memory_space<vmem>>
      %dma_wait3A_142 = arith.constant 0 : i32
      %dma_wait3A_143 = tpu.memref_slice %arg5[%add3A_86, %dma_wait3A_142] : memref<200704x16xf32, #tpu.memory_space<hbm>> -> memref<784x16xf32, #tpu.memory_space<hbm>>
      %dma_wait3A_144 = arith.constant 0 : i32
      %dma_wait3A_145 = tpu.memref_slice %arg5[%add3A_86, %dma_wait3A_144] : memref<200704x16xf32, #tpu.memory_space<hbm>> -> memref<784x16xf32, #tpu.memory_space<hbm>>
      %dma_wait3A_146 = arith.constant 0 : i32
      %dma_wait3A_147 = arith.constant 0 : i32
      %dma_wait3A_148 = tpu.memref_slice %arg10[%dma_wait3A_146, %dma_wait3A_147] : memref<848x16xf32, #tpu.memory_space<vmem>> -> memref<784x16xf32, #tpu.memory_space<vmem>>
      tpu.wait_dma2 semaphore(%run_scoped3A : memref<!tpu.dma_semaphore, #tpu.memory_space<semaphore_mem>>) src(%dma_wait3A_148 : memref<784x16xf32, #tpu.memory_space<vmem>>) dst(%dma_wait3A_145 : memref<784x16xf32, #tpu.memory_space<hbm>>)
      tpu.yield
    }) : () -> ()
    %add3A_87 = arith.constant 1568 : i32
    %add3A_88 = arith.addi %mul3A_0, %add3A_87 : i32
    "tpu.region"() ({
      %run_scoped3A = tpu.sem_alloc : memref<!tpu.dma_semaphore, #tpu.memory_space<semaphore_mem>>
      %dma_start3A_129 = arith.constant 0 : i32
      %dma_start3A_130 = arith.constant 0 : i32
      %dma_start3A_131 = tpu.memref_slice %arg10[%dma_start3A_129, %dma_start3A_130] : memref<848x16xf32, #tpu.memory_space<vmem>> -> memref<784x16xf32, #tpu.memory_space<vmem>>
      %dma_start3A_132 = arith.constant 0 : i32
      %dma_start3A_133 = tpu.memref_slice %arg12[%add3A_88, %dma_start3A_132] : memref<100352x16xf32, #tpu.memory_space<vmem_shared>> -> memref<784x16xf32, #tpu.memory_space<vmem_shared>>
      %dma_start3A_134 = arith.constant 0 : i32
      %dma_start3A_135 = arith.constant 0 : i32
      %dma_start3A_136 = tpu.memref_slice %arg10[%dma_start3A_134, %dma_start3A_135] : memref<848x16xf32, #tpu.memory_space<vmem>> -> memref<784x16xf32, #tpu.memory_space<vmem>>
      %dma_start3A_137 = arith.constant 0 : i32
      %dma_start3A_138 = tpu.memref_slice %arg12[%add3A_88, %dma_start3A_137] : memref<100352x16xf32, #tpu.memory_space<vmem_shared>> -> memref<784x16xf32, #tpu.memory_space<vmem_shared>>
      tpu.enqueue_dma source(%dma_start3A_138 : memref<784x16xf32, #tpu.memory_space<vmem_shared>>) target(%dma_start3A_136 : memref<784x16xf32, #tpu.memory_space<vmem>>) target_semaphore(%run_scoped3A : memref<!tpu.dma_semaphore, #tpu.memory_space<semaphore_mem>>)
      %dma_wait3A_139 = arith.constant 0 : i32
      %dma_wait3A_140 = arith.constant 0 : i32
      %dma_wait3A_141 = tpu.memref_slice %arg10[%dma_wait3A_139, %dma_wait3A_140] : memref<848x16xf32, #tpu.memory_space<vmem>> -> memref<784x16xf32, #tpu.memory_space<vmem>>
      %dma_wait3A_142 = arith.constant 0 : i32
      %dma_wait3A_143 = tpu.memref_slice %arg12[%add3A_88, %dma_wait3A_142] : memref<100352x16xf32, #tpu.memory_space<vmem_shared>> -> memref<784x16xf32, #tpu.memory_space<vmem_shared>>
      %dma_wait3A_144 = arith.constant 0 : i32
      %dma_wait3A_145 = arith.constant 0 : i32
      %dma_wait3A_146 = tpu.memref_slice %arg10[%dma_wait3A_144, %dma_wait3A_145] : memref<848x16xf32, #tpu.memory_space<vmem>> -> memref<784x16xf32, #tpu.memory_space<vmem>>
      %dma_wait3A_147 = arith.constant 0 : i32
      %dma_wait3A_148 = tpu.memref_slice %arg12[%add3A_88, %dma_wait3A_147] : memref<100352x16xf32, #tpu.memory_space<vmem_shared>> -> memref<784x16xf32, #tpu.memory_space<vmem_shared>>
      tpu.wait_dma2 semaphore(%run_scoped3A : memref<!tpu.dma_semaphore, #tpu.memory_space<semaphore_mem>>) src(%dma_wait3A_148 : memref<784x16xf32, #tpu.memory_space<vmem_shared>>) dst(%dma_wait3A_146 : memref<784x16xf32, #tpu.memory_space<vmem>>)
      tpu.yield
    }) : () -> ()
    %mul3A_89 = arith.constant 100352 : i32
    %mul3A_90 = arith.muli %arg0, %mul3A_89 : i32
    %add3A_91 = arith.addi %mul3A_90, %mul3A_0 : i32
    %add3A_92 = arith.constant 1568 : i32
    %add3A_93 = arith.addi %add3A_91, %add3A_92 : i32
    "tpu.region"() ({
      %run_scoped3A = tpu.sem_alloc : memref<!tpu.dma_semaphore, #tpu.memory_space<semaphore_mem>>
      %dma_start3A_129 = arith.constant 0 : i32
      %dma_start3A_130 = arith.constant 0 : i32
      %dma_start3A_131 = tpu.memref_slice %arg10[%dma_start3A_129, %dma_start3A_130] : memref<848x16xf32, #tpu.memory_space<vmem>> -> memref<784x16xf32, #tpu.memory_space<vmem>>
      %dma_start3A_132 = arith.constant 0 : i32
      %dma_start3A_133 = tpu.memref_slice %arg5[%add3A_93, %dma_start3A_132] : memref<200704x16xf32, #tpu.memory_space<hbm>> -> memref<784x16xf32, #tpu.memory_space<hbm>>
      %dma_start3A_134 = arith.constant 0 : i32
      %dma_start3A_135 = tpu.memref_slice %arg5[%add3A_93, %dma_start3A_134] : memref<200704x16xf32, #tpu.memory_space<hbm>> -> memref<784x16xf32, #tpu.memory_space<hbm>>
      %dma_start3A_136 = arith.constant 0 : i32
      %dma_start3A_137 = arith.constant 0 : i32
      %dma_start3A_138 = tpu.memref_slice %arg10[%dma_start3A_136, %dma_start3A_137] : memref<848x16xf32, #tpu.memory_space<vmem>> -> memref<784x16xf32, #tpu.memory_space<vmem>>
      tpu.enqueue_dma source(%dma_start3A_138 : memref<784x16xf32, #tpu.memory_space<vmem>>) target(%dma_start3A_135 : memref<784x16xf32, #tpu.memory_space<hbm>>) target_semaphore(%run_scoped3A : memref<!tpu.dma_semaphore, #tpu.memory_space<semaphore_mem>>)
      %dma_wait3A_139 = arith.constant 0 : i32
      %dma_wait3A_140 = arith.constant 0 : i32
      %dma_wait3A_141 = tpu.memref_slice %arg10[%dma_wait3A_139, %dma_wait3A_140] : memref<848x16xf32, #tpu.memory_space<vmem>> -> memref<784x16xf32, #tpu.memory_space<vmem>>
      %dma_wait3A_142 = arith.constant 0 : i32
      %dma_wait3A_143 = tpu.memref_slice %arg5[%add3A_93, %dma_wait3A_142] : memref<200704x16xf32, #tpu.memory_space<hbm>> -> memref<784x16xf32, #tpu.memory_space<hbm>>
      %dma_wait3A_144 = arith.constant 0 : i32
      %dma_wait3A_145 = tpu.memref_slice %arg5[%add3A_93, %dma_wait3A_144] : memref<200704x16xf32, #tpu.memory_space<hbm>> -> memref<784x16xf32, #tpu.memory_space<hbm>>
      %dma_wait3A_146 = arith.constant 0 : i32
      %dma_wait3A_147 = arith.constant 0 : i32
      %dma_wait3A_148 = tpu.memref_slice %arg10[%dma_wait3A_146, %dma_wait3A_147] : memref<848x16xf32, #tpu.memory_space<vmem>> -> memref<784x16xf32, #tpu.memory_space<vmem>>
      tpu.wait_dma2 semaphore(%run_scoped3A : memref<!tpu.dma_semaphore, #tpu.memory_space<semaphore_mem>>) src(%dma_wait3A_148 : memref<784x16xf32, #tpu.memory_space<vmem>>) dst(%dma_wait3A_145 : memref<784x16xf32, #tpu.memory_space<hbm>>)
      tpu.yield
    }) : () -> ()
    %add3A_94 = arith.constant 2352 : i32
    %add3A_95 = arith.addi %mul3A_0, %add3A_94 : i32
    "tpu.region"() ({
      %run_scoped3A = tpu.sem_alloc : memref<!tpu.dma_semaphore, #tpu.memory_space<semaphore_mem>>
      %dma_start3A_129 = arith.constant 0 : i32
      %dma_start3A_130 = arith.constant 0 : i32
      %dma_start3A_131 = tpu.memref_slice %arg10[%dma_start3A_129, %dma_start3A_130] : memref<848x16xf32, #tpu.memory_space<vmem>> -> memref<784x16xf32, #tpu.memory_space<vmem>>
      %dma_start3A_132 = arith.constant 0 : i32
      %dma_start3A_133 = tpu.memref_slice %arg12[%add3A_95, %dma_start3A_132] : memref<100352x16xf32, #tpu.memory_space<vmem_shared>> -> memref<784x16xf32, #tpu.memory_space<vmem_shared>>
      %dma_start3A_134 = arith.constant 0 : i32
      %dma_start3A_135 = arith.constant 0 : i32
      %dma_start3A_136 = tpu.memref_slice %arg10[%dma_start3A_134, %dma_start3A_135] : memref<848x16xf32, #tpu.memory_space<vmem>> -> memref<784x16xf32, #tpu.memory_space<vmem>>
      %dma_start3A_137 = arith.constant 0 : i32
      %dma_start3A_138 = tpu.memref_slice %arg12[%add3A_95, %dma_start3A_137] : memref<100352x16xf32, #tpu.memory_space<vmem_shared>> -> memref<784x16xf32, #tpu.memory_space<vmem_shared>>
      tpu.enqueue_dma source(%dma_start3A_138 : memref<784x16xf32, #tpu.memory_space<vmem_shared>>) target(%dma_start3A_136 : memref<784x16xf32, #tpu.memory_space<vmem>>) target_semaphore(%run_scoped3A : memref<!tpu.dma_semaphore, #tpu.memory_space<semaphore_mem>>)
      %dma_wait3A_139 = arith.constant 0 : i32
      %dma_wait3A_140 = arith.constant 0 : i32
      %dma_wait3A_141 = tpu.memref_slice %arg10[%dma_wait3A_139, %dma_wait3A_140] : memref<848x16xf32, #tpu.memory_space<vmem>> -> memref<784x16xf32, #tpu.memory_space<vmem>>
      %dma_wait3A_142 = arith.constant 0 : i32
      %dma_wait3A_143 = tpu.memref_slice %arg12[%add3A_95, %dma_wait3A_142] : memref<100352x16xf32, #tpu.memory_space<vmem_shared>> -> memref<784x16xf32, #tpu.memory_space<vmem_shared>>
      %dma_wait3A_144 = arith.constant 0 : i32
      %dma_wait3A_145 = arith.constant 0 : i32
      %dma_wait3A_146 = tpu.memref_slice %arg10[%dma_wait3A_144, %dma_wait3A_145] : memref<848x16xf32, #tpu.memory_space<vmem>> -> memref<784x16xf32, #tpu.memory_space<vmem>>
      %dma_wait3A_147 = arith.constant 0 : i32
      %dma_wait3A_148 = tpu.memref_slice %arg12[%add3A_95, %dma_wait3A_147] : memref<100352x16xf32, #tpu.memory_space<vmem_shared>> -> memref<784x16xf32, #tpu.memory_space<vmem_shared>>
      tpu.wait_dma2 semaphore(%run_scoped3A : memref<!tpu.dma_semaphore, #tpu.memory_space<semaphore_mem>>) src(%dma_wait3A_148 : memref<784x16xf32, #tpu.memory_space<vmem_shared>>) dst(%dma_wait3A_146 : memref<784x16xf32, #tpu.memory_space<vmem>>)
      tpu.yield
    }) : () -> ()
    %mul3A_96 = arith.constant 100352 : i32
    %mul3A_97 = arith.muli %arg0, %mul3A_96 : i32
    %add3A_98 = arith.addi %mul3A_97, %mul3A_0 : i32
    %add3A_99 = arith.constant 2352 : i32
    %add3A_100 = arith.addi %add3A_98, %add3A_99 : i32
    "tpu.region"() ({
      %run_scoped3A = tpu.sem_alloc : memref<!tpu.dma_semaphore, #tpu.memory_space<semaphore_mem>>
      %dma_start3A_129 = arith.constant 0 : i32
      %dma_start3A_130 = arith.constant 0 : i32
      %dma_start3A_131 = tpu.memref_slice %arg10[%dma_start3A_129, %dma_start3A_130] : memref<848x16xf32, #tpu.memory_space<vmem>> -> memref<784x16xf32, #tpu.memory_space<vmem>>
      %dma_start3A_132 = arith.constant 0 : i32
      %dma_start3A_133 = tpu.memref_slice %arg5[%add3A_100, %dma_start3A_132] : memref<200704x16xf32, #tpu.memory_space<hbm>> -> memref<784x16xf32, #tpu.memory_space<hbm>>
      %dma_start3A_134 = arith.constant 0 : i32
      %dma_start3A_135 = tpu.memref_slice %arg5[%add3A_100, %dma_start3A_134] : memref<200704x16xf32, #tpu.memory_space<hbm>> -> memref<784x16xf32, #tpu.memory_space<hbm>>
      %dma_start3A_136 = arith.constant 0 : i32
      %dma_start3A_137 = arith.constant 0 : i32
      %dma_start3A_138 = tpu.memref_slice %arg10[%dma_start3A_136, %dma_start3A_137] : memref<848x16xf32, #tpu.memory_space<vmem>> -> memref<784x16xf32, #tpu.memory_space<vmem>>
      tpu.enqueue_dma source(%dma_start3A_138 : memref<784x16xf32, #tpu.memory_space<vmem>>) target(%dma_start3A_135 : memref<784x16xf32, #tpu.memory_space<hbm>>) target_semaphore(%run_scoped3A : memref<!tpu.dma_semaphore, #tpu.memory_space<semaphore_mem>>)
      %dma_wait3A_139 = arith.constant 0 : i32
      %dma_wait3A_140 = arith.constant 0 : i32
      %dma_wait3A_141 = tpu.memref_slice %arg10[%dma_wait3A_139, %dma_wait3A_140] : memref<848x16xf32, #tpu.memory_space<vmem>> -> memref<784x16xf32, #tpu.memory_space<vmem>>
      %dma_wait3A_142 = arith.constant 0 : i32
      %dma_wait3A_143 = tpu.memref_slice %arg5[%add3A_100, %dma_wait3A_142] : memref<200704x16xf32, #tpu.memory_space<hbm>> -> memref<784x16xf32, #tpu.memory_space<hbm>>
      %dma_wait3A_144 = arith.constant 0 : i32
      %dma_wait3A_145 = tpu.memref_slice %arg5[%add3A_100, %dma_wait3A_144] : memref<200704x16xf32, #tpu.memory_space<hbm>> -> memref<784x16xf32, #tpu.memory_space<hbm>>
      %dma_wait3A_146 = arith.constant 0 : i32
      %dma_wait3A_147 = arith.constant 0 : i32
      %dma_wait3A_148 = tpu.memref_slice %arg10[%dma_wait3A_146, %dma_wait3A_147] : memref<848x16xf32, #tpu.memory_space<vmem>> -> memref<784x16xf32, #tpu.memory_space<vmem>>
      tpu.wait_dma2 semaphore(%run_scoped3A : memref<!tpu.dma_semaphore, #tpu.memory_space<semaphore_mem>>) src(%dma_wait3A_148 : memref<784x16xf32, #tpu.memory_space<vmem>>) dst(%dma_wait3A_145 : memref<784x16xf32, #tpu.memory_space<hbm>>)
      tpu.yield
    }) : () -> ()
    %add3A_101 = arith.constant 3136 : i32
    %add3A_102 = arith.addi %mul3A_0, %add3A_101 : i32
    "tpu.region"() ({
      %run_scoped3A = tpu.sem_alloc : memref<!tpu.dma_semaphore, #tpu.memory_space<semaphore_mem>>
      %dma_start3A_129 = arith.constant 0 : i32
      %dma_start3A_130 = arith.constant 0 : i32
      %dma_start3A_131 = tpu.memref_slice %arg10[%dma_start3A_129, %dma_start3A_130] : memref<848x16xf32, #tpu.memory_space<vmem>> -> memref<784x16xf32, #tpu.memory_space<vmem>>
      %dma_start3A_132 = arith.constant 0 : i32
      %dma_start3A_133 = tpu.memref_slice %arg12[%add3A_102, %dma_start3A_132] : memref<100352x16xf32, #tpu.memory_space<vmem_shared>> -> memref<784x16xf32, #tpu.memory_space<vmem_shared>>
      %dma_start3A_134 = arith.constant 0 : i32
      %dma_start3A_135 = arith.constant 0 : i32
      %dma_start3A_136 = tpu.memref_slice %arg10[%dma_start3A_134, %dma_start3A_135] : memref<848x16xf32, #tpu.memory_space<vmem>> -> memref<784x16xf32, #tpu.memory_space<vmem>>
      %dma_start3A_137 = arith.constant 0 : i32
      %dma_start3A_138 = tpu.memref_slice %arg12[%add3A_102, %dma_start3A_137] : memref<100352x16xf32, #tpu.memory_space<vmem_shared>> -> memref<784x16xf32, #tpu.memory_space<vmem_shared>>
      tpu.enqueue_dma source(%dma_start3A_138 : memref<784x16xf32, #tpu.memory_space<vmem_shared>>) target(%dma_start3A_136 : memref<784x16xf32, #tpu.memory_space<vmem>>) target_semaphore(%run_scoped3A : memref<!tpu.dma_semaphore, #tpu.memory_space<semaphore_mem>>)
      %dma_wait3A_139 = arith.constant 0 : i32
      %dma_wait3A_140 = arith.constant 0 : i32
      %dma_wait3A_141 = tpu.memref_slice %arg10[%dma_wait3A_139, %dma_wait3A_140] : memref<848x16xf32, #tpu.memory_space<vmem>> -> memref<784x16xf32, #tpu.memory_space<vmem>>
      %dma_wait3A_142 = arith.constant 0 : i32
      %dma_wait3A_143 = tpu.memref_slice %arg12[%add3A_102, %dma_wait3A_142] : memref<100352x16xf32, #tpu.memory_space<vmem_shared>> -> memref<784x16xf32, #tpu.memory_space<vmem_shared>>
      %dma_wait3A_144 = arith.constant 0 : i32
      %dma_wait3A_145 = arith.constant 0 : i32
      %dma_wait3A_146 = tpu.memref_slice %arg10[%dma_wait3A_144, %dma_wait3A_145] : memref<848x16xf32, #tpu.memory_space<vmem>> -> memref<784x16xf32, #tpu.memory_space<vmem>>
      %dma_wait3A_147 = arith.constant 0 : i32
      %dma_wait3A_148 = tpu.memref_slice %arg12[%add3A_102, %dma_wait3A_147] : memref<100352x16xf32, #tpu.memory_space<vmem_shared>> -> memref<784x16xf32, #tpu.memory_space<vmem_shared>>
      tpu.wait_dma2 semaphore(%run_scoped3A : memref<!tpu.dma_semaphore, #tpu.memory_space<semaphore_mem>>) src(%dma_wait3A_148 : memref<784x16xf32, #tpu.memory_space<vmem_shared>>) dst(%dma_wait3A_146 : memref<784x16xf32, #tpu.memory_space<vmem>>)
      tpu.yield
    }) : () -> ()
    %mul3A_103 = arith.constant 100352 : i32
    %mul3A_104 = arith.muli %arg0, %mul3A_103 : i32
    %add3A_105 = arith.addi %mul3A_104, %mul3A_0 : i32
    %add3A_106 = arith.constant 3136 : i32
    %add3A_107 = arith.addi %add3A_105, %add3A_106 : i32
    "tpu.region"() ({
      %run_scoped3A = tpu.sem_alloc : memref<!tpu.dma_semaphore, #tpu.memory_space<semaphore_mem>>
      %dma_start3A_129 = arith.constant 0 : i32
      %dma_start3A_130 = arith.constant 0 : i32
      %dma_start3A_131 = tpu.memref_slice %arg10[%dma_start3A_129, %dma_start3A_130] : memref<848x16xf32, #tpu.memory_space<vmem>> -> memref<784x16xf32, #tpu.memory_space<vmem>>
      %dma_start3A_132 = arith.constant 0 : i32
      %dma_start3A_133 = tpu.memref_slice %arg5[%add3A_107, %dma_start3A_132] : memref<200704x16xf32, #tpu.memory_space<hbm>> -> memref<784x16xf32, #tpu.memory_space<hbm>>
      %dma_start3A_134 = arith.constant 0 : i32
      %dma_start3A_135 = tpu.memref_slice %arg5[%add3A_107, %dma_start3A_134] : memref<200704x16xf32, #tpu.memory_space<hbm>> -> memref<784x16xf32, #tpu.memory_space<hbm>>
      %dma_start3A_136 = arith.constant 0 : i32
      %dma_start3A_137 = arith.constant 0 : i32
      %dma_start3A_138 = tpu.memref_slice %arg10[%dma_start3A_136, %dma_start3A_137] : memref<848x16xf32, #tpu.memory_space<vmem>> -> memref<784x16xf32, #tpu.memory_space<vmem>>
      tpu.enqueue_dma source(%dma_start3A_138 : memref<784x16xf32, #tpu.memory_space<vmem>>) target(%dma_start3A_135 : memref<784x16xf32, #tpu.memory_space<hbm>>) target_semaphore(%run_scoped3A : memref<!tpu.dma_semaphore, #tpu.memory_space<semaphore_mem>>)
      %dma_wait3A_139 = arith.constant 0 : i32
      %dma_wait3A_140 = arith.constant 0 : i32
      %dma_wait3A_141 = tpu.memref_slice %arg10[%dma_wait3A_139, %dma_wait3A_140] : memref<848x16xf32, #tpu.memory_space<vmem>> -> memref<784x16xf32, #tpu.memory_space<vmem>>
      %dma_wait3A_142 = arith.constant 0 : i32
      %dma_wait3A_143 = tpu.memref_slice %arg5[%add3A_107, %dma_wait3A_142] : memref<200704x16xf32, #tpu.memory_space<hbm>> -> memref<784x16xf32, #tpu.memory_space<hbm>>
      %dma_wait3A_144 = arith.constant 0 : i32
      %dma_wait3A_145 = tpu.memref_slice %arg5[%add3A_107, %dma_wait3A_144] : memref<200704x16xf32, #tpu.memory_space<hbm>> -> memref<784x16xf32, #tpu.memory_space<hbm>>
      %dma_wait3A_146 = arith.constant 0 : i32
      %dma_wait3A_147 = arith.constant 0 : i32
      %dma_wait3A_148 = tpu.memref_slice %arg10[%dma_wait3A_146, %dma_wait3A_147] : memref<848x16xf32, #tpu.memory_space<vmem>> -> memref<784x16xf32, #tpu.memory_space<vmem>>
      tpu.wait_dma2 semaphore(%run_scoped3A : memref<!tpu.dma_semaphore, #tpu.memory_space<semaphore_mem>>) src(%dma_wait3A_148 : memref<784x16xf32, #tpu.memory_space<vmem>>) dst(%dma_wait3A_145 : memref<784x16xf32, #tpu.memory_space<hbm>>)
      tpu.yield
    }) : () -> ()
    %add3A_108 = arith.constant 3920 : i32
    %add3A_109 = arith.addi %mul3A_0, %add3A_108 : i32
    "tpu.region"() ({
      %run_scoped3A = tpu.sem_alloc : memref<!tpu.dma_semaphore, #tpu.memory_space<semaphore_mem>>
      %dma_start3A_129 = arith.constant 0 : i32
      %dma_start3A_130 = arith.constant 0 : i32
      %dma_start3A_131 = tpu.memref_slice %arg10[%dma_start3A_129, %dma_start3A_130] : memref<848x16xf32, #tpu.memory_space<vmem>> -> memref<784x16xf32, #tpu.memory_space<vmem>>
      %dma_start3A_132 = arith.constant 0 : i32
      %dma_start3A_133 = tpu.memref_slice %arg12[%add3A_109, %dma_start3A_132] : memref<100352x16xf32, #tpu.memory_space<vmem_shared>> -> memref<784x16xf32, #tpu.memory_space<vmem_shared>>
      %dma_start3A_134 = arith.constant 0 : i32
      %dma_start3A_135 = arith.constant 0 : i32
      %dma_start3A_136 = tpu.memref_slice %arg10[%dma_start3A_134, %dma_start3A_135] : memref<848x16xf32, #tpu.memory_space<vmem>> -> memref<784x16xf32, #tpu.memory_space<vmem>>
      %dma_start3A_137 = arith.constant 0 : i32
      %dma_start3A_138 = tpu.memref_slice %arg12[%add3A_109, %dma_start3A_137] : memref<100352x16xf32, #tpu.memory_space<vmem_shared>> -> memref<784x16xf32, #tpu.memory_space<vmem_shared>>
      tpu.enqueue_dma source(%dma_start3A_138 : memref<784x16xf32, #tpu.memory_space<vmem_shared>>) target(%dma_start3A_136 : memref<784x16xf32, #tpu.memory_space<vmem>>) target_semaphore(%run_scoped3A : memref<!tpu.dma_semaphore, #tpu.memory_space<semaphore_mem>>)
      %dma_wait3A_139 = arith.constant 0 : i32
      %dma_wait3A_140 = arith.constant 0 : i32
      %dma_wait3A_141 = tpu.memref_slice %arg10[%dma_wait3A_139, %dma_wait3A_140] : memref<848x16xf32, #tpu.memory_space<vmem>> -> memref<784x16xf32, #tpu.memory_space<vmem>>
      %dma_wait3A_142 = arith.constant 0 : i32
      %dma_wait3A_143 = tpu.memref_slice %arg12[%add3A_109, %dma_wait3A_142] : memref<100352x16xf32, #tpu.memory_space<vmem_shared>> -> memref<784x16xf32, #tpu.memory_space<vmem_shared>>
      %dma_wait3A_144 = arith.constant 0 : i32
      %dma_wait3A_145 = arith.constant 0 : i32
      %dma_wait3A_146 = tpu.memref_slice %arg10[%dma_wait3A_144, %dma_wait3A_145] : memref<848x16xf32, #tpu.memory_space<vmem>> -> memref<784x16xf32, #tpu.memory_space<vmem>>
      %dma_wait3A_147 = arith.constant 0 : i32
      %dma_wait3A_148 = tpu.memref_slice %arg12[%add3A_109, %dma_wait3A_147] : memref<100352x16xf32, #tpu.memory_space<vmem_shared>> -> memref<784x16xf32, #tpu.memory_space<vmem_shared>>
      tpu.wait_dma2 semaphore(%run_scoped3A : memref<!tpu.dma_semaphore, #tpu.memory_space<semaphore_mem>>) src(%dma_wait3A_148 : memref<784x16xf32, #tpu.memory_space<vmem_shared>>) dst(%dma_wait3A_146 : memref<784x16xf32, #tpu.memory_space<vmem>>)
      tpu.yield
    }) : () -> ()
    %mul3A_110 = arith.constant 100352 : i32
    %mul3A_111 = arith.muli %arg0, %mul3A_110 : i32
    %add3A_112 = arith.addi %mul3A_111, %mul3A_0 : i32
    %add3A_113 = arith.constant 3920 : i32
    %add3A_114 = arith.addi %add3A_112, %add3A_113 : i32
    "tpu.region"() ({
      %run_scoped3A = tpu.sem_alloc : memref<!tpu.dma_semaphore, #tpu.memory_space<semaphore_mem>>
      %dma_start3A_129 = arith.constant 0 : i32
      %dma_start3A_130 = arith.constant 0 : i32
      %dma_start3A_131 = tpu.memref_slice %arg10[%dma_start3A_129, %dma_start3A_130] : memref<848x16xf32, #tpu.memory_space<vmem>> -> memref<784x16xf32, #tpu.memory_space<vmem>>
      %dma_start3A_132 = arith.constant 0 : i32
      %dma_start3A_133 = tpu.memref_slice %arg5[%add3A_114, %dma_start3A_132] : memref<200704x16xf32, #tpu.memory_space<hbm>> -> memref<784x16xf32, #tpu.memory_space<hbm>>
      %dma_start3A_134 = arith.constant 0 : i32
      %dma_start3A_135 = tpu.memref_slice %arg5[%add3A_114, %dma_start3A_134] : memref<200704x16xf32, #tpu.memory_space<hbm>> -> memref<784x16xf32, #tpu.memory_space<hbm>>
      %dma_start3A_136 = arith.constant 0 : i32
      %dma_start3A_137 = arith.constant 0 : i32
      %dma_start3A_138 = tpu.memref_slice %arg10[%dma_start3A_136, %dma_start3A_137] : memref<848x16xf32, #tpu.memory_space<vmem>> -> memref<784x16xf32, #tpu.memory_space<vmem>>
      tpu.enqueue_dma source(%dma_start3A_138 : memref<784x16xf32, #tpu.memory_space<vmem>>) target(%dma_start3A_135 : memref<784x16xf32, #tpu.memory_space<hbm>>) target_semaphore(%run_scoped3A : memref<!tpu.dma_semaphore, #tpu.memory_space<semaphore_mem>>)
      %dma_wait3A_139 = arith.constant 0 : i32
      %dma_wait3A_140 = arith.constant 0 : i32
      %dma_wait3A_141 = tpu.memref_slice %arg10[%dma_wait3A_139, %dma_wait3A_140] : memref<848x16xf32, #tpu.memory_space<vmem>> -> memref<784x16xf32, #tpu.memory_space<vmem>>
      %dma_wait3A_142 = arith.constant 0 : i32
      %dma_wait3A_143 = tpu.memref_slice %arg5[%add3A_114, %dma_wait3A_142] : memref<200704x16xf32, #tpu.memory_space<hbm>> -> memref<784x16xf32, #tpu.memory_space<hbm>>
      %dma_wait3A_144 = arith.constant 0 : i32
      %dma_wait3A_145 = tpu.memref_slice %arg5[%add3A_114, %dma_wait3A_144] : memref<200704x16xf32, #tpu.memory_space<hbm>> -> memref<784x16xf32, #tpu.memory_space<hbm>>
      %dma_wait3A_146 = arith.constant 0 : i32
      %dma_wait3A_147 = arith.constant 0 : i32
      %dma_wait3A_148 = tpu.memref_slice %arg10[%dma_wait3A_146, %dma_wait3A_147] : memref<848x16xf32, #tpu.memory_space<vmem>> -> memref<784x16xf32, #tpu.memory_space<vmem>>
      tpu.wait_dma2 semaphore(%run_scoped3A : memref<!tpu.dma_semaphore, #tpu.memory_space<semaphore_mem>>) src(%dma_wait3A_148 : memref<784x16xf32, #tpu.memory_space<vmem>>) dst(%dma_wait3A_145 : memref<784x16xf32, #tpu.memory_space<hbm>>)
      tpu.yield
    }) : () -> ()
    %add3A_115 = arith.constant 4704 : i32
    %add3A_116 = arith.addi %mul3A_0, %add3A_115 : i32
    "tpu.region"() ({
      %run_scoped3A = tpu.sem_alloc : memref<!tpu.dma_semaphore, #tpu.memory_space<semaphore_mem>>
      %dma_start3A_129 = arith.constant 0 : i32
      %dma_start3A_130 = arith.constant 0 : i32
      %dma_start3A_131 = tpu.memref_slice %arg10[%dma_start3A_129, %dma_start3A_130] : memref<848x16xf32, #tpu.memory_space<vmem>> -> memref<784x16xf32, #tpu.memory_space<vmem>>
      %dma_start3A_132 = arith.constant 0 : i32
      %dma_start3A_133 = tpu.memref_slice %arg12[%add3A_116, %dma_start3A_132] : memref<100352x16xf32, #tpu.memory_space<vmem_shared>> -> memref<784x16xf32, #tpu.memory_space<vmem_shared>>
      %dma_start3A_134 = arith.constant 0 : i32
      %dma_start3A_135 = arith.constant 0 : i32
      %dma_start3A_136 = tpu.memref_slice %arg10[%dma_start3A_134, %dma_start3A_135] : memref<848x16xf32, #tpu.memory_space<vmem>> -> memref<784x16xf32, #tpu.memory_space<vmem>>
      %dma_start3A_137 = arith.constant 0 : i32
      %dma_start3A_138 = tpu.memref_slice %arg12[%add3A_116, %dma_start3A_137] : memref<100352x16xf32, #tpu.memory_space<vmem_shared>> -> memref<784x16xf32, #tpu.memory_space<vmem_shared>>
      tpu.enqueue_dma source(%dma_start3A_138 : memref<784x16xf32, #tpu.memory_space<vmem_shared>>) target(%dma_start3A_136 : memref<784x16xf32, #tpu.memory_space<vmem>>) target_semaphore(%run_scoped3A : memref<!tpu.dma_semaphore, #tpu.memory_space<semaphore_mem>>)
      %dma_wait3A_139 = arith.constant 0 : i32
      %dma_wait3A_140 = arith.constant 0 : i32
      %dma_wait3A_141 = tpu.memref_slice %arg10[%dma_wait3A_139, %dma_wait3A_140] : memref<848x16xf32, #tpu.memory_space<vmem>> -> memref<784x16xf32, #tpu.memory_space<vmem>>
      %dma_wait3A_142 = arith.constant 0 : i32
      %dma_wait3A_143 = tpu.memref_slice %arg12[%add3A_116, %dma_wait3A_142] : memref<100352x16xf32, #tpu.memory_space<vmem_shared>> -> memref<784x16xf32, #tpu.memory_space<vmem_shared>>
      %dma_wait3A_144 = arith.constant 0 : i32
      %dma_wait3A_145 = arith.constant 0 : i32
      %dma_wait3A_146 = tpu.memref_slice %arg10[%dma_wait3A_144, %dma_wait3A_145] : memref<848x16xf32, #tpu.memory_space<vmem>> -> memref<784x16xf32, #tpu.memory_space<vmem>>
      %dma_wait3A_147 = arith.constant 0 : i32
      %dma_wait3A_148 = tpu.memref_slice %arg12[%add3A_116, %dma_wait3A_147] : memref<100352x16xf32, #tpu.memory_space<vmem_shared>> -> memref<784x16xf32, #tpu.memory_space<vmem_shared>>
      tpu.wait_dma2 semaphore(%run_scoped3A : memref<!tpu.dma_semaphore, #tpu.memory_space<semaphore_mem>>) src(%dma_wait3A_148 : memref<784x16xf32, #tpu.memory_space<vmem_shared>>) dst(%dma_wait3A_146 : memref<784x16xf32, #tpu.memory_space<vmem>>)
      tpu.yield
    }) : () -> ()
    %mul3A_117 = arith.constant 100352 : i32
    %mul3A_118 = arith.muli %arg0, %mul3A_117 : i32
    %add3A_119 = arith.addi %mul3A_118, %mul3A_0 : i32
    %add3A_120 = arith.constant 4704 : i32
    %add3A_121 = arith.addi %add3A_119, %add3A_120 : i32
    "tpu.region"() ({
      %run_scoped3A = tpu.sem_alloc : memref<!tpu.dma_semaphore, #tpu.memory_space<semaphore_mem>>
      %dma_start3A_129 = arith.constant 0 : i32
      %dma_start3A_130 = arith.constant 0 : i32
      %dma_start3A_131 = tpu.memref_slice %arg10[%dma_start3A_129, %dma_start3A_130] : memref<848x16xf32, #tpu.memory_space<vmem>> -> memref<784x16xf32, #tpu.memory_space<vmem>>
      %dma_start3A_132 = arith.constant 0 : i32
      %dma_start3A_133 = tpu.memref_slice %arg5[%add3A_121, %dma_start3A_132] : memref<200704x16xf32, #tpu.memory_space<hbm>> -> memref<784x16xf32, #tpu.memory_space<hbm>>
      %dma_start3A_134 = arith.constant 0 : i32
      %dma_start3A_135 = tpu.memref_slice %arg5[%add3A_121, %dma_start3A_134] : memref<200704x16xf32, #tpu.memory_space<hbm>> -> memref<784x16xf32, #tpu.memory_space<hbm>>
      %dma_start3A_136 = arith.constant 0 : i32
      %dma_start3A_137 = arith.constant 0 : i32
      %dma_start3A_138 = tpu.memref_slice %arg10[%dma_start3A_136, %dma_start3A_137] : memref<848x16xf32, #tpu.memory_space<vmem>> -> memref<784x16xf32, #tpu.memory_space<vmem>>
      tpu.enqueue_dma source(%dma_start3A_138 : memref<784x16xf32, #tpu.memory_space<vmem>>) target(%dma_start3A_135 : memref<784x16xf32, #tpu.memory_space<hbm>>) target_semaphore(%run_scoped3A : memref<!tpu.dma_semaphore, #tpu.memory_space<semaphore_mem>>)
      %dma_wait3A_139 = arith.constant 0 : i32
      %dma_wait3A_140 = arith.constant 0 : i32
      %dma_wait3A_141 = tpu.memref_slice %arg10[%dma_wait3A_139, %dma_wait3A_140] : memref<848x16xf32, #tpu.memory_space<vmem>> -> memref<784x16xf32, #tpu.memory_space<vmem>>
      %dma_wait3A_142 = arith.constant 0 : i32
      %dma_wait3A_143 = tpu.memref_slice %arg5[%add3A_121, %dma_wait3A_142] : memref<200704x16xf32, #tpu.memory_space<hbm>> -> memref<784x16xf32, #tpu.memory_space<hbm>>
      %dma_wait3A_144 = arith.constant 0 : i32
      %dma_wait3A_145 = tpu.memref_slice %arg5[%add3A_121, %dma_wait3A_144] : memref<200704x16xf32, #tpu.memory_space<hbm>> -> memref<784x16xf32, #tpu.memory_space<hbm>>
      %dma_wait3A_146 = arith.constant 0 : i32
      %dma_wait3A_147 = arith.constant 0 : i32
      %dma_wait3A_148 = tpu.memref_slice %arg10[%dma_wait3A_146, %dma_wait3A_147] : memref<848x16xf32, #tpu.memory_space<vmem>> -> memref<784x16xf32, #tpu.memory_space<vmem>>
      tpu.wait_dma2 semaphore(%run_scoped3A : memref<!tpu.dma_semaphore, #tpu.memory_space<semaphore_mem>>) src(%dma_wait3A_148 : memref<784x16xf32, #tpu.memory_space<vmem>>) dst(%dma_wait3A_145 : memref<784x16xf32, #tpu.memory_space<hbm>>)
      tpu.yield
    }) : () -> ()
    %add3A_122 = arith.constant 5488 : i32
    %add3A_123 = arith.addi %mul3A_0, %add3A_122 : i32
    "tpu.region"() ({
      %run_scoped3A = tpu.sem_alloc : memref<!tpu.dma_semaphore, #tpu.memory_space<semaphore_mem>>
      %dma_start3A_129 = arith.constant 0 : i32
      %dma_start3A_130 = arith.constant 0 : i32
      %dma_start3A_131 = tpu.memref_slice %arg10[%dma_start3A_129, %dma_start3A_130] : memref<848x16xf32, #tpu.memory_space<vmem>> -> memref<784x16xf32, #tpu.memory_space<vmem>>
      %dma_start3A_132 = arith.constant 0 : i32
      %dma_start3A_133 = tpu.memref_slice %arg12[%add3A_123, %dma_start3A_132] : memref<100352x16xf32, #tpu.memory_space<vmem_shared>> -> memref<784x16xf32, #tpu.memory_space<vmem_shared>>
      %dma_start3A_134 = arith.constant 0 : i32
      %dma_start3A_135 = arith.constant 0 : i32
      %dma_start3A_136 = tpu.memref_slice %arg10[%dma_start3A_134, %dma_start3A_135] : memref<848x16xf32, #tpu.memory_space<vmem>> -> memref<784x16xf32, #tpu.memory_space<vmem>>
      %dma_start3A_137 = arith.constant 0 : i32
      %dma_start3A_138 = tpu.memref_slice %arg12[%add3A_123, %dma_start3A_137] : memref<100352x16xf32, #tpu.memory_space<vmem_shared>> -> memref<784x16xf32, #tpu.memory_space<vmem_shared>>
      tpu.enqueue_dma source(%dma_start3A_138 : memref<784x16xf32, #tpu.memory_space<vmem_shared>>) target(%dma_start3A_136 : memref<784x16xf32, #tpu.memory_space<vmem>>) target_semaphore(%run_scoped3A : memref<!tpu.dma_semaphore, #tpu.memory_space<semaphore_mem>>)
      %dma_wait3A_139 = arith.constant 0 : i32
      %dma_wait3A_140 = arith.constant 0 : i32
      %dma_wait3A_141 = tpu.memref_slice %arg10[%dma_wait3A_139, %dma_wait3A_140] : memref<848x16xf32, #tpu.memory_space<vmem>> -> memref<784x16xf32, #tpu.memory_space<vmem>>
      %dma_wait3A_142 = arith.constant 0 : i32
      %dma_wait3A_143 = tpu.memref_slice %arg12[%add3A_123, %dma_wait3A_142] : memref<100352x16xf32, #tpu.memory_space<vmem_shared>> -> memref<784x16xf32, #tpu.memory_space<vmem_shared>>
      %dma_wait3A_144 = arith.constant 0 : i32
      %dma_wait3A_145 = arith.constant 0 : i32
      %dma_wait3A_146 = tpu.memref_slice %arg10[%dma_wait3A_144, %dma_wait3A_145] : memref<848x16xf32, #tpu.memory_space<vmem>> -> memref<784x16xf32, #tpu.memory_space<vmem>>
      %dma_wait3A_147 = arith.constant 0 : i32
      %dma_wait3A_148 = tpu.memref_slice %arg12[%add3A_123, %dma_wait3A_147] : memref<100352x16xf32, #tpu.memory_space<vmem_shared>> -> memref<784x16xf32, #tpu.memory_space<vmem_shared>>
      tpu.wait_dma2 semaphore(%run_scoped3A : memref<!tpu.dma_semaphore, #tpu.memory_space<semaphore_mem>>) src(%dma_wait3A_148 : memref<784x16xf32, #tpu.memory_space<vmem_shared>>) dst(%dma_wait3A_146 : memref<784x16xf32, #tpu.memory_space<vmem>>)
      tpu.yield
    }) : () -> ()
    %mul3A_124 = arith.constant 100352 : i32
    %mul3A_125 = arith.muli %arg0, %mul3A_124 : i32
    %add3A_126 = arith.addi %mul3A_125, %mul3A_0 : i32
    %add3A_127 = arith.constant 5488 : i32
    %add3A_128 = arith.addi %add3A_126, %add3A_127 : i32
    "tpu.region"() ({
      %run_scoped3A = tpu.sem_alloc : memref<!tpu.dma_semaphore, #tpu.memory_space<semaphore_mem>>
      %dma_start3A_129 = arith.constant 0 : i32
      %dma_start3A_130 = arith.constant 0 : i32
      %dma_start3A_131 = tpu.memref_slice %arg10[%dma_start3A_129, %dma_start3A_130] : memref<848x16xf32, #tpu.memory_space<vmem>> -> memref<784x16xf32, #tpu.memory_space<vmem>>
      %dma_start3A_132 = arith.constant 0 : i32
      %dma_start3A_133 = tpu.memref_slice %arg5[%add3A_128, %dma_start3A_132] : memref<200704x16xf32, #tpu.memory_space<hbm>> -> memref<784x16xf32, #tpu.memory_space<hbm>>
      %dma_start3A_134 = arith.constant 0 : i32
      %dma_start3A_135 = tpu.memref_slice %arg5[%add3A_128, %dma_start3A_134] : memref<200704x16xf32, #tpu.memory_space<hbm>> -> memref<784x16xf32, #tpu.memory_space<hbm>>
      %dma_start3A_136 = arith.constant 0 : i32
      %dma_start3A_137 = arith.constant 0 : i32
      %dma_start3A_138 = tpu.memref_slice %arg10[%dma_start3A_136, %dma_start3A_137] : memref<848x16xf32, #tpu.memory_space<vmem>> -> memref<784x16xf32, #tpu.memory_space<vmem>>
      tpu.enqueue_dma source(%dma_start3A_138 : memref<784x16xf32, #tpu.memory_space<vmem>>) target(%dma_start3A_135 : memref<784x16xf32, #tpu.memory_space<hbm>>) target_semaphore(%run_scoped3A : memref<!tpu.dma_semaphore, #tpu.memory_space<semaphore_mem>>)
      %dma_wait3A_139 = arith.constant 0 : i32
      %dma_wait3A_140 = arith.constant 0 : i32
      %dma_wait3A_141 = tpu.memref_slice %arg10[%dma_wait3A_139, %dma_wait3A_140] : memref<848x16xf32, #tpu.memory_space<vmem>> -> memref<784x16xf32, #tpu.memory_space<vmem>>
      %dma_wait3A_142 = arith.constant 0 : i32
      %dma_wait3A_143 = tpu.memref_slice %arg5[%add3A_128, %dma_wait3A_142] : memref<200704x16xf32, #tpu.memory_space<hbm>> -> memref<784x16xf32, #tpu.memory_space<hbm>>
      %dma_wait3A_144 = arith.constant 0 : i32
      %dma_wait3A_145 = tpu.memref_slice %arg5[%add3A_128, %dma_wait3A_144] : memref<200704x16xf32, #tpu.memory_space<hbm>> -> memref<784x16xf32, #tpu.memory_space<hbm>>
      %dma_wait3A_146 = arith.constant 0 : i32
      %dma_wait3A_147 = arith.constant 0 : i32
      %dma_wait3A_148 = tpu.memref_slice %arg10[%dma_wait3A_146, %dma_wait3A_147] : memref<848x16xf32, #tpu.memory_space<vmem>> -> memref<784x16xf32, #tpu.memory_space<vmem>>
      tpu.wait_dma2 semaphore(%run_scoped3A : memref<!tpu.dma_semaphore, #tpu.memory_space<semaphore_mem>>) src(%dma_wait3A_148 : memref<784x16xf32, #tpu.memory_space<vmem>>) dst(%dma_wait3A_145 : memref<784x16xf32, #tpu.memory_space<hbm>>)
      tpu.yield
    }) : () -> ()
    return
  }
}

module attributes {stable_mosaic.version = 14 : i64} {
  func.func @_tc1_body(%arg0: i32, %arg1: memref<2x3136x1xf32, #tpu.memory_space<vmem>>, %arg2: memref<3136x16xf32, #tpu.memory_space<vmem>>, %arg3: memref<3136x1xf32, #tpu.memory_space<vmem>>, %arg4: memref<3136x16xf32, #tpu.memory_space<vmem>>) attributes {dimension_semantics = [#tpu.dimension_semantics<arbitrary>], iteration_bounds = array<i64: 32>, scalar_prefetch = 0 : i64, scratch_operands = 0 : i64, tpu.core_type = #tpu.core_type<tc>, window_params = [{transform_indices = @transform_0, window_bounds = array<i64: 2, 3136, 1>}, {transform_indices = @transform_1, window_bounds = array<i64: 3136, 16>}, {transform_indices = @transform_2, window_bounds = array<i64: 3136, 1>}, {transform_indices = @transform_3, window_bounds = array<i64: 3136, 16>}]} {
    %get3A = arith.constant 0 : index
    %get3A_0 = arith.constant 0 : index
    %get3A_1 = arith.constant 0 : index
    %get3A_2 = vector.load %arg1[%get3A, %get3A_0, %get3A_1] : memref<2x3136x1xf32, #tpu.memory_space<vmem>>, vector<1x3136x1xf32>
    %get3A_3 = vector.shape_cast %get3A_2 : vector<1x3136x1xf32> to vector<3136x1xf32>
    %get3A_4 = arith.constant 1 : index
    %get3A_5 = arith.constant 0 : index
    %get3A_6 = arith.constant 0 : index
    %get3A_7 = vector.load %arg1[%get3A_4, %get3A_5, %get3A_6] : memref<2x3136x1xf32, #tpu.memory_space<vmem>>, vector<1x3136x1xf32>
    %get3A_8 = vector.shape_cast %get3A_7 : vector<1x3136x1xf32> to vector<3136x1xf32>
    %add3A = arith.addf %get3A_3, %get3A_8 : vector<3136x1xf32>
    %add3A_9 = arith.constant 1.000000e+00 : f32
    %add3A_10 = vector.broadcast %add3A_9 : f32 to vector<3136x1xf32>
    %add3A_11 = arith.addf %add3A, %add3A_10 : vector<3136x1xf32>
    %rsqrt3A = math.rsqrt %add3A_11 : vector<3136x1xf32>
    %swap3A = arith.constant 0 : index
    %swap3A_12 = arith.constant 0 : index
    %swap3A_13 = vector.load %arg3[%swap3A, %swap3A_12] : memref<3136x1xf32, #tpu.memory_space<vmem>>, vector<3136x1xf32>
    tpu.vector_store %arg3[%swap3A, %swap3A_12], %rsqrt3A {strides = array<i32>} : memref<3136x1xf32, #tpu.memory_space<vmem>>, vector<3136x1xf32>,
    %get3A_14 = arith.constant 0 : index
    %get3A_15 = arith.constant 0 : index
    %get3A_16 = vector.load %arg2[%get3A_14, %get3A_15] : memref<3136x16xf32, #tpu.memory_space<vmem>>, vector<3136x16xf32>
    %mul3A = vector.broadcast %rsqrt3A : vector<3136x1xf32> to vector<3136x16xf32>
    %mul3A_17 = arith.mulf %get3A_16, %mul3A : vector<3136x16xf32>
    %swap3A_18 = arith.constant 0 : index
    %swap3A_19 = arith.constant 0 : index
    %swap3A_20 = vector.load %arg4[%swap3A_18, %swap3A_19] : memref<3136x16xf32, #tpu.memory_space<vmem>>, vector<3136x16xf32>
    tpu.vector_store %arg4[%swap3A_18, %swap3A_19], %mul3A_17 {strides = array<i32>} : memref<3136x16xf32, #tpu.memory_space<vmem>>, vector<3136x16xf32>,
    return
  }
  func.func @transform_0(%arg0: i32) -> (i32, i32, i32) {
    %c0_i32 = arith.constant 0 : i32
    %c0_i32_0 = arith.constant 0 : i32
    %c0_i32_1 = arith.constant 0 : i32
    return %c0_i32, %arg0, %c0_i32_0 : i32, i32, i32
  }
  func.func @transform_1(%arg0: i32) -> (i32, i32) {
    %c0_i32 = arith.constant 0 : i32
    %c0_i32_0 = arith.constant 0 : i32
    return %arg0, %c0_i32 : i32, i32
  }
  func.func @transform_2(%arg0: i32) -> (i32, i32) {
    %c0_i32 = arith.constant 0 : i32
    %c0_i32_0 = arith.constant 0 : i32
    return %arg0, %c0_i32 : i32, i32
  }
  func.func @transform_3(%arg0: i32) -> (i32, i32) {
    %c0_i32 = arith.constant 0 : i32
    %c0_i32_0 = arith.constant 0 : i32
    return %arg0, %c0_i32 : i32, i32
  }
}

module attributes {stable_mosaic.version = 14 : i64} {
  func.func @_tc2_body(%arg0: i32, %arg1: memref<2x3136x16xf32, #tpu.memory_space<vmem>>, %arg2: memref<3136x16xf32, #tpu.memory_space<vmem>>, %arg3: memref<3136x1xf32, #tpu.memory_space<vmem>>, %arg4: memref<16x64xf32, #tpu.memory_space<vmem>>, %arg5: memref<1x64xf32, #tpu.memory_space<vmem>>, %arg6: memref<64x32xf32, #tpu.memory_space<vmem>>, %arg7: memref<3136x16xf32, #tpu.memory_space<vmem>>, %arg8: memref<3136x16xf32, #tpu.memory_space<vmem>>) attributes {dimension_semantics = [#tpu.dimension_semantics<arbitrary>], iteration_bounds = array<i64: 32>, scalar_prefetch = 0 : i64, scratch_operands = 0 : i64, tpu.core_type = #tpu.core_type<tc>, window_params = [{transform_indices = @transform_0, window_bounds = array<i64: 2, 3136, 16>}, {transform_indices = @transform_1, window_bounds = array<i64: 3136, 16>}, {transform_indices = @transform_2, window_bounds = array<i64: 3136, 1>}, {pipeline_mode = #tpu.pipeline_mode<synchronous>, transform_indices = @transform_3, window_bounds = array<i64: 16, 64>}, {pipeline_mode = #tpu.pipeline_mode<synchronous>, transform_indices = @transform_4, window_bounds = array<i64: 1, 64>}, {pipeline_mode = #tpu.pipeline_mode<synchronous>, transform_indices = @transform_5, window_bounds = array<i64: 64, 32>}, {transform_indices = @transform_6, window_bounds = array<i64: 3136, 16>}, {transform_indices = @transform_7, window_bounds = array<i64: 3136, 16>}]} {
    %get3A = arith.constant 0 : index
    %get3A_0 = arith.constant 0 : index
    %get3A_1 = vector.load %arg3[%get3A, %get3A_0] : memref<3136x1xf32, #tpu.memory_space<vmem>>, vector<3136x1xf32>
    %get3A_2 = arith.constant 0 : index
    %get3A_3 = arith.constant 0 : index
    %get3A_4 = arith.constant 0 : index
    %get3A_5 = vector.load %arg1[%get3A_2, %get3A_3, %get3A_4] : memref<2x3136x16xf32, #tpu.memory_space<vmem>>, vector<1x3136x16xf32>
    %get3A_6 = vector.shape_cast %get3A_5 : vector<1x3136x16xf32> to vector<3136x16xf32>
    %get3A_7 = arith.constant 1 : index
    %get3A_8 = arith.constant 0 : index
    %get3A_9 = arith.constant 0 : index
    %get3A_10 = vector.load %arg1[%get3A_7, %get3A_8, %get3A_9] : memref<2x3136x16xf32, #tpu.memory_space<vmem>>, vector<1x3136x16xf32>
    %get3A_11 = vector.shape_cast %get3A_10 : vector<1x3136x16xf32> to vector<3136x16xf32>
    %add3A = arith.addf %get3A_6, %get3A_11 : vector<3136x16xf32>
    %get3A_12 = arith.constant 0 : index
    %get3A_13 = arith.constant 0 : index
    %get3A_14 = vector.load %arg2[%get3A_12, %get3A_13] : memref<3136x16xf32, #tpu.memory_space<vmem>>, vector<3136x16xf32>
    %add3A_15 = arith.addf %add3A, %get3A_14 : vector<3136x16xf32>
    %mul3A = vector.broadcast %get3A_1 : vector<3136x1xf32> to vector<3136x16xf32>
    %mul3A_16 = arith.mulf %mul3A, %add3A_15 : vector<3136x16xf32>
    %get3A_17 = arith.constant 0 : index
    %get3A_18 = arith.constant 0 : index
    %get3A_19 = vector.load %arg4[%get3A_17, %get3A_18] : memref<16x64xf32, #tpu.memory_space<vmem>>, vector<16x64xf32>
    %dot_general3A = arith.constant dense<0.000000e+00> : vector<3136x64xf32>
    %dot_general3A_20 = tpu.matmul %mul3A_16, %get3A_19, %dot_general3A {dimension_numbers = #tpu.dot_dimension_numbers<[1], [0], [0], [1], [0, 0, 1, 1], [], []>, transpose_lhs_hint = false} : vector<3136x16xf32>, vector<16x64xf32>, vector<3136x64xf32> -> vector<3136x64xf32>
    %get3A_21 = arith.constant 0 : index
    %get3A_22 = arith.constant 0 : index
    %get3A_23 = vector.load %arg5[%get3A_21, %get3A_22] : memref<1x64xf32, #tpu.memory_space<vmem>>, vector<1x64xf32>
    %add3A_24 = vector.broadcast %get3A_23 : vector<1x64xf32> to vector<3136x64xf32>
    %add3A_25 = arith.addf %dot_general3A_20, %add3A_24 : vector<3136x64xf32>
    %max3A = arith.constant 0.000000e+00 : f32
    %max3A_26 = vector.broadcast %max3A : f32 to vector<3136x64xf32>
    %max3A_27 = arith.maximumf %add3A_25, %max3A_26 : vector<3136x64xf32>
    %get3A_28 = arith.constant 0 : index
    %get3A_29 = arith.constant 0 : index
    %get3A_30 = vector.load %arg6[%get3A_28, %get3A_29] : memref<64x32xf32, #tpu.memory_space<vmem>>, vector<64x32xf32>
    %dot_general3A_31 = arith.constant dense<0.000000e+00> : vector<3136x32xf32>
    %dot_general3A_32 = tpu.matmul %max3A_27, %get3A_30, %dot_general3A_31 {dimension_numbers = #tpu.dot_dimension_numbers<[1], [0], [0], [1], [0, 0, 1, 1], [], []>, transpose_lhs_hint = false} : vector<3136x64xf32>, vector<64x32xf32>, vector<3136x32xf32> -> vector<3136x32xf32>
    %mul3A_33 = vector.broadcast %get3A_1 : vector<3136x1xf32> to vector<3136x32xf32>
    %mul3A_34 = arith.mulf %mul3A_33, %dot_general3A_32 : vector<3136x32xf32>
    %slice3A = vector.extract_strided_slice %mul3A_34 {offsets = [0, 0], sizes = [3136, 16], strides = [1, 1]} : vector<3136x32xf32> to vector<3136x16xf32>
    %swap3A = arith.constant 0 : index
    %swap3A_35 = arith.constant 0 : index
    %swap3A_36 = vector.load %arg7[%swap3A, %swap3A_35] : memref<3136x16xf32, #tpu.memory_space<vmem>>, vector<3136x16xf32>
    tpu.vector_store %arg7[%swap3A, %swap3A_35], %slice3A {strides = array<i32>} : memref<3136x16xf32, #tpu.memory_space<vmem>>, vector<3136x16xf32>,
    %slice3A_37 = vector.extract_strided_slice %mul3A_34 {offsets = [0, 16], sizes = [3136, 16], strides = [1, 1]} : vector<3136x32xf32> to vector<3136x16xf32>
    %swap3A_38 = arith.constant 0 : index
    %swap3A_39 = arith.constant 0 : index
    %swap3A_40 = vector.load %arg8[%swap3A_38, %swap3A_39] : memref<3136x16xf32, #tpu.memory_space<vmem>>, vector<3136x16xf32>
    tpu.vector_store %arg8[%swap3A_38, %swap3A_39], %slice3A_37 {strides = array<i32>} : memref<3136x16xf32, #tpu.memory_space<vmem>>, vector<3136x16xf32>,
    return
  }
  func.func @transform_0(%arg0: i32) -> (i32, i32, i32) {
    %c0_i32 = arith.constant 0 : i32
    %c0_i32_0 = arith.constant 0 : i32
    %c0_i32_1 = arith.constant 0 : i32
    return %c0_i32, %arg0, %c0_i32_0 : i32, i32, i32
  }
  func.func @transform_1(%arg0: i32) -> (i32, i32) {
    %c0_i32 = arith.constant 0 : i32
    %c0_i32_0 = arith.constant 0 : i32
    return %arg0, %c0_i32 : i32, i32
  }
  func.func @transform_2(%arg0: i32) -> (i32, i32) {
    %c0_i32 = arith.constant 0 : i32
    %c0_i32_0 = arith.constant 0 : i32
    return %arg0, %c0_i32 : i32, i32
  }
  func.func @transform_3(%arg0: i32) -> (i32, i32) {
    %c0_i32 = arith.constant 0 : i32
    %c0_i32_0 = arith.constant 0 : i32
    %c0_i32_1 = arith.constant 0 : i32
    return %c0_i32, %c0_i32_0 : i32, i32
  }
  func.func @transform_4(%arg0: i32) -> (i32, i32) {
    %c0_i32 = arith.constant 0 : i32
    %c0_i32_0 = arith.constant 0 : i32
    %c0_i32_1 = arith.constant 0 : i32
    return %c0_i32, %c0_i32_0 : i32, i32
  }
  func.func @transform_5(%arg0: i32) -> (i32, i32) {
    %c0_i32 = arith.constant 0 : i32
    %c0_i32_0 = arith.constant 0 : i32
    %c0_i32_1 = arith.constant 0 : i32
    return %c0_i32, %c0_i32_0 : i32, i32
  }
  func.func @transform_6(%arg0: i32) -> (i32, i32) {
    %c0_i32 = arith.constant 0 : i32
    %c0_i32_0 = arith.constant 0 : i32
    return %arg0, %c0_i32 : i32, i32
  }
  func.func @transform_7(%arg0: i32) -> (i32, i32) {
    %c0_i32 = arith.constant 0 : i32
    %c0_i32_0 = arith.constant 0 : i32
    return %arg0, %c0_i32 : i32, i32
  }
}

module attributes {stable_mosaic.version = 14 : i64} {
  func.func @_tc3_body(%arg0: i32, %arg1: memref<2x3136x16xf32, #tpu.memory_space<vmem>>, %arg2: memref<3136x16xf32, #tpu.memory_space<vmem>>, %arg3: memref<3136x16xf32, #tpu.memory_space<vmem>>, %arg4: memref<3136x1xf32, #tpu.memory_space<vmem>>, %arg5: memref<1x32xf32, #tpu.memory_space<vmem>>, %arg6: memref<32x1xf32, #tpu.memory_space<vmem>>, %arg7: memref<1x1xf32, #tpu.memory_space<vmem>>, %arg8: memref<1x1xf32, #tpu.memory_space<vmem>>) attributes {dimension_semantics = [#tpu.dimension_semantics<arbitrary>], iteration_bounds = array<i64: 32>, scalar_prefetch = 0 : i64, scratch_operands = 0 : i64, tpu.core_type = #tpu.core_type<tc>, window_params = [{transform_indices = @transform_0, window_bounds = array<i64: 2, 3136, 16>}, {transform_indices = @transform_1, window_bounds = array<i64: 3136, 16>}, {transform_indices = @transform_2, window_bounds = array<i64: 3136, 16>}, {transform_indices = @transform_3, window_bounds = array<i64: 3136, 1>}, {pipeline_mode = #tpu.pipeline_mode<synchronous>, transform_indices = @transform_4, window_bounds = array<i64: 1, 32>}, {pipeline_mode = #tpu.pipeline_mode<synchronous>, transform_indices = @transform_5, window_bounds = array<i64: 32, 1>}, {pipeline_mode = #tpu.pipeline_mode<synchronous>, transform_indices = @transform_6, window_bounds = array<i64: 1, 1>}, {pipeline_mode = #tpu.pipeline_mode<synchronous>, transform_indices = @transform_7, window_bounds = array<i64: 1, 1>}]} {
    %get3A = arith.constant 0 : index
    %get3A_0 = arith.constant 0 : index
    %get3A_1 = vector.load %arg4[%get3A, %get3A_0] : memref<3136x1xf32, #tpu.memory_space<vmem>>, vector<3136x1xf32>
    %get3A_2 = arith.constant 0 : index
    %get3A_3 = arith.constant 0 : index
    %get3A_4 = arith.constant 0 : index
    %get3A_5 = vector.load %arg1[%get3A_2, %get3A_3, %get3A_4] : memref<2x3136x16xf32, #tpu.memory_space<vmem>>, vector<1x3136x16xf32>
    %get3A_6 = vector.shape_cast %get3A_5 : vector<1x3136x16xf32> to vector<3136x16xf32>
    %get3A_7 = arith.constant 0 : index
    %get3A_8 = arith.constant 0 : index
    %get3A_9 = vector.load %arg2[%get3A_7, %get3A_8] : memref<3136x16xf32, #tpu.memory_space<vmem>>, vector<3136x16xf32>
    %add3A = arith.addf %get3A_6, %get3A_9 : vector<3136x16xf32>
    %mul3A = vector.broadcast %get3A_1 : vector<3136x1xf32> to vector<3136x16xf32>
    %mul3A_10 = arith.mulf %mul3A, %add3A : vector<3136x16xf32>
    %get3A_11 = arith.constant 1 : index
    %get3A_12 = arith.constant 0 : index
    %get3A_13 = arith.constant 0 : index
    %get3A_14 = vector.load %arg1[%get3A_11, %get3A_12, %get3A_13] : memref<2x3136x16xf32, #tpu.memory_space<vmem>>, vector<1x3136x16xf32>
    %get3A_15 = vector.shape_cast %get3A_14 : vector<1x3136x16xf32> to vector<3136x16xf32>
    %get3A_16 = arith.constant 0 : index
    %get3A_17 = arith.constant 0 : index
    %get3A_18 = vector.load %arg3[%get3A_16, %get3A_17] : memref<3136x16xf32, #tpu.memory_space<vmem>>, vector<3136x16xf32>
    %add3A_19 = arith.addf %get3A_15, %get3A_18 : vector<3136x16xf32>
    %mul3A_20 = vector.broadcast %get3A_1 : vector<3136x1xf32> to vector<3136x16xf32>
    %mul3A_21 = arith.mulf %mul3A_20, %add3A_19 : vector<3136x16xf32>
    %concatenate3A = tpu.concatenate %mul3A_10, %mul3A_21 in 1 : vector<3136x16xf32>, vector<3136x16xf32> -> vector<3136x32xf32>
    %get3A_22 = arith.constant 0 : index
    %get3A_23 = arith.constant 0 : index
    %get3A_24 = vector.load %arg5[%get3A_22, %get3A_23] : memref<1x32xf32, #tpu.memory_space<vmem>>, vector<1x32xf32>
    %add3A_25 = vector.broadcast %get3A_24 : vector<1x32xf32> to vector<3136x32xf32>
    %add3A_26 = arith.addf %concatenate3A, %add3A_25 : vector<3136x32xf32>
    %max3A = arith.constant 0.000000e+00 : f32
    %max3A_27 = vector.broadcast %max3A : f32 to vector<3136x32xf32>
    %max3A_28 = arith.maximumf %add3A_26, %max3A_27 : vector<3136x32xf32>
    %mul3A_29 = arith.constant 3136 : i32
    %mul3A_30 = arith.muli %arg0, %mul3A_29 : i32
    %iota3A = tpu.iota {dimensions = array<i32: 0>} : vector<3136x1xi32>
    %add3A_31 = vector.broadcast %mul3A_30 : i32 to vector<3136x1xi32>
    %add3A_32 = arith.addi %add3A_31, %iota3A : vector<3136x1xi32>
    %lt3A = arith.constant 100000 : i32
    %lt3A_33 = vector.broadcast %lt3A : i32 to vector<3136x1xi32>
    %lt3A_34 = arith.cmpi slt, %add3A_32, %lt3A_33 : vector<3136x1xi32>
    %jit3A = arith.constant 0.000000e+00 : f32
    %broadcast_in_dim3A = vector.shape_cast %lt3A_34 : vector<3136x1xi1> to vector<3136x1xi1>
    %broadcast_in_dim3A_35 = vector.broadcast %broadcast_in_dim3A : vector<3136x1xi1> to vector<3136x32xi1>
    %broadcast_in_dim3A_36 = vector.broadcast %jit3A : f32 to vector<3136x32xf32>
    %select_n3A = arith.select %broadcast_in_dim3A_35, %max3A_28, %broadcast_in_dim3A_36 : vector<3136x32xi1>, vector<3136x32xf32>
    %get3A_37 = arith.constant 0 : index
    %get3A_38 = arith.constant 0 : index
    %get3A_39 = vector.load %arg6[%get3A_37, %get3A_38] : memref<32x1xf32, #tpu.memory_space<vmem>>, vector<32x1xf32>
    %dot_general3A = arith.constant dense<0.000000e+00> : vector<3136x1xf32>
    %dot_general3A_40 = tpu.matmul %select_n3A, %get3A_39, %dot_general3A {dimension_numbers = #tpu.dot_dimension_numbers<[1], [0], [0], [1], [0, 0, 1, 1], [], []>, transpose_lhs_hint = false} : vector<3136x32xf32>, vector<32x1xf32>, vector<3136x1xf32> -> vector<3136x1xf32>
    %reduce_sum3A = vector.shape_cast %dot_general3A_40 : vector<3136x1xf32> to vector<1x3136x1xf32>
    %reduce_sum3A_41 = arith.constant dense<0.000000e+00> : vector<1xf32>
    %reduce_sum3A_42 = vector.multi_reduction <add>, %reduce_sum3A, %reduce_sum3A_41 [1, 2] : vector<1x3136x1xf32> to vector<1xf32>
    %reduce_sum3A_43 = vector.shape_cast %reduce_sum3A_42 : vector<1xf32> to vector<1x1x1xf32>
    %reduce_sum3A_44 = vector.extract %reduce_sum3A_43[0, 0, 0] : f32 from vector<1x1x1xf32>
    %eq3A = arith.constant 0 : i32
    %eq3A_45 = arith.cmpi eq, %arg0, %eq3A : i32
    %convert_element_type3A = arith.extui %eq3A_45 : i1 to i32
    %cond3A = arith.constant 0 : i32
    %cond3A_46 = arith.cmpi ne, %convert_element_type3A, %cond3A : i32
    scf.if %cond3A_46 {
      %broadcast_in_dim3A_59 = arith.constant 0.000000e+00 : f32
      %broadcast_in_dim3A_60 = vector.broadcast %broadcast_in_dim3A_59 : f32 to vector<1x1xf32>
      %swap3A_61 = arith.constant 0 : index
      %swap3A_62 = arith.constant 0 : index
      %swap3A_63 = vector.load %arg8[%swap3A_61, %swap3A_62] : memref<1x1xf32, #tpu.memory_space<vmem>>, vector<1x1xf32>
      tpu.vector_store %arg8[%swap3A_61, %swap3A_62], %broadcast_in_dim3A_60 {strides = array<i32>} : memref<1x1xf32, #tpu.memory_space<vmem>>, vector<1x1xf32>,
    } else {
    }
    %get3A_47 = arith.constant 0 : index
    %get3A_48 = arith.constant 0 : index
    %get3A_49 = vector.load %arg8[%get3A_47, %get3A_48] : memref<1x1xf32, #tpu.memory_space<vmem>>, vector<1x1xf32>
    %add3A_50 = vector.broadcast %reduce_sum3A_44 : f32 to vector<1x1xf32>
    %add3A_51 = arith.addf %get3A_49, %add3A_50 : vector<1x1xf32>
    %swap3A = arith.constant 0 : index
    %swap3A_52 = arith.constant 0 : index
    %swap3A_53 = vector.load %arg8[%swap3A, %swap3A_52] : memref<1x1xf32, #tpu.memory_space<vmem>>, vector<1x1xf32>
    tpu.vector_store %arg8[%swap3A, %swap3A_52], %add3A_51 {strides = array<i32>} : memref<1x1xf32, #tpu.memory_space<vmem>>, vector<1x1xf32>,
    %eq3A_54 = arith.constant 31 : i32
    %eq3A_55 = arith.cmpi eq, %arg0, %eq3A_54 : i32
    %convert_element_type3A_56 = arith.extui %eq3A_55 : i1 to i32
    %cond3A_57 = arith.constant 0 : i32
    %cond3A_58 = arith.cmpi ne, %convert_element_type3A_56, %cond3A_57 : i32
    scf.if %cond3A_58 {
      %get3A_59 = arith.constant 0 : index
      %get3A_60 = arith.constant 0 : index
      %get3A_61 = vector.load %arg8[%get3A_59, %get3A_60] : memref<1x1xf32, #tpu.memory_space<vmem>>, vector<1x1xf32>
      %div3A = arith.constant 1.000000e+05 : f32
      %div3A_62 = vector.broadcast %div3A : f32 to vector<1x1xf32>
      %div3A_63 = arith.divf %get3A_61, %div3A_62 : vector<1x1xf32>
      %get3A_64 = arith.constant 0 : index
      %get3A_65 = arith.constant 0 : index
      %get3A_66 = vector.load %arg7[%get3A_64, %get3A_65] : memref<1x1xf32, #tpu.memory_space<vmem>>, vector<1x1xf32>
      %add3A_67 = arith.addf %div3A_63, %get3A_66 : vector<1x1xf32>
      %swap3A_68 = arith.constant 0 : index
      %swap3A_69 = arith.constant 0 : index
      %swap3A_70 = vector.load %arg8[%swap3A_68, %swap3A_69] : memref<1x1xf32, #tpu.memory_space<vmem>>, vector<1x1xf32>
      tpu.vector_store %arg8[%swap3A_68, %swap3A_69], %add3A_67 {strides = array<i32>} : memref<1x1xf32, #tpu.memory_space<vmem>>, vector<1x1xf32>,
    } else {
    }
    return
  }
  func.func @transform_0(%arg0: i32) -> (i32, i32, i32) {
    %c0_i32 = arith.constant 0 : i32
    %c0_i32_0 = arith.constant 0 : i32
    %c0_i32_1 = arith.constant 0 : i32
    return %c0_i32, %arg0, %c0_i32_0 : i32, i32, i32
  }
  func.func @transform_1(%arg0: i32) -> (i32, i32) {
    %c0_i32 = arith.constant 0 : i32
    %c0_i32_0 = arith.constant 0 : i32
    return %arg0, %c0_i32 : i32, i32
  }
  func.func @transform_2(%arg0: i32) -> (i32, i32) {
    %c0_i32 = arith.constant 0 : i32
    %c0_i32_0 = arith.constant 0 : i32
    return %arg0, %c0_i32 : i32, i32
  }
  func.func @transform_3(%arg0: i32) -> (i32, i32) {
    %c0_i32 = arith.constant 0 : i32
    %c0_i32_0 = arith.constant 0 : i32
    return %arg0, %c0_i32 : i32, i32
  }
  func.func @transform_4(%arg0: i32) -> (i32, i32) {
    %c0_i32 = arith.constant 0 : i32
    %c0_i32_0 = arith.constant 0 : i32
    %c0_i32_1 = arith.constant 0 : i32
    return %c0_i32, %c0_i32_0 : i32, i32
  }
  func.func @transform_5(%arg0: i32) -> (i32, i32) {
    %c0_i32 = arith.constant 0 : i32
    %c0_i32_0 = arith.constant 0 : i32
    %c0_i32_1 = arith.constant 0 : i32
    return %c0_i32, %c0_i32_0 : i32, i32
  }
  func.func @transform_6(%arg0: i32) -> (i32, i32) {
    %c0_i32 = arith.constant 0 : i32
    %c0_i32_0 = arith.constant 0 : i32
    %c0_i32_1 = arith.constant 0 : i32
    return %c0_i32, %c0_i32_0 : i32, i32
  }
  func.func @transform_7(%arg0: i32) -> (i32, i32) {
    %c0_i32 = arith.constant 0 : i32
    %c0_i32_0 = arith.constant 0 : i32
    %c0_i32_1 = arith.constant 0 : i32
    return %c0_i32, %c0_i32_0 : i32, i32
  }
}

</mosaic_0001>

<sc_bundles>
// kernel: kernel.11.cloned.1.call-start
scs
__scs_entry_jumppad:
0x0: {  	(pc) =	sbr.rel $0x88, $3  }
0x1: {  	(tag) =	ssettag $0x0;
	lr =	simm.s32 $0x1  }
0x2: {  	[smem:$0x3F99] =	sst lr;
	_ =	strace $0xD0000000  }
0x3: {  	_ = 	snop  }
0x4: {  	_ = 	snop  }
0x5: {  	_ = 	snop  }
0x6: {  	_ = 	snop  }
0x7: {  	_ = 	snop  }
__scs_overlays_trampoline_lowered:
0x8: {  	[smem:$0x3FA8] =	sst s0  }
0x9: {  	[smem:$0x3FA9] =	sst s1  }
0xa: {  	[smem:$0x3FAA] =	sst s2  }
0xb: {  	[smem:$0x3FAB] =	sst s3  }
0xc: {  	[smem:$0x3FAC] =	sst s4  }
0xd: {  	[smem:$0x3FAD] =	sst s5  }
0xe: {  	[smem:$0x3FAE] =	sst s6  }
0xf: {  	[smem:$0x3FAF] =	sst s7  }
0x10: {  	[smem:$0x3FB0] =	sst s8  }
0x11: {  	[smem:$0x3FB1] =	sst s9;
	s0 =	simm.s32 @!p0 $0x0  }
0x12: {  	s1 =	sld [smem:$0x3F97];
	s0 =	simm.s32 @p0 $0x1  }
0x13: {  	[smem:$0x3FB2] =	sst s0;
	s0 =	simm.s32 @!p1 $0x0  }
0x14: {  	s2 =	sld [smem:$0x3F96];
	s0 =	simm.s32 @p1 $0x1  }
0x15: {  	[smem:$0x3FB3] =	sst s0;
	s0 =	simm.s32 @!p2 $0x0  }
0x16: {  	s3 =	sld [smem:$0x3FDB];
	s0 =	simm.s32 @p2 $0x1  }
0x17: {  	s4 =	simm.s32 $0x1BF5;
	[smem:$0x3FB5] =	sst s0  }
0x18: {  	s0 =	sld [smem:$0x3F98];
	_ =	swait.ge [sflag:s4], $0x0  }
0x19: {  	s7 =	sld [smem:$0x3F99]  }
0x1a: {  	s8 =	sadd.s32 $0xFFFFE003, lr  }
0x1b: {  	s9 =	sadd.s32 $0xFFFFFEF7, lr;
	s5 =	simm.s32 $0xFFFFFFFF;
	p2 =	slt.u32 s8, $0xFFFFF086  }
0x1c: {  	p1 =	slt.u32 s9, $0xF7A;
	s5 =	simm.s32 @!p2 $0x0  }
0x1d: {  	s5 =	simm.s32 @p1 $0x1;
	p0 =	seq.s32 s7, s2  }
0x1e: {  	s7 =	smul.u32 @!p0 $0xF7A, s2;
	p2 =	seq.s32 @!p0 s5, $0x0  }
0x1f: {  	s9 =	smul.u32 $0xF7A, s1;
	s8 =	simm.s32 @!p0 $0x1BF5;
	p2 =	por !p2, p0  }
0x20: {  	[sflag:s8] =	ssyncset.s32 @!p0 $0xFFFFF086;
	s6 =	sadd.s32 @!p0 s3, s7;
	s7 =	simm.s32 @!p0 $0x108  }
0x21: {  	s3 =	sadd.s32 s3, s9;
	s6 =	sadd.s32 @!p0 $0x88, s6;
	s7 =	simm.s32 @p2 $0x1082  }
0x22: {  	[simem:s7], [sflag:s8] =	dma.local @!p0 [hbm:s6], $0xF7A  }
0x23: {  	s9 =	sor.u32 $0xD0000000, s2;
	s6 =	simm.s32 $0x108;
	_ =	swait.ge @!p0 [sflag:s8], $0x0  }
0x24: {  	s3 =	sadd.s32 $0x88, s3;
	s6 =	simm.s32 @!p1 $0x1082;
	[sflag:s4] =	ssyncset.s32 $0xFFFFF086  }
0x25: {  	[simem:s6], [sflag:s4] =	dma.local [hbm:s3], $0xF7A  }
0x26: {  	[smem:$0x3F99] =	sst s1;
	(tag) =	ssettag s2;
	_ =	strace s9  }
0x27: {  	s1 =	sld [smem:$0x3FA9]  }
0x28: {  	s2 =	sld [smem:$0x3FAA]  }
0x29: {  	s4 =	sld [smem:$0x3FAC]  }
0x2a: {  	p0 =	seq.s32 s5, $0x0;
	s5 =	sld [smem:$0x3FAD]  }
0x2b: {  	s6 =	sld [smem:$0x3FAE]  }
0x2c: {  	s7 =	sld [smem:$0x3FAF]  }
0x2d: {  	s3 =	simm.s32 $0x108;
	s8 =	sld [smem:$0x3FB0]  }
0x2e: {  	s3 =	simm.s32 @!p0 $0x1082;
	s9 =	sld [smem:$0x3FB1]  }
0x2f: {  	lr =	sadd.s32 s0, s3;
	s0 =	sld [smem:$0x3FA8]  }
0x30: {  	s3 =	sld [smem:$0x3FAB]  }
0x31: {  	[smem:$0x3FB4] =	sst s10  }
0x32: {  	s10 =	sld [smem:$0x3FB2];
	_ =	sdelay $0x3  }
0x33: {  	p0 =	seq.s32 s10, $0x1;
	s10 =	sld [smem:$0x3FB4];
	_ =	sdelay $0x3  }
0x34: {  	[smem:$0x3FB4] =	sst s10  }
0x35: {  	s10 =	sld [smem:$0x3FB3];
	_ =	sdelay $0x3  }
0x36: {  	p1 =	seq.s32 s10, $0x1;
	s10 =	sld [smem:$0x3FB4];
	_ =	sdelay $0x3  }
0x37: {  	[smem:$0x3FB4] =	sst s10  }
0x38: {  	s10 =	sld [smem:$0x3FB5]  }
0x39: {  	_ = 	snop;
	(pc) =	sbr.ind lr, $3  }
0x3a: {  	_ = 	snop  }
0x3b: {  	_ = 	snop  }
0x3c: {  	p2 =	seq.s32 s10, $0x1;
	s10 =	sld [smem:$0x3FB4]  }
0x3d: {  	_ =	shalt  }
0x3e: {  	_ =	shalt  }
0x3f: {  	_ =	shalt  }
0x40: {  	_ =	shalt  }
0x41: {  	_ =	shalt  }
0x42: {  	_ =	shalt  }
0x43: {  	_ =	shalt  }
0x44: {  	_ =	shalt  }
0x45: {  	_ =	shalt  }
0x46: {  	_ =	shalt  }
0x47: {  	_ =	shalt  }
0x48: {  	_ =	shalt  }
0x49: {  	_ =	shalt  }
0x4a: {  	_ =	shalt  }
0x4b: {  	_ =	shalt  }
0x4c: {  	_ =	shalt  }
0x4d: {  	_ =	shalt  }
0x4e: {  	_ =	shalt  }
0x4f: {  	_ =	shalt  }
0x50: {  	_ =	shalt  }
0x51: {  	_ =	shalt  }
0x52: {  	_ =	shalt  }
0x53: {  	_ =	shalt  }
0x54: {  	_ =	shalt  }
0x55: {  	_ =	shalt  }
0x56: {  	_ =	shalt  }
0x57: {  	_ =	shalt  }
0x58: {  	_ =	shalt  }
0x59: {  	_ =	shalt  }
0x5a: {  	_ =	shalt  }
0x5b: {  	_ =	shalt  }
0x5c: {  	_ =	shalt  }
0x5d: {  	_ =	shalt  }
0x5e: {  	_ =	shalt  }
0x5f: {  	_ =	shalt  }
0x60: {  	_ =	shalt  }
0x61: {  	_ =	shalt  }
0x62: {  	_ =	shalt  }
0x63: {  	_ =	shalt  }
0x64: {  	_ =	shalt  }
0x65: {  	_ =	shalt  }
0x66: {  	_ =	shalt  }
0x67: {  	_ =	shalt  }
0x68: {  	_ =	shalt  }
0x69: {  	_ =	shalt  }
0x6a: {  	_ =	shalt  }
0x6b: {  	_ =	shalt  }
0x6c: {  	_ =	shalt  }
0x6d: {  	_ =	shalt  }
0x6e: {  	_ =	shalt  }
0x6f: {  	_ =	shalt  }
0x70: {  	_ =	shalt  }
0x71: {  	_ =	shalt  }
0x72: {  	_ =	shalt  }
0x73: {  	_ =	shalt  }
0x74: {  	_ =	shalt  }
0x75: {  	_ =	shalt  }
0x76: {  	_ =	shalt  }
0x77: {  	_ =	shalt  }
0x78: {  	_ =	shalt  }
0x79: {  	_ =	shalt  }
0x7a: {  	_ =	shalt  }
0x7b: {  	_ =	shalt  }
0x7c: {  	_ =	shalt  }
0x7d: {  	_ =	shalt  }
0x7e: {  	_ =	shalt  }
0x7f: {  	_ =	shalt  }
0x80: {  	_ =	shalt  }
0x81: {  	_ =	shalt  }
0x82: {  	_ =	shalt  }
0x83: {  	_ =	shalt  }
0x84: {  	_ =	shalt  }
0x85: {  	_ =	shalt  }
0x86: {  	_ =	shalt  }
0x87: {  	_ =	shalt  }
.Lfunc_end0:
.L_simem_size_0:
called_computation.1_lowered:
.L_overlay_start_0:
0x88: {  	s2 =	sld [smem:$0x3FD9]  }
0x89: {  	s3 =	sld [smem:$0x3FFE];
	_ =	sdelay $0x1  }
0x8a: {  	s1 =	srdreg.scid  }
0x8b: {  	s0 =	sand.u32 $0x1, s1  }
0x8c: {  	s16 =	sshll.u32 s0, $0xA;
	s2 =	sadd.s32 s3, s2  }
0x8d: {  	s2 =	sadd.s32 s2, s16  }
0x8e: {  	[smem:$0x3FC0] =	sst s2  }
0x8f: {  	_ = 	snop  }
0x90: {  	(tm) =	ssettm $0x1  }
0x91: {  	s17 =	sld [smem:$0x3FFB];
	_ =	sdelay $0x3  }
0x92: {  	_ =	strace s17  }
0x93: {  	s2 =	sld [smem:$0x3FFC];
	_ =	sdelay $0x3  }
0x94: {  	_ =	strace s2  }
0x95: {  	s2 =	sld [smem:$0x3FFD];
	_ =	sdelay $0x3  }
0x96: {  	_ =	strace s2  }
0x97: {  	_ =	strace $0x8FFFFFFF  }
0x98: {  	s18 =	sld [smem:$0x3FDB];
	_ =	sdelay $0x1  }
0x99: {  	s19 =	simm.s32 $_scs_section_size  }
0x9a: {  	s4 =	simm.s32 $_size__tile_overlayer_lowered;
	s5 =	simm.s32 $_tile_overlayer_lowered  }
0x9b: {  	s22 =	simm.s32 $0x1BFF;
	s21 =	sshll.u32 s5, $0x1;
	s2 =	sadd.s32 s19, s18  }
0x9c: {  	s6 =	simm.s32 $0x0;
	s20 =	sshll.u32 s4, $0x1;
	s4 =	sadd.s32 s21, s2  }
0x9d: {  	[timem:s6], [sflag:s22] =	dma.local [hbm:s4], s20  }
0x9e: {  	_ =	swait.ge [sflag:s22], s20  }
0x9f: {  	s3 =	ssub.s32 $0x0, s20;
	[sflag:s22] =	ssyncset.done $0x0  }
0xa0: {  	[sflag:s22] =	ssyncadd.s32 s3;
	_ =	sdelay $0x1  }
0xa1: {  	s23 =	simm.s32 $0x1B8B  }
0xa2: {  	_ =	swait.ge [sflag:s23], $0x1  }
0xa3: {  	[sflag:s23] =	ssyncset.done $0x0  }
0xa4: {  	s25 =	simm.s32 $0x1B8E;
	s24 =	sld [smem:$0x3FFE];
	[sflag:s23] =	ssyncadd.s32 $0xFFFFFFFF  }
0xa5: {  	s26 =	simm.s32 $execute0_lowered;
	[smem:$0x3FD2] =	sst s25  }
0xa6: {  	s4 =	sshll.u32 s26, $0x1;
	_ =	strace $0x80000049;
	[dreg:$0x1] =	wrdreg $0xFFFFFFFF  }
0xa7: {  	s28 =	simm.s32 $_size_execute0_lowered;
	s2 =	sadd.s32 s2, s4;
	[dreg:$0x0] =	wrdreg $0x0  }
0xa8: {  	s4 =	sshll.u32 s28, $0x1;
	[dreg:$0x2] =	wrdreg s2  }
0xa9: {  	[dreg:$0x3] =	wrdreg s4  }
0xaa: {  	[dreg:$0x4] =	wrdreg $0xC0  }
0xab: {  	_ =	task [dreg:s6], $0x5FFFF  }
0xac: {  	[dreg:$0x1] =	wrdreg $0xFFFFFFFF  }
0xad: {  	[dreg:$0x0] =	wrdreg $0x60  }
0xae: {  	[dreg:$0x2] =	wrdreg s24  }
0xaf: {  	[dreg:$0x3] =	wrdreg $0x77400  }
0xb0: {  	[dreg:$0x4] =	wrdreg $0x9  }
0xb1: {  	_ =	task.clear_ibuf [dreg:s6], $0x5FFFF;
	_ =	strace $0x90000049  }
0xb2: {  	s29 =	simm.s32 $0x9;
	_ =	strace $0x8000004B  }
0xb3: {  	_ =	swait.ge [sflag:s29], $0x1  }
0xb4: {  	[sflag:s29] =	ssyncadd.s32 $0xFFFFFFFF  }
0xb5: {  	_ =	strace $0x9000004B  }
0xb6: {  	_ =	sfence  }
0xb7: {  	s30 =	sld [smem:$0x0];
	_ =	sdelay $0x2  }
0xb8: {  	s31 =	sshll.u32 s1, $0xD;
	s1 =	sshrl.u32 s1, $0x2  }
0xb9: {  	s3 =	sand.u32 $0x4000, s31;
	s1 =	sadd.s32 s1, s30  }
0xba: {  	s0 =	sor.u32 s3, s0;
	s1 =	sshll.u32 s1, $0x11  }
0xbb: {  	s0 =	sor.u32 s1, s0  }
0xbc: {  	s0 =	sadd.s32 $0x8F2B, s0  }
0xbd: {  	[sflag:s0] =	ssyncadd.remote.s32 $0x1  }
0xbe: {  	_ =	sfence.sel $0xFFFF  }
0xbf: {  	[dreg:$0x0] =	wrdreg $0xFFFFFFFF;
	(pc) =	sbr.abs _section_cstart, $3  }
0xc0: {  	[dreg:$0x1] =	wrdreg $0xFFFFFFFF  }
0xc1: {  	_ =	task.clear_ibuf [dreg:s6], $0x2FFFF;
	_ =	strace $0x9FFFFFFF  }
0xc2: {  	(tm) =	ssettm $0x7FFFFFFF  }
0xc3: {  	_ =	shalt  }
tec
execute0_lowered:
.L_overlay_start_1:
0x0: {  	(tag) =	ssettag $0x1  }
0x1: {  	s0 =	rddreg [dreg:$0x0]  }
0x2: {  	s2 =	rddreg [dreg:$0x1];
	s12 =	stileid.u32  }
0x3: {  	s3 =	simm.s32 $0x0;
	s1 =	srdreg.scid;
	s7 =	smul.u32 $0x1880, s12  }
0x4: {  	[smem:$0x7FF] =	sst s3;
	s1 =	sand.u32 $0x1, s1;
	s13 =	smul.u32 $0x62000, s12  }
0x5: {  	s4 =	sadd.s32 $0x2600, s0;
	s9 =	sshll.u32 s12, $0x1;
	s12 =	smul.u32 $0x61B80, s12  }
0x6: {  	s5 =	sadd.s32 $0xC5C00, s0;
	s6 =	sadd.s32 $0x189400, s0;
	s8 =	smul.u32 $0x18800, s1  }
0x7: {  	s9 =	sor.u32 s1, s9;
	s10 =	ssub.s32 $0x2, s1;
	s1 =	smul.u32 $0x30DC0, s1  }
0x8: {  	_ =	strace $0x8000004A;
	s9 =	smul.u32 $0x30DC0, s9;
	s14 =	sshrl.u32 s10, $0x1  }
0x9: {  	s7 =	sadd.s32 s7, s8;
	s8 =	sshrl.u32 s13, $0x2;
	s10 =	ssub.s32 s10, s14  }
0xa: {  	s1 =	sadd.s32 s1, s12;
	s12 =	simm.s32 $0x350;
	s14 =	simm.s32 $0x2  }
0xb: {  	s7 =	sshll.u32 s7, $0x1;
	s11 =	sshrl.u32 s9, $0x3;
	s24 =	sadd.s32 $0x9F0, s1  }
0xc: {  	s25 =	smax.u32 s10, $0x1;
	s10 =	simm.s32 $0x6A0;
	s0 =	sadd.s32 s7, s0  }
0xd: {  	s7 =	sadd.s32 s8, s2;
	s13 =	sadd.s32 s5, s11;
	[dreg:$0xf] =	wrdreg s25  }
0xe: {  	s15 =	sadd.s32 s6, s11;
	s11 =	sadd.s32 $0x6A, s11;
	[dreg:$0x3] =	wrdreg s13  }
0xf: {  	s26 =	sshrl.u32 s24, $0x3;
	[dreg:$0x4] =	wrdreg s15;
	s16 =	sadd.s32 s5, s11  }
0x10: {  	s25 =	sadd.s32 $0x6A0, s1;
	s11 =	sadd.s32 s6, s11;
	[dreg:$0x5] =	wrdreg s16  }
0x11: {  	s1 =	simm.s32 $0x4;
	s17 =	sadd.s32 $0x33600, s0;
	[dreg:$0x6] =	wrdreg s11  }
0x12: {  	s8 =	sadd.s32 $0x3100, s7;
	s18 =	sadd.s32 $0x33C20, s0;
	[dreg:$0x7] =	wrdreg s17  }
0x13: {  	s9 =	sadd.s32 $0x6200, s7;
	s19 =	sadd.s32 $0x34240, s0;
	[dreg:$0x8] =	wrdreg s18  }
0x14: {  	s20 =	sadd.s32 $0x34860, s0;
	s21 =	sadd.s32 $0x34E80, s0;
	[dreg:$0x9] =	wrdreg s19  }
0x15: {  	s22 =	sadd.s32 $0x354A0, s0;
	s23 =	sadd.s32 $0x35AC0, s0;
	[dreg:$0xa] =	wrdreg s20  }
0x16: {  	s0 =	sadd.s32 $0x360E0, s0;
	s24 =	sadd.s32 s26, s5;
	[dreg:$0xb] =	wrdreg s21  }
0x17: {  	s28 =	sadd.s32 $0xC400, s7;
	s29 =	sadd.s32 $0xF500, s7;
	[dreg:$0xc] =	wrdreg s22  }
0x18: {  	s30 =	sadd.s32 $0x12600, s7;
	s31 =	sadd.s32 $0x15700, s7;
	[dreg:$0xd] =	wrdreg s23  }
0x19: {  	s13 =	simm.s32 $0x9F0;
	s15 =	simm.s32 $0x4240;
	[dreg:$0xe] =	wrdreg s0  }
0x1a: {  	s23 =	sadd.s32 s26, s6;
	s26 =	sadd.s32 $0x9300, s7;
	s0 =	simm.s32 $0xD40  }
0x1b: {  	v0 =	vimm.f32 $0.0e+00;
	s11 =	simm.s32 $0x1;
	s16 =	simm.s32 $0x3;
	s17 =	simm.s32 $0x0  }
.LBB2_1:
0x1c: {  	s18 =	simm.s32 $0x40;
	s19 =	simm.s32 $0x0  }
.LBB2_2:
0x1d: {  	p0 =	sne.s32 s18, $0xC3C0;
	[tilespmem:s19+$0xD40] =	vst v0;
	s19 =	smov.u32 s18;
	s18 =	sadd.s32 $0x40, s18  }
.Ltmp0:
0x1e: {  	(pc) =	sbr.rel @p0 .LBB2_2-.Ltmp0, $2  }
0x1f: {  	_ =	sdelay $0x2  }
0x20: {  	s19 =	sshra.s32 s19, $0x2  }
0x21: {  	[tilespmem:s19+$0xD40] =	vst v0  }
0x22: {  	[spmem:s7] =	stream.linear.scatter [tilespmem:s0], [sflag:$0x4], $0x3100, $0x38;
	[tilespmem:$0x1FF40] =	vst v63  }
0x23: {  	_ =	swait.ge [sflag:s1], $0x3100  }
0x24: {  	[sflag:s1] =	ssyncset.done $0x0  }
0x25: {  	[sflag:s1] =	ssyncadd.s32 $0xFFFFCF00  }
0x26: {  	[spmem:s8] =	stream.linear.scatter [tilespmem:s0], [sflag:$0x4], $0x3100, $0x38;
	[tilespmem:$0x1FF40] =	vst v63  }
0x27: {  	_ =	swait.ge [sflag:s1], $0x3100  }
0x28: {  	[sflag:s1] =	ssyncset.done $0x0  }
0x29: {  	[sflag:s1] =	ssyncadd.s32 $0xFFFFCF00  }
0x2a: {  	[spmem:s9] =	stream.linear.scatter [tilespmem:s0], [sflag:$0x4], $0x3100, $0x38;
	[tilespmem:$0x1FF40] =	vst v63  }
0x2b: {  	_ =	swait.ge [sflag:s1], $0x3100  }
0x2c: {  	[sflag:s1] =	ssyncset.done $0x0  }
0x2d: {  	[sflag:s1] =	ssyncadd.s32 $0xFFFFCF00  }
0x2e: {  	[spmem:s26] =	stream.linear.scatter [tilespmem:s0], [sflag:$0x4], $0x3100, $0x38;
	[tilespmem:$0x1FF40] =	vst v63  }
0x2f: {  	_ =	swait.ge [sflag:s1], $0x3100  }
0x30: {  	[sflag:s1] =	ssyncset.done $0x0  }
0x31: {  	[sflag:s1] =	ssyncadd.s32 $0xFFFFCF00  }
0x32: {  	[spmem:s28] =	stream.linear.scatter [tilespmem:s0], [sflag:$0x4], $0x3100, $0x38;
	[tilespmem:$0x1FF40] =	vst v63  }
0x33: {  	_ =	swait.ge [sflag:s1], $0x3100  }
0x34: {  	[sflag:s1] =	ssyncset.done $0x0  }
0x35: {  	[sflag:s1] =	ssyncadd.s32 $0xFFFFCF00  }
0x36: {  	[spmem:s29] =	stream.linear.scatter [tilespmem:s0], [sflag:$0x4], $0x3100, $0x38;
	[tilespmem:$0x1FF40] =	vst v63  }
0x37: {  	_ =	swait.ge [sflag:s1], $0x3100  }
0x38: {  	[sflag:s1] =	ssyncset.done $0x0  }
0x39: {  	[sflag:s1] =	ssyncadd.s32 $0xFFFFCF00  }
0x3a: {  	[spmem:s30] =	stream.linear.scatter [tilespmem:s0], [sflag:$0x4], $0x3100, $0x38;
	[tilespmem:$0x1FF40] =	vst v63  }
0x3b: {  	_ =	swait.ge [sflag:s1], $0x3100  }
0x3c: {  	[sflag:s1] =	ssyncset.done $0x0  }
0x3d: {  	[sflag:s1] =	ssyncadd.s32 $0xFFFFCF00  }
0x3e: {  	[spmem:s31] =	stream.linear.scatter [tilespmem:s0], [sflag:$0x4], $0x3100, $0x38;
	[tilespmem:$0x1FF40] =	vst v63  }
0x3f: {  	_ =	swait.ge [sflag:s1], $0x3100  }
0x40: {  	[sflag:s1] =	ssyncset.done $0x0  }
0x41: {  	[sflag:s1] =	ssyncadd.s32 $0xFFFFCF00  }
0x42: {  	[bflag:$0x0] =	sbarrier.arrive $0xFFFF  }
0x43: {  	s18 =	simm.s32 $0x0;
	s21 =	rddreg [dreg:$0x3]  }
0x44: {  	[tilespmem:s18], [sflag:$0x1] =	stream.linear.gather [hbm4b:s21+s18], $0x350, $0x38;
	[tilespmem:$0x1FF40] =	vst v63  }
0x45: {  	s22 =	rddreg [dreg:$0x4]  }
0x46: {  	[tilespmem:s10], [sflag:$0x1] =	stream.linear.gather [hbm4b:s22+s18], $0x350, $0x38;
	[tilespmem:$0x1FF40] =	vst v63  }
0x47: {  	_ =	swait.ge [sflag:s11], $0x350  }
0x48: {  	[sflag:s11] =	ssyncset.done $0x0  }
0x49: {  	[sflag:s11] =	ssyncadd.s32 $0xFFFFFCB0  }
0x4a: {  	_ =	swait.ge [sflag:s11], $0x350  }
0x4b: {  	[sflag:s11] =	ssyncset.done $0x0  }
0x4c: {  	[sflag:s11] =	ssyncadd.s32 $0xFFFFFCB0  }
0x4d: {  	[tilespmem:s0], [sflag:$0x2] =	stream.indirect.gather [hbm4b:s4+s12], $0x10, s18, s12, $0xb8;
	[tilespmem:$0x1FF40] =	vst v63  }
0x4e: {  	s20 =	rddreg [dreg:$0x5]  }
0x4f: {  	[tilespmem:s12], [sflag:$0x1] =	stream.linear.gather [hbm4b:s20+s18], $0x350, $0x38;
	[tilespmem:$0x1FF40] =	vst v63  }
0x50: {  	s21 =	rddreg [dreg:$0x6]  }
0x51: {  	[tilespmem:s13], [sflag:$0x1] =	stream.linear.gather [hbm4b:s21+s18], $0x350, $0x38;
	[tilespmem:$0x1FF40] =	vst v63  }
0x52: {  	_ =	swait.ge [sflag:s14], $0x3500  }
0x53: {  	[sflag:s14] =	ssyncset.done $0x0  }
0x54: {  	[sflag:s14] =	ssyncadd.s32 $0xFFFFCB00  }
0x55: {  	[spmem:s2] =	stream.indirect.scatter.add.f32 [tilespmem:s0], [sflag:$0x3], $0x10, s10, s12, $0xb8;
	[tilespmem:$0x1FF40] =	vst v63  }
0x56: {  	_ =	swait.ge [sflag:s11], $0x350  }
0x57: {  	[sflag:s11] =	ssyncset.done $0x0  }
0x58: {  	[sflag:s11] =	ssyncadd.s32 $0xFFFFFCB0  }
0x59: {  	_ =	swait.ge [sflag:s11], $0x350  }
0x5a: {  	[sflag:s11] =	ssyncset.done $0x0  }
0x5b: {  	[sflag:s11] =	ssyncadd.s32 $0xFFFFFCB0  }
0x5c: {  	[tilespmem:s15], [sflag:$0x2] =	stream.indirect.gather [hbm4b:s4+s12], $0x10, s12, s12, $0xb8;
	[tilespmem:$0x1FF40] =	vst v63  }
0x5d: {  	_ =	swait.ge [sflag:s16], $0x3500  }
0x5e: {  	s22 =	sshrl.u32 s25, $0x3;
	[sflag:s16] =	ssyncset.done $0x0  }
0x5f: {  	s20 =	sadd.s32 s5, s22;
	[sflag:s16] =	ssyncadd.s32 $0xFFFFCB00  }
0x60: {  	[tilespmem:s3], [sflag:$0x1] =	stream.linear.gather [hbm4b:s20+s3], $0x350, $0x38;
	[tilespmem:$0x1FF40] =	vst v63  }
0x61: {  	s18 =	sadd.s32 s6, s22  }
0x62: {  	[tilespmem:s10], [sflag:$0x1] =	stream.linear.gather [hbm4b:s18+s3], $0x350, $0x38;
	[tilespmem:$0x1FF40] =	vst v63  }
0x63: {  	_ =	swait.ge [sflag:s14], $0x3500  }
0x64: {  	[sflag:s14] =	ssyncset.done $0x0  }
0x65: {  	[sflag:s14] =	ssyncadd.s32 $0xFFFFCB00  }
0x66: {  	[spmem:s2] =	stream.indirect.scatter.add.f32 [tilespmem:s15], [sflag:$0x3], $0x10, s13, s12, $0xb8;
	[tilespmem:$0x1FF40] =	vst v63  }
0x67: {  	_ =	swait.ge [sflag:s11], $0x350  }
0x68: {  	[sflag:s11] =	ssyncset.done $0x0  }
0x69: {  	[sflag:s11] =	ssyncadd.s32 $0xFFFFFCB0  }
0x6a: {  	_ =	swait.ge [sflag:s11], $0x350  }
0x6b: {  	[sflag:s11] =	ssyncset.done $0x0  }
0x6c: {  	[sflag:s11] =	ssyncadd.s32 $0xFFFFFCB0  }
0x6d: {  	[tilespmem:s0], [sflag:$0x2] =	stream.indirect.gather [hbm4b:s4+s12], $0x10, s3, s12, $0xb8;
	[tilespmem:$0x1FF40] =	vst v63  }
0x6e: {  	_ =	swait.ge [sflag:s16], $0x3500  }
0x6f: {  	[sflag:s16] =	ssyncset.done $0x0  }
0x70: {  	s21 =	sadd.s32 $0x0, s24;
	[sflag:s16] =	ssyncadd.s32 $0xFFFFCB00  }
0x71: {  	[tilespmem:s12], [sflag:$0x1] =	stream.linear.gather [hbm4b:s21+s3], $0x350, $0x38;
	[tilespmem:$0x1FF40] =	vst v63  }
0x72: {  	s22 =	sadd.s32 $0x0, s23  }
0x73: {  	[tilespmem:s13], [sflag:$0x1] =	stream.linear.gather [hbm4b:s22+s3], $0x350, $0x38;
	[tilespmem:$0x1FF40] =	vst v63  }
0x74: {  	_ =	swait.ge [sflag:s14], $0x3500  }
0x75: {  	[sflag:s14] =	ssyncset.done $0x0  }
0x76: {  	s19 =	sadd.s32 $0x6A0, s25;
	s18 =	simm.s32 $0xD4;
	[sflag:s14] =	ssyncadd.s32 $0xFFFFCB00  }
.LBB2_4:
0x77: {  	[spmem:s2] =	stream.indirect.scatter.add.f32 [tilespmem:s0], [sflag:$0x3], $0x10, s10, s12, $0xb8;
	[tilespmem:$0x1FF40] =	vst v63  }
0x78: {  	s20 =	smov.u32 s18  }
0x79: {  	p0 =	sne.s32 s18, $0x6010;
	s18 =	sadd.s32 $0xD4, s18;
	_ =	swait.ge [sflag:s11], $0x350  }
0x7a: {  	[sflag:s11] =	ssyncset.done $0x0  }
0x7b: {  	[sflag:s11] =	ssyncadd.s32 $0xFFFFFCB0  }
0x7c: {  	_ =	swait.ge [sflag:s11], $0x350  }
0x7d: {  	[sflag:s11] =	ssyncset.done $0x0  }
0x7e: {  	[sflag:s11] =	ssyncadd.s32 $0xFFFFFCB0  }
0x7f: {  	[tilespmem:s15], [sflag:$0x2] =	stream.indirect.gather [hbm4b:s4+s12], $0x10, s12, s12, $0xb8;
	[tilespmem:$0x1FF40] =	vst v63  }
0x80: {  	_ =	swait.ge [sflag:s16], $0x3500  }
0x81: {  	s21 =	sshrl.u32 s19, $0x3;
	[sflag:s16] =	ssyncset.done $0x0  }
0x82: {  	s22 =	sadd.s32 s5, s21;
	[sflag:s16] =	ssyncadd.s32 $0xFFFFCB00  }
0x83: {  	[tilespmem:s3], [sflag:$0x1] =	stream.linear.gather [hbm4b:s22+s3], $0x350, $0x38;
	[tilespmem:$0x1FF40] =	vst v63  }
0x84: {  	s21 =	sadd.s32 s6, s21  }
0x85: {  	[tilespmem:s10], [sflag:$0x1] =	stream.linear.gather [hbm4b:s21+s3], $0x350, $0x38;
	[tilespmem:$0x1FF40] =	vst v63  }
0x86: {  	_ =	swait.ge [sflag:s14], $0x3500  }
0x87: {  	[sflag:s14] =	ssyncset.done $0x0  }
0x88: {  	[sflag:s14] =	ssyncadd.s32 $0xFFFFCB00  }
0x89: {  	[spmem:s2] =	stream.indirect.scatter.add.f32 [tilespmem:s15], [sflag:$0x3], $0x10, s13, s12, $0xb8;
	[tilespmem:$0x1FF40] =	vst v63  }
0x8a: {  	_ =	swait.ge [sflag:s11], $0x350  }
0x8b: {  	[sflag:s11] =	ssyncset.done $0x0  }
0x8c: {  	[sflag:s11] =	ssyncadd.s32 $0xFFFFFCB0  }
0x8d: {  	_ =	swait.ge [sflag:s11], $0x350  }
0x8e: {  	[sflag:s11] =	ssyncset.done $0x0  }
0x8f: {  	[sflag:s11] =	ssyncadd.s32 $0xFFFFFCB0  }
0x90: {  	[tilespmem:s0], [sflag:$0x2] =	stream.indirect.gather [hbm4b:s4+s12], $0x10, s3, s12, $0xb8;
	[tilespmem:$0x1FF40] =	vst v63  }
0x91: {  	_ =	swait.ge [sflag:s16], $0x3500  }
0x92: {  	[sflag:s16] =	ssyncset.done $0x0  }
0x93: {  	s21 =	sadd.s32 s20, s24;
	[sflag:s16] =	ssyncadd.s32 $0xFFFFCB00  }
0x94: {  	[tilespmem:s12], [sflag:$0x1] =	stream.linear.gather [hbm4b:s21+s3], $0x350, $0x38;
	[tilespmem:$0x1FF40] =	vst v63  }
.Ltmp1:
0x95: {  	s20 =	sadd.s32 s20, s23;
	(pc) =	sbr.rel @p0 .LBB2_4-.Ltmp1, $4  }
0x96: {  	[tilespmem:s13], [sflag:$0x1] =	stream.linear.gather [hbm4b:s20+s3], $0x350, $0x38;
	[tilespmem:$0x1FF40] =	vst v63  }
0x97: {  	_ =	swait.ge [sflag:s14], $0x3500  }
0x98: {  	[sflag:s14] =	ssyncset.done $0x0  }
0x99: {  	s19 =	sadd.s32 $0x6A0, s19;
	[sflag:s14] =	ssyncadd.s32 $0xFFFFCB00  }
0x9a: {  	[spmem:s2] =	stream.indirect.scatter.add.f32 [tilespmem:s0], [sflag:$0x3], $0x10, s10, s12, $0xb8;
	[tilespmem:$0x1FF40] =	vst v63  }
0x9b: {  	_ =	swait.ge [sflag:s11], $0x350  }
0x9c: {  	[sflag:s11] =	ssyncset.done $0x0  }
0x9d: {  	[sflag:s11] =	ssyncadd.s32 $0xFFFFFCB0  }
0x9e: {  	_ =	swait.ge [sflag:s11], $0x350  }
0x9f: {  	[sflag:s11] =	ssyncset.done $0x0  }
0xa0: {  	[sflag:s11] =	ssyncadd.s32 $0xFFFFFCB0  }
0xa1: {  	[tilespmem:s15], [sflag:$0x2] =	stream.indirect.gather [hbm4b:s4+s12], $0x10, s12, s12, $0xb8;
	[tilespmem:$0x1FF40] =	vst v63  }
0xa2: {  	_ =	swait.ge [sflag:s16], $0x3500  }
0xa3: {  	[sflag:s16] =	ssyncset.done $0x0  }
0xa4: {  	[sflag:s16] =	ssyncadd.s32 $0xFFFFCB00  }
0xa5: {  	_ =	swait.ge [sflag:s14], $0x3500  }
0xa6: {  	[sflag:s14] =	ssyncset.done $0x0  }
0xa7: {  	[sflag:s14] =	ssyncadd.s32 $0xFFFFCB00  }
0xa8: {  	[spmem:s2] =	stream.indirect.scatter.add.f32 [tilespmem:s15], [sflag:$0x3], $0x10, s13, s12, $0xb8;
	[tilespmem:$0x1FF40] =	vst v63  }
0xa9: {  	_ =	swait.ge [sflag:s16], $0x3500  }
0xaa: {  	[sflag:s16] =	ssyncset.done $0x0  }
0xab: {  	[sflag:s16] =	ssyncadd.s32 $0xFFFFCB00  }
0xac: {  	[bflag:$0x0] =	sbarrier.arrive $0xFFFF  }
0xad: {  	[tilespmem:s0], [sflag:$0x4] =	stream.linear.gather [spmem:s7], $0x3100, $0x38;
	[tilespmem:$0x1FF40] =	vst v63  }
0xae: {  	_ =	swait.ge [sflag:s1], $0x3100  }
0xaf: {  	[sflag:s1] =	ssyncset.done $0x0  }
0xb0: {  	s18 =	rddreg [dreg:$0x7];
	[sflag:s1] =	ssyncadd.s32 $0xFFFFCF00  }
0xb1: {  	[hbm4b:s18+s3] =	stream.linear.scatter [tilespmem:s0], [sflag:$0x4], $0x3100, $0x38;
	[tilespmem:$0x1FF40] =	vst v63  }
0xb2: {  	_ =	swait.ge [sflag:s1], $0x3100  }
0xb3: {  	[sflag:s1] =	ssyncset.done $0x0  }
0xb4: {  	[sflag:s1] =	ssyncadd.s32 $0xFFFFCF00  }
0xb5: {  	[tilespmem:s0], [sflag:$0x4] =	stream.linear.gather [spmem:s8], $0x3100, $0x38;
	[tilespmem:$0x1FF40] =	vst v63  }
0xb6: {  	_ =	swait.ge [sflag:s1], $0x3100  }
0xb7: {  	[sflag:s1] =	ssyncset.done $0x0  }
0xb8: {  	s19 =	rddreg [dreg:$0x8];
	[sflag:s1] =	ssyncadd.s32 $0xFFFFCF00  }
0xb9: {  	[hbm4b:s19+s3] =	stream.linear.scatter [tilespmem:s0], [sflag:$0x4], $0x3100, $0x38;
	[tilespmem:$0x1FF40] =	vst v63  }
0xba: {  	_ =	swait.ge [sflag:s1], $0x3100  }
0xbb: {  	[sflag:s1] =	ssyncset.done $0x0  }
0xbc: {  	[sflag:s1] =	ssyncadd.s32 $0xFFFFCF00  }
0xbd: {  	[tilespmem:s0], [sflag:$0x4] =	stream.linear.gather [spmem:s9], $0x3100, $0x38;
	[tilespmem:$0x1FF40] =	vst v63  }
0xbe: {  	_ =	swait.ge [sflag:s1], $0x3100  }
0xbf: {  	[sflag:s1] =	ssyncset.done $0x0  }
0xc0: {  	s20 =	rddreg [dreg:$0x9];
	[sflag:s1] =	ssyncadd.s32 $0xFFFFCF00  }
0xc1: {  	[hbm4b:s20+s3] =	stream.linear.scatter [tilespmem:s0], [sflag:$0x4], $0x3100, $0x38;
	[tilespmem:$0x1FF40] =	vst v63  }
0xc2: {  	_ =	swait.ge [sflag:s1], $0x3100  }
0xc3: {  	[sflag:s1] =	ssyncset.done $0x0  }
0xc4: {  	[sflag:s1] =	ssyncadd.s32 $0xFFFFCF00  }
0xc5: {  	[tilespmem:s0], [sflag:$0x4] =	stream.linear.gather [spmem:s26], $0x3100, $0x38;
	[tilespmem:$0x1FF40] =	vst v63  }
0xc6: {  	_ =	swait.ge [sflag:s1], $0x3100  }
0xc7: {  	[sflag:s1] =	ssyncset.done $0x0  }
0xc8: {  	s21 =	rddreg [dreg:$0xa];
	[sflag:s1] =	ssyncadd.s32 $0xFFFFCF00  }
0xc9: {  	[hbm4b:s21+s3] =	stream.linear.scatter [tilespmem:s0], [sflag:$0x4], $0x3100, $0x38;
	[tilespmem:$0x1FF40] =	vst v63  }
0xca: {  	_ =	swait.ge [sflag:s1], $0x3100  }
0xcb: {  	[sflag:s1] =	ssyncset.done $0x0  }
0xcc: {  	[sflag:s1] =	ssyncadd.s32 $0xFFFFCF00  }
0xcd: {  	[tilespmem:s0], [sflag:$0x4] =	stream.linear.gather [spmem:s28], $0x3100, $0x38;
	[tilespmem:$0x1FF40] =	vst v63  }
0xce: {  	_ =	swait.ge [sflag:s1], $0x3100  }
0xcf: {  	[sflag:s1] =	ssyncset.done $0x0  }
0xd0: {  	s22 =	rddreg [dreg:$0xb];
	[sflag:s1] =	ssyncadd.s32 $0xFFFFCF00  }
0xd1: {  	[hbm4b:s22+s3] =	stream.linear.scatter [tilespmem:s0], [sflag:$0x4], $0x3100, $0x38;
	[tilespmem:$0x1FF40] =	vst v63  }
0xd2: {  	_ =	swait.ge [sflag:s1], $0x3100  }
0xd3: {  	[sflag:s1] =	ssyncset.done $0x0  }
0xd4: {  	[sflag:s1] =	ssyncadd.s32 $0xFFFFCF00  }
0xd5: {  	[tilespmem:s0], [sflag:$0x4] =	stream.linear.gather [spmem:s29], $0x3100, $0x38;
	[tilespmem:$0x1FF40] =	vst v63  }
0xd6: {  	_ =	swait.ge [sflag:s1], $0x3100  }
0xd7: {  	[sflag:s1] =	ssyncset.done $0x0  }
0xd8: {  	s19 =	rddreg [dreg:$0xc];
	[sflag:s1] =	ssyncadd.s32 $0xFFFFCF00  }
0xd9: {  	[hbm4b:s19+s3] =	stream.linear.scatter [tilespmem:s0], [sflag:$0x4], $0x3100, $0x38;
	[tilespmem:$0x1FF40] =	vst v63  }
0xda: {  	_ =	swait.ge [sflag:s1], $0x3100  }
0xdb: {  	[sflag:s1] =	ssyncset.done $0x0  }
0xdc: {  	[sflag:s1] =	ssyncadd.s32 $0xFFFFCF00  }
0xdd: {  	[tilespmem:s0], [sflag:$0x4] =	stream.linear.gather [spmem:s30], $0x3100, $0x38;
	[tilespmem:$0x1FF40] =	vst v63  }
0xde: {  	_ =	swait.ge [sflag:s1], $0x3100  }
0xdf: {  	[sflag:s1] =	ssyncset.done $0x0  }
0xe0: {  	s20 =	rddreg [dreg:$0xd];
	[sflag:s1] =	ssyncadd.s32 $0xFFFFCF00  }
0xe1: {  	[hbm4b:s20+s3] =	stream.linear.scatter [tilespmem:s0], [sflag:$0x4], $0x3100, $0x38;
	[tilespmem:$0x1FF40] =	vst v63  }
0xe2: {  	_ =	swait.ge [sflag:s1], $0x3100  }
0xe3: {  	[sflag:s1] =	ssyncset.done $0x0  }
0xe4: {  	[sflag:s1] =	ssyncadd.s32 $0xFFFFCF00  }
0xe5: {  	[tilespmem:s0], [sflag:$0x4] =	stream.linear.gather [spmem:s31], $0x3100, $0x38;
	[tilespmem:$0x1FF40] =	vst v63  }
0xe6: {  	_ =	swait.ge [sflag:s1], $0x3100  }
0xe7: {  	[sflag:s1] =	ssyncset.done $0x0  }
0xe8: {  	s21 =	rddreg [dreg:$0xe];
	[sflag:s1] =	ssyncadd.s32 $0xFFFFCF00  }
0xe9: {  	[hbm4b:s21+s3] =	stream.linear.scatter [tilespmem:s0], [sflag:$0x4], $0x3100, $0x38;
	[tilespmem:$0x1FF40] =	vst v63  }
0xea: {  	_ =	swait.ge [sflag:s1], $0x3100  }
0xeb: {  	s17 =	sadd.s32 $0x1, s17;
	s22 =	rddreg [dreg:$0xf]  }
0xec: {  	p0 =	sne.s32 s17, s22  }
.Ltmp2:
0xed: {  	_ = 	snop;
	(pc) =	sbr.rel @p0 .LBB2_1-.Ltmp2, $3  }
0xee: {  	_ =	sdelay $0x1  }
0xef: {  	[sflag:s1] =	ssyncset.done $0x0  }
0xf0: {  	[sflag:s1] =	ssyncadd.s32 $0xFFFFCF00  }
0xf1: {  	_ =	sfence.sel $0x180000  }
0xf2: {  	[bflag:$0x0] =	sbarrier.arrive $0xFFFF  }
0xf3: {  	_ =	strace $0x9000004A  }
0xf4: {  	s0 =	stileid.u32;
	[bflag:$0x2] =	sbarrier.arrive $0xFFFF  }
0xf5: {  	p0 =	sne.s32 s0, $0x0;
	s0 =	rddreg [dreg:$0x2]  }
0xf6: {  	s0 =	sadd.s32 @!p0 $0x100000, s0  }
0xf7: {  	[sflag:s0] =	ssyncadd.tile.s32 @!p0 $0x1;
	_ =	shalt  }
.Lfunc_end2:
_tile_overlayer_lowered:
.L_overlay_start_2:
0xf8: {  	(tag) =	ssettag $0x2  }
0xf9: {  	s0 =	rddreg [dreg:$0x0];
	s2 =	stileid.u32  }
0xfa: {  	s1 =	rddreg [dreg:$0x1];
	p0 =	sne.s32 s2, $0x0  }
0xfb: {  	s3 =	rddreg [dreg:$0x2];
	[bflag:$0x3] =	sbarrier.arrive $0xFFFF;
	s2 =	simm.s32 @!p0 $0x1C04  }
0xfc: {  	[timem:s3], [sflag:s2] =	dma.local @!p0 [hbm:s0], s1  }
0xfd: {  	s0 =	simm.s32 @!p0 $0x4  }
0xfe: {  	_ =	swait.ge @!p0 [sflag:s0], s1  }
0xff: {  	s1 =	ssub.s32 @!p0 $0x0, s1;
	[sflag:s0] =	ssyncset.done @!p0 $0x0  }
0x100: {  	[sflag:s0] =	ssyncadd.s32 @!p0 s1  }
0x101: {  	[bflag:$0x3] =	sbarrier.arrive $0xFFFF  }
0x102: {  	_ =	shalt  }

// kernel: kernel.14.cloned.1.call-start
scs
__scs_entry_jumppad:
0x0: {  	(pc) =	sbr.rel $0x88, $3  }
0x1: {  	(tag) =	ssettag $0x0;
	lr =	simm.s32 $0x1  }
0x2: {  	[smem:$0x3F99] =	sst lr;
	_ =	strace $0xD0000000  }
0x3: {  	_ = 	snop  }
0x4: {  	_ = 	snop  }
0x5: {  	_ = 	snop  }
0x6: {  	_ = 	snop  }
0x7: {  	_ = 	snop  }
__scs_overlays_trampoline_lowered:
0x8: {  	[smem:$0x3FA8] =	sst s0  }
0x9: {  	[smem:$0x3FA9] =	sst s1  }
0xa: {  	[smem:$0x3FAA] =	sst s2  }
0xb: {  	[smem:$0x3FAB] =	sst s3  }
0xc: {  	[smem:$0x3FAC] =	sst s4  }
0xd: {  	[smem:$0x3FAD] =	sst s5  }
0xe: {  	[smem:$0x3FAE] =	sst s6  }
0xf: {  	[smem:$0x3FAF] =	sst s7  }
0x10: {  	[smem:$0x3FB0] =	sst s8  }
0x11: {  	[smem:$0x3FB1] =	sst s9;
	s0 =	simm.s32 @!p0 $0x0  }
0x12: {  	s1 =	sld [smem:$0x3F97];
	s0 =	simm.s32 @p0 $0x1  }
0x13: {  	[smem:$0x3FB2] =	sst s0;
	s0 =	simm.s32 @!p1 $0x0  }
0x14: {  	s2 =	sld [smem:$0x3F96];
	s0 =	simm.s32 @p1 $0x1  }
0x15: {  	[smem:$0x3FB3] =	sst s0;
	s0 =	simm.s32 @!p2 $0x0  }
0x16: {  	s3 =	sld [smem:$0x3FDB];
	s0 =	simm.s32 @p2 $0x1  }
0x17: {  	s4 =	simm.s32 $0x1BF5;
	[smem:$0x3FB5] =	sst s0  }
0x18: {  	s0 =	sld [smem:$0x3F98];
	_ =	swait.ge [sflag:s4], $0x0  }
0x19: {  	s7 =	sld [smem:$0x3F99]  }
0x1a: {  	s8 =	sadd.s32 $0xFFFFE003, lr  }
0x1b: {  	s9 =	sadd.s32 $0xFFFFFEF7, lr;
	s5 =	simm.s32 $0xFFFFFFFF;
	p2 =	slt.u32 s8, $0xFFFFF086  }
0x1c: {  	p1 =	slt.u32 s9, $0xF7A;
	s5 =	simm.s32 @!p2 $0x0  }
0x1d: {  	s5 =	simm.s32 @p1 $0x1;
	p0 =	seq.s32 s7, s2  }
0x1e: {  	s7 =	smul.u32 @!p0 $0xF7A, s2;
	p2 =	seq.s32 @!p0 s5, $0x0  }
0x1f: {  	s9 =	smul.u32 $0xF7A, s1;
	s8 =	simm.s32 @!p0 $0x1BF5;
	p2 =	por !p2, p0  }
0x20: {  	[sflag:s8] =	ssyncset.s32 @!p0 $0xFFFFF086;
	s6 =	sadd.s32 @!p0 s3, s7;
	s7 =	simm.s32 @!p0 $0x108  }
0x21: {  	s3 =	sadd.s32 s3, s9;
	s6 =	sadd.s32 @!p0 $0x88, s6;
	s7 =	simm.s32 @p2 $0x1082  }
0x22: {  	[simem:s7], [sflag:s8] =	dma.local @!p0 [hbm:s6], $0xF7A  }
0x23: {  	s9 =	sor.u32 $0xD0000000, s2;
	s6 =	simm.s32 $0x108;
	_ =	swait.ge @!p0 [sflag:s8], $0x0  }
0x24: {  	s3 =	sadd.s32 $0x88, s3;
	s6 =	simm.s32 @!p1 $0x1082;
	[sflag:s4] =	ssyncset.s32 $0xFFFFF086  }
0x25: {  	[simem:s6], [sflag:s4] =	dma.local [hbm:s3], $0xF7A  }
0x26: {  	[smem:$0x3F99] =	sst s1;
	(tag) =	ssettag s2;
	_ =	strace s9  }
0x27: {  	s1 =	sld [smem:$0x3FA9]  }
0x28: {  	s2 =	sld [smem:$0x3FAA]  }
0x29: {  	s4 =	sld [smem:$0x3FAC]  }
0x2a: {  	p0 =	seq.s32 s5, $0x0;
	s5 =	sld [smem:$0x3FAD]  }
0x2b: {  	s6 =	sld [smem:$0x3FAE]  }
0x2c: {  	s7 =	sld [smem:$0x3FAF]  }
0x2d: {  	s3 =	simm.s32 $0x108;
	s8 =	sld [smem:$0x3FB0]  }
0x2e: {  	s3 =	simm.s32 @!p0 $0x1082;
	s9 =	sld [smem:$0x3FB1]  }
0x2f: {  	lr =	sadd.s32 s0, s3;
	s0 =	sld [smem:$0x3FA8]  }
0x30: {  	s3 =	sld [smem:$0x3FAB]  }
0x31: {  	[smem:$0x3FB4] =	sst s10  }
0x32: {  	s10 =	sld [smem:$0x3FB2];
	_ =	sdelay $0x3  }
0x33: {  	p0 =	seq.s32 s10, $0x1;
	s10 =	sld [smem:$0x3FB4];
	_ =	sdelay $0x3  }
0x34: {  	[smem:$0x3FB4] =	sst s10  }
0x35: {  	s10 =	sld [smem:$0x3FB3];
	_ =	sdelay $0x3  }
0x36: {  	p1 =	seq.s32 s10, $0x1;
	s10 =	sld [smem:$0x3FB4];
	_ =	sdelay $0x3  }
0x37: {  	[smem:$0x3FB4] =	sst s10  }
0x38: {  	s10 =	sld [smem:$0x3FB5]  }
0x39: {  	_ = 	snop;
	(pc) =	sbr.ind lr, $3  }
0x3a: {  	_ = 	snop  }
0x3b: {  	_ = 	snop  }
0x3c: {  	p2 =	seq.s32 s10, $0x1;
	s10 =	sld [smem:$0x3FB4]  }
0x3d: {  	_ =	shalt  }
0x3e: {  	_ =	shalt  }
0x3f: {  	_ =	shalt  }
0x40: {  	_ =	shalt  }
0x41: {  	_ =	shalt  }
0x42: {  	_ =	shalt  }
0x43: {  	_ =	shalt  }
0x44: {  	_ =	shalt  }
0x45: {  	_ =	shalt  }
0x46: {  	_ =	shalt  }
0x47: {  	_ =	shalt  }
0x48: {  	_ =	shalt  }
0x49: {  	_ =	shalt  }
0x4a: {  	_ =	shalt  }
0x4b: {  	_ =	shalt  }
0x4c: {  	_ =	shalt  }
0x4d: {  	_ =	shalt  }
0x4e: {  	_ =	shalt  }
0x4f: {  	_ =	shalt  }
0x50: {  	_ =	shalt  }
0x51: {  	_ =	shalt  }
0x52: {  	_ =	shalt  }
0x53: {  	_ =	shalt  }
0x54: {  	_ =	shalt  }
0x55: {  	_ =	shalt  }
0x56: {  	_ =	shalt  }
0x57: {  	_ =	shalt  }
0x58: {  	_ =	shalt  }
0x59: {  	_ =	shalt  }
0x5a: {  	_ =	shalt  }
0x5b: {  	_ =	shalt  }
0x5c: {  	_ =	shalt  }
0x5d: {  	_ =	shalt  }
0x5e: {  	_ =	shalt  }
0x5f: {  	_ =	shalt  }
0x60: {  	_ =	shalt  }
0x61: {  	_ =	shalt  }
0x62: {  	_ =	shalt  }
0x63: {  	_ =	shalt  }
0x64: {  	_ =	shalt  }
0x65: {  	_ =	shalt  }
0x66: {  	_ =	shalt  }
0x67: {  	_ =	shalt  }
0x68: {  	_ =	shalt  }
0x69: {  	_ =	shalt  }
0x6a: {  	_ =	shalt  }
0x6b: {  	_ =	shalt  }
0x6c: {  	_ =	shalt  }
0x6d: {  	_ =	shalt  }
0x6e: {  	_ =	shalt  }
0x6f: {  	_ =	shalt  }
0x70: {  	_ =	shalt  }
0x71: {  	_ =	shalt  }
0x72: {  	_ =	shalt  }
0x73: {  	_ =	shalt  }
0x74: {  	_ =	shalt  }
0x75: {  	_ =	shalt  }
0x76: {  	_ =	shalt  }
0x77: {  	_ =	shalt  }
0x78: {  	_ =	shalt  }
0x79: {  	_ =	shalt  }
0x7a: {  	_ =	shalt  }
0x7b: {  	_ =	shalt  }
0x7c: {  	_ =	shalt  }
0x7d: {  	_ =	shalt  }
0x7e: {  	_ =	shalt  }
0x7f: {  	_ =	shalt  }
0x80: {  	_ =	shalt  }
0x81: {  	_ =	shalt  }
0x82: {  	_ =	shalt  }
0x83: {  	_ =	shalt  }
0x84: {  	_ =	shalt  }
0x85: {  	_ =	shalt  }
0x86: {  	_ =	shalt  }
0x87: {  	_ =	shalt  }
.Lfunc_end0:
.L_simem_size_0:
called_computation.2_lowered:
.L_overlay_start_0:
0x88: {  	s2 =	sld [smem:$0x3FD9]  }
0x89: {  	s3 =	sld [smem:$0x3FFE];
	_ =	sdelay $0x1  }
0x8a: {  	s1 =	srdreg.scid  }
0x8b: {  	s0 =	sand.u32 $0x1, s1  }
0x8c: {  	s16 =	sshll.u32 s0, $0xA;
	s2 =	sadd.s32 s3, s2  }
0x8d: {  	s2 =	sadd.s32 s2, s16  }
0x8e: {  	[smem:$0x3FC0] =	sst s2  }
0x8f: {  	_ = 	snop  }
0x90: {  	(tm) =	ssettm $0x1  }
0x91: {  	s17 =	sld [smem:$0x3FFB];
	_ =	sdelay $0x3  }
0x92: {  	_ =	strace s17  }
0x93: {  	s2 =	sld [smem:$0x3FFC];
	_ =	sdelay $0x3  }
0x94: {  	_ =	strace s2  }
0x95: {  	s2 =	sld [smem:$0x3FFD];
	_ =	sdelay $0x3  }
0x96: {  	_ =	strace s2  }
0x97: {  	_ =	strace $0x8FFFFFFF  }
0x98: {  	s18 =	sld [smem:$0x3FDB];
	_ =	sdelay $0x1  }
0x99: {  	s19 =	simm.s32 $_scs_section_size  }
0x9a: {  	s4 =	simm.s32 $_size__tile_overlayer_lowered;
	s5 =	simm.s32 $_tile_overlayer_lowered  }
0x9b: {  	s22 =	simm.s32 $0x1BFF;
	s21 =	sshll.u32 s5, $0x1;
	s2 =	sadd.s32 s19, s18  }
0x9c: {  	s6 =	simm.s32 $0x0;
	s20 =	sshll.u32 s4, $0x1;
	s4 =	sadd.s32 s21, s2  }
0x9d: {  	[timem:s6], [sflag:s22] =	dma.local [hbm:s4], s20  }
0x9e: {  	_ =	swait.ge [sflag:s22], s20  }
0x9f: {  	s3 =	ssub.s32 $0x0, s20;
	[sflag:s22] =	ssyncset.done $0x0  }
0xa0: {  	[sflag:s22] =	ssyncadd.s32 s3;
	_ =	sdelay $0x1  }
0xa1: {  	s23 =	simm.s32 $0x1B8B  }
0xa2: {  	_ =	swait.ge [sflag:s23], $0x1  }
0xa3: {  	[sflag:s23] =	ssyncset.done $0x0  }
0xa4: {  	s25 =	simm.s32 $0x1B8E;
	s24 =	sld [smem:$0x3FFE];
	[sflag:s23] =	ssyncadd.s32 $0xFFFFFFFF  }
0xa5: {  	s26 =	simm.s32 $execute0_lowered;
	[smem:$0x3FD2] =	sst s25  }
0xa6: {  	s4 =	sshll.u32 s26, $0x1;
	_ =	strace $0x8000004C;
	[dreg:$0x1] =	wrdreg $0xFFFFFFFF  }
0xa7: {  	s28 =	simm.s32 $_size_execute0_lowered;
	s2 =	sadd.s32 s2, s4;
	[dreg:$0x0] =	wrdreg $0x0  }
0xa8: {  	s4 =	sshll.u32 s28, $0x1;
	[dreg:$0x2] =	wrdreg s2  }
0xa9: {  	[dreg:$0x3] =	wrdreg s4  }
0xaa: {  	[dreg:$0x4] =	wrdreg $0xC0  }
0xab: {  	_ =	task [dreg:s6], $0x5FFFF  }
0xac: {  	[dreg:$0x1] =	wrdreg $0xFFFFFFFF  }
0xad: {  	[dreg:$0x0] =	wrdreg $0x60  }
0xae: {  	[dreg:$0x2] =	wrdreg s24  }
0xaf: {  	[dreg:$0x3] =	wrdreg $0x77400  }
0xb0: {  	[dreg:$0x4] =	wrdreg $0x9  }
0xb1: {  	_ =	task.clear_ibuf [dreg:s6], $0x5FFFF;
	_ =	strace $0x9000004C  }
0xb2: {  	s29 =	simm.s32 $0x9;
	_ =	strace $0x8000004E  }
0xb3: {  	_ =	swait.ge [sflag:s29], $0x1  }
0xb4: {  	[sflag:s29] =	ssyncadd.s32 $0xFFFFFFFF  }
0xb5: {  	_ =	strace $0x9000004E  }
0xb6: {  	_ =	sfence  }
0xb7: {  	s30 =	sld [smem:$0x0];
	_ =	sdelay $0x2  }
0xb8: {  	s31 =	sshll.u32 s1, $0xD;
	s1 =	sshrl.u32 s1, $0x2  }
0xb9: {  	s3 =	sand.u32 $0x4000, s31;
	s1 =	sadd.s32 s1, s30  }
0xba: {  	s0 =	sor.u32 s3, s0;
	s1 =	sshll.u32 s1, $0x11  }
0xbb: {  	s0 =	sor.u32 s1, s0  }
0xbc: {  	s0 =	sadd.s32 $0x8F2B, s0  }
0xbd: {  	[sflag:s0] =	ssyncadd.remote.s32 $0x1  }
0xbe: {  	_ =	sfence.sel $0xFFFF  }
0xbf: {  	[dreg:$0x0] =	wrdreg $0xFFFFFFFF;
	(pc) =	sbr.abs _section_cstart, $3  }
0xc0: {  	[dreg:$0x1] =	wrdreg $0xFFFFFFFF  }
0xc1: {  	_ =	task.clear_ibuf [dreg:s6], $0x2FFFF;
	_ =	strace $0x9FFFFFFF  }
0xc2: {  	(tm) =	ssettm $0x7FFFFFFF  }
0xc3: {  	_ =	shalt  }
tec
execute0_lowered:
.L_overlay_start_1:
0x0: {  	(tag) =	ssettag $0x1  }
0x1: {  	s0 =	rddreg [dreg:$0x0]  }
0x2: {  	s2 =	rddreg [dreg:$0x1]  }
0x3: {  	s1 =	srdreg.scid;
	s15 =	stileid.u32;
	s3 =	simm.s32 $0x0  }
0x4: {  	s30 =	simm.s32 $0xD40;
	s31 =	simm.s32 $0x4;
	s6 =	smul.u32 $0x1880, s15  }
0x5: {  	s1 =	sand.u32 $0x1, s1;
	[smem:$0x7FF] =	sst s3;
	s16 =	smul.u32 $0x62000, s15  }
0x6: {  	s4 =	sadd.s32 $0x33600, s0;
	s5 =	sadd.s32 $0x2600, s0;
	s14 =	smul.u32 $0x61B80, s15  }
0x7: {  	s11 =	sadd.s32 $0xC5C00, s0;
	s12 =	sadd.s32 $0x189400, s0;
	s24 =	smul.u32 $0xC370, s15  }
0x8: {  	s15 =	simm.s32 $0x3;
	s7 =	smul.u32 $0x18800, s1;
	s8 =	ssub.s32 $0x2, s1  }
0x9: {  	_ =	strace $0x8000004D;
	p0 =	seq.s32 s1, $0x1;
	s17 =	sshrl.u32 s8, $0x1  }
0xa: {  	s18 =	sshrl.u32 s14, $0x3;
	s6 =	sadd.s32 s6, s7;
	s7 =	sshrl.u32 s16, $0x2  }
0xb: {  	s13 =	ssub.s32 s8, s17;
	s14 =	sadd.s32 s11, s18;
	s19 =	sadd.s32 $0x6A, s18  }
0xc: {  	s1 =	sadd.s32 s12, s18;
	s6 =	sshll.u32 s6, $0x1;
	[dreg:$0x3] =	wrdreg s14  }
0xd: {  	[dreg:$0x5] =	wrdreg s1;
	s22 =	sadd.s32 s11, s19;
	s14 =	sadd.s32 s12, s19  }
0xe: {  	s1 =	simm.s32 $0x1;
	s0 =	sadd.s32 s6, s0;
	[dreg:$0x8] =	wrdreg s22  }
0xf: {  	s6 =	sadd.s32 s7, s2;
	[dreg:$0xa] =	wrdreg s14;
	s22 =	sadd.s32 s24, s11  }
0x10: {  	s11 =	simm.s32 $0x350;
	s14 =	simm.s32 $0x4240;
	s16 =	sadd.s32 $0x6E4C00, s0  }
0x11: {  	s7 =	sadd.s32 $0x3100, s6;
	s20 =	sadd.s32 $0x6E5220, s0;
	[dreg:$0x4] =	wrdreg s16  }
0x12: {  	s8 =	sadd.s32 $0x6200, s6;
	s21 =	sadd.s32 $0x6E5840, s0;
	[dreg:$0x6] =	wrdreg s20  }
0x13: {  	s9 =	sadd.s32 $0x9300, s6;
	s23 =	sadd.s32 $0x6E5E60, s0;
	[dreg:$0x7] =	wrdreg s21  }
0x14: {  	s10 =	sadd.s32 $0xC400, s6;
	s25 =	sadd.s32 $0x6E6480, s0;
	[dreg:$0x9] =	wrdreg s23  }
.Ltmp0:
0x15: {  	s26 =	sadd.s32 $0x6E6AA0, s0;
	[dreg:$0xb] =	wrdreg s25;
	(pc) =	sbr.rel .LBB2_1-.Ltmp0, $4  }
0x16: {  	s28 =	sadd.s32 $0x12600, s6;
	s29 =	sadd.s32 $0x15700, s6;
	[dreg:$0xc] =	wrdreg s26  }
0x17: {  	s21 =	sadd.s32 s24, s12;
	s23 =	sadd.s32 $0x6E70C0, s0;
	s24 =	sadd.s32 $0x6E76E0, s0  }
0x18: {  	s25 =	smax.u32 s13, $0x1;
	s26 =	sadd.s32 $0xF500, s6;
	s0 =	simm.s32 $0x6A0  }
0x19: {  	v0 =	vimm.f32 $0.0e+00;
	s12 =	simm.s32 $0x9F0;
	s13 =	simm.s32 $0x2;
	s16 =	simm.s32 $0x0  }
.LBB2_6:
0x1a: {  	[spmem:s2] =	stream.indirect.scatter.add.f32 [tilespmem:s30], [sflag:$0x3], $0x10, s0, s11, $0xb8;
	[tilespmem:$0x1FF40] =	vst v63  }
0x1b: {  	s17 =	smov.u32 s4  }
.LBB2_10:
0x1c: {  	_ =	swait.ge [sflag:s1], $0x350  }
0x1d: {  	[sflag:s1] =	ssyncset.done $0x0  }
0x1e: {  	[sflag:s1] =	ssyncadd.s32 $0xFFFFFCB0  }
0x1f: {  	_ =	swait.ge [sflag:s1], $0x350  }
0x20: {  	[sflag:s1] =	ssyncset.done $0x0  }
0x21: {  	[sflag:s1] =	ssyncadd.s32 $0xFFFFFCB0  }
0x22: {  	[tilespmem:s14], [sflag:$0x2] =	stream.indirect.gather [hbm4b:s17+s11], $0x10, s11, s11, $0xb8;
	[tilespmem:$0x1FF40] =	vst v63  }
0x23: {  	_ =	swait.ge [sflag:s15], $0x3500  }
0x24: {  	[sflag:s15] =	ssyncset.done $0x0  }
0x25: {  	[sflag:s15] =	ssyncadd.s32 $0xFFFFCB00  }
0x26: {  	_ =	swait.ge [sflag:s13], $0x3500  }
0x27: {  	[sflag:s13] =	ssyncset.done $0x0  }
0x28: {  	[sflag:s13] =	ssyncadd.s32 $0xFFFFCB00  }
0x29: {  	[spmem:s2] =	stream.indirect.scatter.add.f32 [tilespmem:s14], [sflag:$0x3], $0x10, s12, s11, $0xb8;
	[tilespmem:$0x1FF40] =	vst v63  }
0x2a: {  	_ =	swait.ge [sflag:s15], $0x3500  }
0x2b: {  	[sflag:s15] =	ssyncset.done $0x0  }
0x2c: {  	[sflag:s15] =	ssyncadd.s32 $0xFFFFCB00  }
0x2d: {  	[bflag:$0x0] =	sbarrier.arrive $0xFFFF  }
0x2e: {  	[tilespmem:s30], [sflag:$0x4] =	stream.linear.gather [spmem:s6], $0x3100, $0x38;
	[tilespmem:$0x1FF40] =	vst v63  }
0x2f: {  	_ =	swait.ge [sflag:s31], $0x3100  }
0x30: {  	[sflag:s31] =	ssyncset.done $0x0  }
0x31: {  	s18 =	rddreg [dreg:$0x4];
	[sflag:s31] =	ssyncadd.s32 $0xFFFFCF00  }
0x32: {  	[hbm4b:s18+s3] =	stream.linear.scatter [tilespmem:s30], [sflag:$0x4], $0x3100, $0x38;
	[tilespmem:$0x1FF40] =	vst v63  }
0x33: {  	_ =	swait.ge [sflag:s31], $0x3100  }
0x34: {  	[sflag:s31] =	ssyncset.done $0x0  }
0x35: {  	[sflag:s31] =	ssyncadd.s32 $0xFFFFCF00  }
0x36: {  	[tilespmem:s30], [sflag:$0x4] =	stream.linear.gather [spmem:s7], $0x3100, $0x38;
	[tilespmem:$0x1FF40] =	vst v63  }
0x37: {  	_ =	swait.ge [sflag:s31], $0x3100  }
0x38: {  	[sflag:s31] =	ssyncset.done $0x0  }
0x39: {  	s19 =	rddreg [dreg:$0x6];
	[sflag:s31] =	ssyncadd.s32 $0xFFFFCF00  }
0x3a: {  	[hbm4b:s19+s3] =	stream.linear.scatter [tilespmem:s30], [sflag:$0x4], $0x3100, $0x38;
	[tilespmem:$0x1FF40] =	vst v63  }
0x3b: {  	_ =	swait.ge [sflag:s31], $0x3100  }
0x3c: {  	[sflag:s31] =	ssyncset.done $0x0  }
0x3d: {  	[sflag:s31] =	ssyncadd.s32 $0xFFFFCF00  }
0x3e: {  	[tilespmem:s30], [sflag:$0x4] =	stream.linear.gather [spmem:s8], $0x3100, $0x38;
	[tilespmem:$0x1FF40] =	vst v63  }
0x3f: {  	_ =	swait.ge [sflag:s31], $0x3100  }
0x40: {  	[sflag:s31] =	ssyncset.done $0x0  }
0x41: {  	s20 =	rddreg [dreg:$0x7];
	[sflag:s31] =	ssyncadd.s32 $0xFFFFCF00  }
0x42: {  	[hbm4b:s20+s3] =	stream.linear.scatter [tilespmem:s30], [sflag:$0x4], $0x3100, $0x38;
	[tilespmem:$0x1FF40] =	vst v63  }
0x43: {  	_ =	swait.ge [sflag:s31], $0x3100  }
0x44: {  	[sflag:s31] =	ssyncset.done $0x0  }
0x45: {  	[sflag:s31] =	ssyncadd.s32 $0xFFFFCF00  }
0x46: {  	[tilespmem:s30], [sflag:$0x4] =	stream.linear.gather [spmem:s9], $0x3100, $0x38;
	[tilespmem:$0x1FF40] =	vst v63  }
0x47: {  	_ =	swait.ge [sflag:s31], $0x3100  }
0x48: {  	[sflag:s31] =	ssyncset.done $0x0  }
0x49: {  	s18 =	rddreg [dreg:$0x9];
	[sflag:s31] =	ssyncadd.s32 $0xFFFFCF00  }
0x4a: {  	[hbm4b:s18+s3] =	stream.linear.scatter [tilespmem:s30], [sflag:$0x4], $0x3100, $0x38;
	[tilespmem:$0x1FF40] =	vst v63  }
0x4b: {  	_ =	swait.ge [sflag:s31], $0x3100  }
0x4c: {  	[sflag:s31] =	ssyncset.done $0x0  }
0x4d: {  	[sflag:s31] =	ssyncadd.s32 $0xFFFFCF00  }
0x4e: {  	[tilespmem:s30], [sflag:$0x4] =	stream.linear.gather [spmem:s10], $0x3100, $0x38;
	[tilespmem:$0x1FF40] =	vst v63  }
0x4f: {  	_ =	swait.ge [sflag:s31], $0x3100  }
0x50: {  	[sflag:s31] =	ssyncset.done $0x0  }
0x51: {  	s19 =	rddreg [dreg:$0xb];
	[sflag:s31] =	ssyncadd.s32 $0xFFFFCF00  }
0x52: {  	[hbm4b:s19+s3] =	stream.linear.scatter [tilespmem:s30], [sflag:$0x4], $0x3100, $0x38;
	[tilespmem:$0x1FF40] =	vst v63  }
0x53: {  	_ =	swait.ge [sflag:s31], $0x3100  }
0x54: {  	[sflag:s31] =	ssyncset.done $0x0  }
0x55: {  	[sflag:s31] =	ssyncadd.s32 $0xFFFFCF00  }
0x56: {  	[tilespmem:s30], [sflag:$0x4] =	stream.linear.gather [spmem:s26], $0x3100, $0x38;
	[tilespmem:$0x1FF40] =	vst v63  }
0x57: {  	_ =	swait.ge [sflag:s31], $0x3100  }
0x58: {  	[sflag:s31] =	ssyncset.done $0x0  }
0x59: {  	s20 =	rddreg [dreg:$0xc];
	[sflag:s31] =	ssyncadd.s32 $0xFFFFCF00  }
0x5a: {  	[hbm4b:s20+s3] =	stream.linear.scatter [tilespmem:s30], [sflag:$0x4], $0x3100, $0x38;
	[tilespmem:$0x1FF40] =	vst v63  }
0x5b: {  	_ =	swait.ge [sflag:s31], $0x3100  }
0x5c: {  	[sflag:s31] =	ssyncset.done $0x0  }
0x5d: {  	[sflag:s31] =	ssyncadd.s32 $0xFFFFCF00  }
0x5e: {  	[tilespmem:s30], [sflag:$0x4] =	stream.linear.gather [spmem:s28], $0x3100, $0x38;
	[tilespmem:$0x1FF40] =	vst v63  }
0x5f: {  	_ =	swait.ge [sflag:s31], $0x3100  }
0x60: {  	[sflag:s31] =	ssyncset.done $0x0  }
0x61: {  	[sflag:s31] =	ssyncadd.s32 $0xFFFFCF00  }
0x62: {  	[hbm4b:s23+s3] =	stream.linear.scatter [tilespmem:s30], [sflag:$0x4], $0x3100, $0x38;
	[tilespmem:$0x1FF40] =	vst v63  }
0x63: {  	_ =	swait.ge [sflag:s31], $0x3100  }
0x64: {  	[sflag:s31] =	ssyncset.done $0x0  }
0x65: {  	[sflag:s31] =	ssyncadd.s32 $0xFFFFCF00  }
0x66: {  	[tilespmem:s30], [sflag:$0x4] =	stream.linear.gather [spmem:s29], $0x3100, $0x38;
	[tilespmem:$0x1FF40] =	vst v63  }
0x67: {  	s16 =	sadd.s32 $0x1, s16;
	_ =	swait.ge [sflag:s31], $0x3100  }
0x68: {  	p1 =	sne.s32 s16, s25;
	[sflag:s31] =	ssyncset.done $0x0  }
.Ltmp1:
0x69: {  	[sflag:s31] =	ssyncadd.s32 $0xFFFFCF00;
	(pc) =	sbr.rel @!p1 .LBB2_11-.Ltmp1, $4  }
0x6a: {  	[hbm4b:s24+s3] =	stream.linear.scatter [tilespmem:s30], [sflag:$0x4], $0x3100, $0x38;
	[tilespmem:$0x1FF40] =	vst v63  }
0x6b: {  	_ =	swait.ge [sflag:s31], $0x3100  }
0x6c: {  	[sflag:s31] =	ssyncset.done $0x0  }
0x6d: {  	[sflag:s31] =	ssyncadd.s32 $0xFFFFCF00  }
.LBB2_1:
0x6e: {  	s17 =	simm.s32 $0x40;
	s18 =	simm.s32 $0x0  }
.LBB2_2:
0x6f: {  	p1 =	sne.s32 s17, $0xC3C0;
	[tilespmem:s18+$0xD40] =	vst v0;
	s18 =	smov.u32 s17;
	s17 =	sadd.s32 $0x40, s17  }
.Ltmp2:
0x70: {  	(pc) =	sbr.rel @p1 .LBB2_2-.Ltmp2, $2  }
0x71: {  	_ =	sdelay $0x2  }
0x72: {  	s18 =	sshra.s32 s18, $0x2  }
0x73: {  	[tilespmem:s18+$0xD40] =	vst v0  }
0x74: {  	[spmem:s6] =	stream.linear.scatter [tilespmem:s30], [sflag:$0x4], $0x3100, $0x38;
	[tilespmem:$0x1FF40] =	vst v63  }
0x75: {  	_ =	swait.ge [sflag:s31], $0x3100  }
0x76: {  	[sflag:s31] =	ssyncset.done $0x0  }
0x77: {  	[sflag:s31] =	ssyncadd.s32 $0xFFFFCF00  }
0x78: {  	[spmem:s7] =	stream.linear.scatter [tilespmem:s30], [sflag:$0x4], $0x3100, $0x38;
	[tilespmem:$0x1FF40] =	vst v63  }
0x79: {  	_ =	swait.ge [sflag:s31], $0x3100  }
0x7a: {  	[sflag:s31] =	ssyncset.done $0x0  }
0x7b: {  	[sflag:s31] =	ssyncadd.s32 $0xFFFFCF00  }
0x7c: {  	[spmem:s8] =	stream.linear.scatter [tilespmem:s30], [sflag:$0x4], $0x3100, $0x38;
	[tilespmem:$0x1FF40] =	vst v63  }
0x7d: {  	_ =	swait.ge [sflag:s31], $0x3100  }
0x7e: {  	[sflag:s31] =	ssyncset.done $0x0  }
0x7f: {  	[sflag:s31] =	ssyncadd.s32 $0xFFFFCF00  }
0x80: {  	[spmem:s9] =	stream.linear.scatter [tilespmem:s30], [sflag:$0x4], $0x3100, $0x38;
	[tilespmem:$0x1FF40] =	vst v63  }
0x81: {  	_ =	swait.ge [sflag:s31], $0x3100  }
0x82: {  	[sflag:s31] =	ssyncset.done $0x0  }
0x83: {  	[sflag:s31] =	ssyncadd.s32 $0xFFFFCF00  }
0x84: {  	[spmem:s10] =	stream.linear.scatter [tilespmem:s30], [sflag:$0x4], $0x3100, $0x38;
	[tilespmem:$0x1FF40] =	vst v63  }
0x85: {  	_ =	swait.ge [sflag:s31], $0x3100  }
0x86: {  	[sflag:s31] =	ssyncset.done $0x0  }
0x87: {  	[sflag:s31] =	ssyncadd.s32 $0xFFFFCF00  }
0x88: {  	[spmem:s26] =	stream.linear.scatter [tilespmem:s30], [sflag:$0x4], $0x3100, $0x38;
	[tilespmem:$0x1FF40] =	vst v63  }
0x89: {  	_ =	swait.ge [sflag:s31], $0x3100  }
0x8a: {  	[sflag:s31] =	ssyncset.done $0x0  }
0x8b: {  	[sflag:s31] =	ssyncadd.s32 $0xFFFFCF00  }
0x8c: {  	[spmem:s28] =	stream.linear.scatter [tilespmem:s30], [sflag:$0x4], $0x3100, $0x38;
	[tilespmem:$0x1FF40] =	vst v63  }
0x8d: {  	_ =	swait.ge [sflag:s31], $0x3100  }
0x8e: {  	[sflag:s31] =	ssyncset.done $0x0  }
0x8f: {  	[sflag:s31] =	ssyncadd.s32 $0xFFFFCF00  }
0x90: {  	[spmem:s29] =	stream.linear.scatter [tilespmem:s30], [sflag:$0x4], $0x3100, $0x38;
	[tilespmem:$0x1FF40] =	vst v63  }
0x91: {  	_ =	swait.ge [sflag:s31], $0x3100  }
0x92: {  	[sflag:s31] =	ssyncset.done $0x0  }
0x93: {  	[sflag:s31] =	ssyncadd.s32 $0xFFFFCF00  }
0x94: {  	[bflag:$0x0] =	sbarrier.arrive $0xFFFF  }
0x95: {  	s17 =	rddreg [dreg:$0x3]  }
0x96: {  	[tilespmem:s3], [sflag:$0x1] =	stream.linear.gather [hbm4b:s17+s3], $0x350, $0x38;
	[tilespmem:$0x1FF40] =	vst v63  }
0x97: {  	s20 =	rddreg [dreg:$0x5]  }
0x98: {  	[tilespmem:s0], [sflag:$0x1] =	stream.linear.gather [hbm4b:s20+s3], $0x350, $0x38;
	[tilespmem:$0x1FF40] =	vst v63  }
0x99: {  	_ =	swait.ge [sflag:s1], $0x350  }
.Ltmp3:
0x9a: {  	[sflag:s1] =	ssyncset.done $0x0;
	(pc) =	sbr.rel @!p0 .LBB2_4-.Ltmp3, $4  }
0x9b: {  	[sflag:s1] =	ssyncadd.s32 $0xFFFFFCB0  }
0x9c: {  	_ =	swait.ge [sflag:s1], $0x350  }
0x9d: {  	[sflag:s1] =	ssyncset.done $0x0  }
0x9e: {  	[sflag:s1] =	ssyncadd.s32 $0xFFFFFCB0  }
0x9f: {  	[tilespmem:s30], [sflag:$0x2] =	stream.indirect.gather [hbm4b:s5+s11], $0x10, s3, s11, $0xb8;
	[tilespmem:$0x1FF40] =	vst v63  }
0xa0: {  	s17 =	rddreg [dreg:$0x8]  }
0xa1: {  	[tilespmem:s11], [sflag:$0x1] =	stream.linear.gather [hbm4b:s17+s3], $0x350, $0x38;
	[tilespmem:$0x1FF40] =	vst v63  }
0xa2: {  	s19 =	rddreg [dreg:$0xa]  }
0xa3: {  	[tilespmem:s12], [sflag:$0x1] =	stream.linear.gather [hbm4b:s19+s3], $0x350, $0x38;
	[tilespmem:$0x1FF40] =	vst v63  }
0xa4: {  	_ =	swait.ge [sflag:s13], $0x3500  }
0xa5: {  	[sflag:s13] =	ssyncset.done $0x0  }
0xa6: {  	[sflag:s13] =	ssyncadd.s32 $0xFFFFCB00  }
0xa7: {  	[spmem:s2] =	stream.indirect.scatter.add.f32 [tilespmem:s30], [sflag:$0x3], $0x10, s0, s11, $0xb8;
	[tilespmem:$0x1FF40] =	vst v63  }
0xa8: {  	_ =	swait.ge [sflag:s1], $0x350  }
0xa9: {  	[sflag:s1] =	ssyncset.done $0x0  }
0xaa: {  	[sflag:s1] =	ssyncadd.s32 $0xFFFFFCB0  }
0xab: {  	_ =	swait.ge [sflag:s1], $0x350  }
0xac: {  	[sflag:s1] =	ssyncset.done $0x0  }
0xad: {  	[sflag:s1] =	ssyncadd.s32 $0xFFFFFCB0  }
0xae: {  	[tilespmem:s14], [sflag:$0x2] =	stream.indirect.gather [hbm4b:s5+s11], $0x10, s11, s11, $0xb8;
	[tilespmem:$0x1FF40] =	vst v63  }
0xaf: {  	_ =	swait.ge [sflag:s15], $0x3500  }
0xb0: {  	s17 =	sadd.s32 $0xFFFF3D64, s22;
	[sflag:s15] =	ssyncset.done $0x0  }
0xb1: {  	s18 =	sadd.s32 $0xC370, s17;
	s19 =	sadd.s32 $0xFFFF3D64, s21;
	[sflag:s15] =	ssyncadd.s32 $0xFFFFCB00  }
0xb2: {  	[tilespmem:s3], [sflag:$0x1] =	stream.linear.gather [hbm4b:s18+s3], $0x350, $0x38;
	[tilespmem:$0x1FF40] =	vst v63  }
0xb3: {  	s20 =	sadd.s32 $0xC370, s19  }
0xb4: {  	[tilespmem:s0], [sflag:$0x1] =	stream.linear.gather [hbm4b:s20+s3], $0x350, $0x38;
	[tilespmem:$0x1FF40] =	vst v63  }
0xb5: {  	_ =	swait.ge [sflag:s13], $0x3500  }
0xb6: {  	[sflag:s13] =	ssyncset.done $0x0  }
0xb7: {  	[sflag:s13] =	ssyncadd.s32 $0xFFFFCB00  }
0xb8: {  	[spmem:s2] =	stream.indirect.scatter.add.f32 [tilespmem:s14], [sflag:$0x3], $0x10, s12, s11, $0xb8;
	[tilespmem:$0x1FF40] =	vst v63  }
0xb9: {  	_ =	swait.ge [sflag:s1], $0x350  }
0xba: {  	[sflag:s1] =	ssyncset.done $0x0  }
0xbb: {  	[sflag:s1] =	ssyncadd.s32 $0xFFFFFCB0  }
0xbc: {  	_ =	swait.ge [sflag:s1], $0x350  }
0xbd: {  	[sflag:s1] =	ssyncset.done $0x0  }
0xbe: {  	[sflag:s1] =	ssyncadd.s32 $0xFFFFFCB0  }
0xbf: {  	[tilespmem:s30], [sflag:$0x2] =	stream.indirect.gather [hbm4b:s5+s11], $0x10, s3, s11, $0xb8;
	[tilespmem:$0x1FF40] =	vst v63  }
0xc0: {  	_ =	swait.ge [sflag:s15], $0x3500  }
0xc1: {  	[sflag:s15] =	ssyncset.done $0x0  }
0xc2: {  	s17 =	sadd.s32 $0xC3DA, s17;
	[sflag:s15] =	ssyncadd.s32 $0xFFFFCB00  }
0xc3: {  	[tilespmem:s11], [sflag:$0x1] =	stream.linear.gather [hbm4b:s17+s3], $0x350, $0x38;
	[tilespmem:$0x1FF40] =	vst v63  }
0xc4: {  	s20 =	sadd.s32 $0xC3DA, s19  }
0xc5: {  	[tilespmem:s12], [sflag:$0x1] =	stream.linear.gather [hbm4b:s20+s3], $0x350, $0x38;
	[tilespmem:$0x1FF40] =	vst v63  }
0xc6: {  	_ =	swait.ge [sflag:s13], $0x3500  }
0xc7: {  	[sflag:s13] =	ssyncset.done $0x0  }
0xc8: {  	s17 =	simm.s32 $0xFFFF3E38;
	[sflag:s13] =	ssyncadd.s32 $0xFFFFCB00  }
.LBB2_8:
0xc9: {  	[spmem:s2] =	stream.indirect.scatter.add.f32 [tilespmem:s30], [sflag:$0x3], $0x10, s0, s11, $0xb8;
	[tilespmem:$0x1FF40] =	vst v63  }
0xca: {  	s18 =	smov.u32 s17  }
0xcb: {  	p1 =	sne.s32 s17, $0xFFFFFF2C;
	s17 =	sadd.s32 $0xD4, s17;
	_ =	swait.ge [sflag:s1], $0x350  }
0xcc: {  	[sflag:s1] =	ssyncset.done $0x0  }
0xcd: {  	[sflag:s1] =	ssyncadd.s32 $0xFFFFFCB0  }
0xce: {  	_ =	swait.ge [sflag:s1], $0x350  }
0xcf: {  	[sflag:s1] =	ssyncset.done $0x0  }
0xd0: {  	[sflag:s1] =	ssyncadd.s32 $0xFFFFFCB0  }
0xd1: {  	[tilespmem:s14], [sflag:$0x2] =	stream.indirect.gather [hbm4b:s5+s11], $0x10, s11, s11, $0xb8;
	[tilespmem:$0x1FF40] =	vst v63  }
0xd2: {  	_ =	swait.ge [sflag:s15], $0x3500  }
0xd3: {  	s19 =	sadd.s32 s18, s22;
	[sflag:s15] =	ssyncset.done $0x0  }
0xd4: {  	s18 =	sadd.s32 s18, s21;
	s20 =	sadd.s32 $0xC370, s19;
	[sflag:s15] =	ssyncadd.s32 $0xFFFFCB00  }
0xd5: {  	[tilespmem:s3], [sflag:$0x1] =	stream.linear.gather [hbm4b:s20+s3], $0x350, $0x38;
	[tilespmem:$0x1FF40] =	vst v63  }
0xd6: {  	s20 =	sadd.s32 $0xC370, s18  }
0xd7: {  	[tilespmem:s0], [sflag:$0x1] =	stream.linear.gather [hbm4b:s20+s3], $0x350, $0x38;
	[tilespmem:$0x1FF40] =	vst v63  }
0xd8: {  	_ =	swait.ge [sflag:s13], $0x3500  }
0xd9: {  	[sflag:s13] =	ssyncset.done $0x0  }
0xda: {  	[sflag:s13] =	ssyncadd.s32 $0xFFFFCB00  }
0xdb: {  	[spmem:s2] =	stream.indirect.scatter.add.f32 [tilespmem:s14], [sflag:$0x3], $0x10, s12, s11, $0xb8;
	[tilespmem:$0x1FF40] =	vst v63  }
0xdc: {  	_ =	swait.ge [sflag:s1], $0x350  }
0xdd: {  	[sflag:s1] =	ssyncset.done $0x0  }
0xde: {  	[sflag:s1] =	ssyncadd.s32 $0xFFFFFCB0  }
0xdf: {  	_ =	swait.ge [sflag:s1], $0x350  }
0xe0: {  	[sflag:s1] =	ssyncset.done $0x0  }
0xe1: {  	[sflag:s1] =	ssyncadd.s32 $0xFFFFFCB0  }
0xe2: {  	[tilespmem:s30], [sflag:$0x2] =	stream.indirect.gather [hbm4b:s5+s11], $0x10, s3, s11, $0xb8;
	[tilespmem:$0x1FF40] =	vst v63  }
0xe3: {  	_ =	swait.ge [sflag:s15], $0x3500  }
0xe4: {  	[sflag:s15] =	ssyncset.done $0x0  }
0xe5: {  	s19 =	sadd.s32 $0xC3DA, s19;
	[sflag:s15] =	ssyncadd.s32 $0xFFFFCB00  }
0xe6: {  	[tilespmem:s11], [sflag:$0x1] =	stream.linear.gather [hbm4b:s19+s3], $0x350, $0x38;
	[tilespmem:$0x1FF40] =	vst v63  }
.Ltmp4:
0xe7: {  	s18 =	sadd.s32 $0xC3DA, s18;
	(pc) =	sbr.rel @p1 .LBB2_8-.Ltmp4, $4  }
0xe8: {  	[tilespmem:s12], [sflag:$0x1] =	stream.linear.gather [hbm4b:s18+s3], $0x350, $0x38;
	[tilespmem:$0x1FF40] =	vst v63  }
0xe9: {  	_ =	swait.ge [sflag:s13], $0x3500  }
0xea: {  	[sflag:s13] =	ssyncset.done $0x0  }
0xeb: {  	[sflag:s13] =	ssyncadd.s32 $0xFFFFCB00  }
.Ltmp5:
0xec: {  	(pc) =	sbr.rel .LBB2_10-.Ltmp5, $3  }
0xed: {  	_ =	sdelay $0x1  }
0xee: {  	[spmem:s2] =	stream.indirect.scatter.add.f32 [tilespmem:s30], [sflag:$0x3], $0x10, s0, s11, $0xb8;
	[tilespmem:$0x1FF40] =	vst v63  }
0xef: {  	s17 =	smov.u32 s5  }
.LBB2_4:
0xf0: {  	[tilespmem:s30], [sflag:$0x2] =	stream.indirect.gather [hbm4b:s4+s11], $0x10, s3, s11, $0xb8;
	[tilespmem:$0x1FF40] =	vst v63  }
0xf1: {  	s17 =	rddreg [dreg:$0x8]  }
0xf2: {  	[tilespmem:s11], [sflag:$0x1] =	stream.linear.gather [hbm4b:s17+s3], $0x350, $0x38;
	[tilespmem:$0x1FF40] =	vst v63  }
0xf3: {  	s19 =	rddreg [dreg:$0xa]  }
0xf4: {  	[tilespmem:s12], [sflag:$0x1] =	stream.linear.gather [hbm4b:s19+s3], $0x350, $0x38;
	[tilespmem:$0x1FF40] =	vst v63  }
0xf5: {  	_ =	swait.ge [sflag:s13], $0x3500  }
0xf6: {  	[sflag:s13] =	ssyncset.done $0x0  }
0xf7: {  	[sflag:s13] =	ssyncadd.s32 $0xFFFFCB00  }
0xf8: {  	[spmem:s2] =	stream.indirect.scatter.add.f32 [tilespmem:s30], [sflag:$0x3], $0x10, s0, s11, $0xb8;
	[tilespmem:$0x1FF40] =	vst v63  }
0xf9: {  	_ =	swait.ge [sflag:s1], $0x350  }
0xfa: {  	[sflag:s1] =	ssyncset.done $0x0  }
0xfb: {  	[sflag:s1] =	ssyncadd.s32 $0xFFFFFCB0  }
0xfc: {  	_ =	swait.ge [sflag:s1], $0x350  }
0xfd: {  	[sflag:s1] =	ssyncset.done $0x0  }
0xfe: {  	[sflag:s1] =	ssyncadd.s32 $0xFFFFFCB0  }
0xff: {  	[tilespmem:s14], [sflag:$0x2] =	stream.indirect.gather [hbm4b:s4+s11], $0x10, s11, s11, $0xb8;
	[tilespmem:$0x1FF40] =	vst v63  }
0x100: {  	_ =	swait.ge [sflag:s15], $0x3500  }
0x101: {  	s17 =	sadd.s32 $0xFFFF3D64, s22;
	[sflag:s15] =	ssyncset.done $0x0  }
0x102: {  	s18 =	sadd.s32 $0xC370, s17;
	s19 =	sadd.s32 $0xFFFF3D64, s21;
	[sflag:s15] =	ssyncadd.s32 $0xFFFFCB00  }
0x103: {  	[tilespmem:s3], [sflag:$0x1] =	stream.linear.gather [hbm4b:s18+s3], $0x350, $0x38;
	[tilespmem:$0x1FF40] =	vst v63  }
0x104: {  	s20 =	sadd.s32 $0xC370, s19  }
0x105: {  	[tilespmem:s0], [sflag:$0x1] =	stream.linear.gather [hbm4b:s20+s3], $0x350, $0x38;
	[tilespmem:$0x1FF40] =	vst v63  }
0x106: {  	_ =	swait.ge [sflag:s13], $0x3500  }
0x107: {  	[sflag:s13] =	ssyncset.done $0x0  }
0x108: {  	[sflag:s13] =	ssyncadd.s32 $0xFFFFCB00  }
0x109: {  	[spmem:s2] =	stream.indirect.scatter.add.f32 [tilespmem:s14], [sflag:$0x3], $0x10, s12, s11, $0xb8;
	[tilespmem:$0x1FF40] =	vst v63  }
0x10a: {  	_ =	swait.ge [sflag:s1], $0x350  }
0x10b: {  	[sflag:s1] =	ssyncset.done $0x0  }
0x10c: {  	[sflag:s1] =	ssyncadd.s32 $0xFFFFFCB0  }
0x10d: {  	_ =	swait.ge [sflag:s1], $0x350  }
0x10e: {  	[sflag:s1] =	ssyncset.done $0x0  }
0x10f: {  	[sflag:s1] =	ssyncadd.s32 $0xFFFFFCB0  }
0x110: {  	[tilespmem:s30], [sflag:$0x2] =	stream.indirect.gather [hbm4b:s4+s11], $0x10, s3, s11, $0xb8;
	[tilespmem:$0x1FF40] =	vst v63  }
0x111: {  	_ =	swait.ge [sflag:s15], $0x3500  }
0x112: {  	[sflag:s15] =	ssyncset.done $0x0  }
0x113: {  	s17 =	sadd.s32 $0xC3DA, s17;
	[sflag:s15] =	ssyncadd.s32 $0xFFFFCB00  }
0x114: {  	[tilespmem:s11], [sflag:$0x1] =	stream.linear.gather [hbm4b:s17+s3], $0x350, $0x38;
	[tilespmem:$0x1FF40] =	vst v63  }
0x115: {  	s20 =	sadd.s32 $0xC3DA, s19  }
0x116: {  	[tilespmem:s12], [sflag:$0x1] =	stream.linear.gather [hbm4b:s20+s3], $0x350, $0x38;
	[tilespmem:$0x1FF40] =	vst v63  }
0x117: {  	_ =	swait.ge [sflag:s13], $0x3500  }
0x118: {  	[sflag:s13] =	ssyncset.done $0x0  }
0x119: {  	s17 =	simm.s32 $0xFFFF3E38;
	[sflag:s13] =	ssyncadd.s32 $0xFFFFCB00  }
.LBB2_5:
0x11a: {  	[spmem:s2] =	stream.indirect.scatter.add.f32 [tilespmem:s30], [sflag:$0x3], $0x10, s0, s11, $0xb8;
	[tilespmem:$0x1FF40] =	vst v63  }
0x11b: {  	s18 =	smov.u32 s17  }
0x11c: {  	p1 =	seq.s32 s17, $0xFFFFFF2C;
	s17 =	sadd.s32 $0xD4, s17;
	_ =	swait.ge [sflag:s1], $0x350  }
0x11d: {  	[sflag:s1] =	ssyncset.done $0x0  }
0x11e: {  	[sflag:s1] =	ssyncadd.s32 $0xFFFFFCB0  }
0x11f: {  	_ =	swait.ge [sflag:s1], $0x350  }
0x120: {  	[sflag:s1] =	ssyncset.done $0x0  }
0x121: {  	[sflag:s1] =	ssyncadd.s32 $0xFFFFFCB0  }
0x122: {  	[tilespmem:s14], [sflag:$0x2] =	stream.indirect.gather [hbm4b:s4+s11], $0x10, s11, s11, $0xb8;
	[tilespmem:$0x1FF40] =	vst v63  }
0x123: {  	_ =	swait.ge [sflag:s15], $0x3500  }
0x124: {  	s19 =	sadd.s32 s18, s22;
	[sflag:s15] =	ssyncset.done $0x0  }
0x125: {  	s18 =	sadd.s32 s18, s21;
	s20 =	sadd.s32 $0xC370, s19;
	[sflag:s15] =	ssyncadd.s32 $0xFFFFCB00  }
0x126: {  	[tilespmem:s3], [sflag:$0x1] =	stream.linear.gather [hbm4b:s20+s3], $0x350, $0x38;
	[tilespmem:$0x1FF40] =	vst v63  }
0x127: {  	s20 =	sadd.s32 $0xC370, s18  }
0x128: {  	[tilespmem:s0], [sflag:$0x1] =	stream.linear.gather [hbm4b:s20+s3], $0x350, $0x38;
	[tilespmem:$0x1FF40] =	vst v63  }
0x129: {  	_ =	swait.ge [sflag:s13], $0x3500  }
0x12a: {  	[sflag:s13] =	ssyncset.done $0x0  }
0x12b: {  	[sflag:s13] =	ssyncadd.s32 $0xFFFFCB00  }
0x12c: {  	[spmem:s2] =	stream.indirect.scatter.add.f32 [tilespmem:s14], [sflag:$0x3], $0x10, s12, s11, $0xb8;
	[tilespmem:$0x1FF40] =	vst v63  }
0x12d: {  	_ =	swait.ge [sflag:s1], $0x350  }
0x12e: {  	[sflag:s1] =	ssyncset.done $0x0  }
0x12f: {  	[sflag:s1] =	ssyncadd.s32 $0xFFFFFCB0  }
0x130: {  	_ =	swait.ge [sflag:s1], $0x350  }
0x131: {  	[sflag:s1] =	ssyncset.done $0x0  }
0x132: {  	[sflag:s1] =	ssyncadd.s32 $0xFFFFFCB0  }
0x133: {  	[tilespmem:s30], [sflag:$0x2] =	stream.indirect.gather [hbm4b:s4+s11], $0x10, s3, s11, $0xb8;
	[tilespmem:$0x1FF40] =	vst v63  }
0x134: {  	_ =	swait.ge [sflag:s15], $0x3500  }
0x135: {  	[sflag:s15] =	ssyncset.done $0x0  }
0x136: {  	s19 =	sadd.s32 $0xC3DA, s19;
	[sflag:s15] =	ssyncadd.s32 $0xFFFFCB00  }
0x137: {  	[tilespmem:s11], [sflag:$0x1] =	stream.linear.gather [hbm4b:s19+s3], $0x350, $0x38;
	[tilespmem:$0x1FF40] =	vst v63  }
.Ltmp6:
0x138: {  	s18 =	sadd.s32 $0xC3DA, s18;
	(pc) =	sbr.rel @!p1 .LBB2_5-.Ltmp6, $4  }
0x139: {  	[tilespmem:s12], [sflag:$0x1] =	stream.linear.gather [hbm4b:s18+s3], $0x350, $0x38;
	[tilespmem:$0x1FF40] =	vst v63  }
0x13a: {  	_ =	swait.ge [sflag:s13], $0x3500  }
0x13b: {  	[sflag:s13] =	ssyncset.done $0x0  }
0x13c: {  	[sflag:s13] =	ssyncadd.s32 $0xFFFFCB00  }
.Ltmp7:
0x13d: {  	_ = 	snop;
	(pc) =	sbr.rel .LBB2_6-.Ltmp7, $1  }
0x13e: {  	_ =	sdelay $0x3  }
.LBB2_11:
0x13f: {  	_ =	sfence.sel $0x180000  }
0x140: {  	[bflag:$0x0] =	sbarrier.arrive $0xFFFF  }
0x141: {  	_ =	strace $0x9000004D  }
0x142: {  	s0 =	stileid.u32;
	[bflag:$0x2] =	sbarrier.arrive $0xFFFF  }
0x143: {  	p0 =	sne.s32 s0, $0x0;
	s0 =	rddreg [dreg:$0x2]  }
0x144: {  	s0 =	sadd.s32 @!p0 $0x100000, s0  }
0x145: {  	[sflag:s0] =	ssyncadd.tile.s32 @!p0 $0x1;
	_ =	shalt  }
.Lfunc_end2:
_tile_overlayer_lowered:
.L_overlay_start_2:
0x146: {  	(tag) =	ssettag $0x2  }
0x147: {  	s0 =	rddreg [dreg:$0x0];
	s2 =	stileid.u32  }
0x148: {  	s1 =	rddreg [dreg:$0x1];
	p0 =	sne.s32 s2, $0x0  }
0x149: {  	s3 =	rddreg [dreg:$0x2];
	[bflag:$0x3] =	sbarrier.arrive $0xFFFF;
	s2 =	simm.s32 @!p0 $0x1C04  }
0x14a: {  	[timem:s3], [sflag:s2] =	dma.local @!p0 [hbm:s0], s1  }
0x14b: {  	s0 =	simm.s32 @!p0 $0x4  }
0x14c: {  	_ =	swait.ge @!p0 [sflag:s0], s1  }
0x14d: {  	s1 =	ssub.s32 @!p0 $0x0, s1;
	[sflag:s0] =	ssyncset.done @!p0 $0x0  }
0x14e: {  	[sflag:s0] =	ssyncadd.s32 @!p0 s1  }
0x14f: {  	[bflag:$0x3] =	sbarrier.arrive $0xFFFF  }
0x150: {  	_ =	shalt  }

// kernel: kernel.8.cloned.1.call-start
scs
__scs_entry_jumppad:
0x0: {  	(pc) =	sbr.rel $0x88, $3  }
0x1: {  	(tag) =	ssettag $0x0;
	lr =	simm.s32 $0x1  }
0x2: {  	[smem:$0x3F99] =	sst lr;
	_ =	strace $0xD0000000  }
0x3: {  	_ = 	snop  }
0x4: {  	_ = 	snop  }
0x5: {  	_ = 	snop  }
0x6: {  	_ = 	snop  }
0x7: {  	_ = 	snop  }
__scs_overlays_trampoline_lowered:
0x8: {  	[smem:$0x3FA8] =	sst s0  }
0x9: {  	[smem:$0x3FA9] =	sst s1  }
0xa: {  	[smem:$0x3FAA] =	sst s2  }
0xb: {  	[smem:$0x3FAB] =	sst s3  }
0xc: {  	[smem:$0x3FAC] =	sst s4  }
0xd: {  	[smem:$0x3FAD] =	sst s5  }
0xe: {  	[smem:$0x3FAE] =	sst s6  }
0xf: {  	[smem:$0x3FAF] =	sst s7  }
0x10: {  	[smem:$0x3FB0] =	sst s8  }
0x11: {  	[smem:$0x3FB1] =	sst s9;
	s0 =	simm.s32 @!p0 $0x0  }
0x12: {  	s1 =	sld [smem:$0x3F97];
	s0 =	simm.s32 @p0 $0x1  }
0x13: {  	[smem:$0x3FB2] =	sst s0;
	s0 =	simm.s32 @!p1 $0x0  }
0x14: {  	s2 =	sld [smem:$0x3F96];
	s0 =	simm.s32 @p1 $0x1  }
0x15: {  	[smem:$0x3FB3] =	sst s0;
	s0 =	simm.s32 @!p2 $0x0  }
0x16: {  	s3 =	sld [smem:$0x3FDB];
	s0 =	simm.s32 @p2 $0x1  }
0x17: {  	s4 =	simm.s32 $0x1BF5;
	[smem:$0x3FB5] =	sst s0  }
0x18: {  	s0 =	sld [smem:$0x3F98];
	_ =	swait.ge [sflag:s4], $0x0  }
0x19: {  	s7 =	sld [smem:$0x3F99]  }
0x1a: {  	s8 =	sadd.s32 $0xFFFFE003, lr  }
0x1b: {  	s9 =	sadd.s32 $0xFFFFFEF7, lr;
	s5 =	simm.s32 $0xFFFFFFFF;
	p2 =	slt.u32 s8, $0xFFFFF086  }
0x1c: {  	p1 =	slt.u32 s9, $0xF7A;
	s5 =	simm.s32 @!p2 $0x0  }
0x1d: {  	s5 =	simm.s32 @p1 $0x1;
	p0 =	seq.s32 s7, s2  }
0x1e: {  	s7 =	smul.u32 @!p0 $0xF7A, s2;
	p2 =	seq.s32 @!p0 s5, $0x0  }
0x1f: {  	s9 =	smul.u32 $0xF7A, s1;
	s8 =	simm.s32 @!p0 $0x1BF5;
	p2 =	por !p2, p0  }
0x20: {  	[sflag:s8] =	ssyncset.s32 @!p0 $0xFFFFF086;
	s6 =	sadd.s32 @!p0 s3, s7;
	s7 =	simm.s32 @!p0 $0x108  }
0x21: {  	s3 =	sadd.s32 s3, s9;
	s6 =	sadd.s32 @!p0 $0x88, s6;
	s7 =	simm.s32 @p2 $0x1082  }
0x22: {  	[simem:s7], [sflag:s8] =	dma.local @!p0 [hbm:s6], $0xF7A  }
0x23: {  	s9 =	sor.u32 $0xD0000000, s2;
	s6 =	simm.s32 $0x108;
	_ =	swait.ge @!p0 [sflag:s8], $0x0  }
0x24: {  	s3 =	sadd.s32 $0x88, s3;
	s6 =	simm.s32 @!p1 $0x1082;
	[sflag:s4] =	ssyncset.s32 $0xFFFFF086  }
0x25: {  	[simem:s6], [sflag:s4] =	dma.local [hbm:s3], $0xF7A  }
0x26: {  	[smem:$0x3F99] =	sst s1;
	(tag) =	ssettag s2;
	_ =	strace s9  }
0x27: {  	s1 =	sld [smem:$0x3FA9]  }
0x28: {  	s2 =	sld [smem:$0x3FAA]  }
0x29: {  	s4 =	sld [smem:$0x3FAC]  }
0x2a: {  	p0 =	seq.s32 s5, $0x0;
	s5 =	sld [smem:$0x3FAD]  }
0x2b: {  	s6 =	sld [smem:$0x3FAE]  }
0x2c: {  	s7 =	sld [smem:$0x3FAF]  }
0x2d: {  	s3 =	simm.s32 $0x108;
	s8 =	sld [smem:$0x3FB0]  }
0x2e: {  	s3 =	simm.s32 @!p0 $0x1082;
	s9 =	sld [smem:$0x3FB1]  }
0x2f: {  	lr =	sadd.s32 s0, s3;
	s0 =	sld [smem:$0x3FA8]  }
0x30: {  	s3 =	sld [smem:$0x3FAB]  }
0x31: {  	[smem:$0x3FB4] =	sst s10  }
0x32: {  	s10 =	sld [smem:$0x3FB2];
	_ =	sdelay $0x3  }
0x33: {  	p0 =	seq.s32 s10, $0x1;
	s10 =	sld [smem:$0x3FB4];
	_ =	sdelay $0x3  }
0x34: {  	[smem:$0x3FB4] =	sst s10  }
0x35: {  	s10 =	sld [smem:$0x3FB3];
	_ =	sdelay $0x3  }
0x36: {  	p1 =	seq.s32 s10, $0x1;
	s10 =	sld [smem:$0x3FB4];
	_ =	sdelay $0x3  }
0x37: {  	[smem:$0x3FB4] =	sst s10  }
0x38: {  	s10 =	sld [smem:$0x3FB5]  }
0x39: {  	_ = 	snop;
	(pc) =	sbr.ind lr, $3  }
0x3a: {  	_ = 	snop  }
0x3b: {  	_ = 	snop  }
0x3c: {  	p2 =	seq.s32 s10, $0x1;
	s10 =	sld [smem:$0x3FB4]  }
0x3d: {  	_ =	shalt  }
0x3e: {  	_ =	shalt  }
0x3f: {  	_ =	shalt  }
0x40: {  	_ =	shalt  }
0x41: {  	_ =	shalt  }
0x42: {  	_ =	shalt  }
0x43: {  	_ =	shalt  }
0x44: {  	_ =	shalt  }
0x45: {  	_ =	shalt  }
0x46: {  	_ =	shalt  }
0x47: {  	_ =	shalt  }
0x48: {  	_ =	shalt  }
0x49: {  	_ =	shalt  }
0x4a: {  	_ =	shalt  }
0x4b: {  	_ =	shalt  }
0x4c: {  	_ =	shalt  }
0x4d: {  	_ =	shalt  }
0x4e: {  	_ =	shalt  }
0x4f: {  	_ =	shalt  }
0x50: {  	_ =	shalt  }
0x51: {  	_ =	shalt  }
0x52: {  	_ =	shalt  }
0x53: {  	_ =	shalt  }
0x54: {  	_ =	shalt  }
0x55: {  	_ =	shalt  }
0x56: {  	_ =	shalt  }
0x57: {  	_ =	shalt  }
0x58: {  	_ =	shalt  }
0x59: {  	_ =	shalt  }
0x5a: {  	_ =	shalt  }
0x5b: {  	_ =	shalt  }
0x5c: {  	_ =	shalt  }
0x5d: {  	_ =	shalt  }
0x5e: {  	_ =	shalt  }
0x5f: {  	_ =	shalt  }
0x60: {  	_ =	shalt  }
0x61: {  	_ =	shalt  }
0x62: {  	_ =	shalt  }
0x63: {  	_ =	shalt  }
0x64: {  	_ =	shalt  }
0x65: {  	_ =	shalt  }
0x66: {  	_ =	shalt  }
0x67: {  	_ =	shalt  }
0x68: {  	_ =	shalt  }
0x69: {  	_ =	shalt  }
0x6a: {  	_ =	shalt  }
0x6b: {  	_ =	shalt  }
0x6c: {  	_ =	shalt  }
0x6d: {  	_ =	shalt  }
0x6e: {  	_ =	shalt  }
0x6f: {  	_ =	shalt  }
0x70: {  	_ =	shalt  }
0x71: {  	_ =	shalt  }
0x72: {  	_ =	shalt  }
0x73: {  	_ =	shalt  }
0x74: {  	_ =	shalt  }
0x75: {  	_ =	shalt  }
0x76: {  	_ =	shalt  }
0x77: {  	_ =	shalt  }
0x78: {  	_ =	shalt  }
0x79: {  	_ =	shalt  }
0x7a: {  	_ =	shalt  }
0x7b: {  	_ =	shalt  }
0x7c: {  	_ =	shalt  }
0x7d: {  	_ =	shalt  }
0x7e: {  	_ =	shalt  }
0x7f: {  	_ =	shalt  }
0x80: {  	_ =	shalt  }
0x81: {  	_ =	shalt  }
0x82: {  	_ =	shalt  }
0x83: {  	_ =	shalt  }
0x84: {  	_ =	shalt  }
0x85: {  	_ =	shalt  }
0x86: {  	_ =	shalt  }
0x87: {  	_ =	shalt  }
.Lfunc_end0:
.L_simem_size_0:
called_computation_lowered:
.L_overlay_start_0:
0x88: {  	s2 =	sld [smem:$0x3FD9]  }
0x89: {  	s3 =	sld [smem:$0x3FFE];
	_ =	sdelay $0x1  }
0x8a: {  	s1 =	srdreg.scid  }
0x8b: {  	s0 =	sand.u32 $0x1, s1  }
0x8c: {  	s16 =	sshll.u32 s0, $0xA;
	s2 =	sadd.s32 s3, s2  }
0x8d: {  	s2 =	sadd.s32 s2, s16  }
0x8e: {  	[smem:$0x3FC0] =	sst s2  }
0x8f: {  	_ = 	snop  }
0x90: {  	(tm) =	ssettm $0x1  }
0x91: {  	s17 =	sld [smem:$0x3FFB];
	_ =	sdelay $0x3  }
0x92: {  	_ =	strace s17  }
0x93: {  	s2 =	sld [smem:$0x3FFC];
	_ =	sdelay $0x3  }
0x94: {  	_ =	strace s2  }
0x95: {  	s2 =	sld [smem:$0x3FFD];
	_ =	sdelay $0x3  }
0x96: {  	_ =	strace s2  }
0x97: {  	_ =	strace $0x8FFFFFFF  }
0x98: {  	s18 =	sld [smem:$0x3FDB];
	_ =	sdelay $0x1  }
0x99: {  	s19 =	simm.s32 $_scs_section_size  }
0x9a: {  	s4 =	simm.s32 $_size__tile_overlayer_lowered;
	s5 =	simm.s32 $_tile_overlayer_lowered  }
0x9b: {  	s22 =	simm.s32 $0x1BFF;
	s21 =	sshll.u32 s5, $0x1;
	s2 =	sadd.s32 s19, s18  }
0x9c: {  	s6 =	simm.s32 $0x0;
	s20 =	sshll.u32 s4, $0x1;
	s4 =	sadd.s32 s21, s2  }
0x9d: {  	[timem:s6], [sflag:s22] =	dma.local [hbm:s4], s20  }
0x9e: {  	_ =	swait.ge [sflag:s22], s20  }
0x9f: {  	s3 =	ssub.s32 $0x0, s20;
	[sflag:s22] =	ssyncset.done $0x0  }
0xa0: {  	[sflag:s22] =	ssyncadd.s32 s3;
	_ =	sdelay $0x1  }
0xa1: {  	s23 =	simm.s32 $0x1B8B  }
0xa2: {  	_ =	swait.ge [sflag:s23], $0x1  }
0xa3: {  	[sflag:s23] =	ssyncset.done $0x0  }
0xa4: {  	s25 =	simm.s32 $0x1B8E;
	s24 =	sld [smem:$0x3FFE];
	[sflag:s23] =	ssyncadd.s32 $0xFFFFFFFF  }
0xa5: {  	s26 =	simm.s32 $execute0_lowered;
	[smem:$0x3FD2] =	sst s25  }
0xa6: {  	s4 =	sshll.u32 s26, $0x1;
	_ =	strace $0x80000046;
	[dreg:$0x1] =	wrdreg $0xFFFFFFFF  }
0xa7: {  	s28 =	simm.s32 $_size_execute0_lowered;
	s2 =	sadd.s32 s2, s4;
	[dreg:$0x0] =	wrdreg $0x0  }
0xa8: {  	s4 =	sshll.u32 s28, $0x1;
	[dreg:$0x2] =	wrdreg s2  }
0xa9: {  	[dreg:$0x3] =	wrdreg s4  }
0xaa: {  	[dreg:$0x4] =	wrdreg $0xC0  }
0xab: {  	_ =	task [dreg:s6], $0x5FFFF  }
0xac: {  	[dreg:$0x1] =	wrdreg $0xFFFFFFFF  }
0xad: {  	[dreg:$0x0] =	wrdreg $0x60  }
0xae: {  	[dreg:$0x2] =	wrdreg s24  }
0xaf: {  	[dreg:$0x3] =	wrdreg $0xD000  }
0xb0: {  	[dreg:$0x4] =	wrdreg $0x9  }
0xb1: {  	_ =	task.clear_ibuf [dreg:s6], $0x5FFFF;
	_ =	strace $0x90000046  }
0xb2: {  	s29 =	simm.s32 $0x9;
	_ =	strace $0x80000048  }
0xb3: {  	_ =	swait.ge [sflag:s29], $0x1  }
0xb4: {  	[sflag:s29] =	ssyncadd.s32 $0xFFFFFFFF  }
0xb5: {  	_ =	strace $0x90000048  }
0xb6: {  	_ =	sfence  }
0xb7: {  	s30 =	sld [smem:$0x0];
	_ =	sdelay $0x2  }
0xb8: {  	s31 =	sshll.u32 s1, $0xD;
	s1 =	sshrl.u32 s1, $0x2  }
0xb9: {  	s3 =	sand.u32 $0x4000, s31;
	s1 =	sadd.s32 s1, s30  }
0xba: {  	s0 =	sor.u32 s3, s0;
	s1 =	sshll.u32 s1, $0x11  }
0xbb: {  	s0 =	sor.u32 s1, s0  }
0xbc: {  	s0 =	sadd.s32 $0x8F2B, s0  }
0xbd: {  	[sflag:s0] =	ssyncadd.remote.s32 $0x1  }
0xbe: {  	_ =	sfence.sel $0xFFFF  }
0xbf: {  	[dreg:$0x0] =	wrdreg $0xFFFFFFFF;
	(pc) =	sbr.abs _section_cstart, $3  }
0xc0: {  	[dreg:$0x1] =	wrdreg $0xFFFFFFFF  }
0xc1: {  	_ =	task.clear_ibuf [dreg:s6], $0x2FFFF;
	_ =	strace $0x9FFFFFFF  }
0xc2: {  	(tm) =	ssettm $0x7FFFFFFF  }
0xc3: {  	_ =	shalt  }
tec
execute0_lowered:
.L_overlay_start_1:
0x0: {  	(tag) =	ssettag $0x1  }
0x1: {  	s0 =	rddreg [dreg:$0x0];
	s1 =	srdreg.scid  }
0x2: {  	s13 =	stileid.u32;
	s2 =	rddreg [dreg:$0x1]  }
0x3: {  	s3 =	simm.s32 $0x0;
	s28 =	simm.s32 $0x3;
	s29 =	simm.s32 $0x1  }
0x4: {  	s30 =	simm.s32 $0x350;
	s31 =	simm.s32 $0x6A0;
	s5 =	smul.u32 $0x1880, s13  }
0x5: {  	s1 =	sand.u32 $0x1, s1;
	[smem:$0x7FF] =	sst s3;
	s15 =	smul.u32 $0x61B80, s13  }
0x6: {  	s4 =	sadd.s32 $0x189400, s0;
	s8 =	sshll.u32 s13, $0x1;
	s6 =	smul.u32 $0x18800, s1  }
0x7: {  	s7 =	ssub.s32 $0x2, s1;
	s8 =	sor.u32 s1, s8;
	s1 =	smul.u32 $0x30DC0, s1  }
0x8: {  	_ =	strace $0x80000047;
	s22 =	sshrl.u32 s7, $0x1;
	s11 =	smul.u32 $0x30DC0, s8  }
0x9: {  	s6 =	sadd.s32 s5, s6;
	s14 =	ssub.s32 s7, s22;
	s5 =	sadd.s32 s5, s2  }
0xa: {  	s1 =	sadd.s32 s1, s15;
	s6 =	sshrl.u32 s6, $0x3;
	s7 =	sadd.s32 $0x620, s5  }
0xb: {  	s8 =	sadd.s32 $0x930, s5;
	s9 =	sadd.s32 $0xC40, s5;
	s10 =	sadd.s32 $0xF50, s5  }
0xc: {  	s12 =	sshrl.u32 s11, $0x3;
	s11 =	sadd.s32 $0x1260, s5;
	s13 =	sadd.s32 $0x1570, s5  }
0xd: {  	s15 =	sadd.s32 $0x9F0, s1;
	s0 =	sadd.s32 s6, s0;
	s12 =	sadd.s32 s4, s12  }
0xe: {  	s6 =	sadd.s32 $0x310, s5;
	s26 =	sshrl.u32 s15, $0x3;
	s16 =	sadd.s32 $0x6A, s12  }
0xf: {  	s23 =	sadd.s32 $0x2600, s0;
	s24 =	sadd.s32 $0x2662, s0;
	s25 =	sadd.s32 $0x26C4, s0  }
0x10: {  	s18 =	sadd.s32 $0x2726, s0;
	s19 =	sadd.s32 $0x2788, s0;
	[dreg:$0x3] =	wrdreg s16  }
0x11: {  	s20 =	sadd.s32 $0x27EA, s0;
	s21 =	sadd.s32 $0x284C, s0;
	[dreg:$0x4] =	wrdreg s23  }
0x12: {  	s22 =	sadd.s32 $0x28AE, s0;
	s0 =	simm.s32 $0x0;
	[dreg:$0x5] =	wrdreg s24  }
0x13: {  	[dreg:$0x6] =	wrdreg s25;
	s23 =	smax.u32 s14, $0x1;
	s24 =	sadd.s32 s26, s4  }
0x14: {  	v0 =	vimm.f32 $0.0e+00;
	v1 =	vimm.f32 $1.000000000e+00;
	s25 =	sadd.s32 $0x6A0, s1;
	s26 =	simm.s32 $0x9F0;
	s1 =	simm.s32 $0x2  }
.LBB2_1:
0x15: {  	[tilespmem:$0x9F0] =	vst v0  }
0x16: {  	[tilespmem:$0xA00] =	vst v0  }
0x17: {  	[tilespmem:$0xA10] =	vst v0  }
0x18: {  	[tilespmem:$0xA20] =	vst v0  }
0x19: {  	[tilespmem:$0xA30] =	vst v0  }
0x1a: {  	[tilespmem:$0xA40] =	vst v0  }
0x1b: {  	[tilespmem:$0xA50] =	vst v0  }
0x1c: {  	[tilespmem:$0xA60] =	vst v0  }
0x1d: {  	[tilespmem:$0xA70] =	vst v0  }
0x1e: {  	[tilespmem:$0xA80] =	vst v0  }
0x1f: {  	[tilespmem:$0xA90] =	vst v0  }
0x20: {  	[tilespmem:$0xAA0] =	vst v0  }
0x21: {  	[tilespmem:$0xAB0] =	vst v0  }
0x22: {  	[tilespmem:$0xAC0] =	vst v0  }
0x23: {  	[tilespmem:$0xAD0] =	vst v0  }
0x24: {  	[tilespmem:$0xAE0] =	vst v0  }
0x25: {  	[tilespmem:$0xAF0] =	vst v0  }
0x26: {  	[tilespmem:$0xB00] =	vst v0  }
0x27: {  	[tilespmem:$0xB10] =	vst v0  }
0x28: {  	[tilespmem:$0xB20] =	vst v0  }
0x29: {  	[tilespmem:$0xB30] =	vst v0  }
0x2a: {  	[tilespmem:$0xB40] =	vst v0  }
0x2b: {  	[tilespmem:$0xB50] =	vst v0  }
0x2c: {  	[tilespmem:$0xB60] =	vst v0  }
0x2d: {  	[tilespmem:$0xB70] =	vst v0  }
0x2e: {  	[tilespmem:$0xB80] =	vst v0  }
0x2f: {  	[tilespmem:$0xB90] =	vst v0  }
0x30: {  	[tilespmem:$0xBA0] =	vst v0  }
0x31: {  	[tilespmem:$0xBB0] =	vst v0  }
0x32: {  	[tilespmem:$0xBC0] =	vst v0  }
0x33: {  	[tilespmem:$0xBD0] =	vst v0  }
0x34: {  	[tilespmem:$0xBE0] =	vst v0  }
0x35: {  	[tilespmem:$0xBF0] =	vst v0  }
0x36: {  	[tilespmem:$0xC00] =	vst v0  }
0x37: {  	[tilespmem:$0xC10] =	vst v0  }
0x38: {  	[tilespmem:$0xC20] =	vst v0  }
0x39: {  	[tilespmem:$0xC30] =	vst v0  }
0x3a: {  	[tilespmem:$0xC40] =	vst v0  }
0x3b: {  	[tilespmem:$0xC50] =	vst v0  }
0x3c: {  	[tilespmem:$0xC60] =	vst v0  }
0x3d: {  	[tilespmem:$0xC70] =	vst v0  }
0x3e: {  	[tilespmem:$0xC80] =	vst v0  }
0x3f: {  	[tilespmem:$0xC90] =	vst v0  }
0x40: {  	[tilespmem:$0xCA0] =	vst v0  }
0x41: {  	[tilespmem:$0xCB0] =	vst v0  }
0x42: {  	[tilespmem:$0xCC0] =	vst v0  }
0x43: {  	[tilespmem:$0xCD0] =	vst v0  }
0x44: {  	[tilespmem:$0xCE0] =	vst v0  }
0x45: {  	[tilespmem:$0xCF0] =	vst v0;
	s14 =	simm.s32 $0x40;
	s15 =	simm.s32 $0x0  }
.LBB2_2:
0x46: {  	p0 =	sne.s32 s14, $0xD00;
	[tilespmem:s15+$0x6A0] =	vst v1;
	s15 =	smov.u32 s14;
	s14 =	sadd.s32 $0x40, s14  }
.Ltmp0:
0x47: {  	(pc) =	sbr.rel @p0 .LBB2_2-.Ltmp0, $2  }
0x48: {  	_ =	sdelay $0x2  }
0x49: {  	s15 =	sshra.s32 s15, $0x2  }
0x4a: {  	[tilespmem:s15+$0x6A0] =	vst v1  }
0x4b: {  	[spmem:s5] =	stream.linear.scatter [tilespmem:s26], [sflag:$0x3], $0x310, $0x38;
	[tilespmem:$0x2580] =	vst v63  }
0x4c: {  	_ =	swait.ge [sflag:s28], $0x310  }
0x4d: {  	[sflag:s28] =	ssyncset.done $0x0  }
0x4e: {  	[sflag:s28] =	ssyncadd.s32 $0xFFFFFCF0  }
0x4f: {  	[spmem:s6] =	stream.linear.scatter [tilespmem:s26], [sflag:$0x3], $0x310, $0x38;
	[tilespmem:$0x2580] =	vst v63  }
0x50: {  	_ =	swait.ge [sflag:s28], $0x310  }
0x51: {  	[sflag:s28] =	ssyncset.done $0x0  }
0x52: {  	[sflag:s28] =	ssyncadd.s32 $0xFFFFFCF0  }
0x53: {  	[spmem:s7] =	stream.linear.scatter [tilespmem:s26], [sflag:$0x3], $0x310, $0x38;
	[tilespmem:$0x2580] =	vst v63  }
0x54: {  	_ =	swait.ge [sflag:s28], $0x310  }
0x55: {  	[sflag:s28] =	ssyncset.done $0x0  }
0x56: {  	[sflag:s28] =	ssyncadd.s32 $0xFFFFFCF0  }
0x57: {  	[spmem:s8] =	stream.linear.scatter [tilespmem:s26], [sflag:$0x3], $0x310, $0x38;
	[tilespmem:$0x2580] =	vst v63  }
0x58: {  	_ =	swait.ge [sflag:s28], $0x310  }
0x59: {  	[sflag:s28] =	ssyncset.done $0x0  }
0x5a: {  	[sflag:s28] =	ssyncadd.s32 $0xFFFFFCF0  }
0x5b: {  	[spmem:s9] =	stream.linear.scatter [tilespmem:s26], [sflag:$0x3], $0x310, $0x38;
	[tilespmem:$0x2580] =	vst v63  }
0x5c: {  	_ =	swait.ge [sflag:s28], $0x310  }
0x5d: {  	[sflag:s28] =	ssyncset.done $0x0  }
0x5e: {  	[sflag:s28] =	ssyncadd.s32 $0xFFFFFCF0  }
0x5f: {  	[spmem:s10] =	stream.linear.scatter [tilespmem:s26], [sflag:$0x3], $0x310, $0x38;
	[tilespmem:$0x2580] =	vst v63  }
0x60: {  	_ =	swait.ge [sflag:s28], $0x310  }
0x61: {  	[sflag:s28] =	ssyncset.done $0x0  }
0x62: {  	[sflag:s28] =	ssyncadd.s32 $0xFFFFFCF0  }
0x63: {  	[spmem:s11] =	stream.linear.scatter [tilespmem:s26], [sflag:$0x3], $0x310, $0x38;
	[tilespmem:$0x2580] =	vst v63  }
0x64: {  	_ =	swait.ge [sflag:s28], $0x310  }
0x65: {  	[sflag:s28] =	ssyncset.done $0x0  }
0x66: {  	[sflag:s28] =	ssyncadd.s32 $0xFFFFFCF0  }
0x67: {  	[spmem:s13] =	stream.linear.scatter [tilespmem:s26], [sflag:$0x3], $0x310, $0x38;
	[tilespmem:$0x2580] =	vst v63  }
0x68: {  	_ =	swait.ge [sflag:s28], $0x310  }
0x69: {  	[sflag:s28] =	ssyncset.done $0x0  }
0x6a: {  	[sflag:s28] =	ssyncadd.s32 $0xFFFFFCF0  }
0x6b: {  	s14 =	simm.s32 $0x0;
	[bflag:$0x0] =	sbarrier.arrive $0xFFFF  }
0x6c: {  	[tilespmem:s14], [sflag:$0x1] =	stream.linear.gather [hbm4b:s12+s14], $0x350, $0x38;
	[tilespmem:$0x2580] =	vst v63  }
0x6d: {  	_ =	swait.ge [sflag:s29], $0x350  }
0x6e: {  	[sflag:s29] =	ssyncset.done $0x0  }
0x6f: {  	s17 =	rddreg [dreg:$0x3];
	[sflag:s29] =	ssyncadd.s32 $0xFFFFFCB0  }
0x70: {  	[tilespmem:s30], [sflag:$0x1] =	stream.linear.gather [hbm4b:s17+s14], $0x350, $0x38;
	[tilespmem:$0x2580] =	vst v63  }
0x71: {  	_ = 	snop  }
0x72: {  	[spmem:s2] =	stream.indirect.scatter.add.f32 [tilespmem:s31], [sflag:$0x2], $0x1, s14, s30, $0xb8;
	[tilespmem:$0x2580] =	vst v63  }
0x73: {  	_ =	swait.ge [sflag:s29], $0x350  }
0x74: {  	[sflag:s29] =	ssyncset.done $0x0  }
0x75: {  	[sflag:s29] =	ssyncadd.s32 $0xFFFFFCB0  }
0x76: {  	_ =	swait.ge [sflag:s1], $0x350  }
0x77: {  	s16 =	sshrl.u32 s25, $0x3;
	[sflag:s1] =	ssyncset.done $0x0  }
0x78: {  	s14 =	sadd.s32 s4, s16;
	[sflag:s1] =	ssyncadd.s32 $0xFFFFFCB0  }
0x79: {  	[tilespmem:s3], [sflag:$0x1] =	stream.linear.gather [hbm4b:s14+s3], $0x350, $0x38;
	[tilespmem:$0x2580] =	vst v63  }
0x7a: {  	_ = 	snop  }
0x7b: {  	[spmem:s2] =	stream.indirect.scatter.add.f32 [tilespmem:s31], [sflag:$0x2], $0x1, s30, s30, $0xb8;
	[tilespmem:$0x2580] =	vst v63  }
0x7c: {  	_ =	swait.ge [sflag:s29], $0x350  }
0x7d: {  	[sflag:s29] =	ssyncset.done $0x0  }
0x7e: {  	[sflag:s29] =	ssyncadd.s32 $0xFFFFFCB0  }
0x7f: {  	_ =	swait.ge [sflag:s1], $0x350  }
0x80: {  	s15 =	sadd.s32 $0x6A0, s25;
	[sflag:s1] =	ssyncset.done $0x0  }
0x81: {  	s17 =	sadd.s32 $0x0, s24;
	s14 =	simm.s32 $0xD4;
	[sflag:s1] =	ssyncadd.s32 $0xFFFFFCB0  }
0x82: {  	[tilespmem:s30], [sflag:$0x1] =	stream.linear.gather [hbm4b:s17+s3], $0x350, $0x38;
	[tilespmem:$0x2580] =	vst v63  }
.LBB2_4:
0x83: {  	[spmem:s2] =	stream.indirect.scatter.add.f32 [tilespmem:s31], [sflag:$0x2], $0x1, s3, s30, $0xb8;
	[tilespmem:$0x2580] =	vst v63  }
0x84: {  	s16 =	smov.u32 s14  }
0x85: {  	p0 =	sne.s32 s14, $0x6010;
	s14 =	sadd.s32 $0xD4, s14;
	_ =	swait.ge [sflag:s29], $0x350  }
0x86: {  	[sflag:s29] =	ssyncset.done $0x0  }
0x87: {  	[sflag:s29] =	ssyncadd.s32 $0xFFFFFCB0  }
0x88: {  	_ =	swait.ge [sflag:s1], $0x350  }
0x89: {  	s17 =	sshrl.u32 s15, $0x3;
	[sflag:s1] =	ssyncset.done $0x0  }
0x8a: {  	s17 =	sadd.s32 s4, s17;
	[sflag:s1] =	ssyncadd.s32 $0xFFFFFCB0  }
0x8b: {  	[tilespmem:s3], [sflag:$0x1] =	stream.linear.gather [hbm4b:s17+s3], $0x350, $0x38;
	[tilespmem:$0x2580] =	vst v63  }
0x8c: {  	_ = 	snop  }
0x8d: {  	[spmem:s2] =	stream.indirect.scatter.add.f32 [tilespmem:s31], [sflag:$0x2], $0x1, s30, s30, $0xb8;
	[tilespmem:$0x2580] =	vst v63  }
0x8e: {  	_ =	swait.ge [sflag:s29], $0x350  }
0x8f: {  	[sflag:s29] =	ssyncset.done $0x0  }
0x90: {  	[sflag:s29] =	ssyncadd.s32 $0xFFFFFCB0  }
.Ltmp1:
0x91: {  	_ =	swait.ge [sflag:s1], $0x350;
	(pc) =	sbr.rel @p0 .LBB2_4-.Ltmp1, $4  }
0x92: {  	[sflag:s1] =	ssyncset.done $0x0  }
0x93: {  	s16 =	sadd.s32 s16, s24;
	[sflag:s1] =	ssyncadd.s32 $0xFFFFFCB0  }
0x94: {  	[tilespmem:s30], [sflag:$0x1] =	stream.linear.gather [hbm4b:s16+s3], $0x350, $0x38;
	[tilespmem:$0x2580] =	vst v63  }
0x95: {  	s15 =	sadd.s32 $0x6A0, s15  }
0x96: {  	[spmem:s2] =	stream.indirect.scatter.add.f32 [tilespmem:s31], [sflag:$0x2], $0x1, s3, s30, $0xb8;
	[tilespmem:$0x2580] =	vst v63  }
0x97: {  	_ =	swait.ge [sflag:s29], $0x350  }
0x98: {  	[sflag:s29] =	ssyncset.done $0x0  }
0x99: {  	[sflag:s29] =	ssyncadd.s32 $0xFFFFFCB0  }
0x9a: {  	_ =	swait.ge [sflag:s1], $0x350  }
0x9b: {  	[sflag:s1] =	ssyncset.done $0x0  }
0x9c: {  	[sflag:s1] =	ssyncadd.s32 $0xFFFFFCB0  }
0x9d: {  	[spmem:s2] =	stream.indirect.scatter.add.f32 [tilespmem:s31], [sflag:$0x2], $0x1, s30, s30, $0xb8;
	[tilespmem:$0x2580] =	vst v63  }
0x9e: {  	_ =	swait.ge [sflag:s1], $0x350  }
0x9f: {  	[sflag:s1] =	ssyncset.done $0x0  }
0xa0: {  	[sflag:s1] =	ssyncadd.s32 $0xFFFFFCB0  }
0xa1: {  	[bflag:$0x0] =	sbarrier.arrive $0xFFFF  }
0xa2: {  	[tilespmem:s26], [sflag:$0x3] =	stream.linear.gather [spmem:s5], $0x310, $0x38;
	[tilespmem:$0x2580] =	vst v63  }
0xa3: {  	_ =	swait.ge [sflag:s28], $0x310  }
0xa4: {  	[sflag:s28] =	ssyncset.done $0x0  }
0xa5: {  	s14 =	rddreg [dreg:$0x4];
	[sflag:s28] =	ssyncadd.s32 $0xFFFFFCF0  }
0xa6: {  	[hbm4b:s14+s3] =	stream.linear.scatter [tilespmem:s26], [sflag:$0x3], $0x310, $0x38;
	[tilespmem:$0x2580] =	vst v63  }
0xa7: {  	_ =	swait.ge [sflag:s28], $0x310  }
0xa8: {  	[sflag:s28] =	ssyncset.done $0x0  }
0xa9: {  	[sflag:s28] =	ssyncadd.s32 $0xFFFFFCF0  }
0xaa: {  	[tilespmem:s26], [sflag:$0x3] =	stream.linear.gather [spmem:s6], $0x310, $0x38;
	[tilespmem:$0x2580] =	vst v63  }
0xab: {  	_ =	swait.ge [sflag:s28], $0x310  }
0xac: {  	[sflag:s28] =	ssyncset.done $0x0  }
0xad: {  	s16 =	rddreg [dreg:$0x5];
	[sflag:s28] =	ssyncadd.s32 $0xFFFFFCF0  }
0xae: {  	[hbm4b:s16+s3] =	stream.linear.scatter [tilespmem:s26], [sflag:$0x3], $0x310, $0x38;
	[tilespmem:$0x2580] =	vst v63  }
0xaf: {  	_ =	swait.ge [sflag:s28], $0x310  }
0xb0: {  	[sflag:s28] =	ssyncset.done $0x0  }
0xb1: {  	[sflag:s28] =	ssyncadd.s32 $0xFFFFFCF0  }
0xb2: {  	[tilespmem:s26], [sflag:$0x3] =	stream.linear.gather [spmem:s7], $0x310, $0x38;
	[tilespmem:$0x2580] =	vst v63  }
0xb3: {  	_ =	swait.ge [sflag:s28], $0x310  }
0xb4: {  	[sflag:s28] =	ssyncset.done $0x0  }
0xb5: {  	s17 =	rddreg [dreg:$0x6];
	[sflag:s28] =	ssyncadd.s32 $0xFFFFFCF0  }
0xb6: {  	[hbm4b:s17+s3] =	stream.linear.scatter [tilespmem:s26], [sflag:$0x3], $0x310, $0x38;
	[tilespmem:$0x2580] =	vst v63  }
0xb7: {  	_ =	swait.ge [sflag:s28], $0x310  }
0xb8: {  	[sflag:s28] =	ssyncset.done $0x0  }
0xb9: {  	[sflag:s28] =	ssyncadd.s32 $0xFFFFFCF0  }
0xba: {  	[tilespmem:s26], [sflag:$0x3] =	stream.linear.gather [spmem:s8], $0x310, $0x38;
	[tilespmem:$0x2580] =	vst v63  }
0xbb: {  	_ =	swait.ge [sflag:s28], $0x310  }
0xbc: {  	[sflag:s28] =	ssyncset.done $0x0  }
0xbd: {  	[sflag:s28] =	ssyncadd.s32 $0xFFFFFCF0  }
0xbe: {  	[hbm4b:s18+s3] =	stream.linear.scatter [tilespmem:s26], [sflag:$0x3], $0x310, $0x38;
	[tilespmem:$0x2580] =	vst v63  }
0xbf: {  	_ =	swait.ge [sflag:s28], $0x310  }
0xc0: {  	[sflag:s28] =	ssyncset.done $0x0  }
0xc1: {  	[sflag:s28] =	ssyncadd.s32 $0xFFFFFCF0  }
0xc2: {  	[tilespmem:s26], [sflag:$0x3] =	stream.linear.gather [spmem:s9], $0x310, $0x38;
	[tilespmem:$0x2580] =	vst v63  }
0xc3: {  	_ =	swait.ge [sflag:s28], $0x310  }
0xc4: {  	[sflag:s28] =	ssyncset.done $0x0  }
0xc5: {  	[sflag:s28] =	ssyncadd.s32 $0xFFFFFCF0  }
0xc6: {  	[hbm4b:s19+s3] =	stream.linear.scatter [tilespmem:s26], [sflag:$0x3], $0x310, $0x38;
	[tilespmem:$0x2580] =	vst v63  }
0xc7: {  	_ =	swait.ge [sflag:s28], $0x310  }
0xc8: {  	[sflag:s28] =	ssyncset.done $0x0  }
0xc9: {  	[sflag:s28] =	ssyncadd.s32 $0xFFFFFCF0  }
0xca: {  	[tilespmem:s26], [sflag:$0x3] =	stream.linear.gather [spmem:s10], $0x310, $0x38;
	[tilespmem:$0x2580] =	vst v63  }
0xcb: {  	_ =	swait.ge [sflag:s28], $0x310  }
0xcc: {  	[sflag:s28] =	ssyncset.done $0x0  }
0xcd: {  	[sflag:s28] =	ssyncadd.s32 $0xFFFFFCF0  }
0xce: {  	[hbm4b:s20+s3] =	stream.linear.scatter [tilespmem:s26], [sflag:$0x3], $0x310, $0x38;
	[tilespmem:$0x2580] =	vst v63  }
0xcf: {  	_ =	swait.ge [sflag:s28], $0x310  }
0xd0: {  	[sflag:s28] =	ssyncset.done $0x0  }
0xd1: {  	[sflag:s28] =	ssyncadd.s32 $0xFFFFFCF0  }
0xd2: {  	[tilespmem:s26], [sflag:$0x3] =	stream.linear.gather [spmem:s11], $0x310, $0x38;
	[tilespmem:$0x2580] =	vst v63  }
0xd3: {  	_ =	swait.ge [sflag:s28], $0x310  }
0xd4: {  	[sflag:s28] =	ssyncset.done $0x0  }
0xd5: {  	[sflag:s28] =	ssyncadd.s32 $0xFFFFFCF0  }
0xd6: {  	[hbm4b:s21+s3] =	stream.linear.scatter [tilespmem:s26], [sflag:$0x3], $0x310, $0x38;
	[tilespmem:$0x2580] =	vst v63  }
0xd7: {  	_ =	swait.ge [sflag:s28], $0x310  }
0xd8: {  	[sflag:s28] =	ssyncset.done $0x0  }
0xd9: {  	[sflag:s28] =	ssyncadd.s32 $0xFFFFFCF0  }
0xda: {  	[tilespmem:s26], [sflag:$0x3] =	stream.linear.gather [spmem:s13], $0x310, $0x38;
	[tilespmem:$0x2580] =	vst v63  }
0xdb: {  	s0 =	sadd.s32 $0x1, s0;
	_ =	swait.ge [sflag:s28], $0x310  }
0xdc: {  	p0 =	sne.s32 s0, s23;
	[sflag:s28] =	ssyncset.done $0x0  }
.Ltmp2:
0xdd: {  	[sflag:s28] =	ssyncadd.s32 $0xFFFFFCF0;
	(pc) =	sbr.rel @p0 .LBB2_1-.Ltmp2, $4  }
0xde: {  	[hbm4b:s22+s3] =	stream.linear.scatter [tilespmem:s26], [sflag:$0x3], $0x310, $0x38;
	[tilespmem:$0x2580] =	vst v63  }
0xdf: {  	_ =	swait.ge [sflag:s28], $0x310  }
0xe0: {  	[sflag:s28] =	ssyncset.done $0x0  }
0xe1: {  	[sflag:s28] =	ssyncadd.s32 $0xFFFFFCF0  }
0xe2: {  	_ =	sfence.sel $0x180000  }
0xe3: {  	[bflag:$0x0] =	sbarrier.arrive $0xFFFF  }
0xe4: {  	_ =	strace $0x90000047  }
0xe5: {  	s0 =	stileid.u32;
	[bflag:$0x2] =	sbarrier.arrive $0xFFFF  }
0xe6: {  	p0 =	sne.s32 s0, $0x0;
	s0 =	rddreg [dreg:$0x2]  }
0xe7: {  	s0 =	sadd.s32 @!p0 $0x100000, s0  }
0xe8: {  	[sflag:s0] =	ssyncadd.tile.s32 @!p0 $0x1;
	_ =	shalt  }
.Lfunc_end2:
_tile_overlayer_lowered:
.L_overlay_start_2:
0xe9: {  	(tag) =	ssettag $0x2  }
0xea: {  	s0 =	rddreg [dreg:$0x0];
	s2 =	stileid.u32  }
0xeb: {  	s1 =	rddreg [dreg:$0x1];
	p0 =	sne.s32 s2, $0x0  }
0xec: {  	s3 =	rddreg [dreg:$0x2];
	[bflag:$0x3] =	sbarrier.arrive $0xFFFF;
	s2 =	simm.s32 @!p0 $0x1C03  }
0xed: {  	[timem:s3], [sflag:s2] =	dma.local @!p0 [hbm:s0], s1  }
0xee: {  	s0 =	simm.s32 @!p0 $0x3  }
0xef: {  	_ =	swait.ge @!p0 [sflag:s0], s1  }
0xf0: {  	s1 =	ssub.s32 @!p0 $0x0, s1;
	[sflag:s0] =	ssyncset.done @!p0 $0x0  }
0xf1: {  	[sflag:s0] =	ssyncadd.s32 @!p0 s1  }
0xf2: {  	[bflag:$0x3] =	sbarrier.arrive $0xFFFF  }
0xf3: {  	_ =	shalt  }

</sc_bundles>
